<compile_context>
chip_gen: v7x
topology: tpu7x:2x2x1
jax: 0.10.2.dev20260603
libtpu: 0.0.44.dev20260713+nightly
codegen_flags: <defaults>
</compile_context>

<pallas_src>
import jax
import jax.numpy as jnp
from jax import lax
from jax.experimental import pallas as pl
from jax.experimental.pallas import tpu as pltpu
from jax.experimental.pallas import tpu_sc as plsc

_NUM_LAYERS = 3
_G = 64
_N = 10000
_E = 320000
_D = 128

_NC = 2
_NS = 16
_NW = _NC * _NS

_BAND = 320
_N_PAD = _BAND * _NW
_CORE_ROWS = _BAND * _NS
_ACC_ROWS = _CORE_ROWS + 8

_CHUNK = 128
_LMAX = 11264
_SCAN = 2560
_NSCAN = _E // _SCAN


def _prepass_body(row_hbm, col_hbm, mc_hbm, md_hbm, cnt_hbm,
                  rbuf0, cbuf0, rbuf1, cbuf1, mcol, mdst, cntv, sem0, sem1):
    c = lax.axis_index("c")
    s = lax.axis_index("s")
    w = c * _NS + s
    core_base = c * _CORE_ROWS
    lo = core_base + s * _BAND
    hi = lo + _BAND
    trash = _CORE_ROWS + (s % 8)
    dummy_col = 10000 + s * 15

    def init(i, carry):
        mcol[pl.ds(i * 16, 16)] = jnp.full((16,), dummy_col, jnp.int32)
        mdst[pl.ds(i * 16, 16)] = jnp.full((16,), trash, jnp.int32)
        return carry

    lax.fori_loop(0, _LMAX // 16, init, 0)

    def start(jc, rbuf, cbuf, sem):
        pltpu.async_copy(row_hbm.at[pl.ds(jc * _SCAN, _SCAN)], rbuf, sem)
        pltpu.async_copy(col_hbm.at[pl.ds(jc * _SCAN, _SCAN)], cbuf, sem)

    def wait(jc, rbuf, cbuf, sem):
        pltpu.make_async_copy(row_hbm.at[pl.ds(jc * _SCAN, _SCAN)], rbuf, sem).wait()
        pltpu.make_async_copy(col_hbm.at[pl.ds(jc * _SCAN, _SCAN)], cbuf, sem).wait()

    def scan(rbuf, cbuf, nm):
        def inner(i, nm):
            dv = rbuf[pl.ds(i * 16, 16)]
            cv = cbuf[pl.ds(i * 16, 16)]
            m = (dv >= lo) & (dv < hi)
            base = jnp.minimum(nm, _LMAX - 16)
            ranks = plsc.cumsum(m.astype(jnp.int32)) - 1
            pos = jnp.where(m, base + ranks, _LMAX)
            plsc.store_scatter(mcol, [pos], cv)
            plsc.store_scatter(mdst, [pos], dv - core_base)
            return nm + plsc.all_reduce_population_count(m)

        return lax.fori_loop(0, _SCAN // 16, inner, nm, unroll=8)

    start(0, rbuf0, cbuf0, sem0)

    def chunk2(t, nm):
        j0 = 2 * t
        j1 = j0 + 1

        @pl.when(j1 < _NSCAN)
        def _():
            start(j1, rbuf1, cbuf1, sem1)

        wait(j0, rbuf0, cbuf0, sem0)
        nm = scan(rbuf0, cbuf0, nm)

        @pl.when(j0 + 2 < _NSCAN)
        def _():
            start(j0 + 2, rbuf0, cbuf0, sem0)

        def do1(nm):
            wait(j1, rbuf1, cbuf1, sem1)
            return scan(rbuf1, cbuf1, nm)

        nm = lax.cond(j1 < _NSCAN, do1, lambda nm: nm, nm)
        return nm

    nm = lax.fori_loop(0, (_NSCAN + 1) // 2, chunk2,
                       jnp.zeros((16,), jnp.int32))

    pltpu.sync_copy(mcol.at[pl.ds(0, _LMAX)], mc_hbm.at[pl.ds(w * _LMAX, _LMAX)])
    pltpu.sync_copy(mdst.at[pl.ds(0, _LMAX)], md_hbm.at[pl.ds(w * _LMAX, _LMAX)])
    cntv[...] = nm
    pltpu.sync_copy(cntv, cnt_hbm.at[pl.ds(w * 16, 16)])


def _prepass(row, col):
    fn = pl.kernel(
        _prepass_body,
        out_type=(jax.ShapeDtypeStruct((_NW * _LMAX,), jnp.int32),
                  jax.ShapeDtypeStruct((_NW * _LMAX,), jnp.int32),
                  jax.ShapeDtypeStruct((_NW * 16,), jnp.int32)),
        mesh=plsc.VectorSubcoreMesh(core_axis_name="c", subcore_axis_name="s"),
        scratch_types=[
            pltpu.VMEM((_SCAN,), jnp.int32),
            pltpu.VMEM((_SCAN,), jnp.int32),
            pltpu.VMEM((_SCAN,), jnp.int32),
            pltpu.VMEM((_SCAN,), jnp.int32),
            pltpu.VMEM((_LMAX + 16,), jnp.int32),
            pltpu.VMEM((_LMAX + 16,), jnp.int32),
            pltpu.VMEM((16,), jnp.int32),
            pltpu.SemaphoreType.DMA,
            pltpu.SemaphoreType.DMA,
        ],
        compiler_params=pltpu.CompilerParams(needs_layout_passes=False),
    )
    return fn(row, col)


def _neigh_body(x_hbm, mc_hbm, md_hbm, cnt_hbm, zeros_hbm, out_hbm,
                mcbuf, mdbuf, rows0, rows1, rows2, rows3, cbuf, accum,
                semi, sem0, sem1, sem2, sem3):
    c = lax.axis_index("c")
    s = lax.axis_index("s")
    w = c * _NS + s

    pltpu.async_copy(mc_hbm.at[w], mcbuf, semi)
    pltpu.async_copy(md_hbm.at[w], mdbuf, semi)

    pltpu.sync_copy(zeros_hbm.at[pl.ds(s * _BAND, _BAND)],
                    accum.at[pl.ds(s * _BAND, _BAND)])

    @pl.when(s == 0)
    def _():
        pltpu.sync_copy(zeros_hbm.at[pl.ds(_CORE_ROWS, 8)],
                        accum.at[pl.ds(_CORE_ROWS, 8)])

    plsc.subcore_barrier()

    pltpu.sync_copy(cnt_hbm.at[pl.ds(w * 16, 16)], cbuf)
    cnt = jnp.max(cbuf[...])
    nch = (cnt + _CHUNK - 1) // _CHUNK
    pltpu.make_async_copy(mc_hbm.at[w], mcbuf, semi).wait()
    pltpu.make_async_copy(md_hbm.at[w], mdbuf, semi).wait()

    rows = (rows0, rows1, rows2, rows3)
    sems = (sem0, sem1, sem2, sem3)

    for k in range(3):
        @pl.when(k < nch)
        def _(k=k):
            pltpu.async_copy(x_hbm.at[mcbuf.at[k]], rows[k], sems[k])

    def it(t, carry):
        base = 4 * t
        for k in range(4):
            g = base + k
            pre = g + 3
            pb = (k + 3) % 4

            @pl.when(pre < nch)
            def _(pre=pre, pb=pb):
                pltpu.async_copy(x_hbm.at[mcbuf.at[pre]], rows[pb], sems[pb])

            @pl.when(g < nch)
            def _(g=g, k=k):
                pltpu.make_async_copy(x_hbm.at[mcbuf.at[g]],
                                      rows[k], sems[k]).wait()
                pltpu.sync_copy(rows[k], accum.at[mdbuf.at[g]], add=True)

        return carry

    lax.fori_loop(0, (nch + 3) // 4, it, 0)
    plsc.subcore_barrier()

    pltpu.sync_copy(
        accum.at[pl.ds(s * _BAND, _BAND)],
        out_hbm.at[pl.ds(c * _CORE_ROWS + s * _BAND, _BAND)])


def _neigh_call(x_pad, mc, md, cnt, zeros):
    fn = pl.kernel(
        _neigh_body,
        out_type=jax.ShapeDtypeStruct((_N_PAD, _D), jnp.float32),
        mesh=plsc.VectorSubcoreMesh(core_axis_name="c", subcore_axis_name="s"),
        scratch_types=[
            pltpu.VMEM((_LMAX // _CHUNK, _CHUNK), jnp.int32),
            pltpu.VMEM((_LMAX // _CHUNK, _CHUNK), jnp.int32),
            pltpu.VMEM((_CHUNK, _D), jnp.float32),
            pltpu.VMEM((_CHUNK, _D), jnp.float32),
            pltpu.VMEM((_CHUNK, _D), jnp.float32),
            pltpu.VMEM((_CHUNK, _D), jnp.float32),
            pltpu.VMEM((16,), jnp.int32),
            pltpu.VMEM_SHARED((_ACC_ROWS, _D), jnp.float32),
            pltpu.SemaphoreType.DMA,
            pltpu.SemaphoreType.DMA,
            pltpu.SemaphoreType.DMA,
            pltpu.SemaphoreType.DMA,
            pltpu.SemaphoreType.DMA,
        ],
        compiler_params=pltpu.CompilerParams(needs_layout_passes=False),
    )
    return fn(x_pad, mc.reshape(_NW, _LMAX // _CHUNK, _CHUNK),
              md.reshape(_NW, _LMAX // _CHUNK, _CHUNK), cnt, zeros)


_BLK = 1280


def _tc_layer_body(x_ref, n_ref, ws_ref, bs_ref, wn_ref, bn_ref,
                   wfp_ref, seg_ref, fp_in_ref, xo_ref, fp_ref):
    i = pl.program_id(0)
    x = x_ref[...]
    n = n_ref[...]
    h = jnp.tanh(
        lax.dot_general(x, ws_ref[...], (((1,), (1,)), ((), ())),
                        preferred_element_type=jnp.float32)
        + bs_ref[...]
        + lax.dot_general(n, wn_ref[...], (((1,), (1,)), ((), ())),
                          preferred_element_type=jnp.float32)
        + bn_ref[...])
    rows = lax.broadcasted_iota(jnp.int32, (_BLK, 1), 0) + i * _BLK
    h = jnp.where(rows < _N, h, 0.0)
    xo_ref[...] = h

    logits = lax.dot_general(h, wfp_ref[...], (((1,), (1,)), ((), ())),
                             preferred_element_type=jnp.float32)
    m = jnp.max(logits, axis=1, keepdims=True)
    e = jnp.exp(logits - m)
    p = e / jnp.sum(e, axis=1, keepdims=True)

    seg = seg_ref[...]
    onehot = (seg == lax.broadcasted_iota(jnp.int32, (_BLK, _G), 1)
              ).astype(jnp.float32)
    delta = lax.dot_general(onehot, p, (((0,), (0,)), ((), ())),
                            preferred_element_type=jnp.float32)

    @pl.when(i == 0)
    def _():
        fp_ref[...] = fp_in_ref[...] + delta

    @pl.when(i != 0)
    def _():
        fp_ref[...] = fp_ref[...] + delta


def _tc_layer(x_pad, n, ws, bs, wn, bn, wfp, seg, fp_in):
    nblk = _N_PAD // _BLK
    row_spec = pl.BlockSpec((_BLK, _D), lambda i: (i, 0))
    full_spec = pl.BlockSpec((_D, _D), lambda i: (0, 0))
    bias_spec = pl.BlockSpec((1, _D), lambda i: (0, 0))
    seg_spec = pl.BlockSpec((_BLK, 1), lambda i: (i, 0))
    fp_spec = pl.BlockSpec((_G, _D), lambda i: (0, 0))
    return pl.pallas_call(
        _tc_layer_body,
        grid=(nblk,),
        in_specs=[row_spec, row_spec, full_spec, bias_spec,
                  full_spec, bias_spec, full_spec, seg_spec, fp_spec],
        out_specs=[row_spec, fp_spec],
        out_shape=[jax.ShapeDtypeStruct((_N_PAD, _D), jnp.float32),
                   jax.ShapeDtypeStruct((_G, _D), jnp.float32)],
    )(x_pad, n, ws, bs, wn, bn, wfp, seg, fp_in)


def kernel(x, edge_index, batch, W_self_w, W_self_b, W_neigh_w, W_neigh_b,
           W_fp_w):
    x = x.astype(jnp.float32)
    row = edge_index[0].astype(jnp.int32)
    col = edge_index[1].astype(jnp.int32)

    mc, md, cnt = _prepass(row, col)

    x_pad = jnp.concatenate(
        [x, jnp.zeros((_N_PAD - _N, _D), jnp.float32)], axis=0)
    seg = jnp.concatenate(
        [batch.astype(jnp.int32),
         jnp.full((_N_PAD - _N,), _G, jnp.int32)]).reshape(_N_PAD, 1)
    zeros = jnp.zeros((_ACC_ROWS, _D), jnp.float32)

    fp = jnp.zeros((_G, _D), jnp.float32)
    for layer in range(_NUM_LAYERS):
        nb = _neigh_call(x_pad, mc, md, cnt, zeros)
        x_pad, fp = _tc_layer(
            x_pad, nb,
            W_self_w[layer], W_self_b[layer].reshape(1, _D),
            W_neigh_w[layer], W_neigh_b[layer].reshape(1, _D),
            W_fp_w[layer], seg, fp)
    return fp

# --- scband reference (transcript-rebuilt; emitter-appended) ---
"""Pipeline reference for scband-neural-graph-fingerprint-82197084111091 (READ-ONLY COPY).

The authoritative reference and input builder live on the scoring server;
editing this copy changes nothing except your own understanding.
"""

import jax, jax.numpy as jnp
import numpy as np

NUM_LAYERS = 3
NUM_GRAPHS = 64
N_NODES = 10000
N_EDGES = 320000
D_IN = 128
D_HID = 128
D_FP = 128
WEIGHT_SCALE = 5.0


def setup_inputs(seed: int = 0) -> dict:
    key = jax.random.key(seed)
    ks = jax.random.split(key, 16)
    x = jax.random.normal(ks[0], (N_NODES, D_IN), dtype=jnp.float32)
    edge_index = jax.random.randint(ks[1], (2, N_EDGES), 0, N_NODES, dtype=jnp.int64)
    batch = jnp.sort(jax.random.randint(ks[2], (N_NODES,), 0, NUM_GRAPHS, dtype=jnp.int64))
    # Learned parameters (all layers share dims since in=hid=fp=128)
    W_self_w = WEIGHT_SCALE * jax.random.normal(ks[3], (NUM_LAYERS, D_HID, D_IN), dtype=jnp.float32)
    W_self_b = jnp.zeros((NUM_LAYERS, D_HID), dtype=jnp.float32)
    W_neigh_w = WEIGHT_SCALE * jax.random.normal(ks[4], (NUM_LAYERS, D_HID, D_IN), dtype=jnp.float32)
    W_neigh_b = jnp.zeros((NUM_LAYERS, D_HID), dtype=jnp.float32)
    W_fp_w = WEIGHT_SCALE * jax.random.normal(ks[5], (NUM_LAYERS, D_FP, D_HID), dtype=jnp.float32)
    return {
        "x": x,
        "edge_index": edge_index,
        "batch": batch,
        "W_self_w": W_self_w,
        "W_self_b": W_self_b,
        "W_neigh_w": W_neigh_w,
        "W_neigh_b": W_neigh_b,
        "W_fp_w": W_fp_w,
    }


def reference(x, edge_index, batch, W_self_w, W_self_b, W_neigh_w, W_neigh_b, W_fp_w):
    x = x.astype(jnp.float32)
    row = edge_index[0]
    col = edge_index[1]
    fingerprint = jnp.zeros((NUM_GRAPHS, W_fp_w.shape[1]), dtype=x.dtype)
    for layer in range(NUM_LAYERS):
        # neigh_sum = zeros.index_add(0, row, x[col])
        neigh_sum = jnp.zeros_like(x).at[row].add(x[col])
        x = (x @ W_self_w[layer].T + W_self_b[layer]) + (neigh_sum @ W_neigh_w[layer].T + W_neigh_b[layer])
        x = jnp.tanh(x)
        node_contrib = jax.nn.softmax(x @ W_fp_w[layer].T, axis=1)
        fingerprint_layer = jax.ops.segment_sum(node_contrib, batch, num_segments=NUM_GRAPHS)
        fingerprint = fingerprint + fingerprint_layer
    return fingerprint

if __name__ == "__main__":
    import jax
    _d = setup_inputs()
    print(jax.jit(kernel)(*tuple(_d.values())))

</pallas_src>

<mosaic_0001>
#map = affine_map<(d0, d1) -> (0)>
module attributes {stable_mosaic.version = 14 : i64} {
  func.func @_prepass_body(%arg0: i32, %arg1: i32, %arg2: memref<320000xi32, #tpu.memory_space<hbm>>, %arg3: memref<320000xi32, #tpu.memory_space<hbm>>, %arg4: memref<360448xi32, #tpu.memory_space<hbm>>, %arg5: memref<360448xi32, #tpu.memory_space<hbm>>, %arg6: memref<512xi32, #tpu.memory_space<hbm>>, %arg7: memref<2560xi32, #tpu.memory_space<vmem>>, %arg8: memref<2560xi32, #tpu.memory_space<vmem>>, %arg9: memref<2560xi32, #tpu.memory_space<vmem>>, %arg10: memref<2560xi32, #tpu.memory_space<vmem>>, %arg11: memref<11280xi32, #tpu.memory_space<vmem>>, %arg12: memref<11280xi32, #tpu.memory_space<vmem>>, %arg13: memref<16xi32, #tpu.memory_space<vmem>>, %arg14: memref<!tpu.dma_semaphore, #tpu.memory_space<semaphore_mem>>, %arg15: memref<!tpu.dma_semaphore, #tpu.memory_space<semaphore_mem>>) attributes {dimension_semantics = [#tpu.dimension_semantics<core_parallel>, #tpu.dimension_semantics<subcore_parallel>], iteration_bounds = array<i64: 2, 16>, scalar_prefetch = 0 : i64, scratch_operands = 9 : i64, tpu.core_type = #tpu.core_type<sc_vector_subcore>, window_params = [{transform_indices = #map}, {transform_indices = #map}, {transform_indices = #map}, {transform_indices = #map}, {transform_indices = #map}]} {
    %mul3A = arith.constant 16 : i32
    %mul3A_0 = arith.muli %arg0, %mul3A : i32
    %add3A = arith.addi %mul3A_0, %arg1 : i32
    %mul3A_1 = arith.constant 5120 : i32
    %mul3A_2 = arith.muli %arg0, %mul3A_1 : i32
    %mul3A_3 = arith.constant 320 : i32
    %mul3A_4 = arith.muli %arg1, %mul3A_3 : i32
    %add3A_5 = arith.addi %mul3A_2, %mul3A_4 : i32
    %add3A_6 = arith.constant 320 : i32
    %add3A_7 = arith.addi %add3A_5, %add3A_6 : i32
    %jit3A = arith.constant 8 : i32
    %eq3A = arith.constant 0 : i32
    %eq3A_8 = arith.cmpi eq, %jit3A, %eq3A : i32
    %jit3A_9 = arith.constant 1 : i32
    %select_n3A = arith.select %eq3A_8, %jit3A_9, %jit3A : i32
    %rem3A = arith.remsi %arg1, %select_n3A : i32
    %ne3A = arith.constant 0 : i32
    %ne3A_10 = arith.cmpi ne, %rem3A, %ne3A : i32
    %lt3A = arith.constant 0 : i32
    %lt3A_11 = arith.cmpi slt, %rem3A, %lt3A : i32
    %lt3A_12 = arith.constant 0 : i32
    %lt3A_13 = arith.cmpi slt, %select_n3A, %lt3A_12 : i32
    %ne3A_14 = arith.xori %lt3A_11, %lt3A_13 : i1
    %and3A = arith.andi %ne3A_14, %ne3A_10 : i1
    %add3A_15 = arith.addi %rem3A, %select_n3A : i32
    %select_n3A_16 = arith.select %and3A, %add3A_15, %rem3A : i32
    %add3A_17 = arith.constant 5120 : i32
    %add3A_18 = arith.addi %add3A_17, %select_n3A_16 : i32
    %mul3A_19 = arith.constant 15 : i32
    %mul3A_20 = arith.muli %arg1, %mul3A_19 : i32
    %add3A_21 = arith.constant 10000 : i32
    %add3A_22 = arith.addi %add3A_21, %mul3A_20 : i32
    %scan3A = arith.constant 0 : i32
    %scan3A_23 = arith.constant 0 : i32
    %scan3A_24 = arith.constant 704 : i32
    %scan3A_25 = arith.addi %scan3A_23, %scan3A_24 : i32
    %scan3A_26 = arith.constant 1 : i32
    scf.for %scan3A_49 = %scan3A_23 to %scan3A_25 step %scan3A_26  : i32 {
      %broadcast_in_dim3A_50 = vector.broadcast %add3A_22 : i32 to vector<16xi32>
      %mul3A_51 = arith.constant 16 : i32
      %mul3A_52 = arith.muli %scan3A_49, %mul3A_51 : i32
      %swap3A_53 = arith.index_cast %mul3A_52 : i32 to index
      %swap3A_54 = tpu.vector_load %arg11[%swap3A_53] {strides = array<i32>} : memref<11280xi32, #tpu.memory_space<vmem>>, vector<16xi32>,
      tpu.vector_store %arg11[%swap3A_53], %broadcast_in_dim3A_50 {strides = array<i32>} : memref<11280xi32, #tpu.memory_space<vmem>>, vector<16xi32>,
      %broadcast_in_dim3A_55 = vector.broadcast %add3A_18 : i32 to vector<16xi32>
      %mul3A_56 = arith.constant 16 : i32
      %mul3A_57 = arith.muli %scan3A_49, %mul3A_56 : i32
      %swap3A_58 = arith.index_cast %mul3A_57 : i32 to index
      %swap3A_59 = tpu.vector_load %arg12[%swap3A_58] {strides = array<i32>} : memref<11280xi32, #tpu.memory_space<vmem>>, vector<16xi32>,
      tpu.vector_store %arg12[%swap3A_58], %broadcast_in_dim3A_55 {strides = array<i32>} : memref<11280xi32, #tpu.memory_space<vmem>>, vector<16xi32>,
    }
    %scan3A_27 = arith.constant 704 : i32
    %dma_start3A = arith.constant 0 : i32
    %dma_start3A_28 = tpu.memref_slice %arg2[%dma_start3A] : memref<320000xi32, #tpu.memory_space<hbm>> -> memref<2560xi32, #tpu.memory_space<hbm>>
    %dma_start3A_29 = arith.constant 0 : i32
    %dma_start3A_30 = tpu.memref_slice %arg2[%dma_start3A_29] : memref<320000xi32, #tpu.memory_space<hbm>> -> memref<2560xi32, #tpu.memory_space<hbm>>
    tpu.enqueue_dma source(%dma_start3A_30 : memref<2560xi32, #tpu.memory_space<hbm>>) target(%arg7 : memref<2560xi32, #tpu.memory_space<vmem>>) target_semaphore(%arg14 : memref<!tpu.dma_semaphore, #tpu.memory_space<semaphore_mem>>)
    %dma_start3A_31 = arith.constant 0 : i32
    %dma_start3A_32 = tpu.memref_slice %arg3[%dma_start3A_31] : memref<320000xi32, #tpu.memory_space<hbm>> -> memref<2560xi32, #tpu.memory_space<hbm>>
    %dma_start3A_33 = arith.constant 0 : i32
    %dma_start3A_34 = tpu.memref_slice %arg3[%dma_start3A_33] : memref<320000xi32, #tpu.memory_space<hbm>> -> memref<2560xi32, #tpu.memory_space<hbm>>
    tpu.enqueue_dma source(%dma_start3A_34 : memref<2560xi32, #tpu.memory_space<hbm>>) target(%arg8 : memref<2560xi32, #tpu.memory_space<vmem>>) target_semaphore(%arg14 : memref<!tpu.dma_semaphore, #tpu.memory_space<semaphore_mem>>)
    %broadcast_in_dim3A = arith.constant 0 : i32
    %broadcast_in_dim3A_35 = vector.broadcast %broadcast_in_dim3A : i32 to vector<16xi32>
    %scan3A_36 = arith.constant 0 : i32
    %scan3A_37 = arith.constant 63 : i32
    %scan3A_38 = arith.addi %scan3A_36, %scan3A_37 : i32
    %scan3A_39 = arith.constant 1 : i32
    %scan3A_40 = scf.for %scan3A_49 = %scan3A_36 to %scan3A_38 step %scan3A_39 iter_args(%scan3A_50 = %broadcast_in_dim3A_35) -> (vector<16xi32>)  : i32 {
      %mul3A_51 = arith.constant 2 : i32
      %mul3A_52 = arith.muli %mul3A_51, %scan3A_49 : i32
      %add3A_53 = arith.constant 1 : i32
      %add3A_54 = arith.addi %mul3A_52, %add3A_53 : i32
      %lt3A_55 = arith.constant 125 : i32
      %lt3A_56 = arith.cmpi slt, %add3A_54, %lt3A_55 : i32
      %convert_element_type3A = arith.extui %lt3A_56 : i1 to i32
      %cond3A = arith.constant 0 : i32
      %cond3A_57 = arith.cmpi ne, %convert_element_type3A, %cond3A : i32
      scf.if %cond3A_57 {
        %mul3A_84 = arith.constant 2560 : i32
        %mul3A_85 = arith.muli %add3A_54, %mul3A_84 : i32
        %dma_start3A_86 = tpu.memref_slice %arg2[%mul3A_85] : memref<320000xi32, #tpu.memory_space<hbm>> -> memref<2560xi32, #tpu.memory_space<hbm>>
        %dma_start3A_87 = tpu.memref_slice %arg2[%mul3A_85] : memref<320000xi32, #tpu.memory_space<hbm>> -> memref<2560xi32, #tpu.memory_space<hbm>>
        tpu.enqueue_dma source(%dma_start3A_87 : memref<2560xi32, #tpu.memory_space<hbm>>) target(%arg9 : memref<2560xi32, #tpu.memory_space<vmem>>) target_semaphore(%arg15 : memref<!tpu.dma_semaphore, #tpu.memory_space<semaphore_mem>>)
        %mul3A_88 = arith.constant 2560 : i32
        %mul3A_89 = arith.muli %add3A_54, %mul3A_88 : i32
        %dma_start3A_90 = tpu.memref_slice %arg3[%mul3A_89] : memref<320000xi32, #tpu.memory_space<hbm>> -> memref<2560xi32, #tpu.memory_space<hbm>>
        %dma_start3A_91 = tpu.memref_slice %arg3[%mul3A_89] : memref<320000xi32, #tpu.memory_space<hbm>> -> memref<2560xi32, #tpu.memory_space<hbm>>
        tpu.enqueue_dma source(%dma_start3A_91 : memref<2560xi32, #tpu.memory_space<hbm>>) target(%arg10 : memref<2560xi32, #tpu.memory_space<vmem>>) target_semaphore(%arg15 : memref<!tpu.dma_semaphore, #tpu.memory_space<semaphore_mem>>)
      } else {
      }
      %mul3A_58 = arith.constant 2560 : i32
      %mul3A_59 = arith.muli %mul3A_52, %mul3A_58 : i32
      %dma_wait3A = tpu.memref_slice %arg2[%mul3A_59] : memref<320000xi32, #tpu.memory_space<hbm>> -> memref<2560xi32, #tpu.memory_space<hbm>>
      %dma_wait3A_60 = tpu.memref_slice %arg2[%mul3A_59] : memref<320000xi32, #tpu.memory_space<hbm>> -> memref<2560xi32, #tpu.memory_space<hbm>>
      tpu.wait_dma2 semaphore(%arg14 : memref<!tpu.dma_semaphore, #tpu.memory_space<semaphore_mem>>) src(%dma_wait3A_60 : memref<2560xi32, #tpu.memory_space<hbm>>) dst(%arg7 : memref<2560xi32, #tpu.memory_space<vmem>>)
      %mul3A_61 = arith.constant 2560 : i32
      %mul3A_62 = arith.muli %mul3A_52, %mul3A_61 : i32
      %dma_wait3A_63 = tpu.memref_slice %arg3[%mul3A_62] : memref<320000xi32, #tpu.memory_space<hbm>> -> memref<2560xi32, #tpu.memory_space<hbm>>
      %dma_wait3A_64 = tpu.memref_slice %arg3[%mul3A_62] : memref<320000xi32, #tpu.memory_space<hbm>> -> memref<2560xi32, #tpu.memory_space<hbm>>
      tpu.wait_dma2 semaphore(%arg14 : memref<!tpu.dma_semaphore, #tpu.memory_space<semaphore_mem>>) src(%dma_wait3A_64 : memref<2560xi32, #tpu.memory_space<hbm>>) dst(%arg8 : memref<2560xi32, #tpu.memory_space<vmem>>)
      %scan3A_65 = arith.constant 0 : i32
      %scan3A_66 = arith.constant 160 : i32
      %scan3A_67 = arith.addi %scan3A_65, %scan3A_66 : i32
      %scan3A_68 = arith.constant 8 : i32
      %scan3A_69 = scf.for %scan3A_84 = %scan3A_65 to %scan3A_67 step %scan3A_68 iter_args(%scan3A_85 = %scan3A_50) -> (vector<16xi32>)  : i32 {
        %mul3A_86 = arith.constant 16 : i32
        %mul3A_87 = arith.muli %scan3A_84, %mul3A_86 : i32
        %get3A = arith.index_cast %mul3A_87 : i32 to index
        %get3A_88 = tpu.vector_load %arg7[%get3A] {strides = array<i32>} : memref<2560xi32, #tpu.memory_space<vmem>>, vector<16xi32>,
        %mul3A_89 = arith.constant 16 : i32
        %mul3A_90 = arith.muli %scan3A_84, %mul3A_89 : i32
        %get3A_91 = arith.index_cast %mul3A_90 : i32 to index
        %get3A_92 = tpu.vector_load %arg8[%get3A_91] {strides = array<i32>} : memref<2560xi32, #tpu.memory_space<vmem>>, vector<16xi32>,
        %ge3A = vector.broadcast %add3A_5 : i32 to vector<16xi32>
        %ge3A_93 = arith.cmpi sge, %get3A_88, %ge3A : vector<16xi32>
        %lt3A_94 = vector.broadcast %add3A_7 : i32 to vector<16xi32>
        %lt3A_95 = arith.cmpi slt, %get3A_88, %lt3A_94 : vector<16xi32>
        %and3A_96 = arith.andi %ge3A_93, %lt3A_95 : vector<16xi1>
        %min3A = arith.constant 11248 : i32
        %min3A_97 = vector.broadcast %min3A : i32 to vector<16xi32>
        %min3A_98 = arith.minsi %scan3A_85, %min3A_97 : vector<16xi32>
        %convert_element_type3A_99 = arith.extui %and3A_96 : vector<16xi1> to vector<16xi32>
        %broadcast_in_dim3A_100 = arith.constant true
        %broadcast_in_dim3A_101 = vector.broadcast %broadcast_in_dim3A_100 : i1 to vector<16xi1>
        %masked_cumsum3A = tpu.scan <sum>, %convert_element_type3A_99 masked %broadcast_in_dim3A_101 : vector<16xi32>, vector<16xi1> -> vector<16xi32>
        %sub3A = arith.constant 1 : i32
        %sub3A_102 = vector.broadcast %sub3A : i32 to vector<16xi32>
        %sub3A_103 = arith.subi %masked_cumsum3A, %sub3A_102 : vector<16xi32>
        %add3A_104 = arith.addi %min3A_98, %sub3A_103 : vector<16xi32>
        %jit3A_105 = arith.constant 11264 : i32
        %broadcast_in_dim3A_106 = vector.broadcast %jit3A_105 : i32 to vector<16xi32>
        %select_n3A_107 = arith.select %and3A_96, %add3A_104, %broadcast_in_dim3A_106 : vector<16xi1>, vector<16xi32>
        tpu.vector_store_idx %arg11[%select_n3A_107], %get3A_92 : memref<11280xi32, #tpu.memory_space<vmem>>[vector<16xi32>], vector<16xi32>,
        %sub3A_108 = vector.broadcast %mul3A_2 : i32 to vector<16xi32>
        %sub3A_109 = arith.subi %get3A_88, %sub3A_108 : vector<16xi32>
        tpu.vector_store_idx %arg12[%select_n3A_107], %sub3A_109 : memref<11280xi32, #tpu.memory_space<vmem>>[vector<16xi32>], vector<16xi32>,
        %all_reduce_population_count3A = tpu.all_reduce %and3A_96 {dim = 0 : i64, kind = #tpu.reduction_kind<sum>} : vector<16xi1> -> vector<16xi32>
        %add3A_110 = arith.addi %scan3A_85, %all_reduce_population_count3A : vector<16xi32>
        %scan3A_111 = arith.constant 1 : i32
        %scan3A_112 = arith.addi %scan3A_84, %scan3A_111 : i32
        %mul3A_113 = arith.constant 16 : i32
        %mul3A_114 = arith.muli %scan3A_112, %mul3A_113 : i32
        %get3A_115 = arith.index_cast %mul3A_114 : i32 to index
        %get3A_116 = tpu.vector_load %arg7[%get3A_115] {strides = array<i32>} : memref<2560xi32, #tpu.memory_space<vmem>>, vector<16xi32>,
        %mul3A_117 = arith.constant 16 : i32
        %mul3A_118 = arith.muli %scan3A_112, %mul3A_117 : i32
        %get3A_119 = arith.index_cast %mul3A_118 : i32 to index
        %get3A_120 = tpu.vector_load %arg8[%get3A_119] {strides = array<i32>} : memref<2560xi32, #tpu.memory_space<vmem>>, vector<16xi32>,
        %ge3A_121 = vector.broadcast %add3A_5 : i32 to vector<16xi32>
        %ge3A_122 = arith.cmpi sge, %get3A_116, %ge3A_121 : vector<16xi32>
        %lt3A_123 = vector.broadcast %add3A_7 : i32 to vector<16xi32>
        %lt3A_124 = arith.cmpi slt, %get3A_116, %lt3A_123 : vector<16xi32>
        %and3A_125 = arith.andi %ge3A_122, %lt3A_124 : vector<16xi1>
        %min3A_126 = arith.constant 11248 : i32
        %min3A_127 = vector.broadcast %min3A_126 : i32 to vector<16xi32>
        %min3A_128 = arith.minsi %add3A_110, %min3A_127 : vector<16xi32>
        %convert_element_type3A_129 = arith.extui %and3A_125 : vector<16xi1> to vector<16xi32>
        %broadcast_in_dim3A_130 = arith.constant true
        %broadcast_in_dim3A_131 = vector.broadcast %broadcast_in_dim3A_130 : i1 to vector<16xi1>
        %masked_cumsum3A_132 = tpu.scan <sum>, %convert_element_type3A_129 masked %broadcast_in_dim3A_131 : vector<16xi32>, vector<16xi1> -> vector<16xi32>
        %sub3A_133 = arith.constant 1 : i32
        %sub3A_134 = vector.broadcast %sub3A_133 : i32 to vector<16xi32>
        %sub3A_135 = arith.subi %masked_cumsum3A_132, %sub3A_134 : vector<16xi32>
        %add3A_136 = arith.addi %min3A_128, %sub3A_135 : vector<16xi32>
        %jit3A_137 = arith.constant 11264 : i32
        %broadcast_in_dim3A_138 = vector.broadcast %jit3A_137 : i32 to vector<16xi32>
        %select_n3A_139 = arith.select %and3A_125, %add3A_136, %broadcast_in_dim3A_138 : vector<16xi1>, vector<16xi32>
        tpu.vector_store_idx %arg11[%select_n3A_139], %get3A_120 : memref<11280xi32, #tpu.memory_space<vmem>>[vector<16xi32>], vector<16xi32>,
        %sub3A_140 = vector.broadcast %mul3A_2 : i32 to vector<16xi32>
        %sub3A_141 = arith.subi %get3A_116, %sub3A_140 : vector<16xi32>
        tpu.vector_store_idx %arg12[%select_n3A_139], %sub3A_141 : memref<11280xi32, #tpu.memory_space<vmem>>[vector<16xi32>], vector<16xi32>,
        %all_reduce_population_count3A_142 = tpu.all_reduce %and3A_125 {dim = 0 : i64, kind = #tpu.reduction_kind<sum>} : vector<16xi1> -> vector<16xi32>
        %add3A_143 = arith.addi %add3A_110, %all_reduce_population_count3A_142 : vector<16xi32>
        %scan3A_144 = arith.constant 2 : i32
        %scan3A_145 = arith.addi %scan3A_84, %scan3A_144 : i32
        %mul3A_146 = arith.constant 16 : i32
        %mul3A_147 = arith.muli %scan3A_145, %mul3A_146 : i32
        %get3A_148 = arith.index_cast %mul3A_147 : i32 to index
        %get3A_149 = tpu.vector_load %arg7[%get3A_148] {strides = array<i32>} : memref<2560xi32, #tpu.memory_space<vmem>>, vector<16xi32>,
        %mul3A_150 = arith.constant 16 : i32
        %mul3A_151 = arith.muli %scan3A_145, %mul3A_150 : i32
        %get3A_152 = arith.index_cast %mul3A_151 : i32 to index
        %get3A_153 = tpu.vector_load %arg8[%get3A_152] {strides = array<i32>} : memref<2560xi32, #tpu.memory_space<vmem>>, vector<16xi32>,
        %ge3A_154 = vector.broadcast %add3A_5 : i32 to vector<16xi32>
        %ge3A_155 = arith.cmpi sge, %get3A_149, %ge3A_154 : vector<16xi32>
        %lt3A_156 = vector.broadcast %add3A_7 : i32 to vector<16xi32>
        %lt3A_157 = arith.cmpi slt, %get3A_149, %lt3A_156 : vector<16xi32>
        %and3A_158 = arith.andi %ge3A_155, %lt3A_157 : vector<16xi1>
        %min3A_159 = arith.constant 11248 : i32
        %min3A_160 = vector.broadcast %min3A_159 : i32 to vector<16xi32>
        %min3A_161 = arith.minsi %add3A_143, %min3A_160 : vector<16xi32>
        %convert_element_type3A_162 = arith.extui %and3A_158 : vector<16xi1> to vector<16xi32>
        %broadcast_in_dim3A_163 = arith.constant true
        %broadcast_in_dim3A_164 = vector.broadcast %broadcast_in_dim3A_163 : i1 to vector<16xi1>
        %masked_cumsum3A_165 = tpu.scan <sum>, %convert_element_type3A_162 masked %broadcast_in_dim3A_164 : vector<16xi32>, vector<16xi1> -> vector<16xi32>
        %sub3A_166 = arith.constant 1 : i32
        %sub3A_167 = vector.broadcast %sub3A_166 : i32 to vector<16xi32>
        %sub3A_168 = arith.subi %masked_cumsum3A_165, %sub3A_167 : vector<16xi32>
        %add3A_169 = arith.addi %min3A_161, %sub3A_168 : vector<16xi32>
        %jit3A_170 = arith.constant 11264 : i32
        %broadcast_in_dim3A_171 = vector.broadcast %jit3A_170 : i32 to vector<16xi32>
        %select_n3A_172 = arith.select %and3A_158, %add3A_169, %broadcast_in_dim3A_171 : vector<16xi1>, vector<16xi32>
        tpu.vector_store_idx %arg11[%select_n3A_172], %get3A_153 : memref<11280xi32, #tpu.memory_space<vmem>>[vector<16xi32>], vector<16xi32>,
        %sub3A_173 = vector.broadcast %mul3A_2 : i32 to vector<16xi32>
        %sub3A_174 = arith.subi %get3A_149, %sub3A_173 : vector<16xi32>
        tpu.vector_store_idx %arg12[%select_n3A_172], %sub3A_174 : memref<11280xi32, #tpu.memory_space<vmem>>[vector<16xi32>], vector<16xi32>,
        %all_reduce_population_count3A_175 = tpu.all_reduce %and3A_158 {dim = 0 : i64, kind = #tpu.reduction_kind<sum>} : vector<16xi1> -> vector<16xi32>
        %add3A_176 = arith.addi %add3A_143, %all_reduce_population_count3A_175 : vector<16xi32>
        %scan3A_177 = arith.constant 3 : i32
        %scan3A_178 = arith.addi %scan3A_84, %scan3A_177 : i32
        %mul3A_179 = arith.constant 16 : i32
        %mul3A_180 = arith.muli %scan3A_178, %mul3A_179 : i32
        %get3A_181 = arith.index_cast %mul3A_180 : i32 to index
        %get3A_182 = tpu.vector_load %arg7[%get3A_181] {strides = array<i32>} : memref<2560xi32, #tpu.memory_space<vmem>>, vector<16xi32>,
        %mul3A_183 = arith.constant 16 : i32
        %mul3A_184 = arith.muli %scan3A_178, %mul3A_183 : i32
        %get3A_185 = arith.index_cast %mul3A_184 : i32 to index
        %get3A_186 = tpu.vector_load %arg8[%get3A_185] {strides = array<i32>} : memref<2560xi32, #tpu.memory_space<vmem>>, vector<16xi32>,
        %ge3A_187 = vector.broadcast %add3A_5 : i32 to vector<16xi32>
        %ge3A_188 = arith.cmpi sge, %get3A_182, %ge3A_187 : vector<16xi32>
        %lt3A_189 = vector.broadcast %add3A_7 : i32 to vector<16xi32>
        %lt3A_190 = arith.cmpi slt, %get3A_182, %lt3A_189 : vector<16xi32>
        %and3A_191 = arith.andi %ge3A_188, %lt3A_190 : vector<16xi1>
        %min3A_192 = arith.constant 11248 : i32
        %min3A_193 = vector.broadcast %min3A_192 : i32 to vector<16xi32>
        %min3A_194 = arith.minsi %add3A_176, %min3A_193 : vector<16xi32>
        %convert_element_type3A_195 = arith.extui %and3A_191 : vector<16xi1> to vector<16xi32>
        %broadcast_in_dim3A_196 = arith.constant true
        %broadcast_in_dim3A_197 = vector.broadcast %broadcast_in_dim3A_196 : i1 to vector<16xi1>
        %masked_cumsum3A_198 = tpu.scan <sum>, %convert_element_type3A_195 masked %broadcast_in_dim3A_197 : vector<16xi32>, vector<16xi1> -> vector<16xi32>
        %sub3A_199 = arith.constant 1 : i32
        %sub3A_200 = vector.broadcast %sub3A_199 : i32 to vector<16xi32>
        %sub3A_201 = arith.subi %masked_cumsum3A_198, %sub3A_200 : vector<16xi32>
        %add3A_202 = arith.addi %min3A_194, %sub3A_201 : vector<16xi32>
        %jit3A_203 = arith.constant 11264 : i32
        %broadcast_in_dim3A_204 = vector.broadcast %jit3A_203 : i32 to vector<16xi32>
        %select_n3A_205 = arith.select %and3A_191, %add3A_202, %broadcast_in_dim3A_204 : vector<16xi1>, vector<16xi32>
        tpu.vector_store_idx %arg11[%select_n3A_205], %get3A_186 : memref<11280xi32, #tpu.memory_space<vmem>>[vector<16xi32>], vector<16xi32>,
        %sub3A_206 = vector.broadcast %mul3A_2 : i32 to vector<16xi32>
        %sub3A_207 = arith.subi %get3A_182, %sub3A_206 : vector<16xi32>
        tpu.vector_store_idx %arg12[%select_n3A_205], %sub3A_207 : memref<11280xi32, #tpu.memory_space<vmem>>[vector<16xi32>], vector<16xi32>,
        %all_reduce_population_count3A_208 = tpu.all_reduce %and3A_191 {dim = 0 : i64, kind = #tpu.reduction_kind<sum>} : vector<16xi1> -> vector<16xi32>
        %add3A_209 = arith.addi %add3A_176, %all_reduce_population_count3A_208 : vector<16xi32>
        %scan3A_210 = arith.constant 4 : i32
        %scan3A_211 = arith.addi %scan3A_84, %scan3A_210 : i32
        %mul3A_212 = arith.constant 16 : i32
        %mul3A_213 = arith.muli %scan3A_211, %mul3A_212 : i32
        %get3A_214 = arith.index_cast %mul3A_213 : i32 to index
        %get3A_215 = tpu.vector_load %arg7[%get3A_214] {strides = array<i32>} : memref<2560xi32, #tpu.memory_space<vmem>>, vector<16xi32>,
        %mul3A_216 = arith.constant 16 : i32
        %mul3A_217 = arith.muli %scan3A_211, %mul3A_216 : i32
        %get3A_218 = arith.index_cast %mul3A_217 : i32 to index
        %get3A_219 = tpu.vector_load %arg8[%get3A_218] {strides = array<i32>} : memref<2560xi32, #tpu.memory_space<vmem>>, vector<16xi32>,
        %ge3A_220 = vector.broadcast %add3A_5 : i32 to vector<16xi32>
        %ge3A_221 = arith.cmpi sge, %get3A_215, %ge3A_220 : vector<16xi32>
        %lt3A_222 = vector.broadcast %add3A_7 : i32 to vector<16xi32>
        %lt3A_223 = arith.cmpi slt, %get3A_215, %lt3A_222 : vector<16xi32>
        %and3A_224 = arith.andi %ge3A_221, %lt3A_223 : vector<16xi1>
        %min3A_225 = arith.constant 11248 : i32
        %min3A_226 = vector.broadcast %min3A_225 : i32 to vector<16xi32>
        %min3A_227 = arith.minsi %add3A_209, %min3A_226 : vector<16xi32>
        %convert_element_type3A_228 = arith.extui %and3A_224 : vector<16xi1> to vector<16xi32>
        %broadcast_in_dim3A_229 = arith.constant true
        %broadcast_in_dim3A_230 = vector.broadcast %broadcast_in_dim3A_229 : i1 to vector<16xi1>
        %masked_cumsum3A_231 = tpu.scan <sum>, %convert_element_type3A_228 masked %broadcast_in_dim3A_230 : vector<16xi32>, vector<16xi1> -> vector<16xi32>
        %sub3A_232 = arith.constant 1 : i32
        %sub3A_233 = vector.broadcast %sub3A_232 : i32 to vector<16xi32>
        %sub3A_234 = arith.subi %masked_cumsum3A_231, %sub3A_233 : vector<16xi32>
        %add3A_235 = arith.addi %min3A_227, %sub3A_234 : vector<16xi32>
        %jit3A_236 = arith.constant 11264 : i32
        %broadcast_in_dim3A_237 = vector.broadcast %jit3A_236 : i32 to vector<16xi32>
        %select_n3A_238 = arith.select %and3A_224, %add3A_235, %broadcast_in_dim3A_237 : vector<16xi1>, vector<16xi32>
        tpu.vector_store_idx %arg11[%select_n3A_238], %get3A_219 : memref<11280xi32, #tpu.memory_space<vmem>>[vector<16xi32>], vector<16xi32>,
        %sub3A_239 = vector.broadcast %mul3A_2 : i32 to vector<16xi32>
        %sub3A_240 = arith.subi %get3A_215, %sub3A_239 : vector<16xi32>
        tpu.vector_store_idx %arg12[%select_n3A_238], %sub3A_240 : memref<11280xi32, #tpu.memory_space<vmem>>[vector<16xi32>], vector<16xi32>,
        %all_reduce_population_count3A_241 = tpu.all_reduce %and3A_224 {dim = 0 : i64, kind = #tpu.reduction_kind<sum>} : vector<16xi1> -> vector<16xi32>
        %add3A_242 = arith.addi %add3A_209, %all_reduce_population_count3A_241 : vector<16xi32>
        %scan3A_243 = arith.constant 5 : i32
        %scan3A_244 = arith.addi %scan3A_84, %scan3A_243 : i32
        %mul3A_245 = arith.constant 16 : i32
        %mul3A_246 = arith.muli %scan3A_244, %mul3A_245 : i32
        %get3A_247 = arith.index_cast %mul3A_246 : i32 to index
        %get3A_248 = tpu.vector_load %arg7[%get3A_247] {strides = array<i32>} : memref<2560xi32, #tpu.memory_space<vmem>>, vector<16xi32>,
        %mul3A_249 = arith.constant 16 : i32
        %mul3A_250 = arith.muli %scan3A_244, %mul3A_249 : i32
        %get3A_251 = arith.index_cast %mul3A_250 : i32 to index
        %get3A_252 = tpu.vector_load %arg8[%get3A_251] {strides = array<i32>} : memref<2560xi32, #tpu.memory_space<vmem>>, vector<16xi32>,
        %ge3A_253 = vector.broadcast %add3A_5 : i32 to vector<16xi32>
        %ge3A_254 = arith.cmpi sge, %get3A_248, %ge3A_253 : vector<16xi32>
        %lt3A_255 = vector.broadcast %add3A_7 : i32 to vector<16xi32>
        %lt3A_256 = arith.cmpi slt, %get3A_248, %lt3A_255 : vector<16xi32>
        %and3A_257 = arith.andi %ge3A_254, %lt3A_256 : vector<16xi1>
        %min3A_258 = arith.constant 11248 : i32
        %min3A_259 = vector.broadcast %min3A_258 : i32 to vector<16xi32>
        %min3A_260 = arith.minsi %add3A_242, %min3A_259 : vector<16xi32>
        %convert_element_type3A_261 = arith.extui %and3A_257 : vector<16xi1> to vector<16xi32>
        %broadcast_in_dim3A_262 = arith.constant true
        %broadcast_in_dim3A_263 = vector.broadcast %broadcast_in_dim3A_262 : i1 to vector<16xi1>
        %masked_cumsum3A_264 = tpu.scan <sum>, %convert_element_type3A_261 masked %broadcast_in_dim3A_263 : vector<16xi32>, vector<16xi1> -> vector<16xi32>
        %sub3A_265 = arith.constant 1 : i32
        %sub3A_266 = vector.broadcast %sub3A_265 : i32 to vector<16xi32>
        %sub3A_267 = arith.subi %masked_cumsum3A_264, %sub3A_266 : vector<16xi32>
        %add3A_268 = arith.addi %min3A_260, %sub3A_267 : vector<16xi32>
        %jit3A_269 = arith.constant 11264 : i32
        %broadcast_in_dim3A_270 = vector.broadcast %jit3A_269 : i32 to vector<16xi32>
        %select_n3A_271 = arith.select %and3A_257, %add3A_268, %broadcast_in_dim3A_270 : vector<16xi1>, vector<16xi32>
        tpu.vector_store_idx %arg11[%select_n3A_271], %get3A_252 : memref<11280xi32, #tpu.memory_space<vmem>>[vector<16xi32>], vector<16xi32>,
        %sub3A_272 = vector.broadcast %mul3A_2 : i32 to vector<16xi32>
        %sub3A_273 = arith.subi %get3A_248, %sub3A_272 : vector<16xi32>
        tpu.vector_store_idx %arg12[%select_n3A_271], %sub3A_273 : memref<11280xi32, #tpu.memory_space<vmem>>[vector<16xi32>], vector<16xi32>,
        %all_reduce_population_count3A_274 = tpu.all_reduce %and3A_257 {dim = 0 : i64, kind = #tpu.reduction_kind<sum>} : vector<16xi1> -> vector<16xi32>
        %add3A_275 = arith.addi %add3A_242, %all_reduce_population_count3A_274 : vector<16xi32>
        %scan3A_276 = arith.constant 6 : i32
        %scan3A_277 = arith.addi %scan3A_84, %scan3A_276 : i32
        %mul3A_278 = arith.constant 16 : i32
        %mul3A_279 = arith.muli %scan3A_277, %mul3A_278 : i32
        %get3A_280 = arith.index_cast %mul3A_279 : i32 to index
        %get3A_281 = tpu.vector_load %arg7[%get3A_280] {strides = array<i32>} : memref<2560xi32, #tpu.memory_space<vmem>>, vector<16xi32>,
        %mul3A_282 = arith.constant 16 : i32
        %mul3A_283 = arith.muli %scan3A_277, %mul3A_282 : i32
        %get3A_284 = arith.index_cast %mul3A_283 : i32 to index
        %get3A_285 = tpu.vector_load %arg8[%get3A_284] {strides = array<i32>} : memref<2560xi32, #tpu.memory_space<vmem>>, vector<16xi32>,
        %ge3A_286 = vector.broadcast %add3A_5 : i32 to vector<16xi32>
        %ge3A_287 = arith.cmpi sge, %get3A_281, %ge3A_286 : vector<16xi32>
        %lt3A_288 = vector.broadcast %add3A_7 : i32 to vector<16xi32>
        %lt3A_289 = arith.cmpi slt, %get3A_281, %lt3A_288 : vector<16xi32>
        %and3A_290 = arith.andi %ge3A_287, %lt3A_289 : vector<16xi1>
        %min3A_291 = arith.constant 11248 : i32
        %min3A_292 = vector.broadcast %min3A_291 : i32 to vector<16xi32>
        %min3A_293 = arith.minsi %add3A_275, %min3A_292 : vector<16xi32>
        %convert_element_type3A_294 = arith.extui %and3A_290 : vector<16xi1> to vector<16xi32>
        %broadcast_in_dim3A_295 = arith.constant true
        %broadcast_in_dim3A_296 = vector.broadcast %broadcast_in_dim3A_295 : i1 to vector<16xi1>
        %masked_cumsum3A_297 = tpu.scan <sum>, %convert_element_type3A_294 masked %broadcast_in_dim3A_296 : vector<16xi32>, vector<16xi1> -> vector<16xi32>
        %sub3A_298 = arith.constant 1 : i32
        %sub3A_299 = vector.broadcast %sub3A_298 : i32 to vector<16xi32>
        %sub3A_300 = arith.subi %masked_cumsum3A_297, %sub3A_299 : vector<16xi32>
        %add3A_301 = arith.addi %min3A_293, %sub3A_300 : vector<16xi32>
        %jit3A_302 = arith.constant 11264 : i32
        %broadcast_in_dim3A_303 = vector.broadcast %jit3A_302 : i32 to vector<16xi32>
        %select_n3A_304 = arith.select %and3A_290, %add3A_301, %broadcast_in_dim3A_303 : vector<16xi1>, vector<16xi32>
        tpu.vector_store_idx %arg11[%select_n3A_304], %get3A_285 : memref<11280xi32, #tpu.memory_space<vmem>>[vector<16xi32>], vector<16xi32>,
        %sub3A_305 = vector.broadcast %mul3A_2 : i32 to vector<16xi32>
        %sub3A_306 = arith.subi %get3A_281, %sub3A_305 : vector<16xi32>
        tpu.vector_store_idx %arg12[%select_n3A_304], %sub3A_306 : memref<11280xi32, #tpu.memory_space<vmem>>[vector<16xi32>], vector<16xi32>,
        %all_reduce_population_count3A_307 = tpu.all_reduce %and3A_290 {dim = 0 : i64, kind = #tpu.reduction_kind<sum>} : vector<16xi1> -> vector<16xi32>
        %add3A_308 = arith.addi %add3A_275, %all_reduce_population_count3A_307 : vector<16xi32>
        %scan3A_309 = arith.constant 7 : i32
        %scan3A_310 = arith.addi %scan3A_84, %scan3A_309 : i32
        %mul3A_311 = arith.constant 16 : i32
        %mul3A_312 = arith.muli %scan3A_310, %mul3A_311 : i32
        %get3A_313 = arith.index_cast %mul3A_312 : i32 to index
        %get3A_314 = tpu.vector_load %arg7[%get3A_313] {strides = array<i32>} : memref<2560xi32, #tpu.memory_space<vmem>>, vector<16xi32>,
        %mul3A_315 = arith.constant 16 : i32
        %mul3A_316 = arith.muli %scan3A_310, %mul3A_315 : i32
        %get3A_317 = arith.index_cast %mul3A_316 : i32 to index
        %get3A_318 = tpu.vector_load %arg8[%get3A_317] {strides = array<i32>} : memref<2560xi32, #tpu.memory_space<vmem>>, vector<16xi32>,
        %ge3A_319 = vector.broadcast %add3A_5 : i32 to vector<16xi32>
        %ge3A_320 = arith.cmpi sge, %get3A_314, %ge3A_319 : vector<16xi32>
        %lt3A_321 = vector.broadcast %add3A_7 : i32 to vector<16xi32>
        %lt3A_322 = arith.cmpi slt, %get3A_314, %lt3A_321 : vector<16xi32>
        %and3A_323 = arith.andi %ge3A_320, %lt3A_322 : vector<16xi1>
        %min3A_324 = arith.constant 11248 : i32
        %min3A_325 = vector.broadcast %min3A_324 : i32 to vector<16xi32>
        %min3A_326 = arith.minsi %add3A_308, %min3A_325 : vector<16xi32>
        %convert_element_type3A_327 = arith.extui %and3A_323 : vector<16xi1> to vector<16xi32>
        %broadcast_in_dim3A_328 = arith.constant true
        %broadcast_in_dim3A_329 = vector.broadcast %broadcast_in_dim3A_328 : i1 to vector<16xi1>
        %masked_cumsum3A_330 = tpu.scan <sum>, %convert_element_type3A_327 masked %broadcast_in_dim3A_329 : vector<16xi32>, vector<16xi1> -> vector<16xi32>
        %sub3A_331 = arith.constant 1 : i32
        %sub3A_332 = vector.broadcast %sub3A_331 : i32 to vector<16xi32>
        %sub3A_333 = arith.subi %masked_cumsum3A_330, %sub3A_332 : vector<16xi32>
        %add3A_334 = arith.addi %min3A_326, %sub3A_333 : vector<16xi32>
        %jit3A_335 = arith.constant 11264 : i32
        %broadcast_in_dim3A_336 = vector.broadcast %jit3A_335 : i32 to vector<16xi32>
        %select_n3A_337 = arith.select %and3A_323, %add3A_334, %broadcast_in_dim3A_336 : vector<16xi1>, vector<16xi32>
        tpu.vector_store_idx %arg11[%select_n3A_337], %get3A_318 : memref<11280xi32, #tpu.memory_space<vmem>>[vector<16xi32>], vector<16xi32>,
        %sub3A_338 = vector.broadcast %mul3A_2 : i32 to vector<16xi32>
        %sub3A_339 = arith.subi %get3A_314, %sub3A_338 : vector<16xi32>
        tpu.vector_store_idx %arg12[%select_n3A_337], %sub3A_339 : memref<11280xi32, #tpu.memory_space<vmem>>[vector<16xi32>], vector<16xi32>,
        %all_reduce_population_count3A_340 = tpu.all_reduce %and3A_323 {dim = 0 : i64, kind = #tpu.reduction_kind<sum>} : vector<16xi1> -> vector<16xi32>
        %add3A_341 = arith.addi %add3A_308, %all_reduce_population_count3A_340 : vector<16xi32>
        scf.yield %add3A_341 : vector<16xi32>
      }
      %scan3A_70 = arith.constant 160 : i32
      %add3A_71 = arith.constant 2 : i32
      %add3A_72 = arith.addi %mul3A_52, %add3A_71 : i32
      %lt3A_73 = arith.constant 125 : i32
      %lt3A_74 = arith.cmpi slt, %add3A_72, %lt3A_73 : i32
      %convert_element_type3A_75 = arith.extui %lt3A_74 : i1 to i32
      %cond3A_76 = arith.constant 0 : i32
      %cond3A_77 = arith.cmpi ne, %convert_element_type3A_75, %cond3A_76 : i32
      scf.if %cond3A_77 {
        %add3A_84 = arith.constant 2 : i32
        %add3A_85 = arith.addi %mul3A_52, %add3A_84 : i32
        %mul3A_86 = arith.constant 2560 : i32
        %mul3A_87 = arith.muli %add3A_85, %mul3A_86 : i32
        %dma_start3A_88 = tpu.memref_slice %arg2[%mul3A_87] : memref<320000xi32, #tpu.memory_space<hbm>> -> memref<2560xi32, #tpu.memory_space<hbm>>
        %dma_start3A_89 = tpu.memref_slice %arg2[%mul3A_87] : memref<320000xi32, #tpu.memory_space<hbm>> -> memref<2560xi32, #tpu.memory_space<hbm>>
        tpu.enqueue_dma source(%dma_start3A_89 : memref<2560xi32, #tpu.memory_space<hbm>>) target(%arg7 : memref<2560xi32, #tpu.memory_space<vmem>>) target_semaphore(%arg14 : memref<!tpu.dma_semaphore, #tpu.memory_space<semaphore_mem>>)
        %mul3A_90 = arith.constant 2560 : i32
        %mul3A_91 = arith.muli %add3A_85, %mul3A_90 : i32
        %dma_start3A_92 = tpu.memref_slice %arg3[%mul3A_91] : memref<320000xi32, #tpu.memory_space<hbm>> -> memref<2560xi32, #tpu.memory_space<hbm>>
        %dma_start3A_93 = tpu.memref_slice %arg3[%mul3A_91] : memref<320000xi32, #tpu.memory_space<hbm>> -> memref<2560xi32, #tpu.memory_space<hbm>>
        tpu.enqueue_dma source(%dma_start3A_93 : memref<2560xi32, #tpu.memory_space<hbm>>) target(%arg8 : memref<2560xi32, #tpu.memory_space<vmem>>) target_semaphore(%arg14 : memref<!tpu.dma_semaphore, #tpu.memory_space<semaphore_mem>>)
      } else {
      }
      %lt3A_78 = arith.constant 125 : i32
      %lt3A_79 = arith.cmpi slt, %add3A_54, %lt3A_78 : i32
      %convert_element_type3A_80 = arith.extui %lt3A_79 : i1 to i32
      %cond3A_81 = arith.constant 0 : i32
      %cond3A_82 = arith.cmpi ne, %convert_element_type3A_80, %cond3A_81 : i32
      %cond3A_83 = scf.if %cond3A_82 -> (vector<16xi32>) {
        %mul3A_84 = arith.constant 2560 : i32
        %mul3A_85 = arith.muli %add3A_54, %mul3A_84 : i32
        %dma_wait3A_86 = tpu.memref_slice %arg2[%mul3A_85] : memref<320000xi32, #tpu.memory_space<hbm>> -> memref<2560xi32, #tpu.memory_space<hbm>>
        %dma_wait3A_87 = tpu.memref_slice %arg2[%mul3A_85] : memref<320000xi32, #tpu.memory_space<hbm>> -> memref<2560xi32, #tpu.memory_space<hbm>>
        tpu.wait_dma2 semaphore(%arg15 : memref<!tpu.dma_semaphore, #tpu.memory_space<semaphore_mem>>) src(%dma_wait3A_87 : memref<2560xi32, #tpu.memory_space<hbm>>) dst(%arg9 : memref<2560xi32, #tpu.memory_space<vmem>>)
        %mul3A_88 = arith.constant 2560 : i32
        %mul3A_89 = arith.muli %add3A_54, %mul3A_88 : i32
        %dma_wait3A_90 = tpu.memref_slice %arg3[%mul3A_89] : memref<320000xi32, #tpu.memory_space<hbm>> -> memref<2560xi32, #tpu.memory_space<hbm>>
        %dma_wait3A_91 = tpu.memref_slice %arg3[%mul3A_89] : memref<320000xi32, #tpu.memory_space<hbm>> -> memref<2560xi32, #tpu.memory_space<hbm>>
        tpu.wait_dma2 semaphore(%arg15 : memref<!tpu.dma_semaphore, #tpu.memory_space<semaphore_mem>>) src(%dma_wait3A_91 : memref<2560xi32, #tpu.memory_space<hbm>>) dst(%arg10 : memref<2560xi32, #tpu.memory_space<vmem>>)
        %scan3A_92 = arith.constant 0 : i32
        %scan3A_93 = arith.constant 160 : i32
        %scan3A_94 = arith.addi %scan3A_92, %scan3A_93 : i32
        %scan3A_95 = arith.constant 8 : i32
        %scan3A_96 = scf.for %scan3A_98 = %scan3A_92 to %scan3A_94 step %scan3A_95 iter_args(%scan3A_99 = %scan3A_69) -> (vector<16xi32>)  : i32 {
          %mul3A_100 = arith.constant 16 : i32
          %mul3A_101 = arith.muli %scan3A_98, %mul3A_100 : i32
          %get3A = arith.index_cast %mul3A_101 : i32 to index
          %get3A_102 = tpu.vector_load %arg9[%get3A] {strides = array<i32>} : memref<2560xi32, #tpu.memory_space<vmem>>, vector<16xi32>,
          %mul3A_103 = arith.constant 16 : i32
          %mul3A_104 = arith.muli %scan3A_98, %mul3A_103 : i32
          %get3A_105 = arith.index_cast %mul3A_104 : i32 to index
          %get3A_106 = tpu.vector_load %arg10[%get3A_105] {strides = array<i32>} : memref<2560xi32, #tpu.memory_space<vmem>>, vector<16xi32>,
          %ge3A = vector.broadcast %add3A_5 : i32 to vector<16xi32>
          %ge3A_107 = arith.cmpi sge, %get3A_102, %ge3A : vector<16xi32>
          %lt3A_108 = vector.broadcast %add3A_7 : i32 to vector<16xi32>
          %lt3A_109 = arith.cmpi slt, %get3A_102, %lt3A_108 : vector<16xi32>
          %and3A_110 = arith.andi %ge3A_107, %lt3A_109 : vector<16xi1>
          %min3A = arith.constant 11248 : i32
          %min3A_111 = vector.broadcast %min3A : i32 to vector<16xi32>
          %min3A_112 = arith.minsi %scan3A_99, %min3A_111 : vector<16xi32>
          %convert_element_type3A_113 = arith.extui %and3A_110 : vector<16xi1> to vector<16xi32>
          %broadcast_in_dim3A_114 = arith.constant true
          %broadcast_in_dim3A_115 = vector.broadcast %broadcast_in_dim3A_114 : i1 to vector<16xi1>
          %masked_cumsum3A = tpu.scan <sum>, %convert_element_type3A_113 masked %broadcast_in_dim3A_115 : vector<16xi32>, vector<16xi1> -> vector<16xi32>
          %sub3A = arith.constant 1 : i32
          %sub3A_116 = vector.broadcast %sub3A : i32 to vector<16xi32>
          %sub3A_117 = arith.subi %masked_cumsum3A, %sub3A_116 : vector<16xi32>
          %add3A_118 = arith.addi %min3A_112, %sub3A_117 : vector<16xi32>
          %jit3A_119 = arith.constant 11264 : i32
          %broadcast_in_dim3A_120 = vector.broadcast %jit3A_119 : i32 to vector<16xi32>
          %select_n3A_121 = arith.select %and3A_110, %add3A_118, %broadcast_in_dim3A_120 : vector<16xi1>, vector<16xi32>
          tpu.vector_store_idx %arg11[%select_n3A_121], %get3A_106 : memref<11280xi32, #tpu.memory_space<vmem>>[vector<16xi32>], vector<16xi32>,
          %sub3A_122 = vector.broadcast %mul3A_2 : i32 to vector<16xi32>
          %sub3A_123 = arith.subi %get3A_102, %sub3A_122 : vector<16xi32>
          tpu.vector_store_idx %arg12[%select_n3A_121], %sub3A_123 : memref<11280xi32, #tpu.memory_space<vmem>>[vector<16xi32>], vector<16xi32>,
          %all_reduce_population_count3A = tpu.all_reduce %and3A_110 {dim = 0 : i64, kind = #tpu.reduction_kind<sum>} : vector<16xi1> -> vector<16xi32>
          %add3A_124 = arith.addi %scan3A_99, %all_reduce_population_count3A : vector<16xi32>
          %scan3A_125 = arith.constant 1 : i32
          %scan3A_126 = arith.addi %scan3A_98, %scan3A_125 : i32
          %mul3A_127 = arith.constant 16 : i32
          %mul3A_128 = arith.muli %scan3A_126, %mul3A_127 : i32
          %get3A_129 = arith.index_cast %mul3A_128 : i32 to index
          %get3A_130 = tpu.vector_load %arg9[%get3A_129] {strides = array<i32>} : memref<2560xi32, #tpu.memory_space<vmem>>, vector<16xi32>,
          %mul3A_131 = arith.constant 16 : i32
          %mul3A_132 = arith.muli %scan3A_126, %mul3A_131 : i32
          %get3A_133 = arith.index_cast %mul3A_132 : i32 to index
          %get3A_134 = tpu.vector_load %arg10[%get3A_133] {strides = array<i32>} : memref<2560xi32, #tpu.memory_space<vmem>>, vector<16xi32>,
          %ge3A_135 = vector.broadcast %add3A_5 : i32 to vector<16xi32>
          %ge3A_136 = arith.cmpi sge, %get3A_130, %ge3A_135 : vector<16xi32>
          %lt3A_137 = vector.broadcast %add3A_7 : i32 to vector<16xi32>
          %lt3A_138 = arith.cmpi slt, %get3A_130, %lt3A_137 : vector<16xi32>
          %and3A_139 = arith.andi %ge3A_136, %lt3A_138 : vector<16xi1>
          %min3A_140 = arith.constant 11248 : i32
          %min3A_141 = vector.broadcast %min3A_140 : i32 to vector<16xi32>
          %min3A_142 = arith.minsi %add3A_124, %min3A_141 : vector<16xi32>
          %convert_element_type3A_143 = arith.extui %and3A_139 : vector<16xi1> to vector<16xi32>
          %broadcast_in_dim3A_144 = arith.constant true
          %broadcast_in_dim3A_145 = vector.broadcast %broadcast_in_dim3A_144 : i1 to vector<16xi1>
          %masked_cumsum3A_146 = tpu.scan <sum>, %convert_element_type3A_143 masked %broadcast_in_dim3A_145 : vector<16xi32>, vector<16xi1> -> vector<16xi32>
          %sub3A_147 = arith.constant 1 : i32
          %sub3A_148 = vector.broadcast %sub3A_147 : i32 to vector<16xi32>
          %sub3A_149 = arith.subi %masked_cumsum3A_146, %sub3A_148 : vector<16xi32>
          %add3A_150 = arith.addi %min3A_142, %sub3A_149 : vector<16xi32>
          %jit3A_151 = arith.constant 11264 : i32
          %broadcast_in_dim3A_152 = vector.broadcast %jit3A_151 : i32 to vector<16xi32>
          %select_n3A_153 = arith.select %and3A_139, %add3A_150, %broadcast_in_dim3A_152 : vector<16xi1>, vector<16xi32>
          tpu.vector_store_idx %arg11[%select_n3A_153], %get3A_134 : memref<11280xi32, #tpu.memory_space<vmem>>[vector<16xi32>], vector<16xi32>,
          %sub3A_154 = vector.broadcast %mul3A_2 : i32 to vector<16xi32>
          %sub3A_155 = arith.subi %get3A_130, %sub3A_154 : vector<16xi32>
          tpu.vector_store_idx %arg12[%select_n3A_153], %sub3A_155 : memref<11280xi32, #tpu.memory_space<vmem>>[vector<16xi32>], vector<16xi32>,
          %all_reduce_population_count3A_156 = tpu.all_reduce %and3A_139 {dim = 0 : i64, kind = #tpu.reduction_kind<sum>} : vector<16xi1> -> vector<16xi32>
          %add3A_157 = arith.addi %add3A_124, %all_reduce_population_count3A_156 : vector<16xi32>
          %scan3A_158 = arith.constant 2 : i32
          %scan3A_159 = arith.addi %scan3A_98, %scan3A_158 : i32
          %mul3A_160 = arith.constant 16 : i32
          %mul3A_161 = arith.muli %scan3A_159, %mul3A_160 : i32
          %get3A_162 = arith.index_cast %mul3A_161 : i32 to index
          %get3A_163 = tpu.vector_load %arg9[%get3A_162] {strides = array<i32>} : memref<2560xi32, #tpu.memory_space<vmem>>, vector<16xi32>,
          %mul3A_164 = arith.constant 16 : i32
          %mul3A_165 = arith.muli %scan3A_159, %mul3A_164 : i32
          %get3A_166 = arith.index_cast %mul3A_165 : i32 to index
          %get3A_167 = tpu.vector_load %arg10[%get3A_166] {strides = array<i32>} : memref<2560xi32, #tpu.memory_space<vmem>>, vector<16xi32>,
          %ge3A_168 = vector.broadcast %add3A_5 : i32 to vector<16xi32>
          %ge3A_169 = arith.cmpi sge, %get3A_163, %ge3A_168 : vector<16xi32>
          %lt3A_170 = vector.broadcast %add3A_7 : i32 to vector<16xi32>
          %lt3A_171 = arith.cmpi slt, %get3A_163, %lt3A_170 : vector<16xi32>
          %and3A_172 = arith.andi %ge3A_169, %lt3A_171 : vector<16xi1>
          %min3A_173 = arith.constant 11248 : i32
          %min3A_174 = vector.broadcast %min3A_173 : i32 to vector<16xi32>
          %min3A_175 = arith.minsi %add3A_157, %min3A_174 : vector<16xi32>
          %convert_element_type3A_176 = arith.extui %and3A_172 : vector<16xi1> to vector<16xi32>
          %broadcast_in_dim3A_177 = arith.constant true
          %broadcast_in_dim3A_178 = vector.broadcast %broadcast_in_dim3A_177 : i1 to vector<16xi1>
          %masked_cumsum3A_179 = tpu.scan <sum>, %convert_element_type3A_176 masked %broadcast_in_dim3A_178 : vector<16xi32>, vector<16xi1> -> vector<16xi32>
          %sub3A_180 = arith.constant 1 : i32
          %sub3A_181 = vector.broadcast %sub3A_180 : i32 to vector<16xi32>
          %sub3A_182 = arith.subi %masked_cumsum3A_179, %sub3A_181 : vector<16xi32>
          %add3A_183 = arith.addi %min3A_175, %sub3A_182 : vector<16xi32>
          %jit3A_184 = arith.constant 11264 : i32
          %broadcast_in_dim3A_185 = vector.broadcast %jit3A_184 : i32 to vector<16xi32>
          %select_n3A_186 = arith.select %and3A_172, %add3A_183, %broadcast_in_dim3A_185 : vector<16xi1>, vector<16xi32>
          tpu.vector_store_idx %arg11[%select_n3A_186], %get3A_167 : memref<11280xi32, #tpu.memory_space<vmem>>[vector<16xi32>], vector<16xi32>,
          %sub3A_187 = vector.broadcast %mul3A_2 : i32 to vector<16xi32>
          %sub3A_188 = arith.subi %get3A_163, %sub3A_187 : vector<16xi32>
          tpu.vector_store_idx %arg12[%select_n3A_186], %sub3A_188 : memref<11280xi32, #tpu.memory_space<vmem>>[vector<16xi32>], vector<16xi32>,
          %all_reduce_population_count3A_189 = tpu.all_reduce %and3A_172 {dim = 0 : i64, kind = #tpu.reduction_kind<sum>} : vector<16xi1> -> vector<16xi32>
          %add3A_190 = arith.addi %add3A_157, %all_reduce_population_count3A_189 : vector<16xi32>
          %scan3A_191 = arith.constant 3 : i32
          %scan3A_192 = arith.addi %scan3A_98, %scan3A_191 : i32
          %mul3A_193 = arith.constant 16 : i32
          %mul3A_194 = arith.muli %scan3A_192, %mul3A_193 : i32
          %get3A_195 = arith.index_cast %mul3A_194 : i32 to index
          %get3A_196 = tpu.vector_load %arg9[%get3A_195] {strides = array<i32>} : memref<2560xi32, #tpu.memory_space<vmem>>, vector<16xi32>,
          %mul3A_197 = arith.constant 16 : i32
          %mul3A_198 = arith.muli %scan3A_192, %mul3A_197 : i32
          %get3A_199 = arith.index_cast %mul3A_198 : i32 to index
          %get3A_200 = tpu.vector_load %arg10[%get3A_199] {strides = array<i32>} : memref<2560xi32, #tpu.memory_space<vmem>>, vector<16xi32>,
          %ge3A_201 = vector.broadcast %add3A_5 : i32 to vector<16xi32>
          %ge3A_202 = arith.cmpi sge, %get3A_196, %ge3A_201 : vector<16xi32>
          %lt3A_203 = vector.broadcast %add3A_7 : i32 to vector<16xi32>
          %lt3A_204 = arith.cmpi slt, %get3A_196, %lt3A_203 : vector<16xi32>
          %and3A_205 = arith.andi %ge3A_202, %lt3A_204 : vector<16xi1>
          %min3A_206 = arith.constant 11248 : i32
          %min3A_207 = vector.broadcast %min3A_206 : i32 to vector<16xi32>
          %min3A_208 = arith.minsi %add3A_190, %min3A_207 : vector<16xi32>
          %convert_element_type3A_209 = arith.extui %and3A_205 : vector<16xi1> to vector<16xi32>
          %broadcast_in_dim3A_210 = arith.constant true
          %broadcast_in_dim3A_211 = vector.broadcast %broadcast_in_dim3A_210 : i1 to vector<16xi1>
          %masked_cumsum3A_212 = tpu.scan <sum>, %convert_element_type3A_209 masked %broadcast_in_dim3A_211 : vector<16xi32>, vector<16xi1> -> vector<16xi32>
          %sub3A_213 = arith.constant 1 : i32
          %sub3A_214 = vector.broadcast %sub3A_213 : i32 to vector<16xi32>
          %sub3A_215 = arith.subi %masked_cumsum3A_212, %sub3A_214 : vector<16xi32>
          %add3A_216 = arith.addi %min3A_208, %sub3A_215 : vector<16xi32>
          %jit3A_217 = arith.constant 11264 : i32
          %broadcast_in_dim3A_218 = vector.broadcast %jit3A_217 : i32 to vector<16xi32>
          %select_n3A_219 = arith.select %and3A_205, %add3A_216, %broadcast_in_dim3A_218 : vector<16xi1>, vector<16xi32>
          tpu.vector_store_idx %arg11[%select_n3A_219], %get3A_200 : memref<11280xi32, #tpu.memory_space<vmem>>[vector<16xi32>], vector<16xi32>,
          %sub3A_220 = vector.broadcast %mul3A_2 : i32 to vector<16xi32>
          %sub3A_221 = arith.subi %get3A_196, %sub3A_220 : vector<16xi32>
          tpu.vector_store_idx %arg12[%select_n3A_219], %sub3A_221 : memref<11280xi32, #tpu.memory_space<vmem>>[vector<16xi32>], vector<16xi32>,
          %all_reduce_population_count3A_222 = tpu.all_reduce %and3A_205 {dim = 0 : i64, kind = #tpu.reduction_kind<sum>} : vector<16xi1> -> vector<16xi32>
          %add3A_223 = arith.addi %add3A_190, %all_reduce_population_count3A_222 : vector<16xi32>
          %scan3A_224 = arith.constant 4 : i32
          %scan3A_225 = arith.addi %scan3A_98, %scan3A_224 : i32
          %mul3A_226 = arith.constant 16 : i32
          %mul3A_227 = arith.muli %scan3A_225, %mul3A_226 : i32
          %get3A_228 = arith.index_cast %mul3A_227 : i32 to index
          %get3A_229 = tpu.vector_load %arg9[%get3A_228] {strides = array<i32>} : memref<2560xi32, #tpu.memory_space<vmem>>, vector<16xi32>,
          %mul3A_230 = arith.constant 16 : i32
          %mul3A_231 = arith.muli %scan3A_225, %mul3A_230 : i32
          %get3A_232 = arith.index_cast %mul3A_231 : i32 to index
          %get3A_233 = tpu.vector_load %arg10[%get3A_232] {strides = array<i32>} : memref<2560xi32, #tpu.memory_space<vmem>>, vector<16xi32>,
          %ge3A_234 = vector.broadcast %add3A_5 : i32 to vector<16xi32>
          %ge3A_235 = arith.cmpi sge, %get3A_229, %ge3A_234 : vector<16xi32>
          %lt3A_236 = vector.broadcast %add3A_7 : i32 to vector<16xi32>
          %lt3A_237 = arith.cmpi slt, %get3A_229, %lt3A_236 : vector<16xi32>
          %and3A_238 = arith.andi %ge3A_235, %lt3A_237 : vector<16xi1>
          %min3A_239 = arith.constant 11248 : i32
          %min3A_240 = vector.broadcast %min3A_239 : i32 to vector<16xi32>
          %min3A_241 = arith.minsi %add3A_223, %min3A_240 : vector<16xi32>
          %convert_element_type3A_242 = arith.extui %and3A_238 : vector<16xi1> to vector<16xi32>
          %broadcast_in_dim3A_243 = arith.constant true
          %broadcast_in_dim3A_244 = vector.broadcast %broadcast_in_dim3A_243 : i1 to vector<16xi1>
          %masked_cumsum3A_245 = tpu.scan <sum>, %convert_element_type3A_242 masked %broadcast_in_dim3A_244 : vector<16xi32>, vector<16xi1> -> vector<16xi32>
          %sub3A_246 = arith.constant 1 : i32
          %sub3A_247 = vector.broadcast %sub3A_246 : i32 to vector<16xi32>
          %sub3A_248 = arith.subi %masked_cumsum3A_245, %sub3A_247 : vector<16xi32>
          %add3A_249 = arith.addi %min3A_241, %sub3A_248 : vector<16xi32>
          %jit3A_250 = arith.constant 11264 : i32
          %broadcast_in_dim3A_251 = vector.broadcast %jit3A_250 : i32 to vector<16xi32>
          %select_n3A_252 = arith.select %and3A_238, %add3A_249, %broadcast_in_dim3A_251 : vector<16xi1>, vector<16xi32>
          tpu.vector_store_idx %arg11[%select_n3A_252], %get3A_233 : memref<11280xi32, #tpu.memory_space<vmem>>[vector<16xi32>], vector<16xi32>,
          %sub3A_253 = vector.broadcast %mul3A_2 : i32 to vector<16xi32>
          %sub3A_254 = arith.subi %get3A_229, %sub3A_253 : vector<16xi32>
          tpu.vector_store_idx %arg12[%select_n3A_252], %sub3A_254 : memref<11280xi32, #tpu.memory_space<vmem>>[vector<16xi32>], vector<16xi32>,
          %all_reduce_population_count3A_255 = tpu.all_reduce %and3A_238 {dim = 0 : i64, kind = #tpu.reduction_kind<sum>} : vector<16xi1> -> vector<16xi32>
          %add3A_256 = arith.addi %add3A_223, %all_reduce_population_count3A_255 : vector<16xi32>
          %scan3A_257 = arith.constant 5 : i32
          %scan3A_258 = arith.addi %scan3A_98, %scan3A_257 : i32
          %mul3A_259 = arith.constant 16 : i32
          %mul3A_260 = arith.muli %scan3A_258, %mul3A_259 : i32
          %get3A_261 = arith.index_cast %mul3A_260 : i32 to index
          %get3A_262 = tpu.vector_load %arg9[%get3A_261] {strides = array<i32>} : memref<2560xi32, #tpu.memory_space<vmem>>, vector<16xi32>,
          %mul3A_263 = arith.constant 16 : i32
          %mul3A_264 = arith.muli %scan3A_258, %mul3A_263 : i32
          %get3A_265 = arith.index_cast %mul3A_264 : i32 to index
          %get3A_266 = tpu.vector_load %arg10[%get3A_265] {strides = array<i32>} : memref<2560xi32, #tpu.memory_space<vmem>>, vector<16xi32>,
          %ge3A_267 = vector.broadcast %add3A_5 : i32 to vector<16xi32>
          %ge3A_268 = arith.cmpi sge, %get3A_262, %ge3A_267 : vector<16xi32>
          %lt3A_269 = vector.broadcast %add3A_7 : i32 to vector<16xi32>
          %lt3A_270 = arith.cmpi slt, %get3A_262, %lt3A_269 : vector<16xi32>
          %and3A_271 = arith.andi %ge3A_268, %lt3A_270 : vector<16xi1>
          %min3A_272 = arith.constant 11248 : i32
          %min3A_273 = vector.broadcast %min3A_272 : i32 to vector<16xi32>
          %min3A_274 = arith.minsi %add3A_256, %min3A_273 : vector<16xi32>
          %convert_element_type3A_275 = arith.extui %and3A_271 : vector<16xi1> to vector<16xi32>
          %broadcast_in_dim3A_276 = arith.constant true
          %broadcast_in_dim3A_277 = vector.broadcast %broadcast_in_dim3A_276 : i1 to vector<16xi1>
          %masked_cumsum3A_278 = tpu.scan <sum>, %convert_element_type3A_275 masked %broadcast_in_dim3A_277 : vector<16xi32>, vector<16xi1> -> vector<16xi32>
          %sub3A_279 = arith.constant 1 : i32
          %sub3A_280 = vector.broadcast %sub3A_279 : i32 to vector<16xi32>
          %sub3A_281 = arith.subi %masked_cumsum3A_278, %sub3A_280 : vector<16xi32>
          %add3A_282 = arith.addi %min3A_274, %sub3A_281 : vector<16xi32>
          %jit3A_283 = arith.constant 11264 : i32
          %broadcast_in_dim3A_284 = vector.broadcast %jit3A_283 : i32 to vector<16xi32>
          %select_n3A_285 = arith.select %and3A_271, %add3A_282, %broadcast_in_dim3A_284 : vector<16xi1>, vector<16xi32>
          tpu.vector_store_idx %arg11[%select_n3A_285], %get3A_266 : memref<11280xi32, #tpu.memory_space<vmem>>[vector<16xi32>], vector<16xi32>,
          %sub3A_286 = vector.broadcast %mul3A_2 : i32 to vector<16xi32>
          %sub3A_287 = arith.subi %get3A_262, %sub3A_286 : vector<16xi32>
          tpu.vector_store_idx %arg12[%select_n3A_285], %sub3A_287 : memref<11280xi32, #tpu.memory_space<vmem>>[vector<16xi32>], vector<16xi32>,
          %all_reduce_population_count3A_288 = tpu.all_reduce %and3A_271 {dim = 0 : i64, kind = #tpu.reduction_kind<sum>} : vector<16xi1> -> vector<16xi32>
          %add3A_289 = arith.addi %add3A_256, %all_reduce_population_count3A_288 : vector<16xi32>
          %scan3A_290 = arith.constant 6 : i32
          %scan3A_291 = arith.addi %scan3A_98, %scan3A_290 : i32
          %mul3A_292 = arith.constant 16 : i32
          %mul3A_293 = arith.muli %scan3A_291, %mul3A_292 : i32
          %get3A_294 = arith.index_cast %mul3A_293 : i32 to index
          %get3A_295 = tpu.vector_load %arg9[%get3A_294] {strides = array<i32>} : memref<2560xi32, #tpu.memory_space<vmem>>, vector<16xi32>,
          %mul3A_296 = arith.constant 16 : i32
          %mul3A_297 = arith.muli %scan3A_291, %mul3A_296 : i32
          %get3A_298 = arith.index_cast %mul3A_297 : i32 to index
          %get3A_299 = tpu.vector_load %arg10[%get3A_298] {strides = array<i32>} : memref<2560xi32, #tpu.memory_space<vmem>>, vector<16xi32>,
          %ge3A_300 = vector.broadcast %add3A_5 : i32 to vector<16xi32>
          %ge3A_301 = arith.cmpi sge, %get3A_295, %ge3A_300 : vector<16xi32>
          %lt3A_302 = vector.broadcast %add3A_7 : i32 to vector<16xi32>
          %lt3A_303 = arith.cmpi slt, %get3A_295, %lt3A_302 : vector<16xi32>
          %and3A_304 = arith.andi %ge3A_301, %lt3A_303 : vector<16xi1>
          %min3A_305 = arith.constant 11248 : i32
          %min3A_306 = vector.broadcast %min3A_305 : i32 to vector<16xi32>
          %min3A_307 = arith.minsi %add3A_289, %min3A_306 : vector<16xi32>
          %convert_element_type3A_308 = arith.extui %and3A_304 : vector<16xi1> to vector<16xi32>
          %broadcast_in_dim3A_309 = arith.constant true
          %broadcast_in_dim3A_310 = vector.broadcast %broadcast_in_dim3A_309 : i1 to vector<16xi1>
          %masked_cumsum3A_311 = tpu.scan <sum>, %convert_element_type3A_308 masked %broadcast_in_dim3A_310 : vector<16xi32>, vector<16xi1> -> vector<16xi32>
          %sub3A_312 = arith.constant 1 : i32
          %sub3A_313 = vector.broadcast %sub3A_312 : i32 to vector<16xi32>
          %sub3A_314 = arith.subi %masked_cumsum3A_311, %sub3A_313 : vector<16xi32>
          %add3A_315 = arith.addi %min3A_307, %sub3A_314 : vector<16xi32>
          %jit3A_316 = arith.constant 11264 : i32
          %broadcast_in_dim3A_317 = vector.broadcast %jit3A_316 : i32 to vector<16xi32>
          %select_n3A_318 = arith.select %and3A_304, %add3A_315, %broadcast_in_dim3A_317 : vector<16xi1>, vector<16xi32>
          tpu.vector_store_idx %arg11[%select_n3A_318], %get3A_299 : memref<11280xi32, #tpu.memory_space<vmem>>[vector<16xi32>], vector<16xi32>,
          %sub3A_319 = vector.broadcast %mul3A_2 : i32 to vector<16xi32>
          %sub3A_320 = arith.subi %get3A_295, %sub3A_319 : vector<16xi32>
          tpu.vector_store_idx %arg12[%select_n3A_318], %sub3A_320 : memref<11280xi32, #tpu.memory_space<vmem>>[vector<16xi32>], vector<16xi32>,
          %all_reduce_population_count3A_321 = tpu.all_reduce %and3A_304 {dim = 0 : i64, kind = #tpu.reduction_kind<sum>} : vector<16xi1> -> vector<16xi32>
          %add3A_322 = arith.addi %add3A_289, %all_reduce_population_count3A_321 : vector<16xi32>
          %scan3A_323 = arith.constant 7 : i32
          %scan3A_324 = arith.addi %scan3A_98, %scan3A_323 : i32
          %mul3A_325 = arith.constant 16 : i32
          %mul3A_326 = arith.muli %scan3A_324, %mul3A_325 : i32
          %get3A_327 = arith.index_cast %mul3A_326 : i32 to index
          %get3A_328 = tpu.vector_load %arg9[%get3A_327] {strides = array<i32>} : memref<2560xi32, #tpu.memory_space<vmem>>, vector<16xi32>,
          %mul3A_329 = arith.constant 16 : i32
          %mul3A_330 = arith.muli %scan3A_324, %mul3A_329 : i32
          %get3A_331 = arith.index_cast %mul3A_330 : i32 to index
          %get3A_332 = tpu.vector_load %arg10[%get3A_331] {strides = array<i32>} : memref<2560xi32, #tpu.memory_space<vmem>>, vector<16xi32>,
          %ge3A_333 = vector.broadcast %add3A_5 : i32 to vector<16xi32>
          %ge3A_334 = arith.cmpi sge, %get3A_328, %ge3A_333 : vector<16xi32>
          %lt3A_335 = vector.broadcast %add3A_7 : i32 to vector<16xi32>
          %lt3A_336 = arith.cmpi slt, %get3A_328, %lt3A_335 : vector<16xi32>
          %and3A_337 = arith.andi %ge3A_334, %lt3A_336 : vector<16xi1>
          %min3A_338 = arith.constant 11248 : i32
          %min3A_339 = vector.broadcast %min3A_338 : i32 to vector<16xi32>
          %min3A_340 = arith.minsi %add3A_322, %min3A_339 : vector<16xi32>
          %convert_element_type3A_341 = arith.extui %and3A_337 : vector<16xi1> to vector<16xi32>
          %broadcast_in_dim3A_342 = arith.constant true
          %broadcast_in_dim3A_343 = vector.broadcast %broadcast_in_dim3A_342 : i1 to vector<16xi1>
          %masked_cumsum3A_344 = tpu.scan <sum>, %convert_element_type3A_341 masked %broadcast_in_dim3A_343 : vector<16xi32>, vector<16xi1> -> vector<16xi32>
          %sub3A_345 = arith.constant 1 : i32
          %sub3A_346 = vector.broadcast %sub3A_345 : i32 to vector<16xi32>
          %sub3A_347 = arith.subi %masked_cumsum3A_344, %sub3A_346 : vector<16xi32>
          %add3A_348 = arith.addi %min3A_340, %sub3A_347 : vector<16xi32>
          %jit3A_349 = arith.constant 11264 : i32
          %broadcast_in_dim3A_350 = vector.broadcast %jit3A_349 : i32 to vector<16xi32>
          %select_n3A_351 = arith.select %and3A_337, %add3A_348, %broadcast_in_dim3A_350 : vector<16xi1>, vector<16xi32>
          tpu.vector_store_idx %arg11[%select_n3A_351], %get3A_332 : memref<11280xi32, #tpu.memory_space<vmem>>[vector<16xi32>], vector<16xi32>,
          %sub3A_352 = vector.broadcast %mul3A_2 : i32 to vector<16xi32>
          %sub3A_353 = arith.subi %get3A_328, %sub3A_352 : vector<16xi32>
          tpu.vector_store_idx %arg12[%select_n3A_351], %sub3A_353 : memref<11280xi32, #tpu.memory_space<vmem>>[vector<16xi32>], vector<16xi32>,
          %all_reduce_population_count3A_354 = tpu.all_reduce %and3A_337 {dim = 0 : i64, kind = #tpu.reduction_kind<sum>} : vector<16xi1> -> vector<16xi32>
          %add3A_355 = arith.addi %add3A_322, %all_reduce_population_count3A_354 : vector<16xi32>
          scf.yield %add3A_355 : vector<16xi32>
        }
        %scan3A_97 = arith.constant 160 : i32
        scf.yield %scan3A_96 : vector<16xi32>
      } else {
        scf.yield %scan3A_69 : vector<16xi32>
      }
      scf.yield %cond3A_83 : vector<16xi32>
    }
    %scan3A_41 = arith.constant 63 : i32
    %mul3A_42 = arith.constant 11264 : i32
    %mul3A_43 = arith.muli %add3A, %mul3A_42 : i32
    "tpu.region"() ({
      %run_scoped3A = tpu.sem_alloc : memref<!tpu.dma_semaphore, #tpu.memory_space<semaphore_mem>>
      %dma_start3A_49 = arith.constant 0 : i32
      %dma_start3A_50 = tpu.memref_slice %arg11[%dma_start3A_49] : memref<11280xi32, #tpu.memory_space<vmem>> -> memref<11264xi32, #tpu.memory_space<vmem>>
      %dma_start3A_51 = tpu.memref_slice %arg4[%mul3A_43] : memref<360448xi32, #tpu.memory_space<hbm>> -> memref<11264xi32, #tpu.memory_space<hbm>>
      %dma_start3A_52 = tpu.memref_slice %arg4[%mul3A_43] : memref<360448xi32, #tpu.memory_space<hbm>> -> memref<11264xi32, #tpu.memory_space<hbm>>
      %dma_start3A_53 = arith.constant 0 : i32
      %dma_start3A_54 = tpu.memref_slice %arg11[%dma_start3A_53] : memref<11280xi32, #tpu.memory_space<vmem>> -> memref<11264xi32, #tpu.memory_space<vmem>>
      tpu.enqueue_dma source(%dma_start3A_54 : memref<11264xi32, #tpu.memory_space<vmem>>) target(%dma_start3A_52 : memref<11264xi32, #tpu.memory_space<hbm>>) target_semaphore(%run_scoped3A : memref<!tpu.dma_semaphore, #tpu.memory_space<semaphore_mem>>)
      %dma_wait3A = arith.constant 0 : i32
      %dma_wait3A_55 = tpu.memref_slice %arg11[%dma_wait3A] : memref<11280xi32, #tpu.memory_space<vmem>> -> memref<11264xi32, #tpu.memory_space<vmem>>
      %dma_wait3A_56 = tpu.memref_slice %arg4[%mul3A_43] : memref<360448xi32, #tpu.memory_space<hbm>> -> memref<11264xi32, #tpu.memory_space<hbm>>
      %dma_wait3A_57 = tpu.memref_slice %arg4[%mul3A_43] : memref<360448xi32, #tpu.memory_space<hbm>> -> memref<11264xi32, #tpu.memory_space<hbm>>
      %dma_wait3A_58 = arith.constant 0 : i32
      %dma_wait3A_59 = tpu.memref_slice %arg11[%dma_wait3A_58] : memref<11280xi32, #tpu.memory_space<vmem>> -> memref<11264xi32, #tpu.memory_space<vmem>>
      tpu.wait_dma2 semaphore(%run_scoped3A : memref<!tpu.dma_semaphore, #tpu.memory_space<semaphore_mem>>) src(%dma_wait3A_59 : memref<11264xi32, #tpu.memory_space<vmem>>) dst(%dma_wait3A_57 : memref<11264xi32, #tpu.memory_space<hbm>>)
      tpu.yield
    }) : () -> ()
    %mul3A_44 = arith.constant 11264 : i32
    %mul3A_45 = arith.muli %add3A, %mul3A_44 : i32
    "tpu.region"() ({
      %run_scoped3A = tpu.sem_alloc : memref<!tpu.dma_semaphore, #tpu.memory_space<semaphore_mem>>
      %dma_start3A_49 = arith.constant 0 : i32
      %dma_start3A_50 = tpu.memref_slice %arg12[%dma_start3A_49] : memref<11280xi32, #tpu.memory_space<vmem>> -> memref<11264xi32, #tpu.memory_space<vmem>>
      %dma_start3A_51 = tpu.memref_slice %arg5[%mul3A_45] : memref<360448xi32, #tpu.memory_space<hbm>> -> memref<11264xi32, #tpu.memory_space<hbm>>
      %dma_start3A_52 = tpu.memref_slice %arg5[%mul3A_45] : memref<360448xi32, #tpu.memory_space<hbm>> -> memref<11264xi32, #tpu.memory_space<hbm>>
      %dma_start3A_53 = arith.constant 0 : i32
      %dma_start3A_54 = tpu.memref_slice %arg12[%dma_start3A_53] : memref<11280xi32, #tpu.memory_space<vmem>> -> memref<11264xi32, #tpu.memory_space<vmem>>
      tpu.enqueue_dma source(%dma_start3A_54 : memref<11264xi32, #tpu.memory_space<vmem>>) target(%dma_start3A_52 : memref<11264xi32, #tpu.memory_space<hbm>>) target_semaphore(%run_scoped3A : memref<!tpu.dma_semaphore, #tpu.memory_space<semaphore_mem>>)
      %dma_wait3A = arith.constant 0 : i32
      %dma_wait3A_55 = tpu.memref_slice %arg12[%dma_wait3A] : memref<11280xi32, #tpu.memory_space<vmem>> -> memref<11264xi32, #tpu.memory_space<vmem>>
      %dma_wait3A_56 = tpu.memref_slice %arg5[%mul3A_45] : memref<360448xi32, #tpu.memory_space<hbm>> -> memref<11264xi32, #tpu.memory_space<hbm>>
      %dma_wait3A_57 = tpu.memref_slice %arg5[%mul3A_45] : memref<360448xi32, #tpu.memory_space<hbm>> -> memref<11264xi32, #tpu.memory_space<hbm>>
      %dma_wait3A_58 = arith.constant 0 : i32
      %dma_wait3A_59 = tpu.memref_slice %arg12[%dma_wait3A_58] : memref<11280xi32, #tpu.memory_space<vmem>> -> memref<11264xi32, #tpu.memory_space<vmem>>
      tpu.wait_dma2 semaphore(%run_scoped3A : memref<!tpu.dma_semaphore, #tpu.memory_space<semaphore_mem>>) src(%dma_wait3A_59 : memref<11264xi32, #tpu.memory_space<vmem>>) dst(%dma_wait3A_57 : memref<11264xi32, #tpu.memory_space<hbm>>)
      tpu.yield
    }) : () -> ()
    %swap3A = arith.constant 0 : index
    %swap3A_46 = tpu.vector_load %arg13[%swap3A] {strides = array<i32>} : memref<16xi32, #tpu.memory_space<vmem>>, vector<16xi32>,
    tpu.vector_store %arg13[%swap3A], %scan3A_40 {strides = array<i32>} : memref<16xi32, #tpu.memory_space<vmem>>, vector<16xi32>,
    %mul3A_47 = arith.constant 16 : i32
    %mul3A_48 = arith.muli %add3A, %mul3A_47 : i32
    "tpu.region"() ({
      %run_scoped3A = tpu.sem_alloc : memref<!tpu.dma_semaphore, #tpu.memory_space<semaphore_mem>>
      %dma_start3A_49 = tpu.memref_slice %arg6[%mul3A_48] : memref<512xi32, #tpu.memory_space<hbm>> -> memref<16xi32, #tpu.memory_space<hbm>>
      %dma_start3A_50 = tpu.memref_slice %arg6[%mul3A_48] : memref<512xi32, #tpu.memory_space<hbm>> -> memref<16xi32, #tpu.memory_space<hbm>>
      tpu.enqueue_dma source(%arg13 : memref<16xi32, #tpu.memory_space<vmem>>) target(%dma_start3A_50 : memref<16xi32, #tpu.memory_space<hbm>>) target_semaphore(%run_scoped3A : memref<!tpu.dma_semaphore, #tpu.memory_space<semaphore_mem>>)
      %dma_wait3A = tpu.memref_slice %arg6[%mul3A_48] : memref<512xi32, #tpu.memory_space<hbm>> -> memref<16xi32, #tpu.memory_space<hbm>>
      %dma_wait3A_51 = tpu.memref_slice %arg6[%mul3A_48] : memref<512xi32, #tpu.memory_space<hbm>> -> memref<16xi32, #tpu.memory_space<hbm>>
      tpu.wait_dma2 semaphore(%run_scoped3A : memref<!tpu.dma_semaphore, #tpu.memory_space<semaphore_mem>>) src(%arg13 : memref<16xi32, #tpu.memory_space<vmem>>) dst(%dma_wait3A_51 : memref<16xi32, #tpu.memory_space<hbm>>)
      tpu.yield
    }) : () -> ()
    return
  }
}

#map = affine_map<(d0, d1) -> (0, 0)>
#map1 = affine_map<(d0, d1) -> (0, 0, 0)>
#map2 = affine_map<(d0, d1) -> (0)>
module attributes {stable_mosaic.version = 14 : i64} {
  func.func @_neigh_body(%arg0: i32, %arg1: i32, %arg2: memref<10240x128xf32, #tpu.memory_space<hbm>>, %arg3: memref<32x88x128xi32, #tpu.memory_space<hbm>>, %arg4: memref<32x88x128xi32, #tpu.memory_space<hbm>>, %arg5: memref<512xi32, #tpu.memory_space<hbm>>, %arg6: memref<5128x128xf32, #tpu.memory_space<hbm>>, %arg7: memref<10240x128xf32, #tpu.memory_space<hbm>>, %arg8: memref<88x128xi32, #tpu.memory_space<vmem>>, %arg9: memref<88x128xi32, #tpu.memory_space<vmem>>, %arg10: memref<128x128xf32, #tpu.memory_space<vmem>>, %arg11: memref<128x128xf32, #tpu.memory_space<vmem>>, %arg12: memref<128x128xf32, #tpu.memory_space<vmem>>, %arg13: memref<128x128xf32, #tpu.memory_space<vmem>>, %arg14: memref<16xi32, #tpu.memory_space<vmem>>, %arg15: memref<5128x128xf32, #tpu.memory_space<vmem_shared>>, %arg16: memref<!tpu.dma_semaphore, #tpu.memory_space<semaphore_mem>>, %arg17: memref<!tpu.dma_semaphore, #tpu.memory_space<semaphore_mem>>, %arg18: memref<!tpu.dma_semaphore, #tpu.memory_space<semaphore_mem>>, %arg19: memref<!tpu.dma_semaphore, #tpu.memory_space<semaphore_mem>>, %arg20: memref<!tpu.dma_semaphore, #tpu.memory_space<semaphore_mem>>) attributes {dimension_semantics = [#tpu.dimension_semantics<core_parallel>, #tpu.dimension_semantics<subcore_parallel>], iteration_bounds = array<i64: 2, 16>, scalar_prefetch = 0 : i64, scratch_operands = 13 : i64, tpu.core_type = #tpu.core_type<sc_vector_subcore>, window_params = [{transform_indices = #map}, {transform_indices = #map1}, {transform_indices = #map1}, {transform_indices = #map2}, {transform_indices = #map}, {transform_indices = #map}]} {
    %mul3A = arith.constant 16 : i32
    %mul3A_0 = arith.muli %arg0, %mul3A : i32
    %add3A = arith.addi %mul3A_0, %arg1 : i32
    %dma_start3A = arith.constant 0 : i32
    %dma_start3A_1 = arith.constant 0 : i32
    %dma_start3A_2 = tpu.memref_slice %arg3[%add3A, %dma_start3A, %dma_start3A_1] : memref<32x88x128xi32, #tpu.memory_space<hbm>> -> memref<1x88x128xi32, #tpu.memory_space<hbm>>
    %dma_start3A_3 = tpu.memref_squeeze %dma_start3A_2 : memref<1x88x128xi32, #tpu.memory_space<hbm>> -> memref<88x128xi32, #tpu.memory_space<hbm>>
    %dma_start3A_4 = arith.constant 0 : i32
    %dma_start3A_5 = arith.constant 0 : i32
    %dma_start3A_6 = tpu.memref_slice %arg3[%add3A, %dma_start3A_4, %dma_start3A_5] : memref<32x88x128xi32, #tpu.memory_space<hbm>> -> memref<1x88x128xi32, #tpu.memory_space<hbm>>
    %dma_start3A_7 = tpu.memref_squeeze %dma_start3A_6 : memref<1x88x128xi32, #tpu.memory_space<hbm>> -> memref<88x128xi32, #tpu.memory_space<hbm>>
    tpu.enqueue_dma source(%dma_start3A_7 : memref<88x128xi32, #tpu.memory_space<hbm>>) target(%arg8 : memref<88x128xi32, #tpu.memory_space<vmem>>) target_semaphore(%arg16 : memref<!tpu.dma_semaphore, #tpu.memory_space<semaphore_mem>>)
    %dma_start3A_8 = arith.constant 0 : i32
    %dma_start3A_9 = arith.constant 0 : i32
    %dma_start3A_10 = tpu.memref_slice %arg4[%add3A, %dma_start3A_8, %dma_start3A_9] : memref<32x88x128xi32, #tpu.memory_space<hbm>> -> memref<1x88x128xi32, #tpu.memory_space<hbm>>
    %dma_start3A_11 = tpu.memref_squeeze %dma_start3A_10 : memref<1x88x128xi32, #tpu.memory_space<hbm>> -> memref<88x128xi32, #tpu.memory_space<hbm>>
    %dma_start3A_12 = arith.constant 0 : i32
    %dma_start3A_13 = arith.constant 0 : i32
    %dma_start3A_14 = tpu.memref_slice %arg4[%add3A, %dma_start3A_12, %dma_start3A_13] : memref<32x88x128xi32, #tpu.memory_space<hbm>> -> memref<1x88x128xi32, #tpu.memory_space<hbm>>
    %dma_start3A_15 = tpu.memref_squeeze %dma_start3A_14 : memref<1x88x128xi32, #tpu.memory_space<hbm>> -> memref<88x128xi32, #tpu.memory_space<hbm>>
    tpu.enqueue_dma source(%dma_start3A_15 : memref<88x128xi32, #tpu.memory_space<hbm>>) target(%arg9 : memref<88x128xi32, #tpu.memory_space<vmem>>) target_semaphore(%arg16 : memref<!tpu.dma_semaphore, #tpu.memory_space<semaphore_mem>>)
    %mul3A_16 = arith.constant 320 : i32
    %mul3A_17 = arith.muli %arg1, %mul3A_16 : i32
    %mul3A_18 = arith.constant 320 : i32
    %mul3A_19 = arith.muli %arg1, %mul3A_18 : i32
    "tpu.region"() ({
      %run_scoped3A = tpu.sem_alloc : memref<!tpu.dma_semaphore, #tpu.memory_space<semaphore_mem>>
      %dma_start3A_124 = arith.constant 0 : i32
      %dma_start3A_125 = tpu.memref_slice %arg15[%mul3A_19, %dma_start3A_124] : memref<5128x128xf32, #tpu.memory_space<vmem_shared>> -> memref<320x128xf32, #tpu.memory_space<vmem_shared>>
      %dma_start3A_126 = arith.constant 0 : i32
      %dma_start3A_127 = tpu.memref_slice %arg6[%mul3A_17, %dma_start3A_126] : memref<5128x128xf32, #tpu.memory_space<hbm>> -> memref<320x128xf32, #tpu.memory_space<hbm>>
      tpu.enqueue_dma source(%dma_start3A_127 : memref<320x128xf32, #tpu.memory_space<hbm>>) target(%dma_start3A_125 : memref<320x128xf32, #tpu.memory_space<vmem_shared>>) target_semaphore(%run_scoped3A : memref<!tpu.dma_semaphore, #tpu.memory_space<semaphore_mem>>)
      %dma_wait3A_128 = arith.constant 0 : i32
      %dma_wait3A_129 = tpu.memref_slice %arg15[%mul3A_19, %dma_wait3A_128] : memref<5128x128xf32, #tpu.memory_space<vmem_shared>> -> memref<320x128xf32, #tpu.memory_space<vmem_shared>>
      %dma_wait3A_130 = arith.constant 0 : i32
      %dma_wait3A_131 = tpu.memref_slice %arg6[%mul3A_17, %dma_wait3A_130] : memref<5128x128xf32, #tpu.memory_space<hbm>> -> memref<320x128xf32, #tpu.memory_space<hbm>>
      tpu.wait_dma2 semaphore(%run_scoped3A : memref<!tpu.dma_semaphore, #tpu.memory_space<semaphore_mem>>) src(%dma_wait3A_131 : memref<320x128xf32, #tpu.memory_space<hbm>>) dst(%dma_wait3A_129 : memref<320x128xf32, #tpu.memory_space<vmem_shared>>)
      tpu.yield
    }) : () -> ()
    %eq3A = arith.constant 0 : i32
    %eq3A_20 = arith.cmpi eq, %arg1, %eq3A : i32
    %convert_element_type3A = arith.extui %eq3A_20 : i1 to i32
    %cond3A = arith.constant 0 : i32
    %cond3A_21 = arith.cmpi ne, %convert_element_type3A, %cond3A : i32
    scf.if %cond3A_21 {
      "tpu.region"() ({
        %run_scoped3A = tpu.sem_alloc : memref<!tpu.dma_semaphore, #tpu.memory_space<semaphore_mem>>
        %dma_start3A_124 = arith.constant 5120 : i32
        %dma_start3A_125 = arith.constant 0 : i32
        %dma_start3A_126 = tpu.memref_slice %arg15[%dma_start3A_124, %dma_start3A_125] : memref<5128x128xf32, #tpu.memory_space<vmem_shared>> -> memref<8x128xf32, #tpu.memory_space<vmem_shared>>
        %dma_start3A_127 = arith.constant 5120 : i32
        %dma_start3A_128 = arith.constant 0 : i32
        %dma_start3A_129 = tpu.memref_slice %arg6[%dma_start3A_127, %dma_start3A_128] : memref<5128x128xf32, #tpu.memory_space<hbm>> -> memref<8x128xf32, #tpu.memory_space<hbm>>
        tpu.enqueue_dma source(%dma_start3A_129 : memref<8x128xf32, #tpu.memory_space<hbm>>) target(%dma_start3A_126 : memref<8x128xf32, #tpu.memory_space<vmem_shared>>) target_semaphore(%run_scoped3A : memref<!tpu.dma_semaphore, #tpu.memory_space<semaphore_mem>>)
        %dma_wait3A_130 = arith.constant 5120 : i32
        %dma_wait3A_131 = arith.constant 0 : i32
        %dma_wait3A_132 = tpu.memref_slice %arg15[%dma_wait3A_130, %dma_wait3A_131] : memref<5128x128xf32, #tpu.memory_space<vmem_shared>> -> memref<8x128xf32, #tpu.memory_space<vmem_shared>>
        %dma_wait3A_133 = arith.constant 5120 : i32
        %dma_wait3A_134 = arith.constant 0 : i32
        %dma_wait3A_135 = tpu.memref_slice %arg6[%dma_wait3A_133, %dma_wait3A_134] : memref<5128x128xf32, #tpu.memory_space<hbm>> -> memref<8x128xf32, #tpu.memory_space<hbm>>
        tpu.wait_dma2 semaphore(%run_scoped3A : memref<!tpu.dma_semaphore, #tpu.memory_space<semaphore_mem>>) src(%dma_wait3A_135 : memref<8x128xf32, #tpu.memory_space<hbm>>) dst(%dma_wait3A_132 : memref<8x128xf32, #tpu.memory_space<vmem_shared>>)
        tpu.yield
      }) : () -> ()
    } else {
    }
    %barrier3A = arith.constant 0 : index
    tpu.barrier barrier_id(%barrier3A)
    %mul3A_22 = arith.constant 16 : i32
    %mul3A_23 = arith.muli %add3A, %mul3A_22 : i32
    "tpu.region"() ({
      %run_scoped3A = tpu.sem_alloc : memref<!tpu.dma_semaphore, #tpu.memory_space<semaphore_mem>>
      %dma_start3A_124 = tpu.memref_slice %arg5[%mul3A_23] : memref<512xi32, #tpu.memory_space<hbm>> -> memref<16xi32, #tpu.memory_space<hbm>>
      %dma_start3A_125 = tpu.memref_slice %arg5[%mul3A_23] : memref<512xi32, #tpu.memory_space<hbm>> -> memref<16xi32, #tpu.memory_space<hbm>>
      tpu.enqueue_dma source(%dma_start3A_125 : memref<16xi32, #tpu.memory_space<hbm>>) target(%arg14 : memref<16xi32, #tpu.memory_space<vmem>>) target_semaphore(%run_scoped3A : memref<!tpu.dma_semaphore, #tpu.memory_space<semaphore_mem>>)
      %dma_wait3A_126 = tpu.memref_slice %arg5[%mul3A_23] : memref<512xi32, #tpu.memory_space<hbm>> -> memref<16xi32, #tpu.memory_space<hbm>>
      %dma_wait3A_127 = tpu.memref_slice %arg5[%mul3A_23] : memref<512xi32, #tpu.memory_space<hbm>> -> memref<16xi32, #tpu.memory_space<hbm>>
      tpu.wait_dma2 semaphore(%run_scoped3A : memref<!tpu.dma_semaphore, #tpu.memory_space<semaphore_mem>>) src(%dma_wait3A_127 : memref<16xi32, #tpu.memory_space<hbm>>) dst(%arg14 : memref<16xi32, #tpu.memory_space<vmem>>)
      tpu.yield
    }) : () -> ()
    %get3A = arith.constant 0 : index
    %get3A_24 = tpu.vector_load %arg14[%get3A] {strides = array<i32>} : memref<16xi32, #tpu.memory_space<vmem>>, vector<16xi32>,
    %reduce_max3A = arith.constant true
    %reduce_max3A_25 = vector.broadcast %reduce_max3A : i1 to vector<16xi1>
    %reduce_max3A_26 = arith.constant -2147483648 : i32
    %reduce_max3A_27 = vector.broadcast %reduce_max3A_26 : i32 to vector<16xi32>
    %reduce_max3A_28 = arith.xori %get3A_24, %reduce_max3A_27 : vector<16xi32>
    %reduce_max3A_29 = tpu.scan <max>, %reduce_max3A_28 masked %reduce_max3A_25 : vector<16xi32>, vector<16xi1> -> vector<16xi32>
    %reduce_max3A_30 = arith.xori %reduce_max3A_29, %reduce_max3A_27 : vector<16xi32>
    %reduce_max3A_31 = vector.extract %reduce_max3A_30[15] : i32 from vector<16xi32>
    %add3A_32 = arith.constant 128 : i32
    %add3A_33 = arith.addi %reduce_max3A_31, %add3A_32 : i32
    %sub3A = arith.constant 1 : i32
    %sub3A_34 = arith.subi %add3A_33, %sub3A : i32
    %jit3A = arith.constant 128 : i32
    %div3A = arith.divsi %sub3A_34, %jit3A : i32
    %sign3A = arith.constant 0 : i32
    %sign3A_35 = arith.cmpi sgt, %sub3A_34, %sign3A : i32
    %sign3A_36 = arith.extui %sign3A_35 : i1 to i32
    %sign3A_37 = arith.constant 0 : i32
    %sign3A_38 = arith.cmpi slt, %sub3A_34, %sign3A_37 : i32
    %sign3A_39 = arith.extui %sign3A_38 : i1 to i32
    %sign3A_40 = arith.subi %sign3A_36, %sign3A_39 : i32
    %sign3A_41 = arith.constant 0 : i32
    %sign3A_42 = arith.cmpi sgt, %jit3A, %sign3A_41 : i32
    %sign3A_43 = arith.extui %sign3A_42 : i1 to i32
    %sign3A_44 = arith.constant 0 : i32
    %sign3A_45 = arith.cmpi slt, %jit3A, %sign3A_44 : i32
    %sign3A_46 = arith.extui %sign3A_45 : i1 to i32
    %sign3A_47 = arith.subi %sign3A_43, %sign3A_46 : i32
    %ne3A = arith.cmpi ne, %sign3A_40, %sign3A_47 : i32
    %rem3A = arith.remsi %sub3A_34, %jit3A : i32
    %ne3A_48 = arith.constant 0 : i32
    %ne3A_49 = arith.cmpi ne, %rem3A, %ne3A_48 : i32
    %and3A = arith.andi %ne3A, %ne3A_49 : i1
    %sub3A_50 = arith.constant 1 : i32
    %sub3A_51 = arith.subi %div3A, %sub3A_50 : i32
    %select_n3A = arith.select %and3A, %sub3A_51, %div3A : i32
    %dma_wait3A = arith.constant 0 : i32
    %dma_wait3A_52 = arith.constant 0 : i32
    %dma_wait3A_53 = tpu.memref_slice %arg3[%add3A, %dma_wait3A, %dma_wait3A_52] : memref<32x88x128xi32, #tpu.memory_space<hbm>> -> memref<1x88x128xi32, #tpu.memory_space<hbm>>
    %dma_wait3A_54 = tpu.memref_squeeze %dma_wait3A_53 : memref<1x88x128xi32, #tpu.memory_space<hbm>> -> memref<88x128xi32, #tpu.memory_space<hbm>>
    %dma_wait3A_55 = arith.constant 0 : i32
    %dma_wait3A_56 = arith.constant 0 : i32
    %dma_wait3A_57 = tpu.memref_slice %arg3[%add3A, %dma_wait3A_55, %dma_wait3A_56] : memref<32x88x128xi32, #tpu.memory_space<hbm>> -> memref<1x88x128xi32, #tpu.memory_space<hbm>>
    %dma_wait3A_58 = tpu.memref_squeeze %dma_wait3A_57 : memref<1x88x128xi32, #tpu.memory_space<hbm>> -> memref<88x128xi32, #tpu.memory_space<hbm>>
    tpu.wait_dma2 semaphore(%arg16 : memref<!tpu.dma_semaphore, #tpu.memory_space<semaphore_mem>>) src(%dma_wait3A_58 : memref<88x128xi32, #tpu.memory_space<hbm>>) dst(%arg8 : memref<88x128xi32, #tpu.memory_space<vmem>>)
    %dma_wait3A_59 = arith.constant 0 : i32
    %dma_wait3A_60 = arith.constant 0 : i32
    %dma_wait3A_61 = tpu.memref_slice %arg4[%add3A, %dma_wait3A_59, %dma_wait3A_60] : memref<32x88x128xi32, #tpu.memory_space<hbm>> -> memref<1x88x128xi32, #tpu.memory_space<hbm>>
    %dma_wait3A_62 = tpu.memref_squeeze %dma_wait3A_61 : memref<1x88x128xi32, #tpu.memory_space<hbm>> -> memref<88x128xi32, #tpu.memory_space<hbm>>
    %dma_wait3A_63 = arith.constant 0 : i32
    %dma_wait3A_64 = arith.constant 0 : i32
    %dma_wait3A_65 = tpu.memref_slice %arg4[%add3A, %dma_wait3A_63, %dma_wait3A_64] : memref<32x88x128xi32, #tpu.memory_space<hbm>> -> memref<1x88x128xi32, #tpu.memory_space<hbm>>
    %dma_wait3A_66 = tpu.memref_squeeze %dma_wait3A_65 : memref<1x88x128xi32, #tpu.memory_space<hbm>> -> memref<88x128xi32, #tpu.memory_space<hbm>>
    tpu.wait_dma2 semaphore(%arg16 : memref<!tpu.dma_semaphore, #tpu.memory_space<semaphore_mem>>) src(%dma_wait3A_66 : memref<88x128xi32, #tpu.memory_space<hbm>>) dst(%arg9 : memref<88x128xi32, #tpu.memory_space<vmem>>)
    %gt3A = arith.constant 0 : i32
    %gt3A_67 = arith.cmpi sgt, %select_n3A, %gt3A : i32
    %convert_element_type3A_68 = arith.extui %gt3A_67 : i1 to i32
    %cond3A_69 = arith.constant 0 : i32
    %cond3A_70 = arith.cmpi ne, %convert_element_type3A_68, %cond3A_69 : i32
    scf.if %cond3A_70 {
      %dma_start3A_124 = arith.constant 0 : i32
      %dma_start3A_125 = arith.constant 0 : i32
      %dma_start3A_126 = tpu.memref_slice %arg8[%dma_start3A_124, %dma_start3A_125] : memref<88x128xi32, #tpu.memory_space<vmem>> -> memref<1x128xi32, #tpu.memory_space<vmem>>
      %dma_start3A_127 = tpu.memref_squeeze %dma_start3A_126 : memref<1x128xi32, #tpu.memory_space<vmem>> -> memref<128xi32, #tpu.memory_space<vmem>>
      %dma_start3A_128 = arith.constant 0 : i32
      %dma_start3A_129 = arith.constant 0 : i32
      %dma_start3A_130 = tpu.memref_slice %arg2[%dma_start3A_128, %dma_start3A_129] : memref<10240x128xf32, #tpu.memory_space<hbm>> -> memref<10240x128xf32, #tpu.memory_space<hbm>>
      tpu.enqueue_indirect_dma source(%dma_start3A_130 : memref<10240x128xf32, #tpu.memory_space<hbm>>) target(%arg10 : memref<128x128xf32, #tpu.memory_space<vmem>>) offsets(%dma_start3A_127 : memref<128xi32, #tpu.memory_space<vmem>>) semaphore(%arg17 : memref<!tpu.dma_semaphore, #tpu.memory_space<semaphore_mem>>)
    } else {
    }
    %gt3A_71 = arith.constant 1 : i32
    %gt3A_72 = arith.cmpi sgt, %select_n3A, %gt3A_71 : i32
    %convert_element_type3A_73 = arith.extui %gt3A_72 : i1 to i32
    %cond3A_74 = arith.constant 0 : i32
    %cond3A_75 = arith.cmpi ne, %convert_element_type3A_73, %cond3A_74 : i32
    scf.if %cond3A_75 {
      %dma_start3A_124 = arith.constant 1 : i32
      %dma_start3A_125 = arith.constant 0 : i32
      %dma_start3A_126 = tpu.memref_slice %arg8[%dma_start3A_124, %dma_start3A_125] : memref<88x128xi32, #tpu.memory_space<vmem>> -> memref<1x128xi32, #tpu.memory_space<vmem>>
      %dma_start3A_127 = tpu.memref_squeeze %dma_start3A_126 : memref<1x128xi32, #tpu.memory_space<vmem>> -> memref<128xi32, #tpu.memory_space<vmem>>
      %dma_start3A_128 = arith.constant 0 : i32
      %dma_start3A_129 = arith.constant 0 : i32
      %dma_start3A_130 = tpu.memref_slice %arg2[%dma_start3A_128, %dma_start3A_129] : memref<10240x128xf32, #tpu.memory_space<hbm>> -> memref<10240x128xf32, #tpu.memory_space<hbm>>
      tpu.enqueue_indirect_dma source(%dma_start3A_130 : memref<10240x128xf32, #tpu.memory_space<hbm>>) target(%arg11 : memref<128x128xf32, #tpu.memory_space<vmem>>) offsets(%dma_start3A_127 : memref<128xi32, #tpu.memory_space<vmem>>) semaphore(%arg18 : memref<!tpu.dma_semaphore, #tpu.memory_space<semaphore_mem>>)
    } else {
    }
    %gt3A_76 = arith.constant 2 : i32
    %gt3A_77 = arith.cmpi sgt, %select_n3A, %gt3A_76 : i32
    %convert_element_type3A_78 = arith.extui %gt3A_77 : i1 to i32
    %cond3A_79 = arith.constant 0 : i32
    %cond3A_80 = arith.cmpi ne, %convert_element_type3A_78, %cond3A_79 : i32
    scf.if %cond3A_80 {
      %dma_start3A_124 = arith.constant 2 : i32
      %dma_start3A_125 = arith.constant 0 : i32
      %dma_start3A_126 = tpu.memref_slice %arg8[%dma_start3A_124, %dma_start3A_125] : memref<88x128xi32, #tpu.memory_space<vmem>> -> memref<1x128xi32, #tpu.memory_space<vmem>>
      %dma_start3A_127 = tpu.memref_squeeze %dma_start3A_126 : memref<1x128xi32, #tpu.memory_space<vmem>> -> memref<128xi32, #tpu.memory_space<vmem>>
      %dma_start3A_128 = arith.constant 0 : i32
      %dma_start3A_129 = arith.constant 0 : i32
      %dma_start3A_130 = tpu.memref_slice %arg2[%dma_start3A_128, %dma_start3A_129] : memref<10240x128xf32, #tpu.memory_space<hbm>> -> memref<10240x128xf32, #tpu.memory_space<hbm>>
      tpu.enqueue_indirect_dma source(%dma_start3A_130 : memref<10240x128xf32, #tpu.memory_space<hbm>>) target(%arg12 : memref<128x128xf32, #tpu.memory_space<vmem>>) offsets(%dma_start3A_127 : memref<128xi32, #tpu.memory_space<vmem>>) semaphore(%arg19 : memref<!tpu.dma_semaphore, #tpu.memory_space<semaphore_mem>>)
    } else {
    }
    %add3A_81 = arith.constant 3 : i32
    %add3A_82 = arith.addi %select_n3A, %add3A_81 : i32
    %jit3A_83 = arith.constant 4 : i32
    %div3A_84 = arith.divsi %add3A_82, %jit3A_83 : i32
    %sign3A_85 = arith.constant 0 : i32
    %sign3A_86 = arith.cmpi sgt, %add3A_82, %sign3A_85 : i32
    %sign3A_87 = arith.extui %sign3A_86 : i1 to i32
    %sign3A_88 = arith.constant 0 : i32
    %sign3A_89 = arith.cmpi slt, %add3A_82, %sign3A_88 : i32
    %sign3A_90 = arith.extui %sign3A_89 : i1 to i32
    %sign3A_91 = arith.subi %sign3A_87, %sign3A_90 : i32
    %sign3A_92 = arith.constant 0 : i32
    %sign3A_93 = arith.cmpi sgt, %jit3A_83, %sign3A_92 : i32
    %sign3A_94 = arith.extui %sign3A_93 : i1 to i32
    %sign3A_95 = arith.constant 0 : i32
    %sign3A_96 = arith.cmpi slt, %jit3A_83, %sign3A_95 : i32
    %sign3A_97 = arith.extui %sign3A_96 : i1 to i32
    %sign3A_98 = arith.subi %sign3A_94, %sign3A_97 : i32
    %ne3A_99 = arith.cmpi ne, %sign3A_91, %sign3A_98 : i32
    %rem3A_100 = arith.remsi %add3A_82, %jit3A_83 : i32
    %ne3A_101 = arith.constant 0 : i32
    %ne3A_102 = arith.cmpi ne, %rem3A_100, %ne3A_101 : i32
    %and3A_103 = arith.andi %ne3A_99, %ne3A_102 : i1
    %sub3A_104 = arith.constant 1 : i32
    %sub3A_105 = arith.subi %div3A_84, %sub3A_104 : i32
    %select_n3A_106 = arith.select %and3A_103, %sub3A_105, %div3A_84 : i32
    %while3A = arith.constant 0 : i32
    %while3A_107 = arith.constant 0 : i32
    %while3A_108 = arith.subi %select_n3A_106, %while3A_107 : i32
    %while3A_109 = arith.addi %while3A_107, %while3A_108 : i32
    %while3A_110 = arith.constant 1 : i32
    %while3A_111 = arith.divsi %while3A_108, %while3A_110 : i32
    %while3A_112 = arith.muli %while3A_111, %while3A_110 : i32
    %while3A_113 = arith.addi %while3A_107, %while3A_112 : i32
    %while3A_114 = arith.constant 1 : i32
    scf.for %while3A_124 = %while3A_107 to %while3A_113 step %while3A_114  : i32 {
      %mul3A_125 = arith.constant 4 : i32
      %mul3A_126 = arith.muli %mul3A_125, %while3A_124 : i32
      %add3A_127 = arith.constant 0 : i32
      %add3A_128 = arith.addi %mul3A_126, %add3A_127 : i32
      %add3A_129 = arith.constant 3 : i32
      %add3A_130 = arith.addi %add3A_128, %add3A_129 : i32
      %lt3A = arith.cmpi slt, %add3A_130, %select_n3A : i32
      %convert_element_type3A_131 = arith.extui %lt3A : i1 to i32
      %cond3A_132 = arith.constant 0 : i32
      %cond3A_133 = arith.cmpi ne, %convert_element_type3A_131, %cond3A_132 : i32
      scf.if %cond3A_133 {
        %dma_start3A_174 = arith.constant 0 : i32
        %dma_start3A_175 = tpu.memref_slice %arg8[%add3A_130, %dma_start3A_174] : memref<88x128xi32, #tpu.memory_space<vmem>> -> memref<1x128xi32, #tpu.memory_space<vmem>>
        %dma_start3A_176 = tpu.memref_squeeze %dma_start3A_175 : memref<1x128xi32, #tpu.memory_space<vmem>> -> memref<128xi32, #tpu.memory_space<vmem>>
        %dma_start3A_177 = arith.constant 0 : i32
        %dma_start3A_178 = arith.constant 0 : i32
        %dma_start3A_179 = tpu.memref_slice %arg2[%dma_start3A_177, %dma_start3A_178] : memref<10240x128xf32, #tpu.memory_space<hbm>> -> memref<10240x128xf32, #tpu.memory_space<hbm>>
        tpu.enqueue_indirect_dma source(%dma_start3A_179 : memref<10240x128xf32, #tpu.memory_space<hbm>>) target(%arg13 : memref<128x128xf32, #tpu.memory_space<vmem>>) offsets(%dma_start3A_176 : memref<128xi32, #tpu.memory_space<vmem>>) semaphore(%arg20 : memref<!tpu.dma_semaphore, #tpu.memory_space<semaphore_mem>>)
      } else {
      }
      %lt3A_134 = arith.cmpi slt, %add3A_128, %select_n3A : i32
      %convert_element_type3A_135 = arith.extui %lt3A_134 : i1 to i32
      %cond3A_136 = arith.constant 0 : i32
      %cond3A_137 = arith.cmpi ne, %convert_element_type3A_135, %cond3A_136 : i32
      scf.if %cond3A_137 {
        %dma_wait3A_174 = arith.constant 0 : i32
        %dma_wait3A_175 = tpu.memref_slice %arg8[%add3A_128, %dma_wait3A_174] : memref<88x128xi32, #tpu.memory_space<vmem>> -> memref<1x128xi32, #tpu.memory_space<vmem>>
        %dma_wait3A_176 = tpu.memref_squeeze %dma_wait3A_175 : memref<1x128xi32, #tpu.memory_space<vmem>> -> memref<128xi32, #tpu.memory_space<vmem>>
        %dma_wait3A_177 = arith.constant 0 : i32
        %dma_wait3A_178 = arith.constant 0 : i32
        %dma_wait3A_179 = tpu.memref_slice %arg2[%dma_wait3A_177, %dma_wait3A_178] : memref<10240x128xf32, #tpu.memory_space<hbm>> -> memref<10240x128xf32, #tpu.memory_space<hbm>>
        tpu.wait_indirect_dma semaphore(%arg17 : memref<!tpu.dma_semaphore, #tpu.memory_space<semaphore_mem>>) src(%dma_wait3A_179 : memref<10240x128xf32, #tpu.memory_space<hbm>>) dst(%arg10 : memref<128x128xf32, #tpu.memory_space<vmem>>)
        "tpu.region"() ({
          %run_scoped3A = tpu.sem_alloc : memref<!tpu.dma_semaphore, #tpu.memory_space<semaphore_mem>>
          %dma_start3A_180 = arith.constant 0 : i32
          %dma_start3A_181 = tpu.memref_slice %arg9[%add3A_128, %dma_start3A_180] : memref<88x128xi32, #tpu.memory_space<vmem>> -> memref<1x128xi32, #tpu.memory_space<vmem>>
          %dma_start3A_182 = tpu.memref_squeeze %dma_start3A_181 : memref<1x128xi32, #tpu.memory_space<vmem>> -> memref<128xi32, #tpu.memory_space<vmem>>
          %dma_start3A_183 = arith.constant 0 : i32
          %dma_start3A_184 = arith.constant 0 : i32
          %dma_start3A_185 = tpu.memref_slice %arg15[%dma_start3A_183, %dma_start3A_184] : memref<5128x128xf32, #tpu.memory_space<vmem_shared>> -> memref<5128x128xf32, #tpu.memory_space<vmem_shared>>
          tpu.enqueue_indirect_dma source(%arg10 : memref<128x128xf32, #tpu.memory_space<vmem>>) target(%dma_start3A_185 : memref<5128x128xf32, #tpu.memory_space<vmem_shared>>) offsets(%dma_start3A_182 : memref<128xi32, #tpu.memory_space<vmem>>) semaphore(%run_scoped3A : memref<!tpu.dma_semaphore, #tpu.memory_space<semaphore_mem>>) {add = true}
          %dma_wait3A_186 = arith.constant 0 : i32
          %dma_wait3A_187 = tpu.memref_slice %arg9[%add3A_128, %dma_wait3A_186] : memref<88x128xi32, #tpu.memory_space<vmem>> -> memref<1x128xi32, #tpu.memory_space<vmem>>
          %dma_wait3A_188 = tpu.memref_squeeze %dma_wait3A_187 : memref<1x128xi32, #tpu.memory_space<vmem>> -> memref<128xi32, #tpu.memory_space<vmem>>
          %dma_wait3A_189 = arith.constant 0 : i32
          %dma_wait3A_190 = arith.constant 0 : i32
          %dma_wait3A_191 = tpu.memref_slice %arg15[%dma_wait3A_189, %dma_wait3A_190] : memref<5128x128xf32, #tpu.memory_space<vmem_shared>> -> memref<5128x128xf32, #tpu.memory_space<vmem_shared>>
          tpu.wait_indirect_dma semaphore(%run_scoped3A : memref<!tpu.dma_semaphore, #tpu.memory_space<semaphore_mem>>) src(%arg10 : memref<128x128xf32, #tpu.memory_space<vmem>>) dst(%dma_wait3A_191 : memref<5128x128xf32, #tpu.memory_space<vmem_shared>>)
          tpu.yield
        }) : () -> ()
      } else {
      }
      %add3A_138 = arith.constant 1 : i32
      %add3A_139 = arith.addi %mul3A_126, %add3A_138 : i32
      %add3A_140 = arith.constant 3 : i32
      %add3A_141 = arith.addi %add3A_139, %add3A_140 : i32
      %lt3A_142 = arith.cmpi slt, %add3A_141, %select_n3A : i32
      %convert_element_type3A_143 = arith.extui %lt3A_142 : i1 to i32
      %cond3A_144 = arith.constant 0 : i32
      %cond3A_145 = arith.cmpi ne, %convert_element_type3A_143, %cond3A_144 : i32
      scf.if %cond3A_145 {
        %dma_start3A_174 = arith.constant 0 : i32
        %dma_start3A_175 = tpu.memref_slice %arg8[%add3A_141, %dma_start3A_174] : memref<88x128xi32, #tpu.memory_space<vmem>> -> memref<1x128xi32, #tpu.memory_space<vmem>>
        %dma_start3A_176 = tpu.memref_squeeze %dma_start3A_175 : memref<1x128xi32, #tpu.memory_space<vmem>> -> memref<128xi32, #tpu.memory_space<vmem>>
        %dma_start3A_177 = arith.constant 0 : i32
        %dma_start3A_178 = arith.constant 0 : i32
        %dma_start3A_179 = tpu.memref_slice %arg2[%dma_start3A_177, %dma_start3A_178] : memref<10240x128xf32, #tpu.memory_space<hbm>> -> memref<10240x128xf32, #tpu.memory_space<hbm>>
        tpu.enqueue_indirect_dma source(%dma_start3A_179 : memref<10240x128xf32, #tpu.memory_space<hbm>>) target(%arg10 : memref<128x128xf32, #tpu.memory_space<vmem>>) offsets(%dma_start3A_176 : memref<128xi32, #tpu.memory_space<vmem>>) semaphore(%arg17 : memref<!tpu.dma_semaphore, #tpu.memory_space<semaphore_mem>>)
      } else {
      }
      %lt3A_146 = arith.cmpi slt, %add3A_139, %select_n3A : i32
      %convert_element_type3A_147 = arith.extui %lt3A_146 : i1 to i32
      %cond3A_148 = arith.constant 0 : i32
      %cond3A_149 = arith.cmpi ne, %convert_element_type3A_147, %cond3A_148 : i32
      scf.if %cond3A_149 {
        %dma_wait3A_174 = arith.constant 0 : i32
        %dma_wait3A_175 = tpu.memref_slice %arg8[%add3A_139, %dma_wait3A_174] : memref<88x128xi32, #tpu.memory_space<vmem>> -> memref<1x128xi32, #tpu.memory_space<vmem>>
        %dma_wait3A_176 = tpu.memref_squeeze %dma_wait3A_175 : memref<1x128xi32, #tpu.memory_space<vmem>> -> memref<128xi32, #tpu.memory_space<vmem>>
        %dma_wait3A_177 = arith.constant 0 : i32
        %dma_wait3A_178 = arith.constant 0 : i32
        %dma_wait3A_179 = tpu.memref_slice %arg2[%dma_wait3A_177, %dma_wait3A_178] : memref<10240x128xf32, #tpu.memory_space<hbm>> -> memref<10240x128xf32, #tpu.memory_space<hbm>>
        tpu.wait_indirect_dma semaphore(%arg18 : memref<!tpu.dma_semaphore, #tpu.memory_space<semaphore_mem>>) src(%dma_wait3A_179 : memref<10240x128xf32, #tpu.memory_space<hbm>>) dst(%arg11 : memref<128x128xf32, #tpu.memory_space<vmem>>)
        "tpu.region"() ({
          %run_scoped3A = tpu.sem_alloc : memref<!tpu.dma_semaphore, #tpu.memory_space<semaphore_mem>>
          %dma_start3A_180 = arith.constant 0 : i32
          %dma_start3A_181 = tpu.memref_slice %arg9[%add3A_139, %dma_start3A_180] : memref<88x128xi32, #tpu.memory_space<vmem>> -> memref<1x128xi32, #tpu.memory_space<vmem>>
          %dma_start3A_182 = tpu.memref_squeeze %dma_start3A_181 : memref<1x128xi32, #tpu.memory_space<vmem>> -> memref<128xi32, #tpu.memory_space<vmem>>
          %dma_start3A_183 = arith.constant 0 : i32
          %dma_start3A_184 = arith.constant 0 : i32
          %dma_start3A_185 = tpu.memref_slice %arg15[%dma_start3A_183, %dma_start3A_184] : memref<5128x128xf32, #tpu.memory_space<vmem_shared>> -> memref<5128x128xf32, #tpu.memory_space<vmem_shared>>
          tpu.enqueue_indirect_dma source(%arg11 : memref<128x128xf32, #tpu.memory_space<vmem>>) target(%dma_start3A_185 : memref<5128x128xf32, #tpu.memory_space<vmem_shared>>) offsets(%dma_start3A_182 : memref<128xi32, #tpu.memory_space<vmem>>) semaphore(%run_scoped3A : memref<!tpu.dma_semaphore, #tpu.memory_space<semaphore_mem>>) {add = true}
          %dma_wait3A_186 = arith.constant 0 : i32
          %dma_wait3A_187 = tpu.memref_slice %arg9[%add3A_139, %dma_wait3A_186] : memref<88x128xi32, #tpu.memory_space<vmem>> -> memref<1x128xi32, #tpu.memory_space<vmem>>
          %dma_wait3A_188 = tpu.memref_squeeze %dma_wait3A_187 : memref<1x128xi32, #tpu.memory_space<vmem>> -> memref<128xi32, #tpu.memory_space<vmem>>
          %dma_wait3A_189 = arith.constant 0 : i32
          %dma_wait3A_190 = arith.constant 0 : i32
          %dma_wait3A_191 = tpu.memref_slice %arg15[%dma_wait3A_189, %dma_wait3A_190] : memref<5128x128xf32, #tpu.memory_space<vmem_shared>> -> memref<5128x128xf32, #tpu.memory_space<vmem_shared>>
          tpu.wait_indirect_dma semaphore(%run_scoped3A : memref<!tpu.dma_semaphore, #tpu.memory_space<semaphore_mem>>) src(%arg11 : memref<128x128xf32, #tpu.memory_space<vmem>>) dst(%dma_wait3A_191 : memref<5128x128xf32, #tpu.memory_space<vmem_shared>>)
          tpu.yield
        }) : () -> ()
      } else {
      }
      %add3A_150 = arith.constant 2 : i32
      %add3A_151 = arith.addi %mul3A_126, %add3A_150 : i32
      %add3A_152 = arith.constant 3 : i32
      %add3A_153 = arith.addi %add3A_151, %add3A_152 : i32
      %lt3A_154 = arith.cmpi slt, %add3A_153, %select_n3A : i32
      %convert_element_type3A_155 = arith.extui %lt3A_154 : i1 to i32
      %cond3A_156 = arith.constant 0 : i32
      %cond3A_157 = arith.cmpi ne, %convert_element_type3A_155, %cond3A_156 : i32
      scf.if %cond3A_157 {
        %dma_start3A_174 = arith.constant 0 : i32
        %dma_start3A_175 = tpu.memref_slice %arg8[%add3A_153, %dma_start3A_174] : memref<88x128xi32, #tpu.memory_space<vmem>> -> memref<1x128xi32, #tpu.memory_space<vmem>>
        %dma_start3A_176 = tpu.memref_squeeze %dma_start3A_175 : memref<1x128xi32, #tpu.memory_space<vmem>> -> memref<128xi32, #tpu.memory_space<vmem>>
        %dma_start3A_177 = arith.constant 0 : i32
        %dma_start3A_178 = arith.constant 0 : i32
        %dma_start3A_179 = tpu.memref_slice %arg2[%dma_start3A_177, %dma_start3A_178] : memref<10240x128xf32, #tpu.memory_space<hbm>> -> memref<10240x128xf32, #tpu.memory_space<hbm>>
        tpu.enqueue_indirect_dma source(%dma_start3A_179 : memref<10240x128xf32, #tpu.memory_space<hbm>>) target(%arg11 : memref<128x128xf32, #tpu.memory_space<vmem>>) offsets(%dma_start3A_176 : memref<128xi32, #tpu.memory_space<vmem>>) semaphore(%arg18 : memref<!tpu.dma_semaphore, #tpu.memory_space<semaphore_mem>>)
      } else {
      }
      %lt3A_158 = arith.cmpi slt, %add3A_151, %select_n3A : i32
      %convert_element_type3A_159 = arith.extui %lt3A_158 : i1 to i32
      %cond3A_160 = arith.constant 0 : i32
      %cond3A_161 = arith.cmpi ne, %convert_element_type3A_159, %cond3A_160 : i32
      scf.if %cond3A_161 {
        %dma_wait3A_174 = arith.constant 0 : i32
        %dma_wait3A_175 = tpu.memref_slice %arg8[%add3A_151, %dma_wait3A_174] : memref<88x128xi32, #tpu.memory_space<vmem>> -> memref<1x128xi32, #tpu.memory_space<vmem>>
        %dma_wait3A_176 = tpu.memref_squeeze %dma_wait3A_175 : memref<1x128xi32, #tpu.memory_space<vmem>> -> memref<128xi32, #tpu.memory_space<vmem>>
        %dma_wait3A_177 = arith.constant 0 : i32
        %dma_wait3A_178 = arith.constant 0 : i32
        %dma_wait3A_179 = tpu.memref_slice %arg2[%dma_wait3A_177, %dma_wait3A_178] : memref<10240x128xf32, #tpu.memory_space<hbm>> -> memref<10240x128xf32, #tpu.memory_space<hbm>>
        tpu.wait_indirect_dma semaphore(%arg19 : memref<!tpu.dma_semaphore, #tpu.memory_space<semaphore_mem>>) src(%dma_wait3A_179 : memref<10240x128xf32, #tpu.memory_space<hbm>>) dst(%arg12 : memref<128x128xf32, #tpu.memory_space<vmem>>)
        "tpu.region"() ({
          %run_scoped3A = tpu.sem_alloc : memref<!tpu.dma_semaphore, #tpu.memory_space<semaphore_mem>>
          %dma_start3A_180 = arith.constant 0 : i32
          %dma_start3A_181 = tpu.memref_slice %arg9[%add3A_151, %dma_start3A_180] : memref<88x128xi32, #tpu.memory_space<vmem>> -> memref<1x128xi32, #tpu.memory_space<vmem>>
          %dma_start3A_182 = tpu.memref_squeeze %dma_start3A_181 : memref<1x128xi32, #tpu.memory_space<vmem>> -> memref<128xi32, #tpu.memory_space<vmem>>
          %dma_start3A_183 = arith.constant 0 : i32
          %dma_start3A_184 = arith.constant 0 : i32
          %dma_start3A_185 = tpu.memref_slice %arg15[%dma_start3A_183, %dma_start3A_184] : memref<5128x128xf32, #tpu.memory_space<vmem_shared>> -> memref<5128x128xf32, #tpu.memory_space<vmem_shared>>
          tpu.enqueue_indirect_dma source(%arg12 : memref<128x128xf32, #tpu.memory_space<vmem>>) target(%dma_start3A_185 : memref<5128x128xf32, #tpu.memory_space<vmem_shared>>) offsets(%dma_start3A_182 : memref<128xi32, #tpu.memory_space<vmem>>) semaphore(%run_scoped3A : memref<!tpu.dma_semaphore, #tpu.memory_space<semaphore_mem>>) {add = true}
          %dma_wait3A_186 = arith.constant 0 : i32
          %dma_wait3A_187 = tpu.memref_slice %arg9[%add3A_151, %dma_wait3A_186] : memref<88x128xi32, #tpu.memory_space<vmem>> -> memref<1x128xi32, #tpu.memory_space<vmem>>
          %dma_wait3A_188 = tpu.memref_squeeze %dma_wait3A_187 : memref<1x128xi32, #tpu.memory_space<vmem>> -> memref<128xi32, #tpu.memory_space<vmem>>
          %dma_wait3A_189 = arith.constant 0 : i32
          %dma_wait3A_190 = arith.constant 0 : i32
          %dma_wait3A_191 = tpu.memref_slice %arg15[%dma_wait3A_189, %dma_wait3A_190] : memref<5128x128xf32, #tpu.memory_space<vmem_shared>> -> memref<5128x128xf32, #tpu.memory_space<vmem_shared>>
          tpu.wait_indirect_dma semaphore(%run_scoped3A : memref<!tpu.dma_semaphore, #tpu.memory_space<semaphore_mem>>) src(%arg12 : memref<128x128xf32, #tpu.memory_space<vmem>>) dst(%dma_wait3A_191 : memref<5128x128xf32, #tpu.memory_space<vmem_shared>>)
          tpu.yield
        }) : () -> ()
      } else {
      }
      %add3A_162 = arith.constant 3 : i32
      %add3A_163 = arith.addi %mul3A_126, %add3A_162 : i32
      %add3A_164 = arith.constant 3 : i32
      %add3A_165 = arith.addi %add3A_163, %add3A_164 : i32
      %lt3A_166 = arith.cmpi slt, %add3A_165, %select_n3A : i32
      %convert_element_type3A_167 = arith.extui %lt3A_166 : i1 to i32
      %cond3A_168 = arith.constant 0 : i32
      %cond3A_169 = arith.cmpi ne, %convert_element_type3A_167, %cond3A_168 : i32
      scf.if %cond3A_169 {
        %dma_start3A_174 = arith.constant 0 : i32
        %dma_start3A_175 = tpu.memref_slice %arg8[%add3A_165, %dma_start3A_174] : memref<88x128xi32, #tpu.memory_space<vmem>> -> memref<1x128xi32, #tpu.memory_space<vmem>>
        %dma_start3A_176 = tpu.memref_squeeze %dma_start3A_175 : memref<1x128xi32, #tpu.memory_space<vmem>> -> memref<128xi32, #tpu.memory_space<vmem>>
        %dma_start3A_177 = arith.constant 0 : i32
        %dma_start3A_178 = arith.constant 0 : i32
        %dma_start3A_179 = tpu.memref_slice %arg2[%dma_start3A_177, %dma_start3A_178] : memref<10240x128xf32, #tpu.memory_space<hbm>> -> memref<10240x128xf32, #tpu.memory_space<hbm>>
        tpu.enqueue_indirect_dma source(%dma_start3A_179 : memref<10240x128xf32, #tpu.memory_space<hbm>>) target(%arg12 : memref<128x128xf32, #tpu.memory_space<vmem>>) offsets(%dma_start3A_176 : memref<128xi32, #tpu.memory_space<vmem>>) semaphore(%arg19 : memref<!tpu.dma_semaphore, #tpu.memory_space<semaphore_mem>>)
      } else {
      }
      %lt3A_170 = arith.cmpi slt, %add3A_163, %select_n3A : i32
      %convert_element_type3A_171 = arith.extui %lt3A_170 : i1 to i32
      %cond3A_172 = arith.constant 0 : i32
      %cond3A_173 = arith.cmpi ne, %convert_element_type3A_171, %cond3A_172 : i32
      scf.if %cond3A_173 {
        %dma_wait3A_174 = arith.constant 0 : i32
        %dma_wait3A_175 = tpu.memref_slice %arg8[%add3A_163, %dma_wait3A_174] : memref<88x128xi32, #tpu.memory_space<vmem>> -> memref<1x128xi32, #tpu.memory_space<vmem>>
        %dma_wait3A_176 = tpu.memref_squeeze %dma_wait3A_175 : memref<1x128xi32, #tpu.memory_space<vmem>> -> memref<128xi32, #tpu.memory_space<vmem>>
        %dma_wait3A_177 = arith.constant 0 : i32
        %dma_wait3A_178 = arith.constant 0 : i32
        %dma_wait3A_179 = tpu.memref_slice %arg2[%dma_wait3A_177, %dma_wait3A_178] : memref<10240x128xf32, #tpu.memory_space<hbm>> -> memref<10240x128xf32, #tpu.memory_space<hbm>>
        tpu.wait_indirect_dma semaphore(%arg20 : memref<!tpu.dma_semaphore, #tpu.memory_space<semaphore_mem>>) src(%dma_wait3A_179 : memref<10240x128xf32, #tpu.memory_space<hbm>>) dst(%arg13 : memref<128x128xf32, #tpu.memory_space<vmem>>)
        "tpu.region"() ({
          %run_scoped3A = tpu.sem_alloc : memref<!tpu.dma_semaphore, #tpu.memory_space<semaphore_mem>>
          %dma_start3A_180 = arith.constant 0 : i32
          %dma_start3A_181 = tpu.memref_slice %arg9[%add3A_163, %dma_start3A_180] : memref<88x128xi32, #tpu.memory_space<vmem>> -> memref<1x128xi32, #tpu.memory_space<vmem>>
          %dma_start3A_182 = tpu.memref_squeeze %dma_start3A_181 : memref<1x128xi32, #tpu.memory_space<vmem>> -> memref<128xi32, #tpu.memory_space<vmem>>
          %dma_start3A_183 = arith.constant 0 : i32
          %dma_start3A_184 = arith.constant 0 : i32
          %dma_start3A_185 = tpu.memref_slice %arg15[%dma_start3A_183, %dma_start3A_184] : memref<5128x128xf32, #tpu.memory_space<vmem_shared>> -> memref<5128x128xf32, #tpu.memory_space<vmem_shared>>
          tpu.enqueue_indirect_dma source(%arg13 : memref<128x128xf32, #tpu.memory_space<vmem>>) target(%dma_start3A_185 : memref<5128x128xf32, #tpu.memory_space<vmem_shared>>) offsets(%dma_start3A_182 : memref<128xi32, #tpu.memory_space<vmem>>) semaphore(%run_scoped3A : memref<!tpu.dma_semaphore, #tpu.memory_space<semaphore_mem>>) {add = true}
          %dma_wait3A_186 = arith.constant 0 : i32
          %dma_wait3A_187 = tpu.memref_slice %arg9[%add3A_163, %dma_wait3A_186] : memref<88x128xi32, #tpu.memory_space<vmem>> -> memref<1x128xi32, #tpu.memory_space<vmem>>
          %dma_wait3A_188 = tpu.memref_squeeze %dma_wait3A_187 : memref<1x128xi32, #tpu.memory_space<vmem>> -> memref<128xi32, #tpu.memory_space<vmem>>
          %dma_wait3A_189 = arith.constant 0 : i32
          %dma_wait3A_190 = arith.constant 0 : i32
          %dma_wait3A_191 = tpu.memref_slice %arg15[%dma_wait3A_189, %dma_wait3A_190] : memref<5128x128xf32, #tpu.memory_space<vmem_shared>> -> memref<5128x128xf32, #tpu.memory_space<vmem_shared>>
          tpu.wait_indirect_dma semaphore(%run_scoped3A : memref<!tpu.dma_semaphore, #tpu.memory_space<semaphore_mem>>) src(%arg13 : memref<128x128xf32, #tpu.memory_space<vmem>>) dst(%dma_wait3A_191 : memref<5128x128xf32, #tpu.memory_space<vmem_shared>>)
          tpu.yield
        }) : () -> ()
      } else {
      }
    }
    %while3A_115 = arith.constant 1 : i32
    scf.for %while3A_124 = %while3A_113 to %while3A_109 step %while3A_115  : i32 {
      %mul3A_125 = arith.constant 4 : i32
      %mul3A_126 = arith.muli %mul3A_125, %while3A_124 : i32
      %add3A_127 = arith.constant 0 : i32
      %add3A_128 = arith.addi %mul3A_126, %add3A_127 : i32
      %add3A_129 = arith.constant 3 : i32
      %add3A_130 = arith.addi %add3A_128, %add3A_129 : i32
      %lt3A = arith.cmpi slt, %add3A_130, %select_n3A : i32
      %convert_element_type3A_131 = arith.extui %lt3A : i1 to i32
      %cond3A_132 = arith.constant 0 : i32
      %cond3A_133 = arith.cmpi ne, %convert_element_type3A_131, %cond3A_132 : i32
      scf.if %cond3A_133 {
        %dma_start3A_174 = arith.constant 0 : i32
        %dma_start3A_175 = tpu.memref_slice %arg8[%add3A_130, %dma_start3A_174] : memref<88x128xi32, #tpu.memory_space<vmem>> -> memref<1x128xi32, #tpu.memory_space<vmem>>
        %dma_start3A_176 = tpu.memref_squeeze %dma_start3A_175 : memref<1x128xi32, #tpu.memory_space<vmem>> -> memref<128xi32, #tpu.memory_space<vmem>>
        %dma_start3A_177 = arith.constant 0 : i32
        %dma_start3A_178 = arith.constant 0 : i32
        %dma_start3A_179 = tpu.memref_slice %arg2[%dma_start3A_177, %dma_start3A_178] : memref<10240x128xf32, #tpu.memory_space<hbm>> -> memref<10240x128xf32, #tpu.memory_space<hbm>>
        tpu.enqueue_indirect_dma source(%dma_start3A_179 : memref<10240x128xf32, #tpu.memory_space<hbm>>) target(%arg13 : memref<128x128xf32, #tpu.memory_space<vmem>>) offsets(%dma_start3A_176 : memref<128xi32, #tpu.memory_space<vmem>>) semaphore(%arg20 : memref<!tpu.dma_semaphore, #tpu.memory_space<semaphore_mem>>)
      } else {
      }
      %lt3A_134 = arith.cmpi slt, %add3A_128, %select_n3A : i32
      %convert_element_type3A_135 = arith.extui %lt3A_134 : i1 to i32
      %cond3A_136 = arith.constant 0 : i32
      %cond3A_137 = arith.cmpi ne, %convert_element_type3A_135, %cond3A_136 : i32
      scf.if %cond3A_137 {
        %dma_wait3A_174 = arith.constant 0 : i32
        %dma_wait3A_175 = tpu.memref_slice %arg8[%add3A_128, %dma_wait3A_174] : memref<88x128xi32, #tpu.memory_space<vmem>> -> memref<1x128xi32, #tpu.memory_space<vmem>>
        %dma_wait3A_176 = tpu.memref_squeeze %dma_wait3A_175 : memref<1x128xi32, #tpu.memory_space<vmem>> -> memref<128xi32, #tpu.memory_space<vmem>>
        %dma_wait3A_177 = arith.constant 0 : i32
        %dma_wait3A_178 = arith.constant 0 : i32
        %dma_wait3A_179 = tpu.memref_slice %arg2[%dma_wait3A_177, %dma_wait3A_178] : memref<10240x128xf32, #tpu.memory_space<hbm>> -> memref<10240x128xf32, #tpu.memory_space<hbm>>
        tpu.wait_indirect_dma semaphore(%arg17 : memref<!tpu.dma_semaphore, #tpu.memory_space<semaphore_mem>>) src(%dma_wait3A_179 : memref<10240x128xf32, #tpu.memory_space<hbm>>) dst(%arg10 : memref<128x128xf32, #tpu.memory_space<vmem>>)
        "tpu.region"() ({
          %run_scoped3A = tpu.sem_alloc : memref<!tpu.dma_semaphore, #tpu.memory_space<semaphore_mem>>
          %dma_start3A_180 = arith.constant 0 : i32
          %dma_start3A_181 = tpu.memref_slice %arg9[%add3A_128, %dma_start3A_180] : memref<88x128xi32, #tpu.memory_space<vmem>> -> memref<1x128xi32, #tpu.memory_space<vmem>>
          %dma_start3A_182 = tpu.memref_squeeze %dma_start3A_181 : memref<1x128xi32, #tpu.memory_space<vmem>> -> memref<128xi32, #tpu.memory_space<vmem>>
          %dma_start3A_183 = arith.constant 0 : i32
          %dma_start3A_184 = arith.constant 0 : i32
          %dma_start3A_185 = tpu.memref_slice %arg15[%dma_start3A_183, %dma_start3A_184] : memref<5128x128xf32, #tpu.memory_space<vmem_shared>> -> memref<5128x128xf32, #tpu.memory_space<vmem_shared>>
          tpu.enqueue_indirect_dma source(%arg10 : memref<128x128xf32, #tpu.memory_space<vmem>>) target(%dma_start3A_185 : memref<5128x128xf32, #tpu.memory_space<vmem_shared>>) offsets(%dma_start3A_182 : memref<128xi32, #tpu.memory_space<vmem>>) semaphore(%run_scoped3A : memref<!tpu.dma_semaphore, #tpu.memory_space<semaphore_mem>>) {add = true}
          %dma_wait3A_186 = arith.constant 0 : i32
          %dma_wait3A_187 = tpu.memref_slice %arg9[%add3A_128, %dma_wait3A_186] : memref<88x128xi32, #tpu.memory_space<vmem>> -> memref<1x128xi32, #tpu.memory_space<vmem>>
          %dma_wait3A_188 = tpu.memref_squeeze %dma_wait3A_187 : memref<1x128xi32, #tpu.memory_space<vmem>> -> memref<128xi32, #tpu.memory_space<vmem>>
          %dma_wait3A_189 = arith.constant 0 : i32
          %dma_wait3A_190 = arith.constant 0 : i32
          %dma_wait3A_191 = tpu.memref_slice %arg15[%dma_wait3A_189, %dma_wait3A_190] : memref<5128x128xf32, #tpu.memory_space<vmem_shared>> -> memref<5128x128xf32, #tpu.memory_space<vmem_shared>>
          tpu.wait_indirect_dma semaphore(%run_scoped3A : memref<!tpu.dma_semaphore, #tpu.memory_space<semaphore_mem>>) src(%arg10 : memref<128x128xf32, #tpu.memory_space<vmem>>) dst(%dma_wait3A_191 : memref<5128x128xf32, #tpu.memory_space<vmem_shared>>)
          tpu.yield
        }) : () -> ()
      } else {
      }
      %add3A_138 = arith.constant 1 : i32
      %add3A_139 = arith.addi %mul3A_126, %add3A_138 : i32
      %add3A_140 = arith.constant 3 : i32
      %add3A_141 = arith.addi %add3A_139, %add3A_140 : i32
      %lt3A_142 = arith.cmpi slt, %add3A_141, %select_n3A : i32
      %convert_element_type3A_143 = arith.extui %lt3A_142 : i1 to i32
      %cond3A_144 = arith.constant 0 : i32
      %cond3A_145 = arith.cmpi ne, %convert_element_type3A_143, %cond3A_144 : i32
      scf.if %cond3A_145 {
        %dma_start3A_174 = arith.constant 0 : i32
        %dma_start3A_175 = tpu.memref_slice %arg8[%add3A_141, %dma_start3A_174] : memref<88x128xi32, #tpu.memory_space<vmem>> -> memref<1x128xi32, #tpu.memory_space<vmem>>
        %dma_start3A_176 = tpu.memref_squeeze %dma_start3A_175 : memref<1x128xi32, #tpu.memory_space<vmem>> -> memref<128xi32, #tpu.memory_space<vmem>>
        %dma_start3A_177 = arith.constant 0 : i32
        %dma_start3A_178 = arith.constant 0 : i32
        %dma_start3A_179 = tpu.memref_slice %arg2[%dma_start3A_177, %dma_start3A_178] : memref<10240x128xf32, #tpu.memory_space<hbm>> -> memref<10240x128xf32, #tpu.memory_space<hbm>>
        tpu.enqueue_indirect_dma source(%dma_start3A_179 : memref<10240x128xf32, #tpu.memory_space<hbm>>) target(%arg10 : memref<128x128xf32, #tpu.memory_space<vmem>>) offsets(%dma_start3A_176 : memref<128xi32, #tpu.memory_space<vmem>>) semaphore(%arg17 : memref<!tpu.dma_semaphore, #tpu.memory_space<semaphore_mem>>)
      } else {
      }
      %lt3A_146 = arith.cmpi slt, %add3A_139, %select_n3A : i32
      %convert_element_type3A_147 = arith.extui %lt3A_146 : i1 to i32
      %cond3A_148 = arith.constant 0 : i32
      %cond3A_149 = arith.cmpi ne, %convert_element_type3A_147, %cond3A_148 : i32
      scf.if %cond3A_149 {
        %dma_wait3A_174 = arith.constant 0 : i32
        %dma_wait3A_175 = tpu.memref_slice %arg8[%add3A_139, %dma_wait3A_174] : memref<88x128xi32, #tpu.memory_space<vmem>> -> memref<1x128xi32, #tpu.memory_space<vmem>>
        %dma_wait3A_176 = tpu.memref_squeeze %dma_wait3A_175 : memref<1x128xi32, #tpu.memory_space<vmem>> -> memref<128xi32, #tpu.memory_space<vmem>>
        %dma_wait3A_177 = arith.constant 0 : i32
        %dma_wait3A_178 = arith.constant 0 : i32
        %dma_wait3A_179 = tpu.memref_slice %arg2[%dma_wait3A_177, %dma_wait3A_178] : memref<10240x128xf32, #tpu.memory_space<hbm>> -> memref<10240x128xf32, #tpu.memory_space<hbm>>
        tpu.wait_indirect_dma semaphore(%arg18 : memref<!tpu.dma_semaphore, #tpu.memory_space<semaphore_mem>>) src(%dma_wait3A_179 : memref<10240x128xf32, #tpu.memory_space<hbm>>) dst(%arg11 : memref<128x128xf32, #tpu.memory_space<vmem>>)
        "tpu.region"() ({
          %run_scoped3A = tpu.sem_alloc : memref<!tpu.dma_semaphore, #tpu.memory_space<semaphore_mem>>
          %dma_start3A_180 = arith.constant 0 : i32
          %dma_start3A_181 = tpu.memref_slice %arg9[%add3A_139, %dma_start3A_180] : memref<88x128xi32, #tpu.memory_space<vmem>> -> memref<1x128xi32, #tpu.memory_space<vmem>>
          %dma_start3A_182 = tpu.memref_squeeze %dma_start3A_181 : memref<1x128xi32, #tpu.memory_space<vmem>> -> memref<128xi32, #tpu.memory_space<vmem>>
          %dma_start3A_183 = arith.constant 0 : i32
          %dma_start3A_184 = arith.constant 0 : i32
          %dma_start3A_185 = tpu.memref_slice %arg15[%dma_start3A_183, %dma_start3A_184] : memref<5128x128xf32, #tpu.memory_space<vmem_shared>> -> memref<5128x128xf32, #tpu.memory_space<vmem_shared>>
          tpu.enqueue_indirect_dma source(%arg11 : memref<128x128xf32, #tpu.memory_space<vmem>>) target(%dma_start3A_185 : memref<5128x128xf32, #tpu.memory_space<vmem_shared>>) offsets(%dma_start3A_182 : memref<128xi32, #tpu.memory_space<vmem>>) semaphore(%run_scoped3A : memref<!tpu.dma_semaphore, #tpu.memory_space<semaphore_mem>>) {add = true}
          %dma_wait3A_186 = arith.constant 0 : i32
          %dma_wait3A_187 = tpu.memref_slice %arg9[%add3A_139, %dma_wait3A_186] : memref<88x128xi32, #tpu.memory_space<vmem>> -> memref<1x128xi32, #tpu.memory_space<vmem>>
          %dma_wait3A_188 = tpu.memref_squeeze %dma_wait3A_187 : memref<1x128xi32, #tpu.memory_space<vmem>> -> memref<128xi32, #tpu.memory_space<vmem>>
          %dma_wait3A_189 = arith.constant 0 : i32
          %dma_wait3A_190 = arith.constant 0 : i32
          %dma_wait3A_191 = tpu.memref_slice %arg15[%dma_wait3A_189, %dma_wait3A_190] : memref<5128x128xf32, #tpu.memory_space<vmem_shared>> -> memref<5128x128xf32, #tpu.memory_space<vmem_shared>>
          tpu.wait_indirect_dma semaphore(%run_scoped3A : memref<!tpu.dma_semaphore, #tpu.memory_space<semaphore_mem>>) src(%arg11 : memref<128x128xf32, #tpu.memory_space<vmem>>) dst(%dma_wait3A_191 : memref<5128x128xf32, #tpu.memory_space<vmem_shared>>)
          tpu.yield
        }) : () -> ()
      } else {
      }
      %add3A_150 = arith.constant 2 : i32
      %add3A_151 = arith.addi %mul3A_126, %add3A_150 : i32
      %add3A_152 = arith.constant 3 : i32
      %add3A_153 = arith.addi %add3A_151, %add3A_152 : i32
      %lt3A_154 = arith.cmpi slt, %add3A_153, %select_n3A : i32
      %convert_element_type3A_155 = arith.extui %lt3A_154 : i1 to i32
      %cond3A_156 = arith.constant 0 : i32
      %cond3A_157 = arith.cmpi ne, %convert_element_type3A_155, %cond3A_156 : i32
      scf.if %cond3A_157 {
        %dma_start3A_174 = arith.constant 0 : i32
        %dma_start3A_175 = tpu.memref_slice %arg8[%add3A_153, %dma_start3A_174] : memref<88x128xi32, #tpu.memory_space<vmem>> -> memref<1x128xi32, #tpu.memory_space<vmem>>
        %dma_start3A_176 = tpu.memref_squeeze %dma_start3A_175 : memref<1x128xi32, #tpu.memory_space<vmem>> -> memref<128xi32, #tpu.memory_space<vmem>>
        %dma_start3A_177 = arith.constant 0 : i32
        %dma_start3A_178 = arith.constant 0 : i32
        %dma_start3A_179 = tpu.memref_slice %arg2[%dma_start3A_177, %dma_start3A_178] : memref<10240x128xf32, #tpu.memory_space<hbm>> -> memref<10240x128xf32, #tpu.memory_space<hbm>>
        tpu.enqueue_indirect_dma source(%dma_start3A_179 : memref<10240x128xf32, #tpu.memory_space<hbm>>) target(%arg11 : memref<128x128xf32, #tpu.memory_space<vmem>>) offsets(%dma_start3A_176 : memref<128xi32, #tpu.memory_space<vmem>>) semaphore(%arg18 : memref<!tpu.dma_semaphore, #tpu.memory_space<semaphore_mem>>)
      } else {
      }
      %lt3A_158 = arith.cmpi slt, %add3A_151, %select_n3A : i32
      %convert_element_type3A_159 = arith.extui %lt3A_158 : i1 to i32
      %cond3A_160 = arith.constant 0 : i32
      %cond3A_161 = arith.cmpi ne, %convert_element_type3A_159, %cond3A_160 : i32
      scf.if %cond3A_161 {
        %dma_wait3A_174 = arith.constant 0 : i32
        %dma_wait3A_175 = tpu.memref_slice %arg8[%add3A_151, %dma_wait3A_174] : memref<88x128xi32, #tpu.memory_space<vmem>> -> memref<1x128xi32, #tpu.memory_space<vmem>>
        %dma_wait3A_176 = tpu.memref_squeeze %dma_wait3A_175 : memref<1x128xi32, #tpu.memory_space<vmem>> -> memref<128xi32, #tpu.memory_space<vmem>>
        %dma_wait3A_177 = arith.constant 0 : i32
        %dma_wait3A_178 = arith.constant 0 : i32
        %dma_wait3A_179 = tpu.memref_slice %arg2[%dma_wait3A_177, %dma_wait3A_178] : memref<10240x128xf32, #tpu.memory_space<hbm>> -> memref<10240x128xf32, #tpu.memory_space<hbm>>
        tpu.wait_indirect_dma semaphore(%arg19 : memref<!tpu.dma_semaphore, #tpu.memory_space<semaphore_mem>>) src(%dma_wait3A_179 : memref<10240x128xf32, #tpu.memory_space<hbm>>) dst(%arg12 : memref<128x128xf32, #tpu.memory_space<vmem>>)
        "tpu.region"() ({
          %run_scoped3A = tpu.sem_alloc : memref<!tpu.dma_semaphore, #tpu.memory_space<semaphore_mem>>
          %dma_start3A_180 = arith.constant 0 : i32
          %dma_start3A_181 = tpu.memref_slice %arg9[%add3A_151, %dma_start3A_180] : memref<88x128xi32, #tpu.memory_space<vmem>> -> memref<1x128xi32, #tpu.memory_space<vmem>>
          %dma_start3A_182 = tpu.memref_squeeze %dma_start3A_181 : memref<1x128xi32, #tpu.memory_space<vmem>> -> memref<128xi32, #tpu.memory_space<vmem>>
          %dma_start3A_183 = arith.constant 0 : i32
          %dma_start3A_184 = arith.constant 0 : i32
          %dma_start3A_185 = tpu.memref_slice %arg15[%dma_start3A_183, %dma_start3A_184] : memref<5128x128xf32, #tpu.memory_space<vmem_shared>> -> memref<5128x128xf32, #tpu.memory_space<vmem_shared>>
          tpu.enqueue_indirect_dma source(%arg12 : memref<128x128xf32, #tpu.memory_space<vmem>>) target(%dma_start3A_185 : memref<5128x128xf32, #tpu.memory_space<vmem_shared>>) offsets(%dma_start3A_182 : memref<128xi32, #tpu.memory_space<vmem>>) semaphore(%run_scoped3A : memref<!tpu.dma_semaphore, #tpu.memory_space<semaphore_mem>>) {add = true}
          %dma_wait3A_186 = arith.constant 0 : i32
          %dma_wait3A_187 = tpu.memref_slice %arg9[%add3A_151, %dma_wait3A_186] : memref<88x128xi32, #tpu.memory_space<vmem>> -> memref<1x128xi32, #tpu.memory_space<vmem>>
          %dma_wait3A_188 = tpu.memref_squeeze %dma_wait3A_187 : memref<1x128xi32, #tpu.memory_space<vmem>> -> memref<128xi32, #tpu.memory_space<vmem>>
          %dma_wait3A_189 = arith.constant 0 : i32
          %dma_wait3A_190 = arith.constant 0 : i32
          %dma_wait3A_191 = tpu.memref_slice %arg15[%dma_wait3A_189, %dma_wait3A_190] : memref<5128x128xf32, #tpu.memory_space<vmem_shared>> -> memref<5128x128xf32, #tpu.memory_space<vmem_shared>>
          tpu.wait_indirect_dma semaphore(%run_scoped3A : memref<!tpu.dma_semaphore, #tpu.memory_space<semaphore_mem>>) src(%arg12 : memref<128x128xf32, #tpu.memory_space<vmem>>) dst(%dma_wait3A_191 : memref<5128x128xf32, #tpu.memory_space<vmem_shared>>)
          tpu.yield
        }) : () -> ()
      } else {
      }
      %add3A_162 = arith.constant 3 : i32
      %add3A_163 = arith.addi %mul3A_126, %add3A_162 : i32
      %add3A_164 = arith.constant 3 : i32
      %add3A_165 = arith.addi %add3A_163, %add3A_164 : i32
      %lt3A_166 = arith.cmpi slt, %add3A_165, %select_n3A : i32
      %convert_element_type3A_167 = arith.extui %lt3A_166 : i1 to i32
      %cond3A_168 = arith.constant 0 : i32
      %cond3A_169 = arith.cmpi ne, %convert_element_type3A_167, %cond3A_168 : i32
      scf.if %cond3A_169 {
        %dma_start3A_174 = arith.constant 0 : i32
        %dma_start3A_175 = tpu.memref_slice %arg8[%add3A_165, %dma_start3A_174] : memref<88x128xi32, #tpu.memory_space<vmem>> -> memref<1x128xi32, #tpu.memory_space<vmem>>
        %dma_start3A_176 = tpu.memref_squeeze %dma_start3A_175 : memref<1x128xi32, #tpu.memory_space<vmem>> -> memref<128xi32, #tpu.memory_space<vmem>>
        %dma_start3A_177 = arith.constant 0 : i32
        %dma_start3A_178 = arith.constant 0 : i32
        %dma_start3A_179 = tpu.memref_slice %arg2[%dma_start3A_177, %dma_start3A_178] : memref<10240x128xf32, #tpu.memory_space<hbm>> -> memref<10240x128xf32, #tpu.memory_space<hbm>>
        tpu.enqueue_indirect_dma source(%dma_start3A_179 : memref<10240x128xf32, #tpu.memory_space<hbm>>) target(%arg12 : memref<128x128xf32, #tpu.memory_space<vmem>>) offsets(%dma_start3A_176 : memref<128xi32, #tpu.memory_space<vmem>>) semaphore(%arg19 : memref<!tpu.dma_semaphore, #tpu.memory_space<semaphore_mem>>)
      } else {
      }
      %lt3A_170 = arith.cmpi slt, %add3A_163, %select_n3A : i32
      %convert_element_type3A_171 = arith.extui %lt3A_170 : i1 to i32
      %cond3A_172 = arith.constant 0 : i32
      %cond3A_173 = arith.cmpi ne, %convert_element_type3A_171, %cond3A_172 : i32
      scf.if %cond3A_173 {
        %dma_wait3A_174 = arith.constant 0 : i32
        %dma_wait3A_175 = tpu.memref_slice %arg8[%add3A_163, %dma_wait3A_174] : memref<88x128xi32, #tpu.memory_space<vmem>> -> memref<1x128xi32, #tpu.memory_space<vmem>>
        %dma_wait3A_176 = tpu.memref_squeeze %dma_wait3A_175 : memref<1x128xi32, #tpu.memory_space<vmem>> -> memref<128xi32, #tpu.memory_space<vmem>>
        %dma_wait3A_177 = arith.constant 0 : i32
        %dma_wait3A_178 = arith.constant 0 : i32
        %dma_wait3A_179 = tpu.memref_slice %arg2[%dma_wait3A_177, %dma_wait3A_178] : memref<10240x128xf32, #tpu.memory_space<hbm>> -> memref<10240x128xf32, #tpu.memory_space<hbm>>
        tpu.wait_indirect_dma semaphore(%arg20 : memref<!tpu.dma_semaphore, #tpu.memory_space<semaphore_mem>>) src(%dma_wait3A_179 : memref<10240x128xf32, #tpu.memory_space<hbm>>) dst(%arg13 : memref<128x128xf32, #tpu.memory_space<vmem>>)
        "tpu.region"() ({
          %run_scoped3A = tpu.sem_alloc : memref<!tpu.dma_semaphore, #tpu.memory_space<semaphore_mem>>
          %dma_start3A_180 = arith.constant 0 : i32
          %dma_start3A_181 = tpu.memref_slice %arg9[%add3A_163, %dma_start3A_180] : memref<88x128xi32, #tpu.memory_space<vmem>> -> memref<1x128xi32, #tpu.memory_space<vmem>>
          %dma_start3A_182 = tpu.memref_squeeze %dma_start3A_181 : memref<1x128xi32, #tpu.memory_space<vmem>> -> memref<128xi32, #tpu.memory_space<vmem>>
          %dma_start3A_183 = arith.constant 0 : i32
          %dma_start3A_184 = arith.constant 0 : i32
          %dma_start3A_185 = tpu.memref_slice %arg15[%dma_start3A_183, %dma_start3A_184] : memref<5128x128xf32, #tpu.memory_space<vmem_shared>> -> memref<5128x128xf32, #tpu.memory_space<vmem_shared>>
          tpu.enqueue_indirect_dma source(%arg13 : memref<128x128xf32, #tpu.memory_space<vmem>>) target(%dma_start3A_185 : memref<5128x128xf32, #tpu.memory_space<vmem_shared>>) offsets(%dma_start3A_182 : memref<128xi32, #tpu.memory_space<vmem>>) semaphore(%run_scoped3A : memref<!tpu.dma_semaphore, #tpu.memory_space<semaphore_mem>>) {add = true}
          %dma_wait3A_186 = arith.constant 0 : i32
          %dma_wait3A_187 = tpu.memref_slice %arg9[%add3A_163, %dma_wait3A_186] : memref<88x128xi32, #tpu.memory_space<vmem>> -> memref<1x128xi32, #tpu.memory_space<vmem>>
          %dma_wait3A_188 = tpu.memref_squeeze %dma_wait3A_187 : memref<1x128xi32, #tpu.memory_space<vmem>> -> memref<128xi32, #tpu.memory_space<vmem>>
          %dma_wait3A_189 = arith.constant 0 : i32
          %dma_wait3A_190 = arith.constant 0 : i32
          %dma_wait3A_191 = tpu.memref_slice %arg15[%dma_wait3A_189, %dma_wait3A_190] : memref<5128x128xf32, #tpu.memory_space<vmem_shared>> -> memref<5128x128xf32, #tpu.memory_space<vmem_shared>>
          tpu.wait_indirect_dma semaphore(%run_scoped3A : memref<!tpu.dma_semaphore, #tpu.memory_space<semaphore_mem>>) src(%arg13 : memref<128x128xf32, #tpu.memory_space<vmem>>) dst(%dma_wait3A_191 : memref<5128x128xf32, #tpu.memory_space<vmem_shared>>)
          tpu.yield
        }) : () -> ()
      } else {
      }
    }
    %barrier3A_116 = arith.constant 0 : index
    tpu.barrier barrier_id(%barrier3A_116)
    %mul3A_117 = arith.constant 320 : i32
    %mul3A_118 = arith.muli %arg1, %mul3A_117 : i32
    %mul3A_119 = arith.constant 5120 : i32
    %mul3A_120 = arith.muli %arg0, %mul3A_119 : i32
    %mul3A_121 = arith.constant 320 : i32
    %mul3A_122 = arith.muli %arg1, %mul3A_121 : i32
    %add3A_123 = arith.addi %mul3A_120, %mul3A_122 : i32
    "tpu.region"() ({
      %run_scoped3A = tpu.sem_alloc : memref<!tpu.dma_semaphore, #tpu.memory_space<semaphore_mem>>
      %dma_start3A_124 = arith.constant 0 : i32
      %dma_start3A_125 = tpu.memref_slice %arg7[%add3A_123, %dma_start3A_124] : memref<10240x128xf32, #tpu.memory_space<hbm>> -> memref<320x128xf32, #tpu.memory_space<hbm>>
      %dma_start3A_126 = arith.constant 0 : i32
      %dma_start3A_127 = tpu.memref_slice %arg15[%mul3A_118, %dma_start3A_126] : memref<5128x128xf32, #tpu.memory_space<vmem_shared>> -> memref<320x128xf32, #tpu.memory_space<vmem_shared>>
      tpu.enqueue_dma source(%dma_start3A_127 : memref<320x128xf32, #tpu.memory_space<vmem_shared>>) target(%dma_start3A_125 : memref<320x128xf32, #tpu.memory_space<hbm>>) target_semaphore(%run_scoped3A : memref<!tpu.dma_semaphore, #tpu.memory_space<semaphore_mem>>)
      %dma_wait3A_128 = arith.constant 0 : i32
      %dma_wait3A_129 = tpu.memref_slice %arg7[%add3A_123, %dma_wait3A_128] : memref<10240x128xf32, #tpu.memory_space<hbm>> -> memref<320x128xf32, #tpu.memory_space<hbm>>
      %dma_wait3A_130 = arith.constant 0 : i32
      %dma_wait3A_131 = tpu.memref_slice %arg15[%mul3A_118, %dma_wait3A_130] : memref<5128x128xf32, #tpu.memory_space<vmem_shared>> -> memref<320x128xf32, #tpu.memory_space<vmem_shared>>
      tpu.wait_dma2 semaphore(%run_scoped3A : memref<!tpu.dma_semaphore, #tpu.memory_space<semaphore_mem>>) src(%dma_wait3A_131 : memref<320x128xf32, #tpu.memory_space<vmem_shared>>) dst(%dma_wait3A_129 : memref<320x128xf32, #tpu.memory_space<hbm>>)
      tpu.yield
    }) : () -> ()
    return
  }
}

#map = affine_map<(d0, d1) -> (0, 0)>
#map1 = affine_map<(d0, d1) -> (0, 0, 0)>
#map2 = affine_map<(d0, d1) -> (0)>
module attributes {stable_mosaic.version = 14 : i64} {
  func.func @_neigh_body(%arg0: i32, %arg1: i32, %arg2: memref<10240x128xf32, #tpu.memory_space<hbm>>, %arg3: memref<32x88x128xi32, #tpu.memory_space<hbm>>, %arg4: memref<32x88x128xi32, #tpu.memory_space<hbm>>, %arg5: memref<512xi32, #tpu.memory_space<hbm>>, %arg6: memref<5128x128xf32, #tpu.memory_space<hbm>>, %arg7: memref<10240x128xf32, #tpu.memory_space<hbm>>, %arg8: memref<88x128xi32, #tpu.memory_space<vmem>>, %arg9: memref<88x128xi32, #tpu.memory_space<vmem>>, %arg10: memref<128x128xf32, #tpu.memory_space<vmem>>, %arg11: memref<128x128xf32, #tpu.memory_space<vmem>>, %arg12: memref<128x128xf32, #tpu.memory_space<vmem>>, %arg13: memref<128x128xf32, #tpu.memory_space<vmem>>, %arg14: memref<16xi32, #tpu.memory_space<vmem>>, %arg15: memref<5128x128xf32, #tpu.memory_space<vmem_shared>>, %arg16: memref<!tpu.dma_semaphore, #tpu.memory_space<semaphore_mem>>, %arg17: memref<!tpu.dma_semaphore, #tpu.memory_space<semaphore_mem>>, %arg18: memref<!tpu.dma_semaphore, #tpu.memory_space<semaphore_mem>>, %arg19: memref<!tpu.dma_semaphore, #tpu.memory_space<semaphore_mem>>, %arg20: memref<!tpu.dma_semaphore, #tpu.memory_space<semaphore_mem>>) attributes {dimension_semantics = [#tpu.dimension_semantics<core_parallel>, #tpu.dimension_semantics<subcore_parallel>], iteration_bounds = array<i64: 2, 16>, scalar_prefetch = 0 : i64, scratch_operands = 13 : i64, tpu.core_type = #tpu.core_type<sc_vector_subcore>, window_params = [{transform_indices = #map}, {transform_indices = #map1}, {transform_indices = #map1}, {transform_indices = #map2}, {transform_indices = #map}, {transform_indices = #map}]} {
    %mul3A = arith.constant 16 : i32
    %mul3A_0 = arith.muli %arg0, %mul3A : i32
    %add3A = arith.addi %mul3A_0, %arg1 : i32
    %dma_start3A = arith.constant 0 : i32
    %dma_start3A_1 = arith.constant 0 : i32
    %dma_start3A_2 = tpu.memref_slice %arg3[%add3A, %dma_start3A, %dma_start3A_1] : memref<32x88x128xi32, #tpu.memory_space<hbm>> -> memref<1x88x128xi32, #tpu.memory_space<hbm>>
    %dma_start3A_3 = tpu.memref_squeeze %dma_start3A_2 : memref<1x88x128xi32, #tpu.memory_space<hbm>> -> memref<88x128xi32, #tpu.memory_space<hbm>>
    %dma_start3A_4 = arith.constant 0 : i32
    %dma_start3A_5 = arith.constant 0 : i32
    %dma_start3A_6 = tpu.memref_slice %arg3[%add3A, %dma_start3A_4, %dma_start3A_5] : memref<32x88x128xi32, #tpu.memory_space<hbm>> -> memref<1x88x128xi32, #tpu.memory_space<hbm>>
    %dma_start3A_7 = tpu.memref_squeeze %dma_start3A_6 : memref<1x88x128xi32, #tpu.memory_space<hbm>> -> memref<88x128xi32, #tpu.memory_space<hbm>>
    tpu.enqueue_dma source(%dma_start3A_7 : memref<88x128xi32, #tpu.memory_space<hbm>>) target(%arg8 : memref<88x128xi32, #tpu.memory_space<vmem>>) target_semaphore(%arg16 : memref<!tpu.dma_semaphore, #tpu.memory_space<semaphore_mem>>)
    %dma_start3A_8 = arith.constant 0 : i32
    %dma_start3A_9 = arith.constant 0 : i32
    %dma_start3A_10 = tpu.memref_slice %arg4[%add3A, %dma_start3A_8, %dma_start3A_9] : memref<32x88x128xi32, #tpu.memory_space<hbm>> -> memref<1x88x128xi32, #tpu.memory_space<hbm>>
    %dma_start3A_11 = tpu.memref_squeeze %dma_start3A_10 : memref<1x88x128xi32, #tpu.memory_space<hbm>> -> memref<88x128xi32, #tpu.memory_space<hbm>>
    %dma_start3A_12 = arith.constant 0 : i32
    %dma_start3A_13 = arith.constant 0 : i32
    %dma_start3A_14 = tpu.memref_slice %arg4[%add3A, %dma_start3A_12, %dma_start3A_13] : memref<32x88x128xi32, #tpu.memory_space<hbm>> -> memref<1x88x128xi32, #tpu.memory_space<hbm>>
    %dma_start3A_15 = tpu.memref_squeeze %dma_start3A_14 : memref<1x88x128xi32, #tpu.memory_space<hbm>> -> memref<88x128xi32, #tpu.memory_space<hbm>>
    tpu.enqueue_dma source(%dma_start3A_15 : memref<88x128xi32, #tpu.memory_space<hbm>>) target(%arg9 : memref<88x128xi32, #tpu.memory_space<vmem>>) target_semaphore(%arg16 : memref<!tpu.dma_semaphore, #tpu.memory_space<semaphore_mem>>)
    %mul3A_16 = arith.constant 320 : i32
    %mul3A_17 = arith.muli %arg1, %mul3A_16 : i32
    %mul3A_18 = arith.constant 320 : i32
    %mul3A_19 = arith.muli %arg1, %mul3A_18 : i32
    "tpu.region"() ({
      %run_scoped3A = tpu.sem_alloc : memref<!tpu.dma_semaphore, #tpu.memory_space<semaphore_mem>>
      %dma_start3A_124 = arith.constant 0 : i32
      %dma_start3A_125 = tpu.memref_slice %arg15[%mul3A_19, %dma_start3A_124] : memref<5128x128xf32, #tpu.memory_space<vmem_shared>> -> memref<320x128xf32, #tpu.memory_space<vmem_shared>>
      %dma_start3A_126 = arith.constant 0 : i32
      %dma_start3A_127 = tpu.memref_slice %arg6[%mul3A_17, %dma_start3A_126] : memref<5128x128xf32, #tpu.memory_space<hbm>> -> memref<320x128xf32, #tpu.memory_space<hbm>>
      tpu.enqueue_dma source(%dma_start3A_127 : memref<320x128xf32, #tpu.memory_space<hbm>>) target(%dma_start3A_125 : memref<320x128xf32, #tpu.memory_space<vmem_shared>>) target_semaphore(%run_scoped3A : memref<!tpu.dma_semaphore, #tpu.memory_space<semaphore_mem>>)
      %dma_wait3A_128 = arith.constant 0 : i32
      %dma_wait3A_129 = tpu.memref_slice %arg15[%mul3A_19, %dma_wait3A_128] : memref<5128x128xf32, #tpu.memory_space<vmem_shared>> -> memref<320x128xf32, #tpu.memory_space<vmem_shared>>
      %dma_wait3A_130 = arith.constant 0 : i32
      %dma_wait3A_131 = tpu.memref_slice %arg6[%mul3A_17, %dma_wait3A_130] : memref<5128x128xf32, #tpu.memory_space<hbm>> -> memref<320x128xf32, #tpu.memory_space<hbm>>
      tpu.wait_dma2 semaphore(%run_scoped3A : memref<!tpu.dma_semaphore, #tpu.memory_space<semaphore_mem>>) src(%dma_wait3A_131 : memref<320x128xf32, #tpu.memory_space<hbm>>) dst(%dma_wait3A_129 : memref<320x128xf32, #tpu.memory_space<vmem_shared>>)
      tpu.yield
    }) : () -> ()
    %eq3A = arith.constant 0 : i32
    %eq3A_20 = arith.cmpi eq, %arg1, %eq3A : i32
    %convert_element_type3A = arith.extui %eq3A_20 : i1 to i32
    %cond3A = arith.constant 0 : i32
    %cond3A_21 = arith.cmpi ne, %convert_element_type3A, %cond3A : i32
    scf.if %cond3A_21 {
      "tpu.region"() ({
        %run_scoped3A = tpu.sem_alloc : memref<!tpu.dma_semaphore, #tpu.memory_space<semaphore_mem>>
        %dma_start3A_124 = arith.constant 5120 : i32
        %dma_start3A_125 = arith.constant 0 : i32
        %dma_start3A_126 = tpu.memref_slice %arg15[%dma_start3A_124, %dma_start3A_125] : memref<5128x128xf32, #tpu.memory_space<vmem_shared>> -> memref<8x128xf32, #tpu.memory_space<vmem_shared>>
        %dma_start3A_127 = arith.constant 5120 : i32
        %dma_start3A_128 = arith.constant 0 : i32
        %dma_start3A_129 = tpu.memref_slice %arg6[%dma_start3A_127, %dma_start3A_128] : memref<5128x128xf32, #tpu.memory_space<hbm>> -> memref<8x128xf32, #tpu.memory_space<hbm>>
        tpu.enqueue_dma source(%dma_start3A_129 : memref<8x128xf32, #tpu.memory_space<hbm>>) target(%dma_start3A_126 : memref<8x128xf32, #tpu.memory_space<vmem_shared>>) target_semaphore(%run_scoped3A : memref<!tpu.dma_semaphore, #tpu.memory_space<semaphore_mem>>)
        %dma_wait3A_130 = arith.constant 5120 : i32
        %dma_wait3A_131 = arith.constant 0 : i32
        %dma_wait3A_132 = tpu.memref_slice %arg15[%dma_wait3A_130, %dma_wait3A_131] : memref<5128x128xf32, #tpu.memory_space<vmem_shared>> -> memref<8x128xf32, #tpu.memory_space<vmem_shared>>
        %dma_wait3A_133 = arith.constant 5120 : i32
        %dma_wait3A_134 = arith.constant 0 : i32
        %dma_wait3A_135 = tpu.memref_slice %arg6[%dma_wait3A_133, %dma_wait3A_134] : memref<5128x128xf32, #tpu.memory_space<hbm>> -> memref<8x128xf32, #tpu.memory_space<hbm>>
        tpu.wait_dma2 semaphore(%run_scoped3A : memref<!tpu.dma_semaphore, #tpu.memory_space<semaphore_mem>>) src(%dma_wait3A_135 : memref<8x128xf32, #tpu.memory_space<hbm>>) dst(%dma_wait3A_132 : memref<8x128xf32, #tpu.memory_space<vmem_shared>>)
        tpu.yield
      }) : () -> ()
    } else {
    }
    %barrier3A = arith.constant 0 : index
    tpu.barrier barrier_id(%barrier3A)
    %mul3A_22 = arith.constant 16 : i32
    %mul3A_23 = arith.muli %add3A, %mul3A_22 : i32
    "tpu.region"() ({
      %run_scoped3A = tpu.sem_alloc : memref<!tpu.dma_semaphore, #tpu.memory_space<semaphore_mem>>
      %dma_start3A_124 = tpu.memref_slice %arg5[%mul3A_23] : memref<512xi32, #tpu.memory_space<hbm>> -> memref<16xi32, #tpu.memory_space<hbm>>
      %dma_start3A_125 = tpu.memref_slice %arg5[%mul3A_23] : memref<512xi32, #tpu.memory_space<hbm>> -> memref<16xi32, #tpu.memory_space<hbm>>
      tpu.enqueue_dma source(%dma_start3A_125 : memref<16xi32, #tpu.memory_space<hbm>>) target(%arg14 : memref<16xi32, #tpu.memory_space<vmem>>) target_semaphore(%run_scoped3A : memref<!tpu.dma_semaphore, #tpu.memory_space<semaphore_mem>>)
      %dma_wait3A_126 = tpu.memref_slice %arg5[%mul3A_23] : memref<512xi32, #tpu.memory_space<hbm>> -> memref<16xi32, #tpu.memory_space<hbm>>
      %dma_wait3A_127 = tpu.memref_slice %arg5[%mul3A_23] : memref<512xi32, #tpu.memory_space<hbm>> -> memref<16xi32, #tpu.memory_space<hbm>>
      tpu.wait_dma2 semaphore(%run_scoped3A : memref<!tpu.dma_semaphore, #tpu.memory_space<semaphore_mem>>) src(%dma_wait3A_127 : memref<16xi32, #tpu.memory_space<hbm>>) dst(%arg14 : memref<16xi32, #tpu.memory_space<vmem>>)
      tpu.yield
    }) : () -> ()
    %get3A = arith.constant 0 : index
    %get3A_24 = tpu.vector_load %arg14[%get3A] {strides = array<i32>} : memref<16xi32, #tpu.memory_space<vmem>>, vector<16xi32>,
    %reduce_max3A = arith.constant true
    %reduce_max3A_25 = vector.broadcast %reduce_max3A : i1 to vector<16xi1>
    %reduce_max3A_26 = arith.constant -2147483648 : i32
    %reduce_max3A_27 = vector.broadcast %reduce_max3A_26 : i32 to vector<16xi32>
    %reduce_max3A_28 = arith.xori %get3A_24, %reduce_max3A_27 : vector<16xi32>
    %reduce_max3A_29 = tpu.scan <max>, %reduce_max3A_28 masked %reduce_max3A_25 : vector<16xi32>, vector<16xi1> -> vector<16xi32>
    %reduce_max3A_30 = arith.xori %reduce_max3A_29, %reduce_max3A_27 : vector<16xi32>
    %reduce_max3A_31 = vector.extract %reduce_max3A_30[15] : i32 from vector<16xi32>
    %add3A_32 = arith.constant 128 : i32
    %add3A_33 = arith.addi %reduce_max3A_31, %add3A_32 : i32
    %sub3A = arith.constant 1 : i32
    %sub3A_34 = arith.subi %add3A_33, %sub3A : i32
    %jit3A = arith.constant 128 : i32
    %div3A = arith.divsi %sub3A_34, %jit3A : i32
    %sign3A = arith.constant 0 : i32
    %sign3A_35 = arith.cmpi sgt, %sub3A_34, %sign3A : i32
    %sign3A_36 = arith.extui %sign3A_35 : i1 to i32
    %sign3A_37 = arith.constant 0 : i32
    %sign3A_38 = arith.cmpi slt, %sub3A_34, %sign3A_37 : i32
    %sign3A_39 = arith.extui %sign3A_38 : i1 to i32
    %sign3A_40 = arith.subi %sign3A_36, %sign3A_39 : i32
    %sign3A_41 = arith.constant 0 : i32
    %sign3A_42 = arith.cmpi sgt, %jit3A, %sign3A_41 : i32
    %sign3A_43 = arith.extui %sign3A_42 : i1 to i32
    %sign3A_44 = arith.constant 0 : i32
    %sign3A_45 = arith.cmpi slt, %jit3A, %sign3A_44 : i32
    %sign3A_46 = arith.extui %sign3A_45 : i1 to i32
    %sign3A_47 = arith.subi %sign3A_43, %sign3A_46 : i32
    %ne3A = arith.cmpi ne, %sign3A_40, %sign3A_47 : i32
    %rem3A = arith.remsi %sub3A_34, %jit3A : i32
    %ne3A_48 = arith.constant 0 : i32
    %ne3A_49 = arith.cmpi ne, %rem3A, %ne3A_48 : i32
    %and3A = arith.andi %ne3A, %ne3A_49 : i1
    %sub3A_50 = arith.constant 1 : i32
    %sub3A_51 = arith.subi %div3A, %sub3A_50 : i32
    %select_n3A = arith.select %and3A, %sub3A_51, %div3A : i32
    %dma_wait3A = arith.constant 0 : i32
    %dma_wait3A_52 = arith.constant 0 : i32
    %dma_wait3A_53 = tpu.memref_slice %arg3[%add3A, %dma_wait3A, %dma_wait3A_52] : memref<32x88x128xi32, #tpu.memory_space<hbm>> -> memref<1x88x128xi32, #tpu.memory_space<hbm>>
    %dma_wait3A_54 = tpu.memref_squeeze %dma_wait3A_53 : memref<1x88x128xi32, #tpu.memory_space<hbm>> -> memref<88x128xi32, #tpu.memory_space<hbm>>
    %dma_wait3A_55 = arith.constant 0 : i32
    %dma_wait3A_56 = arith.constant 0 : i32
    %dma_wait3A_57 = tpu.memref_slice %arg3[%add3A, %dma_wait3A_55, %dma_wait3A_56] : memref<32x88x128xi32, #tpu.memory_space<hbm>> -> memref<1x88x128xi32, #tpu.memory_space<hbm>>
    %dma_wait3A_58 = tpu.memref_squeeze %dma_wait3A_57 : memref<1x88x128xi32, #tpu.memory_space<hbm>> -> memref<88x128xi32, #tpu.memory_space<hbm>>
    tpu.wait_dma2 semaphore(%arg16 : memref<!tpu.dma_semaphore, #tpu.memory_space<semaphore_mem>>) src(%dma_wait3A_58 : memref<88x128xi32, #tpu.memory_space<hbm>>) dst(%arg8 : memref<88x128xi32, #tpu.memory_space<vmem>>)
    %dma_wait3A_59 = arith.constant 0 : i32
    %dma_wait3A_60 = arith.constant 0 : i32
    %dma_wait3A_61 = tpu.memref_slice %arg4[%add3A, %dma_wait3A_59, %dma_wait3A_60] : memref<32x88x128xi32, #tpu.memory_space<hbm>> -> memref<1x88x128xi32, #tpu.memory_space<hbm>>
    %dma_wait3A_62 = tpu.memref_squeeze %dma_wait3A_61 : memref<1x88x128xi32, #tpu.memory_space<hbm>> -> memref<88x128xi32, #tpu.memory_space<hbm>>
    %dma_wait3A_63 = arith.constant 0 : i32
    %dma_wait3A_64 = arith.constant 0 : i32
    %dma_wait3A_65 = tpu.memref_slice %arg4[%add3A, %dma_wait3A_63, %dma_wait3A_64] : memref<32x88x128xi32, #tpu.memory_space<hbm>> -> memref<1x88x128xi32, #tpu.memory_space<hbm>>
    %dma_wait3A_66 = tpu.memref_squeeze %dma_wait3A_65 : memref<1x88x128xi32, #tpu.memory_space<hbm>> -> memref<88x128xi32, #tpu.memory_space<hbm>>
    tpu.wait_dma2 semaphore(%arg16 : memref<!tpu.dma_semaphore, #tpu.memory_space<semaphore_mem>>) src(%dma_wait3A_66 : memref<88x128xi32, #tpu.memory_space<hbm>>) dst(%arg9 : memref<88x128xi32, #tpu.memory_space<vmem>>)
    %gt3A = arith.constant 0 : i32
    %gt3A_67 = arith.cmpi sgt, %select_n3A, %gt3A : i32
    %convert_element_type3A_68 = arith.extui %gt3A_67 : i1 to i32
    %cond3A_69 = arith.constant 0 : i32
    %cond3A_70 = arith.cmpi ne, %convert_element_type3A_68, %cond3A_69 : i32
    scf.if %cond3A_70 {
      %dma_start3A_124 = arith.constant 0 : i32
      %dma_start3A_125 = arith.constant 0 : i32
      %dma_start3A_126 = tpu.memref_slice %arg8[%dma_start3A_124, %dma_start3A_125] : memref<88x128xi32, #tpu.memory_space<vmem>> -> memref<1x128xi32, #tpu.memory_space<vmem>>
      %dma_start3A_127 = tpu.memref_squeeze %dma_start3A_126 : memref<1x128xi32, #tpu.memory_space<vmem>> -> memref<128xi32, #tpu.memory_space<vmem>>
      %dma_start3A_128 = arith.constant 0 : i32
      %dma_start3A_129 = arith.constant 0 : i32
      %dma_start3A_130 = tpu.memref_slice %arg2[%dma_start3A_128, %dma_start3A_129] : memref<10240x128xf32, #tpu.memory_space<hbm>> -> memref<10240x128xf32, #tpu.memory_space<hbm>>
      tpu.enqueue_indirect_dma source(%dma_start3A_130 : memref<10240x128xf32, #tpu.memory_space<hbm>>) target(%arg10 : memref<128x128xf32, #tpu.memory_space<vmem>>) offsets(%dma_start3A_127 : memref<128xi32, #tpu.memory_space<vmem>>) semaphore(%arg17 : memref<!tpu.dma_semaphore, #tpu.memory_space<semaphore_mem>>)
    } else {
    }
    %gt3A_71 = arith.constant 1 : i32
    %gt3A_72 = arith.cmpi sgt, %select_n3A, %gt3A_71 : i32
    %convert_element_type3A_73 = arith.extui %gt3A_72 : i1 to i32
    %cond3A_74 = arith.constant 0 : i32
    %cond3A_75 = arith.cmpi ne, %convert_element_type3A_73, %cond3A_74 : i32
    scf.if %cond3A_75 {
      %dma_start3A_124 = arith.constant 1 : i32
      %dma_start3A_125 = arith.constant 0 : i32
      %dma_start3A_126 = tpu.memref_slice %arg8[%dma_start3A_124, %dma_start3A_125] : memref<88x128xi32, #tpu.memory_space<vmem>> -> memref<1x128xi32, #tpu.memory_space<vmem>>
      %dma_start3A_127 = tpu.memref_squeeze %dma_start3A_126 : memref<1x128xi32, #tpu.memory_space<vmem>> -> memref<128xi32, #tpu.memory_space<vmem>>
      %dma_start3A_128 = arith.constant 0 : i32
      %dma_start3A_129 = arith.constant 0 : i32
      %dma_start3A_130 = tpu.memref_slice %arg2[%dma_start3A_128, %dma_start3A_129] : memref<10240x128xf32, #tpu.memory_space<hbm>> -> memref<10240x128xf32, #tpu.memory_space<hbm>>
      tpu.enqueue_indirect_dma source(%dma_start3A_130 : memref<10240x128xf32, #tpu.memory_space<hbm>>) target(%arg11 : memref<128x128xf32, #tpu.memory_space<vmem>>) offsets(%dma_start3A_127 : memref<128xi32, #tpu.memory_space<vmem>>) semaphore(%arg18 : memref<!tpu.dma_semaphore, #tpu.memory_space<semaphore_mem>>)
    } else {
    }
    %gt3A_76 = arith.constant 2 : i32
    %gt3A_77 = arith.cmpi sgt, %select_n3A, %gt3A_76 : i32
    %convert_element_type3A_78 = arith.extui %gt3A_77 : i1 to i32
    %cond3A_79 = arith.constant 0 : i32
    %cond3A_80 = arith.cmpi ne, %convert_element_type3A_78, %cond3A_79 : i32
    scf.if %cond3A_80 {
      %dma_start3A_124 = arith.constant 2 : i32
      %dma_start3A_125 = arith.constant 0 : i32
      %dma_start3A_126 = tpu.memref_slice %arg8[%dma_start3A_124, %dma_start3A_125] : memref<88x128xi32, #tpu.memory_space<vmem>> -> memref<1x128xi32, #tpu.memory_space<vmem>>
      %dma_start3A_127 = tpu.memref_squeeze %dma_start3A_126 : memref<1x128xi32, #tpu.memory_space<vmem>> -> memref<128xi32, #tpu.memory_space<vmem>>
      %dma_start3A_128 = arith.constant 0 : i32
      %dma_start3A_129 = arith.constant 0 : i32
      %dma_start3A_130 = tpu.memref_slice %arg2[%dma_start3A_128, %dma_start3A_129] : memref<10240x128xf32, #tpu.memory_space<hbm>> -> memref<10240x128xf32, #tpu.memory_space<hbm>>
      tpu.enqueue_indirect_dma source(%dma_start3A_130 : memref<10240x128xf32, #tpu.memory_space<hbm>>) target(%arg12 : memref<128x128xf32, #tpu.memory_space<vmem>>) offsets(%dma_start3A_127 : memref<128xi32, #tpu.memory_space<vmem>>) semaphore(%arg19 : memref<!tpu.dma_semaphore, #tpu.memory_space<semaphore_mem>>)
    } else {
    }
    %add3A_81 = arith.constant 3 : i32
    %add3A_82 = arith.addi %select_n3A, %add3A_81 : i32
    %jit3A_83 = arith.constant 4 : i32
    %div3A_84 = arith.divsi %add3A_82, %jit3A_83 : i32
    %sign3A_85 = arith.constant 0 : i32
    %sign3A_86 = arith.cmpi sgt, %add3A_82, %sign3A_85 : i32
    %sign3A_87 = arith.extui %sign3A_86 : i1 to i32
    %sign3A_88 = arith.constant 0 : i32
    %sign3A_89 = arith.cmpi slt, %add3A_82, %sign3A_88 : i32
    %sign3A_90 = arith.extui %sign3A_89 : i1 to i32
    %sign3A_91 = arith.subi %sign3A_87, %sign3A_90 : i32
    %sign3A_92 = arith.constant 0 : i32
    %sign3A_93 = arith.cmpi sgt, %jit3A_83, %sign3A_92 : i32
    %sign3A_94 = arith.extui %sign3A_93 : i1 to i32
    %sign3A_95 = arith.constant 0 : i32
    %sign3A_96 = arith.cmpi slt, %jit3A_83, %sign3A_95 : i32
    %sign3A_97 = arith.extui %sign3A_96 : i1 to i32
    %sign3A_98 = arith.subi %sign3A_94, %sign3A_97 : i32
    %ne3A_99 = arith.cmpi ne, %sign3A_91, %sign3A_98 : i32
    %rem3A_100 = arith.remsi %add3A_82, %jit3A_83 : i32
    %ne3A_101 = arith.constant 0 : i32
    %ne3A_102 = arith.cmpi ne, %rem3A_100, %ne3A_101 : i32
    %and3A_103 = arith.andi %ne3A_99, %ne3A_102 : i1
    %sub3A_104 = arith.constant 1 : i32
    %sub3A_105 = arith.subi %div3A_84, %sub3A_104 : i32
    %select_n3A_106 = arith.select %and3A_103, %sub3A_105, %div3A_84 : i32
    %while3A = arith.constant 0 : i32
    %while3A_107 = arith.constant 0 : i32
    %while3A_108 = arith.subi %select_n3A_106, %while3A_107 : i32
    %while3A_109 = arith.addi %while3A_107, %while3A_108 : i32
    %while3A_110 = arith.constant 1 : i32
    %while3A_111 = arith.divsi %while3A_108, %while3A_110 : i32
    %while3A_112 = arith.muli %while3A_111, %while3A_110 : i32
    %while3A_113 = arith.addi %while3A_107, %while3A_112 : i32
    %while3A_114 = arith.constant 1 : i32
    scf.for %while3A_124 = %while3A_107 to %while3A_113 step %while3A_114  : i32 {
      %mul3A_125 = arith.constant 4 : i32
      %mul3A_126 = arith.muli %mul3A_125, %while3A_124 : i32
      %add3A_127 = arith.constant 0 : i32
      %add3A_128 = arith.addi %mul3A_126, %add3A_127 : i32
      %add3A_129 = arith.constant 3 : i32
      %add3A_130 = arith.addi %add3A_128, %add3A_129 : i32
      %lt3A = arith.cmpi slt, %add3A_130, %select_n3A : i32
      %convert_element_type3A_131 = arith.extui %lt3A : i1 to i32
      %cond3A_132 = arith.constant 0 : i32
      %cond3A_133 = arith.cmpi ne, %convert_element_type3A_131, %cond3A_132 : i32
      scf.if %cond3A_133 {
        %dma_start3A_174 = arith.constant 0 : i32
        %dma_start3A_175 = tpu.memref_slice %arg8[%add3A_130, %dma_start3A_174] : memref<88x128xi32, #tpu.memory_space<vmem>> -> memref<1x128xi32, #tpu.memory_space<vmem>>
        %dma_start3A_176 = tpu.memref_squeeze %dma_start3A_175 : memref<1x128xi32, #tpu.memory_space<vmem>> -> memref<128xi32, #tpu.memory_space<vmem>>
        %dma_start3A_177 = arith.constant 0 : i32
        %dma_start3A_178 = arith.constant 0 : i32
        %dma_start3A_179 = tpu.memref_slice %arg2[%dma_start3A_177, %dma_start3A_178] : memref<10240x128xf32, #tpu.memory_space<hbm>> -> memref<10240x128xf32, #tpu.memory_space<hbm>>
        tpu.enqueue_indirect_dma source(%dma_start3A_179 : memref<10240x128xf32, #tpu.memory_space<hbm>>) target(%arg13 : memref<128x128xf32, #tpu.memory_space<vmem>>) offsets(%dma_start3A_176 : memref<128xi32, #tpu.memory_space<vmem>>) semaphore(%arg20 : memref<!tpu.dma_semaphore, #tpu.memory_space<semaphore_mem>>)
      } else {
      }
      %lt3A_134 = arith.cmpi slt, %add3A_128, %select_n3A : i32
      %convert_element_type3A_135 = arith.extui %lt3A_134 : i1 to i32
      %cond3A_136 = arith.constant 0 : i32
      %cond3A_137 = arith.cmpi ne, %convert_element_type3A_135, %cond3A_136 : i32
      scf.if %cond3A_137 {
        %dma_wait3A_174 = arith.constant 0 : i32
        %dma_wait3A_175 = tpu.memref_slice %arg8[%add3A_128, %dma_wait3A_174] : memref<88x128xi32, #tpu.memory_space<vmem>> -> memref<1x128xi32, #tpu.memory_space<vmem>>
        %dma_wait3A_176 = tpu.memref_squeeze %dma_wait3A_175 : memref<1x128xi32, #tpu.memory_space<vmem>> -> memref<128xi32, #tpu.memory_space<vmem>>
        %dma_wait3A_177 = arith.constant 0 : i32
        %dma_wait3A_178 = arith.constant 0 : i32
        %dma_wait3A_179 = tpu.memref_slice %arg2[%dma_wait3A_177, %dma_wait3A_178] : memref<10240x128xf32, #tpu.memory_space<hbm>> -> memref<10240x128xf32, #tpu.memory_space<hbm>>
        tpu.wait_indirect_dma semaphore(%arg17 : memref<!tpu.dma_semaphore, #tpu.memory_space<semaphore_mem>>) src(%dma_wait3A_179 : memref<10240x128xf32, #tpu.memory_space<hbm>>) dst(%arg10 : memref<128x128xf32, #tpu.memory_space<vmem>>)
        "tpu.region"() ({
          %run_scoped3A = tpu.sem_alloc : memref<!tpu.dma_semaphore, #tpu.memory_space<semaphore_mem>>
          %dma_start3A_180 = arith.constant 0 : i32
          %dma_start3A_181 = tpu.memref_slice %arg9[%add3A_128, %dma_start3A_180] : memref<88x128xi32, #tpu.memory_space<vmem>> -> memref<1x128xi32, #tpu.memory_space<vmem>>
          %dma_start3A_182 = tpu.memref_squeeze %dma_start3A_181 : memref<1x128xi32, #tpu.memory_space<vmem>> -> memref<128xi32, #tpu.memory_space<vmem>>
          %dma_start3A_183 = arith.constant 0 : i32
          %dma_start3A_184 = arith.constant 0 : i32
          %dma_start3A_185 = tpu.memref_slice %arg15[%dma_start3A_183, %dma_start3A_184] : memref<5128x128xf32, #tpu.memory_space<vmem_shared>> -> memref<5128x128xf32, #tpu.memory_space<vmem_shared>>
          tpu.enqueue_indirect_dma source(%arg10 : memref<128x128xf32, #tpu.memory_space<vmem>>) target(%dma_start3A_185 : memref<5128x128xf32, #tpu.memory_space<vmem_shared>>) offsets(%dma_start3A_182 : memref<128xi32, #tpu.memory_space<vmem>>) semaphore(%run_scoped3A : memref<!tpu.dma_semaphore, #tpu.memory_space<semaphore_mem>>) {add = true}
          %dma_wait3A_186 = arith.constant 0 : i32
          %dma_wait3A_187 = tpu.memref_slice %arg9[%add3A_128, %dma_wait3A_186] : memref<88x128xi32, #tpu.memory_space<vmem>> -> memref<1x128xi32, #tpu.memory_space<vmem>>
          %dma_wait3A_188 = tpu.memref_squeeze %dma_wait3A_187 : memref<1x128xi32, #tpu.memory_space<vmem>> -> memref<128xi32, #tpu.memory_space<vmem>>
          %dma_wait3A_189 = arith.constant 0 : i32
          %dma_wait3A_190 = arith.constant 0 : i32
          %dma_wait3A_191 = tpu.memref_slice %arg15[%dma_wait3A_189, %dma_wait3A_190] : memref<5128x128xf32, #tpu.memory_space<vmem_shared>> -> memref<5128x128xf32, #tpu.memory_space<vmem_shared>>
          tpu.wait_indirect_dma semaphore(%run_scoped3A : memref<!tpu.dma_semaphore, #tpu.memory_space<semaphore_mem>>) src(%arg10 : memref<128x128xf32, #tpu.memory_space<vmem>>) dst(%dma_wait3A_191 : memref<5128x128xf32, #tpu.memory_space<vmem_shared>>)
          tpu.yield
        }) : () -> ()
      } else {
      }
      %add3A_138 = arith.constant 1 : i32
      %add3A_139 = arith.addi %mul3A_126, %add3A_138 : i32
      %add3A_140 = arith.constant 3 : i32
      %add3A_141 = arith.addi %add3A_139, %add3A_140 : i32
      %lt3A_142 = arith.cmpi slt, %add3A_141, %select_n3A : i32
      %convert_element_type3A_143 = arith.extui %lt3A_142 : i1 to i32
      %cond3A_144 = arith.constant 0 : i32
      %cond3A_145 = arith.cmpi ne, %convert_element_type3A_143, %cond3A_144 : i32
      scf.if %cond3A_145 {
        %dma_start3A_174 = arith.constant 0 : i32
        %dma_start3A_175 = tpu.memref_slice %arg8[%add3A_141, %dma_start3A_174] : memref<88x128xi32, #tpu.memory_space<vmem>> -> memref<1x128xi32, #tpu.memory_space<vmem>>
        %dma_start3A_176 = tpu.memref_squeeze %dma_start3A_175 : memref<1x128xi32, #tpu.memory_space<vmem>> -> memref<128xi32, #tpu.memory_space<vmem>>
        %dma_start3A_177 = arith.constant 0 : i32
        %dma_start3A_178 = arith.constant 0 : i32
        %dma_start3A_179 = tpu.memref_slice %arg2[%dma_start3A_177, %dma_start3A_178] : memref<10240x128xf32, #tpu.memory_space<hbm>> -> memref<10240x128xf32, #tpu.memory_space<hbm>>
        tpu.enqueue_indirect_dma source(%dma_start3A_179 : memref<10240x128xf32, #tpu.memory_space<hbm>>) target(%arg10 : memref<128x128xf32, #tpu.memory_space<vmem>>) offsets(%dma_start3A_176 : memref<128xi32, #tpu.memory_space<vmem>>) semaphore(%arg17 : memref<!tpu.dma_semaphore, #tpu.memory_space<semaphore_mem>>)
      } else {
      }
      %lt3A_146 = arith.cmpi slt, %add3A_139, %select_n3A : i32
      %convert_element_type3A_147 = arith.extui %lt3A_146 : i1 to i32
      %cond3A_148 = arith.constant 0 : i32
      %cond3A_149 = arith.cmpi ne, %convert_element_type3A_147, %cond3A_148 : i32
      scf.if %cond3A_149 {
        %dma_wait3A_174 = arith.constant 0 : i32
        %dma_wait3A_175 = tpu.memref_slice %arg8[%add3A_139, %dma_wait3A_174] : memref<88x128xi32, #tpu.memory_space<vmem>> -> memref<1x128xi32, #tpu.memory_space<vmem>>
        %dma_wait3A_176 = tpu.memref_squeeze %dma_wait3A_175 : memref<1x128xi32, #tpu.memory_space<vmem>> -> memref<128xi32, #tpu.memory_space<vmem>>
        %dma_wait3A_177 = arith.constant 0 : i32
        %dma_wait3A_178 = arith.constant 0 : i32
        %dma_wait3A_179 = tpu.memref_slice %arg2[%dma_wait3A_177, %dma_wait3A_178] : memref<10240x128xf32, #tpu.memory_space<hbm>> -> memref<10240x128xf32, #tpu.memory_space<hbm>>
        tpu.wait_indirect_dma semaphore(%arg18 : memref<!tpu.dma_semaphore, #tpu.memory_space<semaphore_mem>>) src(%dma_wait3A_179 : memref<10240x128xf32, #tpu.memory_space<hbm>>) dst(%arg11 : memref<128x128xf32, #tpu.memory_space<vmem>>)
        "tpu.region"() ({
          %run_scoped3A = tpu.sem_alloc : memref<!tpu.dma_semaphore, #tpu.memory_space<semaphore_mem>>
          %dma_start3A_180 = arith.constant 0 : i32
          %dma_start3A_181 = tpu.memref_slice %arg9[%add3A_139, %dma_start3A_180] : memref<88x128xi32, #tpu.memory_space<vmem>> -> memref<1x128xi32, #tpu.memory_space<vmem>>
          %dma_start3A_182 = tpu.memref_squeeze %dma_start3A_181 : memref<1x128xi32, #tpu.memory_space<vmem>> -> memref<128xi32, #tpu.memory_space<vmem>>
          %dma_start3A_183 = arith.constant 0 : i32
          %dma_start3A_184 = arith.constant 0 : i32
          %dma_start3A_185 = tpu.memref_slice %arg15[%dma_start3A_183, %dma_start3A_184] : memref<5128x128xf32, #tpu.memory_space<vmem_shared>> -> memref<5128x128xf32, #tpu.memory_space<vmem_shared>>
          tpu.enqueue_indirect_dma source(%arg11 : memref<128x128xf32, #tpu.memory_space<vmem>>) target(%dma_start3A_185 : memref<5128x128xf32, #tpu.memory_space<vmem_shared>>) offsets(%dma_start3A_182 : memref<128xi32, #tpu.memory_space<vmem>>) semaphore(%run_scoped3A : memref<!tpu.dma_semaphore, #tpu.memory_space<semaphore_mem>>) {add = true}
          %dma_wait3A_186 = arith.constant 0 : i32
          %dma_wait3A_187 = tpu.memref_slice %arg9[%add3A_139, %dma_wait3A_186] : memref<88x128xi32, #tpu.memory_space<vmem>> -> memref<1x128xi32, #tpu.memory_space<vmem>>
          %dma_wait3A_188 = tpu.memref_squeeze %dma_wait3A_187 : memref<1x128xi32, #tpu.memory_space<vmem>> -> memref<128xi32, #tpu.memory_space<vmem>>
          %dma_wait3A_189 = arith.constant 0 : i32
          %dma_wait3A_190 = arith.constant 0 : i32
          %dma_wait3A_191 = tpu.memref_slice %arg15[%dma_wait3A_189, %dma_wait3A_190] : memref<5128x128xf32, #tpu.memory_space<vmem_shared>> -> memref<5128x128xf32, #tpu.memory_space<vmem_shared>>
          tpu.wait_indirect_dma semaphore(%run_scoped3A : memref<!tpu.dma_semaphore, #tpu.memory_space<semaphore_mem>>) src(%arg11 : memref<128x128xf32, #tpu.memory_space<vmem>>) dst(%dma_wait3A_191 : memref<5128x128xf32, #tpu.memory_space<vmem_shared>>)
          tpu.yield
        }) : () -> ()
      } else {
      }
      %add3A_150 = arith.constant 2 : i32
      %add3A_151 = arith.addi %mul3A_126, %add3A_150 : i32
      %add3A_152 = arith.constant 3 : i32
      %add3A_153 = arith.addi %add3A_151, %add3A_152 : i32
      %lt3A_154 = arith.cmpi slt, %add3A_153, %select_n3A : i32
      %convert_element_type3A_155 = arith.extui %lt3A_154 : i1 to i32
      %cond3A_156 = arith.constant 0 : i32
      %cond3A_157 = arith.cmpi ne, %convert_element_type3A_155, %cond3A_156 : i32
      scf.if %cond3A_157 {
        %dma_start3A_174 = arith.constant 0 : i32
        %dma_start3A_175 = tpu.memref_slice %arg8[%add3A_153, %dma_start3A_174] : memref<88x128xi32, #tpu.memory_space<vmem>> -> memref<1x128xi32, #tpu.memory_space<vmem>>
        %dma_start3A_176 = tpu.memref_squeeze %dma_start3A_175 : memref<1x128xi32, #tpu.memory_space<vmem>> -> memref<128xi32, #tpu.memory_space<vmem>>
        %dma_start3A_177 = arith.constant 0 : i32
        %dma_start3A_178 = arith.constant 0 : i32
        %dma_start3A_179 = tpu.memref_slice %arg2[%dma_start3A_177, %dma_start3A_178] : memref<10240x128xf32, #tpu.memory_space<hbm>> -> memref<10240x128xf32, #tpu.memory_space<hbm>>
        tpu.enqueue_indirect_dma source(%dma_start3A_179 : memref<10240x128xf32, #tpu.memory_space<hbm>>) target(%arg11 : memref<128x128xf32, #tpu.memory_space<vmem>>) offsets(%dma_start3A_176 : memref<128xi32, #tpu.memory_space<vmem>>) semaphore(%arg18 : memref<!tpu.dma_semaphore, #tpu.memory_space<semaphore_mem>>)
      } else {
      }
      %lt3A_158 = arith.cmpi slt, %add3A_151, %select_n3A : i32
      %convert_element_type3A_159 = arith.extui %lt3A_158 : i1 to i32
      %cond3A_160 = arith.constant 0 : i32
      %cond3A_161 = arith.cmpi ne, %convert_element_type3A_159, %cond3A_160 : i32
      scf.if %cond3A_161 {
        %dma_wait3A_174 = arith.constant 0 : i32
        %dma_wait3A_175 = tpu.memref_slice %arg8[%add3A_151, %dma_wait3A_174] : memref<88x128xi32, #tpu.memory_space<vmem>> -> memref<1x128xi32, #tpu.memory_space<vmem>>
        %dma_wait3A_176 = tpu.memref_squeeze %dma_wait3A_175 : memref<1x128xi32, #tpu.memory_space<vmem>> -> memref<128xi32, #tpu.memory_space<vmem>>
        %dma_wait3A_177 = arith.constant 0 : i32
        %dma_wait3A_178 = arith.constant 0 : i32
        %dma_wait3A_179 = tpu.memref_slice %arg2[%dma_wait3A_177, %dma_wait3A_178] : memref<10240x128xf32, #tpu.memory_space<hbm>> -> memref<10240x128xf32, #tpu.memory_space<hbm>>
        tpu.wait_indirect_dma semaphore(%arg19 : memref<!tpu.dma_semaphore, #tpu.memory_space<semaphore_mem>>) src(%dma_wait3A_179 : memref<10240x128xf32, #tpu.memory_space<hbm>>) dst(%arg12 : memref<128x128xf32, #tpu.memory_space<vmem>>)
        "tpu.region"() ({
          %run_scoped3A = tpu.sem_alloc : memref<!tpu.dma_semaphore, #tpu.memory_space<semaphore_mem>>
          %dma_start3A_180 = arith.constant 0 : i32
          %dma_start3A_181 = tpu.memref_slice %arg9[%add3A_151, %dma_start3A_180] : memref<88x128xi32, #tpu.memory_space<vmem>> -> memref<1x128xi32, #tpu.memory_space<vmem>>
          %dma_start3A_182 = tpu.memref_squeeze %dma_start3A_181 : memref<1x128xi32, #tpu.memory_space<vmem>> -> memref<128xi32, #tpu.memory_space<vmem>>
          %dma_start3A_183 = arith.constant 0 : i32
          %dma_start3A_184 = arith.constant 0 : i32
          %dma_start3A_185 = tpu.memref_slice %arg15[%dma_start3A_183, %dma_start3A_184] : memref<5128x128xf32, #tpu.memory_space<vmem_shared>> -> memref<5128x128xf32, #tpu.memory_space<vmem_shared>>
          tpu.enqueue_indirect_dma source(%arg12 : memref<128x128xf32, #tpu.memory_space<vmem>>) target(%dma_start3A_185 : memref<5128x128xf32, #tpu.memory_space<vmem_shared>>) offsets(%dma_start3A_182 : memref<128xi32, #tpu.memory_space<vmem>>) semaphore(%run_scoped3A : memref<!tpu.dma_semaphore, #tpu.memory_space<semaphore_mem>>) {add = true}
          %dma_wait3A_186 = arith.constant 0 : i32
          %dma_wait3A_187 = tpu.memref_slice %arg9[%add3A_151, %dma_wait3A_186] : memref<88x128xi32, #tpu.memory_space<vmem>> -> memref<1x128xi32, #tpu.memory_space<vmem>>
          %dma_wait3A_188 = tpu.memref_squeeze %dma_wait3A_187 : memref<1x128xi32, #tpu.memory_space<vmem>> -> memref<128xi32, #tpu.memory_space<vmem>>
          %dma_wait3A_189 = arith.constant 0 : i32
          %dma_wait3A_190 = arith.constant 0 : i32
          %dma_wait3A_191 = tpu.memref_slice %arg15[%dma_wait3A_189, %dma_wait3A_190] : memref<5128x128xf32, #tpu.memory_space<vmem_shared>> -> memref<5128x128xf32, #tpu.memory_space<vmem_shared>>
          tpu.wait_indirect_dma semaphore(%run_scoped3A : memref<!tpu.dma_semaphore, #tpu.memory_space<semaphore_mem>>) src(%arg12 : memref<128x128xf32, #tpu.memory_space<vmem>>) dst(%dma_wait3A_191 : memref<5128x128xf32, #tpu.memory_space<vmem_shared>>)
          tpu.yield
        }) : () -> ()
      } else {
      }
      %add3A_162 = arith.constant 3 : i32
      %add3A_163 = arith.addi %mul3A_126, %add3A_162 : i32
      %add3A_164 = arith.constant 3 : i32
      %add3A_165 = arith.addi %add3A_163, %add3A_164 : i32
      %lt3A_166 = arith.cmpi slt, %add3A_165, %select_n3A : i32
      %convert_element_type3A_167 = arith.extui %lt3A_166 : i1 to i32
      %cond3A_168 = arith.constant 0 : i32
      %cond3A_169 = arith.cmpi ne, %convert_element_type3A_167, %cond3A_168 : i32
      scf.if %cond3A_169 {
        %dma_start3A_174 = arith.constant 0 : i32
        %dma_start3A_175 = tpu.memref_slice %arg8[%add3A_165, %dma_start3A_174] : memref<88x128xi32, #tpu.memory_space<vmem>> -> memref<1x128xi32, #tpu.memory_space<vmem>>
        %dma_start3A_176 = tpu.memref_squeeze %dma_start3A_175 : memref<1x128xi32, #tpu.memory_space<vmem>> -> memref<128xi32, #tpu.memory_space<vmem>>
        %dma_start3A_177 = arith.constant 0 : i32
        %dma_start3A_178 = arith.constant 0 : i32
        %dma_start3A_179 = tpu.memref_slice %arg2[%dma_start3A_177, %dma_start3A_178] : memref<10240x128xf32, #tpu.memory_space<hbm>> -> memref<10240x128xf32, #tpu.memory_space<hbm>>
        tpu.enqueue_indirect_dma source(%dma_start3A_179 : memref<10240x128xf32, #tpu.memory_space<hbm>>) target(%arg12 : memref<128x128xf32, #tpu.memory_space<vmem>>) offsets(%dma_start3A_176 : memref<128xi32, #tpu.memory_space<vmem>>) semaphore(%arg19 : memref<!tpu.dma_semaphore, #tpu.memory_space<semaphore_mem>>)
      } else {
      }
      %lt3A_170 = arith.cmpi slt, %add3A_163, %select_n3A : i32
      %convert_element_type3A_171 = arith.extui %lt3A_170 : i1 to i32
      %cond3A_172 = arith.constant 0 : i32
      %cond3A_173 = arith.cmpi ne, %convert_element_type3A_171, %cond3A_172 : i32
      scf.if %cond3A_173 {
        %dma_wait3A_174 = arith.constant 0 : i32
        %dma_wait3A_175 = tpu.memref_slice %arg8[%add3A_163, %dma_wait3A_174] : memref<88x128xi32, #tpu.memory_space<vmem>> -> memref<1x128xi32, #tpu.memory_space<vmem>>
        %dma_wait3A_176 = tpu.memref_squeeze %dma_wait3A_175 : memref<1x128xi32, #tpu.memory_space<vmem>> -> memref<128xi32, #tpu.memory_space<vmem>>
        %dma_wait3A_177 = arith.constant 0 : i32
        %dma_wait3A_178 = arith.constant 0 : i32
        %dma_wait3A_179 = tpu.memref_slice %arg2[%dma_wait3A_177, %dma_wait3A_178] : memref<10240x128xf32, #tpu.memory_space<hbm>> -> memref<10240x128xf32, #tpu.memory_space<hbm>>
        tpu.wait_indirect_dma semaphore(%arg20 : memref<!tpu.dma_semaphore, #tpu.memory_space<semaphore_mem>>) src(%dma_wait3A_179 : memref<10240x128xf32, #tpu.memory_space<hbm>>) dst(%arg13 : memref<128x128xf32, #tpu.memory_space<vmem>>)
        "tpu.region"() ({
          %run_scoped3A = tpu.sem_alloc : memref<!tpu.dma_semaphore, #tpu.memory_space<semaphore_mem>>
          %dma_start3A_180 = arith.constant 0 : i32
          %dma_start3A_181 = tpu.memref_slice %arg9[%add3A_163, %dma_start3A_180] : memref<88x128xi32, #tpu.memory_space<vmem>> -> memref<1x128xi32, #tpu.memory_space<vmem>>
          %dma_start3A_182 = tpu.memref_squeeze %dma_start3A_181 : memref<1x128xi32, #tpu.memory_space<vmem>> -> memref<128xi32, #tpu.memory_space<vmem>>
          %dma_start3A_183 = arith.constant 0 : i32
          %dma_start3A_184 = arith.constant 0 : i32
          %dma_start3A_185 = tpu.memref_slice %arg15[%dma_start3A_183, %dma_start3A_184] : memref<5128x128xf32, #tpu.memory_space<vmem_shared>> -> memref<5128x128xf32, #tpu.memory_space<vmem_shared>>
          tpu.enqueue_indirect_dma source(%arg13 : memref<128x128xf32, #tpu.memory_space<vmem>>) target(%dma_start3A_185 : memref<5128x128xf32, #tpu.memory_space<vmem_shared>>) offsets(%dma_start3A_182 : memref<128xi32, #tpu.memory_space<vmem>>) semaphore(%run_scoped3A : memref<!tpu.dma_semaphore, #tpu.memory_space<semaphore_mem>>) {add = true}
          %dma_wait3A_186 = arith.constant 0 : i32
          %dma_wait3A_187 = tpu.memref_slice %arg9[%add3A_163, %dma_wait3A_186] : memref<88x128xi32, #tpu.memory_space<vmem>> -> memref<1x128xi32, #tpu.memory_space<vmem>>
          %dma_wait3A_188 = tpu.memref_squeeze %dma_wait3A_187 : memref<1x128xi32, #tpu.memory_space<vmem>> -> memref<128xi32, #tpu.memory_space<vmem>>
          %dma_wait3A_189 = arith.constant 0 : i32
          %dma_wait3A_190 = arith.constant 0 : i32
          %dma_wait3A_191 = tpu.memref_slice %arg15[%dma_wait3A_189, %dma_wait3A_190] : memref<5128x128xf32, #tpu.memory_space<vmem_shared>> -> memref<5128x128xf32, #tpu.memory_space<vmem_shared>>
          tpu.wait_indirect_dma semaphore(%run_scoped3A : memref<!tpu.dma_semaphore, #tpu.memory_space<semaphore_mem>>) src(%arg13 : memref<128x128xf32, #tpu.memory_space<vmem>>) dst(%dma_wait3A_191 : memref<5128x128xf32, #tpu.memory_space<vmem_shared>>)
          tpu.yield
        }) : () -> ()
      } else {
      }
    }
    %while3A_115 = arith.constant 1 : i32
    scf.for %while3A_124 = %while3A_113 to %while3A_109 step %while3A_115  : i32 {
      %mul3A_125 = arith.constant 4 : i32
      %mul3A_126 = arith.muli %mul3A_125, %while3A_124 : i32
      %add3A_127 = arith.constant 0 : i32
      %add3A_128 = arith.addi %mul3A_126, %add3A_127 : i32
      %add3A_129 = arith.constant 3 : i32
      %add3A_130 = arith.addi %add3A_128, %add3A_129 : i32
      %lt3A = arith.cmpi slt, %add3A_130, %select_n3A : i32
      %convert_element_type3A_131 = arith.extui %lt3A : i1 to i32
      %cond3A_132 = arith.constant 0 : i32
      %cond3A_133 = arith.cmpi ne, %convert_element_type3A_131, %cond3A_132 : i32
      scf.if %cond3A_133 {
        %dma_start3A_174 = arith.constant 0 : i32
        %dma_start3A_175 = tpu.memref_slice %arg8[%add3A_130, %dma_start3A_174] : memref<88x128xi32, #tpu.memory_space<vmem>> -> memref<1x128xi32, #tpu.memory_space<vmem>>
        %dma_start3A_176 = tpu.memref_squeeze %dma_start3A_175 : memref<1x128xi32, #tpu.memory_space<vmem>> -> memref<128xi32, #tpu.memory_space<vmem>>
        %dma_start3A_177 = arith.constant 0 : i32
        %dma_start3A_178 = arith.constant 0 : i32
        %dma_start3A_179 = tpu.memref_slice %arg2[%dma_start3A_177, %dma_start3A_178] : memref<10240x128xf32, #tpu.memory_space<hbm>> -> memref<10240x128xf32, #tpu.memory_space<hbm>>
        tpu.enqueue_indirect_dma source(%dma_start3A_179 : memref<10240x128xf32, #tpu.memory_space<hbm>>) target(%arg13 : memref<128x128xf32, #tpu.memory_space<vmem>>) offsets(%dma_start3A_176 : memref<128xi32, #tpu.memory_space<vmem>>) semaphore(%arg20 : memref<!tpu.dma_semaphore, #tpu.memory_space<semaphore_mem>>)
      } else {
      }
      %lt3A_134 = arith.cmpi slt, %add3A_128, %select_n3A : i32
      %convert_element_type3A_135 = arith.extui %lt3A_134 : i1 to i32
      %cond3A_136 = arith.constant 0 : i32
      %cond3A_137 = arith.cmpi ne, %convert_element_type3A_135, %cond3A_136 : i32
      scf.if %cond3A_137 {
        %dma_wait3A_174 = arith.constant 0 : i32
        %dma_wait3A_175 = tpu.memref_slice %arg8[%add3A_128, %dma_wait3A_174] : memref<88x128xi32, #tpu.memory_space<vmem>> -> memref<1x128xi32, #tpu.memory_space<vmem>>
        %dma_wait3A_176 = tpu.memref_squeeze %dma_wait3A_175 : memref<1x128xi32, #tpu.memory_space<vmem>> -> memref<128xi32, #tpu.memory_space<vmem>>
        %dma_wait3A_177 = arith.constant 0 : i32
        %dma_wait3A_178 = arith.constant 0 : i32
        %dma_wait3A_179 = tpu.memref_slice %arg2[%dma_wait3A_177, %dma_wait3A_178] : memref<10240x128xf32, #tpu.memory_space<hbm>> -> memref<10240x128xf32, #tpu.memory_space<hbm>>
        tpu.wait_indirect_dma semaphore(%arg17 : memref<!tpu.dma_semaphore, #tpu.memory_space<semaphore_mem>>) src(%dma_wait3A_179 : memref<10240x128xf32, #tpu.memory_space<hbm>>) dst(%arg10 : memref<128x128xf32, #tpu.memory_space<vmem>>)
        "tpu.region"() ({
          %run_scoped3A = tpu.sem_alloc : memref<!tpu.dma_semaphore, #tpu.memory_space<semaphore_mem>>
          %dma_start3A_180 = arith.constant 0 : i32
          %dma_start3A_181 = tpu.memref_slice %arg9[%add3A_128, %dma_start3A_180] : memref<88x128xi32, #tpu.memory_space<vmem>> -> memref<1x128xi32, #tpu.memory_space<vmem>>
          %dma_start3A_182 = tpu.memref_squeeze %dma_start3A_181 : memref<1x128xi32, #tpu.memory_space<vmem>> -> memref<128xi32, #tpu.memory_space<vmem>>
          %dma_start3A_183 = arith.constant 0 : i32
          %dma_start3A_184 = arith.constant 0 : i32
          %dma_start3A_185 = tpu.memref_slice %arg15[%dma_start3A_183, %dma_start3A_184] : memref<5128x128xf32, #tpu.memory_space<vmem_shared>> -> memref<5128x128xf32, #tpu.memory_space<vmem_shared>>
          tpu.enqueue_indirect_dma source(%arg10 : memref<128x128xf32, #tpu.memory_space<vmem>>) target(%dma_start3A_185 : memref<5128x128xf32, #tpu.memory_space<vmem_shared>>) offsets(%dma_start3A_182 : memref<128xi32, #tpu.memory_space<vmem>>) semaphore(%run_scoped3A : memref<!tpu.dma_semaphore, #tpu.memory_space<semaphore_mem>>) {add = true}
          %dma_wait3A_186 = arith.constant 0 : i32
          %dma_wait3A_187 = tpu.memref_slice %arg9[%add3A_128, %dma_wait3A_186] : memref<88x128xi32, #tpu.memory_space<vmem>> -> memref<1x128xi32, #tpu.memory_space<vmem>>
          %dma_wait3A_188 = tpu.memref_squeeze %dma_wait3A_187 : memref<1x128xi32, #tpu.memory_space<vmem>> -> memref<128xi32, #tpu.memory_space<vmem>>
          %dma_wait3A_189 = arith.constant 0 : i32
          %dma_wait3A_190 = arith.constant 0 : i32
          %dma_wait3A_191 = tpu.memref_slice %arg15[%dma_wait3A_189, %dma_wait3A_190] : memref<5128x128xf32, #tpu.memory_space<vmem_shared>> -> memref<5128x128xf32, #tpu.memory_space<vmem_shared>>
          tpu.wait_indirect_dma semaphore(%run_scoped3A : memref<!tpu.dma_semaphore, #tpu.memory_space<semaphore_mem>>) src(%arg10 : memref<128x128xf32, #tpu.memory_space<vmem>>) dst(%dma_wait3A_191 : memref<5128x128xf32, #tpu.memory_space<vmem_shared>>)
          tpu.yield
        }) : () -> ()
      } else {
      }
      %add3A_138 = arith.constant 1 : i32
      %add3A_139 = arith.addi %mul3A_126, %add3A_138 : i32
      %add3A_140 = arith.constant 3 : i32
      %add3A_141 = arith.addi %add3A_139, %add3A_140 : i32
      %lt3A_142 = arith.cmpi slt, %add3A_141, %select_n3A : i32
      %convert_element_type3A_143 = arith.extui %lt3A_142 : i1 to i32
      %cond3A_144 = arith.constant 0 : i32
      %cond3A_145 = arith.cmpi ne, %convert_element_type3A_143, %cond3A_144 : i32
      scf.if %cond3A_145 {
        %dma_start3A_174 = arith.constant 0 : i32
        %dma_start3A_175 = tpu.memref_slice %arg8[%add3A_141, %dma_start3A_174] : memref<88x128xi32, #tpu.memory_space<vmem>> -> memref<1x128xi32, #tpu.memory_space<vmem>>
        %dma_start3A_176 = tpu.memref_squeeze %dma_start3A_175 : memref<1x128xi32, #tpu.memory_space<vmem>> -> memref<128xi32, #tpu.memory_space<vmem>>
        %dma_start3A_177 = arith.constant 0 : i32
        %dma_start3A_178 = arith.constant 0 : i32
        %dma_start3A_179 = tpu.memref_slice %arg2[%dma_start3A_177, %dma_start3A_178] : memref<10240x128xf32, #tpu.memory_space<hbm>> -> memref<10240x128xf32, #tpu.memory_space<hbm>>
        tpu.enqueue_indirect_dma source(%dma_start3A_179 : memref<10240x128xf32, #tpu.memory_space<hbm>>) target(%arg10 : memref<128x128xf32, #tpu.memory_space<vmem>>) offsets(%dma_start3A_176 : memref<128xi32, #tpu.memory_space<vmem>>) semaphore(%arg17 : memref<!tpu.dma_semaphore, #tpu.memory_space<semaphore_mem>>)
      } else {
      }
      %lt3A_146 = arith.cmpi slt, %add3A_139, %select_n3A : i32
      %convert_element_type3A_147 = arith.extui %lt3A_146 : i1 to i32
      %cond3A_148 = arith.constant 0 : i32
      %cond3A_149 = arith.cmpi ne, %convert_element_type3A_147, %cond3A_148 : i32
      scf.if %cond3A_149 {
        %dma_wait3A_174 = arith.constant 0 : i32
        %dma_wait3A_175 = tpu.memref_slice %arg8[%add3A_139, %dma_wait3A_174] : memref<88x128xi32, #tpu.memory_space<vmem>> -> memref<1x128xi32, #tpu.memory_space<vmem>>
        %dma_wait3A_176 = tpu.memref_squeeze %dma_wait3A_175 : memref<1x128xi32, #tpu.memory_space<vmem>> -> memref<128xi32, #tpu.memory_space<vmem>>
        %dma_wait3A_177 = arith.constant 0 : i32
        %dma_wait3A_178 = arith.constant 0 : i32
        %dma_wait3A_179 = tpu.memref_slice %arg2[%dma_wait3A_177, %dma_wait3A_178] : memref<10240x128xf32, #tpu.memory_space<hbm>> -> memref<10240x128xf32, #tpu.memory_space<hbm>>
        tpu.wait_indirect_dma semaphore(%arg18 : memref<!tpu.dma_semaphore, #tpu.memory_space<semaphore_mem>>) src(%dma_wait3A_179 : memref<10240x128xf32, #tpu.memory_space<hbm>>) dst(%arg11 : memref<128x128xf32, #tpu.memory_space<vmem>>)
        "tpu.region"() ({
          %run_scoped3A = tpu.sem_alloc : memref<!tpu.dma_semaphore, #tpu.memory_space<semaphore_mem>>
          %dma_start3A_180 = arith.constant 0 : i32
          %dma_start3A_181 = tpu.memref_slice %arg9[%add3A_139, %dma_start3A_180] : memref<88x128xi32, #tpu.memory_space<vmem>> -> memref<1x128xi32, #tpu.memory_space<vmem>>
          %dma_start3A_182 = tpu.memref_squeeze %dma_start3A_181 : memref<1x128xi32, #tpu.memory_space<vmem>> -> memref<128xi32, #tpu.memory_space<vmem>>
          %dma_start3A_183 = arith.constant 0 : i32
          %dma_start3A_184 = arith.constant 0 : i32
          %dma_start3A_185 = tpu.memref_slice %arg15[%dma_start3A_183, %dma_start3A_184] : memref<5128x128xf32, #tpu.memory_space<vmem_shared>> -> memref<5128x128xf32, #tpu.memory_space<vmem_shared>>
          tpu.enqueue_indirect_dma source(%arg11 : memref<128x128xf32, #tpu.memory_space<vmem>>) target(%dma_start3A_185 : memref<5128x128xf32, #tpu.memory_space<vmem_shared>>) offsets(%dma_start3A_182 : memref<128xi32, #tpu.memory_space<vmem>>) semaphore(%run_scoped3A : memref<!tpu.dma_semaphore, #tpu.memory_space<semaphore_mem>>) {add = true}
          %dma_wait3A_186 = arith.constant 0 : i32
          %dma_wait3A_187 = tpu.memref_slice %arg9[%add3A_139, %dma_wait3A_186] : memref<88x128xi32, #tpu.memory_space<vmem>> -> memref<1x128xi32, #tpu.memory_space<vmem>>
          %dma_wait3A_188 = tpu.memref_squeeze %dma_wait3A_187 : memref<1x128xi32, #tpu.memory_space<vmem>> -> memref<128xi32, #tpu.memory_space<vmem>>
          %dma_wait3A_189 = arith.constant 0 : i32
          %dma_wait3A_190 = arith.constant 0 : i32
          %dma_wait3A_191 = tpu.memref_slice %arg15[%dma_wait3A_189, %dma_wait3A_190] : memref<5128x128xf32, #tpu.memory_space<vmem_shared>> -> memref<5128x128xf32, #tpu.memory_space<vmem_shared>>
          tpu.wait_indirect_dma semaphore(%run_scoped3A : memref<!tpu.dma_semaphore, #tpu.memory_space<semaphore_mem>>) src(%arg11 : memref<128x128xf32, #tpu.memory_space<vmem>>) dst(%dma_wait3A_191 : memref<5128x128xf32, #tpu.memory_space<vmem_shared>>)
          tpu.yield
        }) : () -> ()
      } else {
      }
      %add3A_150 = arith.constant 2 : i32
      %add3A_151 = arith.addi %mul3A_126, %add3A_150 : i32
      %add3A_152 = arith.constant 3 : i32
      %add3A_153 = arith.addi %add3A_151, %add3A_152 : i32
      %lt3A_154 = arith.cmpi slt, %add3A_153, %select_n3A : i32
      %convert_element_type3A_155 = arith.extui %lt3A_154 : i1 to i32
      %cond3A_156 = arith.constant 0 : i32
      %cond3A_157 = arith.cmpi ne, %convert_element_type3A_155, %cond3A_156 : i32
      scf.if %cond3A_157 {
        %dma_start3A_174 = arith.constant 0 : i32
        %dma_start3A_175 = tpu.memref_slice %arg8[%add3A_153, %dma_start3A_174] : memref<88x128xi32, #tpu.memory_space<vmem>> -> memref<1x128xi32, #tpu.memory_space<vmem>>
        %dma_start3A_176 = tpu.memref_squeeze %dma_start3A_175 : memref<1x128xi32, #tpu.memory_space<vmem>> -> memref<128xi32, #tpu.memory_space<vmem>>
        %dma_start3A_177 = arith.constant 0 : i32
        %dma_start3A_178 = arith.constant 0 : i32
        %dma_start3A_179 = tpu.memref_slice %arg2[%dma_start3A_177, %dma_start3A_178] : memref<10240x128xf32, #tpu.memory_space<hbm>> -> memref<10240x128xf32, #tpu.memory_space<hbm>>
        tpu.enqueue_indirect_dma source(%dma_start3A_179 : memref<10240x128xf32, #tpu.memory_space<hbm>>) target(%arg11 : memref<128x128xf32, #tpu.memory_space<vmem>>) offsets(%dma_start3A_176 : memref<128xi32, #tpu.memory_space<vmem>>) semaphore(%arg18 : memref<!tpu.dma_semaphore, #tpu.memory_space<semaphore_mem>>)
      } else {
      }
      %lt3A_158 = arith.cmpi slt, %add3A_151, %select_n3A : i32
      %convert_element_type3A_159 = arith.extui %lt3A_158 : i1 to i32
      %cond3A_160 = arith.constant 0 : i32
      %cond3A_161 = arith.cmpi ne, %convert_element_type3A_159, %cond3A_160 : i32
      scf.if %cond3A_161 {
        %dma_wait3A_174 = arith.constant 0 : i32
        %dma_wait3A_175 = tpu.memref_slice %arg8[%add3A_151, %dma_wait3A_174] : memref<88x128xi32, #tpu.memory_space<vmem>> -> memref<1x128xi32, #tpu.memory_space<vmem>>
        %dma_wait3A_176 = tpu.memref_squeeze %dma_wait3A_175 : memref<1x128xi32, #tpu.memory_space<vmem>> -> memref<128xi32, #tpu.memory_space<vmem>>
        %dma_wait3A_177 = arith.constant 0 : i32
        %dma_wait3A_178 = arith.constant 0 : i32
        %dma_wait3A_179 = tpu.memref_slice %arg2[%dma_wait3A_177, %dma_wait3A_178] : memref<10240x128xf32, #tpu.memory_space<hbm>> -> memref<10240x128xf32, #tpu.memory_space<hbm>>
        tpu.wait_indirect_dma semaphore(%arg19 : memref<!tpu.dma_semaphore, #tpu.memory_space<semaphore_mem>>) src(%dma_wait3A_179 : memref<10240x128xf32, #tpu.memory_space<hbm>>) dst(%arg12 : memref<128x128xf32, #tpu.memory_space<vmem>>)
        "tpu.region"() ({
          %run_scoped3A = tpu.sem_alloc : memref<!tpu.dma_semaphore, #tpu.memory_space<semaphore_mem>>
          %dma_start3A_180 = arith.constant 0 : i32
          %dma_start3A_181 = tpu.memref_slice %arg9[%add3A_151, %dma_start3A_180] : memref<88x128xi32, #tpu.memory_space<vmem>> -> memref<1x128xi32, #tpu.memory_space<vmem>>
          %dma_start3A_182 = tpu.memref_squeeze %dma_start3A_181 : memref<1x128xi32, #tpu.memory_space<vmem>> -> memref<128xi32, #tpu.memory_space<vmem>>
          %dma_start3A_183 = arith.constant 0 : i32
          %dma_start3A_184 = arith.constant 0 : i32
          %dma_start3A_185 = tpu.memref_slice %arg15[%dma_start3A_183, %dma_start3A_184] : memref<5128x128xf32, #tpu.memory_space<vmem_shared>> -> memref<5128x128xf32, #tpu.memory_space<vmem_shared>>
          tpu.enqueue_indirect_dma source(%arg12 : memref<128x128xf32, #tpu.memory_space<vmem>>) target(%dma_start3A_185 : memref<5128x128xf32, #tpu.memory_space<vmem_shared>>) offsets(%dma_start3A_182 : memref<128xi32, #tpu.memory_space<vmem>>) semaphore(%run_scoped3A : memref<!tpu.dma_semaphore, #tpu.memory_space<semaphore_mem>>) {add = true}
          %dma_wait3A_186 = arith.constant 0 : i32
          %dma_wait3A_187 = tpu.memref_slice %arg9[%add3A_151, %dma_wait3A_186] : memref<88x128xi32, #tpu.memory_space<vmem>> -> memref<1x128xi32, #tpu.memory_space<vmem>>
          %dma_wait3A_188 = tpu.memref_squeeze %dma_wait3A_187 : memref<1x128xi32, #tpu.memory_space<vmem>> -> memref<128xi32, #tpu.memory_space<vmem>>
          %dma_wait3A_189 = arith.constant 0 : i32
          %dma_wait3A_190 = arith.constant 0 : i32
          %dma_wait3A_191 = tpu.memref_slice %arg15[%dma_wait3A_189, %dma_wait3A_190] : memref<5128x128xf32, #tpu.memory_space<vmem_shared>> -> memref<5128x128xf32, #tpu.memory_space<vmem_shared>>
          tpu.wait_indirect_dma semaphore(%run_scoped3A : memref<!tpu.dma_semaphore, #tpu.memory_space<semaphore_mem>>) src(%arg12 : memref<128x128xf32, #tpu.memory_space<vmem>>) dst(%dma_wait3A_191 : memref<5128x128xf32, #tpu.memory_space<vmem_shared>>)
          tpu.yield
        }) : () -> ()
      } else {
      }
      %add3A_162 = arith.constant 3 : i32
      %add3A_163 = arith.addi %mul3A_126, %add3A_162 : i32
      %add3A_164 = arith.constant 3 : i32
      %add3A_165 = arith.addi %add3A_163, %add3A_164 : i32
      %lt3A_166 = arith.cmpi slt, %add3A_165, %select_n3A : i32
      %convert_element_type3A_167 = arith.extui %lt3A_166 : i1 to i32
      %cond3A_168 = arith.constant 0 : i32
      %cond3A_169 = arith.cmpi ne, %convert_element_type3A_167, %cond3A_168 : i32
      scf.if %cond3A_169 {
        %dma_start3A_174 = arith.constant 0 : i32
        %dma_start3A_175 = tpu.memref_slice %arg8[%add3A_165, %dma_start3A_174] : memref<88x128xi32, #tpu.memory_space<vmem>> -> memref<1x128xi32, #tpu.memory_space<vmem>>
        %dma_start3A_176 = tpu.memref_squeeze %dma_start3A_175 : memref<1x128xi32, #tpu.memory_space<vmem>> -> memref<128xi32, #tpu.memory_space<vmem>>
        %dma_start3A_177 = arith.constant 0 : i32
        %dma_start3A_178 = arith.constant 0 : i32
        %dma_start3A_179 = tpu.memref_slice %arg2[%dma_start3A_177, %dma_start3A_178] : memref<10240x128xf32, #tpu.memory_space<hbm>> -> memref<10240x128xf32, #tpu.memory_space<hbm>>
        tpu.enqueue_indirect_dma source(%dma_start3A_179 : memref<10240x128xf32, #tpu.memory_space<hbm>>) target(%arg12 : memref<128x128xf32, #tpu.memory_space<vmem>>) offsets(%dma_start3A_176 : memref<128xi32, #tpu.memory_space<vmem>>) semaphore(%arg19 : memref<!tpu.dma_semaphore, #tpu.memory_space<semaphore_mem>>)
      } else {
      }
      %lt3A_170 = arith.cmpi slt, %add3A_163, %select_n3A : i32
      %convert_element_type3A_171 = arith.extui %lt3A_170 : i1 to i32
      %cond3A_172 = arith.constant 0 : i32
      %cond3A_173 = arith.cmpi ne, %convert_element_type3A_171, %cond3A_172 : i32
      scf.if %cond3A_173 {
        %dma_wait3A_174 = arith.constant 0 : i32
        %dma_wait3A_175 = tpu.memref_slice %arg8[%add3A_163, %dma_wait3A_174] : memref<88x128xi32, #tpu.memory_space<vmem>> -> memref<1x128xi32, #tpu.memory_space<vmem>>
        %dma_wait3A_176 = tpu.memref_squeeze %dma_wait3A_175 : memref<1x128xi32, #tpu.memory_space<vmem>> -> memref<128xi32, #tpu.memory_space<vmem>>
        %dma_wait3A_177 = arith.constant 0 : i32
        %dma_wait3A_178 = arith.constant 0 : i32
        %dma_wait3A_179 = tpu.memref_slice %arg2[%dma_wait3A_177, %dma_wait3A_178] : memref<10240x128xf32, #tpu.memory_space<hbm>> -> memref<10240x128xf32, #tpu.memory_space<hbm>>
        tpu.wait_indirect_dma semaphore(%arg20 : memref<!tpu.dma_semaphore, #tpu.memory_space<semaphore_mem>>) src(%dma_wait3A_179 : memref<10240x128xf32, #tpu.memory_space<hbm>>) dst(%arg13 : memref<128x128xf32, #tpu.memory_space<vmem>>)
        "tpu.region"() ({
          %run_scoped3A = tpu.sem_alloc : memref<!tpu.dma_semaphore, #tpu.memory_space<semaphore_mem>>
          %dma_start3A_180 = arith.constant 0 : i32
          %dma_start3A_181 = tpu.memref_slice %arg9[%add3A_163, %dma_start3A_180] : memref<88x128xi32, #tpu.memory_space<vmem>> -> memref<1x128xi32, #tpu.memory_space<vmem>>
          %dma_start3A_182 = tpu.memref_squeeze %dma_start3A_181 : memref<1x128xi32, #tpu.memory_space<vmem>> -> memref<128xi32, #tpu.memory_space<vmem>>
          %dma_start3A_183 = arith.constant 0 : i32
          %dma_start3A_184 = arith.constant 0 : i32
          %dma_start3A_185 = tpu.memref_slice %arg15[%dma_start3A_183, %dma_start3A_184] : memref<5128x128xf32, #tpu.memory_space<vmem_shared>> -> memref<5128x128xf32, #tpu.memory_space<vmem_shared>>
          tpu.enqueue_indirect_dma source(%arg13 : memref<128x128xf32, #tpu.memory_space<vmem>>) target(%dma_start3A_185 : memref<5128x128xf32, #tpu.memory_space<vmem_shared>>) offsets(%dma_start3A_182 : memref<128xi32, #tpu.memory_space<vmem>>) semaphore(%run_scoped3A : memref<!tpu.dma_semaphore, #tpu.memory_space<semaphore_mem>>) {add = true}
          %dma_wait3A_186 = arith.constant 0 : i32
          %dma_wait3A_187 = tpu.memref_slice %arg9[%add3A_163, %dma_wait3A_186] : memref<88x128xi32, #tpu.memory_space<vmem>> -> memref<1x128xi32, #tpu.memory_space<vmem>>
          %dma_wait3A_188 = tpu.memref_squeeze %dma_wait3A_187 : memref<1x128xi32, #tpu.memory_space<vmem>> -> memref<128xi32, #tpu.memory_space<vmem>>
          %dma_wait3A_189 = arith.constant 0 : i32
          %dma_wait3A_190 = arith.constant 0 : i32
          %dma_wait3A_191 = tpu.memref_slice %arg15[%dma_wait3A_189, %dma_wait3A_190] : memref<5128x128xf32, #tpu.memory_space<vmem_shared>> -> memref<5128x128xf32, #tpu.memory_space<vmem_shared>>
          tpu.wait_indirect_dma semaphore(%run_scoped3A : memref<!tpu.dma_semaphore, #tpu.memory_space<semaphore_mem>>) src(%arg13 : memref<128x128xf32, #tpu.memory_space<vmem>>) dst(%dma_wait3A_191 : memref<5128x128xf32, #tpu.memory_space<vmem_shared>>)
          tpu.yield
        }) : () -> ()
      } else {
      }
    }
    %barrier3A_116 = arith.constant 0 : index
    tpu.barrier barrier_id(%barrier3A_116)
    %mul3A_117 = arith.constant 320 : i32
    %mul3A_118 = arith.muli %arg1, %mul3A_117 : i32
    %mul3A_119 = arith.constant 5120 : i32
    %mul3A_120 = arith.muli %arg0, %mul3A_119 : i32
    %mul3A_121 = arith.constant 320 : i32
    %mul3A_122 = arith.muli %arg1, %mul3A_121 : i32
    %add3A_123 = arith.addi %mul3A_120, %mul3A_122 : i32
    "tpu.region"() ({
      %run_scoped3A = tpu.sem_alloc : memref<!tpu.dma_semaphore, #tpu.memory_space<semaphore_mem>>
      %dma_start3A_124 = arith.constant 0 : i32
      %dma_start3A_125 = tpu.memref_slice %arg7[%add3A_123, %dma_start3A_124] : memref<10240x128xf32, #tpu.memory_space<hbm>> -> memref<320x128xf32, #tpu.memory_space<hbm>>
      %dma_start3A_126 = arith.constant 0 : i32
      %dma_start3A_127 = tpu.memref_slice %arg15[%mul3A_118, %dma_start3A_126] : memref<5128x128xf32, #tpu.memory_space<vmem_shared>> -> memref<320x128xf32, #tpu.memory_space<vmem_shared>>
      tpu.enqueue_dma source(%dma_start3A_127 : memref<320x128xf32, #tpu.memory_space<vmem_shared>>) target(%dma_start3A_125 : memref<320x128xf32, #tpu.memory_space<hbm>>) target_semaphore(%run_scoped3A : memref<!tpu.dma_semaphore, #tpu.memory_space<semaphore_mem>>)
      %dma_wait3A_128 = arith.constant 0 : i32
      %dma_wait3A_129 = tpu.memref_slice %arg7[%add3A_123, %dma_wait3A_128] : memref<10240x128xf32, #tpu.memory_space<hbm>> -> memref<320x128xf32, #tpu.memory_space<hbm>>
      %dma_wait3A_130 = arith.constant 0 : i32
      %dma_wait3A_131 = tpu.memref_slice %arg15[%mul3A_118, %dma_wait3A_130] : memref<5128x128xf32, #tpu.memory_space<vmem_shared>> -> memref<320x128xf32, #tpu.memory_space<vmem_shared>>
      tpu.wait_dma2 semaphore(%run_scoped3A : memref<!tpu.dma_semaphore, #tpu.memory_space<semaphore_mem>>) src(%dma_wait3A_131 : memref<320x128xf32, #tpu.memory_space<vmem_shared>>) dst(%dma_wait3A_129 : memref<320x128xf32, #tpu.memory_space<hbm>>)
      tpu.yield
    }) : () -> ()
    return
  }
}

#map = affine_map<(d0, d1) -> (0, 0)>
#map1 = affine_map<(d0, d1) -> (0, 0, 0)>
#map2 = affine_map<(d0, d1) -> (0)>
module attributes {stable_mosaic.version = 14 : i64} {
  func.func @_neigh_body(%arg0: i32, %arg1: i32, %arg2: memref<10240x128xf32, #tpu.memory_space<hbm>>, %arg3: memref<32x88x128xi32, #tpu.memory_space<hbm>>, %arg4: memref<32x88x128xi32, #tpu.memory_space<hbm>>, %arg5: memref<512xi32, #tpu.memory_space<hbm>>, %arg6: memref<5128x128xf32, #tpu.memory_space<hbm>>, %arg7: memref<10240x128xf32, #tpu.memory_space<hbm>>, %arg8: memref<88x128xi32, #tpu.memory_space<vmem>>, %arg9: memref<88x128xi32, #tpu.memory_space<vmem>>, %arg10: memref<128x128xf32, #tpu.memory_space<vmem>>, %arg11: memref<128x128xf32, #tpu.memory_space<vmem>>, %arg12: memref<128x128xf32, #tpu.memory_space<vmem>>, %arg13: memref<128x128xf32, #tpu.memory_space<vmem>>, %arg14: memref<16xi32, #tpu.memory_space<vmem>>, %arg15: memref<5128x128xf32, #tpu.memory_space<vmem_shared>>, %arg16: memref<!tpu.dma_semaphore, #tpu.memory_space<semaphore_mem>>, %arg17: memref<!tpu.dma_semaphore, #tpu.memory_space<semaphore_mem>>, %arg18: memref<!tpu.dma_semaphore, #tpu.memory_space<semaphore_mem>>, %arg19: memref<!tpu.dma_semaphore, #tpu.memory_space<semaphore_mem>>, %arg20: memref<!tpu.dma_semaphore, #tpu.memory_space<semaphore_mem>>) attributes {dimension_semantics = [#tpu.dimension_semantics<core_parallel>, #tpu.dimension_semantics<subcore_parallel>], iteration_bounds = array<i64: 2, 16>, scalar_prefetch = 0 : i64, scratch_operands = 13 : i64, tpu.core_type = #tpu.core_type<sc_vector_subcore>, window_params = [{transform_indices = #map}, {transform_indices = #map1}, {transform_indices = #map1}, {transform_indices = #map2}, {transform_indices = #map}, {transform_indices = #map}]} {
    %mul3A = arith.constant 16 : i32
    %mul3A_0 = arith.muli %arg0, %mul3A : i32
    %add3A = arith.addi %mul3A_0, %arg1 : i32
    %dma_start3A = arith.constant 0 : i32
    %dma_start3A_1 = arith.constant 0 : i32
    %dma_start3A_2 = tpu.memref_slice %arg3[%add3A, %dma_start3A, %dma_start3A_1] : memref<32x88x128xi32, #tpu.memory_space<hbm>> -> memref<1x88x128xi32, #tpu.memory_space<hbm>>
    %dma_start3A_3 = tpu.memref_squeeze %dma_start3A_2 : memref<1x88x128xi32, #tpu.memory_space<hbm>> -> memref<88x128xi32, #tpu.memory_space<hbm>>
    %dma_start3A_4 = arith.constant 0 : i32
    %dma_start3A_5 = arith.constant 0 : i32
    %dma_start3A_6 = tpu.memref_slice %arg3[%add3A, %dma_start3A_4, %dma_start3A_5] : memref<32x88x128xi32, #tpu.memory_space<hbm>> -> memref<1x88x128xi32, #tpu.memory_space<hbm>>
    %dma_start3A_7 = tpu.memref_squeeze %dma_start3A_6 : memref<1x88x128xi32, #tpu.memory_space<hbm>> -> memref<88x128xi32, #tpu.memory_space<hbm>>
    tpu.enqueue_dma source(%dma_start3A_7 : memref<88x128xi32, #tpu.memory_space<hbm>>) target(%arg8 : memref<88x128xi32, #tpu.memory_space<vmem>>) target_semaphore(%arg16 : memref<!tpu.dma_semaphore, #tpu.memory_space<semaphore_mem>>)
    %dma_start3A_8 = arith.constant 0 : i32
    %dma_start3A_9 = arith.constant 0 : i32
    %dma_start3A_10 = tpu.memref_slice %arg4[%add3A, %dma_start3A_8, %dma_start3A_9] : memref<32x88x128xi32, #tpu.memory_space<hbm>> -> memref<1x88x128xi32, #tpu.memory_space<hbm>>
    %dma_start3A_11 = tpu.memref_squeeze %dma_start3A_10 : memref<1x88x128xi32, #tpu.memory_space<hbm>> -> memref<88x128xi32, #tpu.memory_space<hbm>>
    %dma_start3A_12 = arith.constant 0 : i32
    %dma_start3A_13 = arith.constant 0 : i32
    %dma_start3A_14 = tpu.memref_slice %arg4[%add3A, %dma_start3A_12, %dma_start3A_13] : memref<32x88x128xi32, #tpu.memory_space<hbm>> -> memref<1x88x128xi32, #tpu.memory_space<hbm>>
    %dma_start3A_15 = tpu.memref_squeeze %dma_start3A_14 : memref<1x88x128xi32, #tpu.memory_space<hbm>> -> memref<88x128xi32, #tpu.memory_space<hbm>>
    tpu.enqueue_dma source(%dma_start3A_15 : memref<88x128xi32, #tpu.memory_space<hbm>>) target(%arg9 : memref<88x128xi32, #tpu.memory_space<vmem>>) target_semaphore(%arg16 : memref<!tpu.dma_semaphore, #tpu.memory_space<semaphore_mem>>)
    %mul3A_16 = arith.constant 320 : i32
    %mul3A_17 = arith.muli %arg1, %mul3A_16 : i32
    %mul3A_18 = arith.constant 320 : i32
    %mul3A_19 = arith.muli %arg1, %mul3A_18 : i32
    "tpu.region"() ({
      %run_scoped3A = tpu.sem_alloc : memref<!tpu.dma_semaphore, #tpu.memory_space<semaphore_mem>>
      %dma_start3A_124 = arith.constant 0 : i32
      %dma_start3A_125 = tpu.memref_slice %arg15[%mul3A_19, %dma_start3A_124] : memref<5128x128xf32, #tpu.memory_space<vmem_shared>> -> memref<320x128xf32, #tpu.memory_space<vmem_shared>>
      %dma_start3A_126 = arith.constant 0 : i32
      %dma_start3A_127 = tpu.memref_slice %arg6[%mul3A_17, %dma_start3A_126] : memref<5128x128xf32, #tpu.memory_space<hbm>> -> memref<320x128xf32, #tpu.memory_space<hbm>>
      tpu.enqueue_dma source(%dma_start3A_127 : memref<320x128xf32, #tpu.memory_space<hbm>>) target(%dma_start3A_125 : memref<320x128xf32, #tpu.memory_space<vmem_shared>>) target_semaphore(%run_scoped3A : memref<!tpu.dma_semaphore, #tpu.memory_space<semaphore_mem>>)
      %dma_wait3A_128 = arith.constant 0 : i32
      %dma_wait3A_129 = tpu.memref_slice %arg15[%mul3A_19, %dma_wait3A_128] : memref<5128x128xf32, #tpu.memory_space<vmem_shared>> -> memref<320x128xf32, #tpu.memory_space<vmem_shared>>
      %dma_wait3A_130 = arith.constant 0 : i32
      %dma_wait3A_131 = tpu.memref_slice %arg6[%mul3A_17, %dma_wait3A_130] : memref<5128x128xf32, #tpu.memory_space<hbm>> -> memref<320x128xf32, #tpu.memory_space<hbm>>
      tpu.wait_dma2 semaphore(%run_scoped3A : memref<!tpu.dma_semaphore, #tpu.memory_space<semaphore_mem>>) src(%dma_wait3A_131 : memref<320x128xf32, #tpu.memory_space<hbm>>) dst(%dma_wait3A_129 : memref<320x128xf32, #tpu.memory_space<vmem_shared>>)
      tpu.yield
    }) : () -> ()
    %eq3A = arith.constant 0 : i32
    %eq3A_20 = arith.cmpi eq, %arg1, %eq3A : i32
    %convert_element_type3A = arith.extui %eq3A_20 : i1 to i32
    %cond3A = arith.constant 0 : i32
    %cond3A_21 = arith.cmpi ne, %convert_element_type3A, %cond3A : i32
    scf.if %cond3A_21 {
      "tpu.region"() ({
        %run_scoped3A = tpu.sem_alloc : memref<!tpu.dma_semaphore, #tpu.memory_space<semaphore_mem>>
        %dma_start3A_124 = arith.constant 5120 : i32
        %dma_start3A_125 = arith.constant 0 : i32
        %dma_start3A_126 = tpu.memref_slice %arg15[%dma_start3A_124, %dma_start3A_125] : memref<5128x128xf32, #tpu.memory_space<vmem_shared>> -> memref<8x128xf32, #tpu.memory_space<vmem_shared>>
        %dma_start3A_127 = arith.constant 5120 : i32
        %dma_start3A_128 = arith.constant 0 : i32
        %dma_start3A_129 = tpu.memref_slice %arg6[%dma_start3A_127, %dma_start3A_128] : memref<5128x128xf32, #tpu.memory_space<hbm>> -> memref<8x128xf32, #tpu.memory_space<hbm>>
        tpu.enqueue_dma source(%dma_start3A_129 : memref<8x128xf32, #tpu.memory_space<hbm>>) target(%dma_start3A_126 : memref<8x128xf32, #tpu.memory_space<vmem_shared>>) target_semaphore(%run_scoped3A : memref<!tpu.dma_semaphore, #tpu.memory_space<semaphore_mem>>)
        %dma_wait3A_130 = arith.constant 5120 : i32
        %dma_wait3A_131 = arith.constant 0 : i32
        %dma_wait3A_132 = tpu.memref_slice %arg15[%dma_wait3A_130, %dma_wait3A_131] : memref<5128x128xf32, #tpu.memory_space<vmem_shared>> -> memref<8x128xf32, #tpu.memory_space<vmem_shared>>
        %dma_wait3A_133 = arith.constant 5120 : i32
        %dma_wait3A_134 = arith.constant 0 : i32
        %dma_wait3A_135 = tpu.memref_slice %arg6[%dma_wait3A_133, %dma_wait3A_134] : memref<5128x128xf32, #tpu.memory_space<hbm>> -> memref<8x128xf32, #tpu.memory_space<hbm>>
        tpu.wait_dma2 semaphore(%run_scoped3A : memref<!tpu.dma_semaphore, #tpu.memory_space<semaphore_mem>>) src(%dma_wait3A_135 : memref<8x128xf32, #tpu.memory_space<hbm>>) dst(%dma_wait3A_132 : memref<8x128xf32, #tpu.memory_space<vmem_shared>>)
        tpu.yield
      }) : () -> ()
    } else {
    }
    %barrier3A = arith.constant 0 : index
    tpu.barrier barrier_id(%barrier3A)
    %mul3A_22 = arith.constant 16 : i32
    %mul3A_23 = arith.muli %add3A, %mul3A_22 : i32
    "tpu.region"() ({
      %run_scoped3A = tpu.sem_alloc : memref<!tpu.dma_semaphore, #tpu.memory_space<semaphore_mem>>
      %dma_start3A_124 = tpu.memref_slice %arg5[%mul3A_23] : memref<512xi32, #tpu.memory_space<hbm>> -> memref<16xi32, #tpu.memory_space<hbm>>
      %dma_start3A_125 = tpu.memref_slice %arg5[%mul3A_23] : memref<512xi32, #tpu.memory_space<hbm>> -> memref<16xi32, #tpu.memory_space<hbm>>
      tpu.enqueue_dma source(%dma_start3A_125 : memref<16xi32, #tpu.memory_space<hbm>>) target(%arg14 : memref<16xi32, #tpu.memory_space<vmem>>) target_semaphore(%run_scoped3A : memref<!tpu.dma_semaphore, #tpu.memory_space<semaphore_mem>>)
      %dma_wait3A_126 = tpu.memref_slice %arg5[%mul3A_23] : memref<512xi32, #tpu.memory_space<hbm>> -> memref<16xi32, #tpu.memory_space<hbm>>
      %dma_wait3A_127 = tpu.memref_slice %arg5[%mul3A_23] : memref<512xi32, #tpu.memory_space<hbm>> -> memref<16xi32, #tpu.memory_space<hbm>>
      tpu.wait_dma2 semaphore(%run_scoped3A : memref<!tpu.dma_semaphore, #tpu.memory_space<semaphore_mem>>) src(%dma_wait3A_127 : memref<16xi32, #tpu.memory_space<hbm>>) dst(%arg14 : memref<16xi32, #tpu.memory_space<vmem>>)
      tpu.yield
    }) : () -> ()
    %get3A = arith.constant 0 : index
    %get3A_24 = tpu.vector_load %arg14[%get3A] {strides = array<i32>} : memref<16xi32, #tpu.memory_space<vmem>>, vector<16xi32>,
    %reduce_max3A = arith.constant true
    %reduce_max3A_25 = vector.broadcast %reduce_max3A : i1 to vector<16xi1>
    %reduce_max3A_26 = arith.constant -2147483648 : i32
    %reduce_max3A_27 = vector.broadcast %reduce_max3A_26 : i32 to vector<16xi32>
    %reduce_max3A_28 = arith.xori %get3A_24, %reduce_max3A_27 : vector<16xi32>
    %reduce_max3A_29 = tpu.scan <max>, %reduce_max3A_28 masked %reduce_max3A_25 : vector<16xi32>, vector<16xi1> -> vector<16xi32>
    %reduce_max3A_30 = arith.xori %reduce_max3A_29, %reduce_max3A_27 : vector<16xi32>
    %reduce_max3A_31 = vector.extract %reduce_max3A_30[15] : i32 from vector<16xi32>
    %add3A_32 = arith.constant 128 : i32
    %add3A_33 = arith.addi %reduce_max3A_31, %add3A_32 : i32
    %sub3A = arith.constant 1 : i32
    %sub3A_34 = arith.subi %add3A_33, %sub3A : i32
    %jit3A = arith.constant 128 : i32
    %div3A = arith.divsi %sub3A_34, %jit3A : i32
    %sign3A = arith.constant 0 : i32
    %sign3A_35 = arith.cmpi sgt, %sub3A_34, %sign3A : i32
    %sign3A_36 = arith.extui %sign3A_35 : i1 to i32
    %sign3A_37 = arith.constant 0 : i32
    %sign3A_38 = arith.cmpi slt, %sub3A_34, %sign3A_37 : i32
    %sign3A_39 = arith.extui %sign3A_38 : i1 to i32
    %sign3A_40 = arith.subi %sign3A_36, %sign3A_39 : i32
    %sign3A_41 = arith.constant 0 : i32
    %sign3A_42 = arith.cmpi sgt, %jit3A, %sign3A_41 : i32
    %sign3A_43 = arith.extui %sign3A_42 : i1 to i32
    %sign3A_44 = arith.constant 0 : i32
    %sign3A_45 = arith.cmpi slt, %jit3A, %sign3A_44 : i32
    %sign3A_46 = arith.extui %sign3A_45 : i1 to i32
    %sign3A_47 = arith.subi %sign3A_43, %sign3A_46 : i32
    %ne3A = arith.cmpi ne, %sign3A_40, %sign3A_47 : i32
    %rem3A = arith.remsi %sub3A_34, %jit3A : i32
    %ne3A_48 = arith.constant 0 : i32
    %ne3A_49 = arith.cmpi ne, %rem3A, %ne3A_48 : i32
    %and3A = arith.andi %ne3A, %ne3A_49 : i1
    %sub3A_50 = arith.constant 1 : i32
    %sub3A_51 = arith.subi %div3A, %sub3A_50 : i32
    %select_n3A = arith.select %and3A, %sub3A_51, %div3A : i32
    %dma_wait3A = arith.constant 0 : i32
    %dma_wait3A_52 = arith.constant 0 : i32
    %dma_wait3A_53 = tpu.memref_slice %arg3[%add3A, %dma_wait3A, %dma_wait3A_52] : memref<32x88x128xi32, #tpu.memory_space<hbm>> -> memref<1x88x128xi32, #tpu.memory_space<hbm>>
    %dma_wait3A_54 = tpu.memref_squeeze %dma_wait3A_53 : memref<1x88x128xi32, #tpu.memory_space<hbm>> -> memref<88x128xi32, #tpu.memory_space<hbm>>
    %dma_wait3A_55 = arith.constant 0 : i32
    %dma_wait3A_56 = arith.constant 0 : i32
    %dma_wait3A_57 = tpu.memref_slice %arg3[%add3A, %dma_wait3A_55, %dma_wait3A_56] : memref<32x88x128xi32, #tpu.memory_space<hbm>> -> memref<1x88x128xi32, #tpu.memory_space<hbm>>
    %dma_wait3A_58 = tpu.memref_squeeze %dma_wait3A_57 : memref<1x88x128xi32, #tpu.memory_space<hbm>> -> memref<88x128xi32, #tpu.memory_space<hbm>>
    tpu.wait_dma2 semaphore(%arg16 : memref<!tpu.dma_semaphore, #tpu.memory_space<semaphore_mem>>) src(%dma_wait3A_58 : memref<88x128xi32, #tpu.memory_space<hbm>>) dst(%arg8 : memref<88x128xi32, #tpu.memory_space<vmem>>)
    %dma_wait3A_59 = arith.constant 0 : i32
    %dma_wait3A_60 = arith.constant 0 : i32
    %dma_wait3A_61 = tpu.memref_slice %arg4[%add3A, %dma_wait3A_59, %dma_wait3A_60] : memref<32x88x128xi32, #tpu.memory_space<hbm>> -> memref<1x88x128xi32, #tpu.memory_space<hbm>>
    %dma_wait3A_62 = tpu.memref_squeeze %dma_wait3A_61 : memref<1x88x128xi32, #tpu.memory_space<hbm>> -> memref<88x128xi32, #tpu.memory_space<hbm>>
    %dma_wait3A_63 = arith.constant 0 : i32
    %dma_wait3A_64 = arith.constant 0 : i32
    %dma_wait3A_65 = tpu.memref_slice %arg4[%add3A, %dma_wait3A_63, %dma_wait3A_64] : memref<32x88x128xi32, #tpu.memory_space<hbm>> -> memref<1x88x128xi32, #tpu.memory_space<hbm>>
    %dma_wait3A_66 = tpu.memref_squeeze %dma_wait3A_65 : memref<1x88x128xi32, #tpu.memory_space<hbm>> -> memref<88x128xi32, #tpu.memory_space<hbm>>
    tpu.wait_dma2 semaphore(%arg16 : memref<!tpu.dma_semaphore, #tpu.memory_space<semaphore_mem>>) src(%dma_wait3A_66 : memref<88x128xi32, #tpu.memory_space<hbm>>) dst(%arg9 : memref<88x128xi32, #tpu.memory_space<vmem>>)
    %gt3A = arith.constant 0 : i32
    %gt3A_67 = arith.cmpi sgt, %select_n3A, %gt3A : i32
    %convert_element_type3A_68 = arith.extui %gt3A_67 : i1 to i32
    %cond3A_69 = arith.constant 0 : i32
    %cond3A_70 = arith.cmpi ne, %convert_element_type3A_68, %cond3A_69 : i32
    scf.if %cond3A_70 {
      %dma_start3A_124 = arith.constant 0 : i32
      %dma_start3A_125 = arith.constant 0 : i32
      %dma_start3A_126 = tpu.memref_slice %arg8[%dma_start3A_124, %dma_start3A_125] : memref<88x128xi32, #tpu.memory_space<vmem>> -> memref<1x128xi32, #tpu.memory_space<vmem>>
      %dma_start3A_127 = tpu.memref_squeeze %dma_start3A_126 : memref<1x128xi32, #tpu.memory_space<vmem>> -> memref<128xi32, #tpu.memory_space<vmem>>
      %dma_start3A_128 = arith.constant 0 : i32
      %dma_start3A_129 = arith.constant 0 : i32
      %dma_start3A_130 = tpu.memref_slice %arg2[%dma_start3A_128, %dma_start3A_129] : memref<10240x128xf32, #tpu.memory_space<hbm>> -> memref<10240x128xf32, #tpu.memory_space<hbm>>
      tpu.enqueue_indirect_dma source(%dma_start3A_130 : memref<10240x128xf32, #tpu.memory_space<hbm>>) target(%arg10 : memref<128x128xf32, #tpu.memory_space<vmem>>) offsets(%dma_start3A_127 : memref<128xi32, #tpu.memory_space<vmem>>) semaphore(%arg17 : memref<!tpu.dma_semaphore, #tpu.memory_space<semaphore_mem>>)
    } else {
    }
    %gt3A_71 = arith.constant 1 : i32
    %gt3A_72 = arith.cmpi sgt, %select_n3A, %gt3A_71 : i32
    %convert_element_type3A_73 = arith.extui %gt3A_72 : i1 to i32
    %cond3A_74 = arith.constant 0 : i32
    %cond3A_75 = arith.cmpi ne, %convert_element_type3A_73, %cond3A_74 : i32
    scf.if %cond3A_75 {
      %dma_start3A_124 = arith.constant 1 : i32
      %dma_start3A_125 = arith.constant 0 : i32
      %dma_start3A_126 = tpu.memref_slice %arg8[%dma_start3A_124, %dma_start3A_125] : memref<88x128xi32, #tpu.memory_space<vmem>> -> memref<1x128xi32, #tpu.memory_space<vmem>>
      %dma_start3A_127 = tpu.memref_squeeze %dma_start3A_126 : memref<1x128xi32, #tpu.memory_space<vmem>> -> memref<128xi32, #tpu.memory_space<vmem>>
      %dma_start3A_128 = arith.constant 0 : i32
      %dma_start3A_129 = arith.constant 0 : i32
      %dma_start3A_130 = tpu.memref_slice %arg2[%dma_start3A_128, %dma_start3A_129] : memref<10240x128xf32, #tpu.memory_space<hbm>> -> memref<10240x128xf32, #tpu.memory_space<hbm>>
      tpu.enqueue_indirect_dma source(%dma_start3A_130 : memref<10240x128xf32, #tpu.memory_space<hbm>>) target(%arg11 : memref<128x128xf32, #tpu.memory_space<vmem>>) offsets(%dma_start3A_127 : memref<128xi32, #tpu.memory_space<vmem>>) semaphore(%arg18 : memref<!tpu.dma_semaphore, #tpu.memory_space<semaphore_mem>>)
    } else {
    }
    %gt3A_76 = arith.constant 2 : i32
    %gt3A_77 = arith.cmpi sgt, %select_n3A, %gt3A_76 : i32
    %convert_element_type3A_78 = arith.extui %gt3A_77 : i1 to i32
    %cond3A_79 = arith.constant 0 : i32
    %cond3A_80 = arith.cmpi ne, %convert_element_type3A_78, %cond3A_79 : i32
    scf.if %cond3A_80 {
      %dma_start3A_124 = arith.constant 2 : i32
      %dma_start3A_125 = arith.constant 0 : i32
      %dma_start3A_126 = tpu.memref_slice %arg8[%dma_start3A_124, %dma_start3A_125] : memref<88x128xi32, #tpu.memory_space<vmem>> -> memref<1x128xi32, #tpu.memory_space<vmem>>
      %dma_start3A_127 = tpu.memref_squeeze %dma_start3A_126 : memref<1x128xi32, #tpu.memory_space<vmem>> -> memref<128xi32, #tpu.memory_space<vmem>>
      %dma_start3A_128 = arith.constant 0 : i32
      %dma_start3A_129 = arith.constant 0 : i32
      %dma_start3A_130 = tpu.memref_slice %arg2[%dma_start3A_128, %dma_start3A_129] : memref<10240x128xf32, #tpu.memory_space<hbm>> -> memref<10240x128xf32, #tpu.memory_space<hbm>>
      tpu.enqueue_indirect_dma source(%dma_start3A_130 : memref<10240x128xf32, #tpu.memory_space<hbm>>) target(%arg12 : memref<128x128xf32, #tpu.memory_space<vmem>>) offsets(%dma_start3A_127 : memref<128xi32, #tpu.memory_space<vmem>>) semaphore(%arg19 : memref<!tpu.dma_semaphore, #tpu.memory_space<semaphore_mem>>)
    } else {
    }
    %add3A_81 = arith.constant 3 : i32
    %add3A_82 = arith.addi %select_n3A, %add3A_81 : i32
    %jit3A_83 = arith.constant 4 : i32
    %div3A_84 = arith.divsi %add3A_82, %jit3A_83 : i32
    %sign3A_85 = arith.constant 0 : i32
    %sign3A_86 = arith.cmpi sgt, %add3A_82, %sign3A_85 : i32
    %sign3A_87 = arith.extui %sign3A_86 : i1 to i32
    %sign3A_88 = arith.constant 0 : i32
    %sign3A_89 = arith.cmpi slt, %add3A_82, %sign3A_88 : i32
    %sign3A_90 = arith.extui %sign3A_89 : i1 to i32
    %sign3A_91 = arith.subi %sign3A_87, %sign3A_90 : i32
    %sign3A_92 = arith.constant 0 : i32
    %sign3A_93 = arith.cmpi sgt, %jit3A_83, %sign3A_92 : i32
    %sign3A_94 = arith.extui %sign3A_93 : i1 to i32
    %sign3A_95 = arith.constant 0 : i32
    %sign3A_96 = arith.cmpi slt, %jit3A_83, %sign3A_95 : i32
    %sign3A_97 = arith.extui %sign3A_96 : i1 to i32
    %sign3A_98 = arith.subi %sign3A_94, %sign3A_97 : i32
    %ne3A_99 = arith.cmpi ne, %sign3A_91, %sign3A_98 : i32
    %rem3A_100 = arith.remsi %add3A_82, %jit3A_83 : i32
    %ne3A_101 = arith.constant 0 : i32
    %ne3A_102 = arith.cmpi ne, %rem3A_100, %ne3A_101 : i32
    %and3A_103 = arith.andi %ne3A_99, %ne3A_102 : i1
    %sub3A_104 = arith.constant 1 : i32
    %sub3A_105 = arith.subi %div3A_84, %sub3A_104 : i32
    %select_n3A_106 = arith.select %and3A_103, %sub3A_105, %div3A_84 : i32
    %while3A = arith.constant 0 : i32
    %while3A_107 = arith.constant 0 : i32
    %while3A_108 = arith.subi %select_n3A_106, %while3A_107 : i32
    %while3A_109 = arith.addi %while3A_107, %while3A_108 : i32
    %while3A_110 = arith.constant 1 : i32
    %while3A_111 = arith.divsi %while3A_108, %while3A_110 : i32
    %while3A_112 = arith.muli %while3A_111, %while3A_110 : i32
    %while3A_113 = arith.addi %while3A_107, %while3A_112 : i32
    %while3A_114 = arith.constant 1 : i32
    scf.for %while3A_124 = %while3A_107 to %while3A_113 step %while3A_114  : i32 {
      %mul3A_125 = arith.constant 4 : i32
      %mul3A_126 = arith.muli %mul3A_125, %while3A_124 : i32
      %add3A_127 = arith.constant 0 : i32
      %add3A_128 = arith.addi %mul3A_126, %add3A_127 : i32
      %add3A_129 = arith.constant 3 : i32
      %add3A_130 = arith.addi %add3A_128, %add3A_129 : i32
      %lt3A = arith.cmpi slt, %add3A_130, %select_n3A : i32
      %convert_element_type3A_131 = arith.extui %lt3A : i1 to i32
      %cond3A_132 = arith.constant 0 : i32
      %cond3A_133 = arith.cmpi ne, %convert_element_type3A_131, %cond3A_132 : i32
      scf.if %cond3A_133 {
        %dma_start3A_174 = arith.constant 0 : i32
        %dma_start3A_175 = tpu.memref_slice %arg8[%add3A_130, %dma_start3A_174] : memref<88x128xi32, #tpu.memory_space<vmem>> -> memref<1x128xi32, #tpu.memory_space<vmem>>
        %dma_start3A_176 = tpu.memref_squeeze %dma_start3A_175 : memref<1x128xi32, #tpu.memory_space<vmem>> -> memref<128xi32, #tpu.memory_space<vmem>>
        %dma_start3A_177 = arith.constant 0 : i32
        %dma_start3A_178 = arith.constant 0 : i32
        %dma_start3A_179 = tpu.memref_slice %arg2[%dma_start3A_177, %dma_start3A_178] : memref<10240x128xf32, #tpu.memory_space<hbm>> -> memref<10240x128xf32, #tpu.memory_space<hbm>>
        tpu.enqueue_indirect_dma source(%dma_start3A_179 : memref<10240x128xf32, #tpu.memory_space<hbm>>) target(%arg13 : memref<128x128xf32, #tpu.memory_space<vmem>>) offsets(%dma_start3A_176 : memref<128xi32, #tpu.memory_space<vmem>>) semaphore(%arg20 : memref<!tpu.dma_semaphore, #tpu.memory_space<semaphore_mem>>)
      } else {
      }
      %lt3A_134 = arith.cmpi slt, %add3A_128, %select_n3A : i32
      %convert_element_type3A_135 = arith.extui %lt3A_134 : i1 to i32
      %cond3A_136 = arith.constant 0 : i32
      %cond3A_137 = arith.cmpi ne, %convert_element_type3A_135, %cond3A_136 : i32
      scf.if %cond3A_137 {
        %dma_wait3A_174 = arith.constant 0 : i32
        %dma_wait3A_175 = tpu.memref_slice %arg8[%add3A_128, %dma_wait3A_174] : memref<88x128xi32, #tpu.memory_space<vmem>> -> memref<1x128xi32, #tpu.memory_space<vmem>>
        %dma_wait3A_176 = tpu.memref_squeeze %dma_wait3A_175 : memref<1x128xi32, #tpu.memory_space<vmem>> -> memref<128xi32, #tpu.memory_space<vmem>>
        %dma_wait3A_177 = arith.constant 0 : i32
        %dma_wait3A_178 = arith.constant 0 : i32
        %dma_wait3A_179 = tpu.memref_slice %arg2[%dma_wait3A_177, %dma_wait3A_178] : memref<10240x128xf32, #tpu.memory_space<hbm>> -> memref<10240x128xf32, #tpu.memory_space<hbm>>
        tpu.wait_indirect_dma semaphore(%arg17 : memref<!tpu.dma_semaphore, #tpu.memory_space<semaphore_mem>>) src(%dma_wait3A_179 : memref<10240x128xf32, #tpu.memory_space<hbm>>) dst(%arg10 : memref<128x128xf32, #tpu.memory_space<vmem>>)
        "tpu.region"() ({
          %run_scoped3A = tpu.sem_alloc : memref<!tpu.dma_semaphore, #tpu.memory_space<semaphore_mem>>
          %dma_start3A_180 = arith.constant 0 : i32
          %dma_start3A_181 = tpu.memref_slice %arg9[%add3A_128, %dma_start3A_180] : memref<88x128xi32, #tpu.memory_space<vmem>> -> memref<1x128xi32, #tpu.memory_space<vmem>>
          %dma_start3A_182 = tpu.memref_squeeze %dma_start3A_181 : memref<1x128xi32, #tpu.memory_space<vmem>> -> memref<128xi32, #tpu.memory_space<vmem>>
          %dma_start3A_183 = arith.constant 0 : i32
          %dma_start3A_184 = arith.constant 0 : i32
          %dma_start3A_185 = tpu.memref_slice %arg15[%dma_start3A_183, %dma_start3A_184] : memref<5128x128xf32, #tpu.memory_space<vmem_shared>> -> memref<5128x128xf32, #tpu.memory_space<vmem_shared>>
          tpu.enqueue_indirect_dma source(%arg10 : memref<128x128xf32, #tpu.memory_space<vmem>>) target(%dma_start3A_185 : memref<5128x128xf32, #tpu.memory_space<vmem_shared>>) offsets(%dma_start3A_182 : memref<128xi32, #tpu.memory_space<vmem>>) semaphore(%run_scoped3A : memref<!tpu.dma_semaphore, #tpu.memory_space<semaphore_mem>>) {add = true}
          %dma_wait3A_186 = arith.constant 0 : i32
          %dma_wait3A_187 = tpu.memref_slice %arg9[%add3A_128, %dma_wait3A_186] : memref<88x128xi32, #tpu.memory_space<vmem>> -> memref<1x128xi32, #tpu.memory_space<vmem>>
          %dma_wait3A_188 = tpu.memref_squeeze %dma_wait3A_187 : memref<1x128xi32, #tpu.memory_space<vmem>> -> memref<128xi32, #tpu.memory_space<vmem>>
          %dma_wait3A_189 = arith.constant 0 : i32
          %dma_wait3A_190 = arith.constant 0 : i32
          %dma_wait3A_191 = tpu.memref_slice %arg15[%dma_wait3A_189, %dma_wait3A_190] : memref<5128x128xf32, #tpu.memory_space<vmem_shared>> -> memref<5128x128xf32, #tpu.memory_space<vmem_shared>>
          tpu.wait_indirect_dma semaphore(%run_scoped3A : memref<!tpu.dma_semaphore, #tpu.memory_space<semaphore_mem>>) src(%arg10 : memref<128x128xf32, #tpu.memory_space<vmem>>) dst(%dma_wait3A_191 : memref<5128x128xf32, #tpu.memory_space<vmem_shared>>)
          tpu.yield
        }) : () -> ()
      } else {
      }
      %add3A_138 = arith.constant 1 : i32
      %add3A_139 = arith.addi %mul3A_126, %add3A_138 : i32
      %add3A_140 = arith.constant 3 : i32
      %add3A_141 = arith.addi %add3A_139, %add3A_140 : i32
      %lt3A_142 = arith.cmpi slt, %add3A_141, %select_n3A : i32
      %convert_element_type3A_143 = arith.extui %lt3A_142 : i1 to i32
      %cond3A_144 = arith.constant 0 : i32
      %cond3A_145 = arith.cmpi ne, %convert_element_type3A_143, %cond3A_144 : i32
      scf.if %cond3A_145 {
        %dma_start3A_174 = arith.constant 0 : i32
        %dma_start3A_175 = tpu.memref_slice %arg8[%add3A_141, %dma_start3A_174] : memref<88x128xi32, #tpu.memory_space<vmem>> -> memref<1x128xi32, #tpu.memory_space<vmem>>
        %dma_start3A_176 = tpu.memref_squeeze %dma_start3A_175 : memref<1x128xi32, #tpu.memory_space<vmem>> -> memref<128xi32, #tpu.memory_space<vmem>>
        %dma_start3A_177 = arith.constant 0 : i32
        %dma_start3A_178 = arith.constant 0 : i32
        %dma_start3A_179 = tpu.memref_slice %arg2[%dma_start3A_177, %dma_start3A_178] : memref<10240x128xf32, #tpu.memory_space<hbm>> -> memref<10240x128xf32, #tpu.memory_space<hbm>>
        tpu.enqueue_indirect_dma source(%dma_start3A_179 : memref<10240x128xf32, #tpu.memory_space<hbm>>) target(%arg10 : memref<128x128xf32, #tpu.memory_space<vmem>>) offsets(%dma_start3A_176 : memref<128xi32, #tpu.memory_space<vmem>>) semaphore(%arg17 : memref<!tpu.dma_semaphore, #tpu.memory_space<semaphore_mem>>)
      } else {
      }
      %lt3A_146 = arith.cmpi slt, %add3A_139, %select_n3A : i32
      %convert_element_type3A_147 = arith.extui %lt3A_146 : i1 to i32
      %cond3A_148 = arith.constant 0 : i32
      %cond3A_149 = arith.cmpi ne, %convert_element_type3A_147, %cond3A_148 : i32
      scf.if %cond3A_149 {
        %dma_wait3A_174 = arith.constant 0 : i32
        %dma_wait3A_175 = tpu.memref_slice %arg8[%add3A_139, %dma_wait3A_174] : memref<88x128xi32, #tpu.memory_space<vmem>> -> memref<1x128xi32, #tpu.memory_space<vmem>>
        %dma_wait3A_176 = tpu.memref_squeeze %dma_wait3A_175 : memref<1x128xi32, #tpu.memory_space<vmem>> -> memref<128xi32, #tpu.memory_space<vmem>>
        %dma_wait3A_177 = arith.constant 0 : i32
        %dma_wait3A_178 = arith.constant 0 : i32
        %dma_wait3A_179 = tpu.memref_slice %arg2[%dma_wait3A_177, %dma_wait3A_178] : memref<10240x128xf32, #tpu.memory_space<hbm>> -> memref<10240x128xf32, #tpu.memory_space<hbm>>
        tpu.wait_indirect_dma semaphore(%arg18 : memref<!tpu.dma_semaphore, #tpu.memory_space<semaphore_mem>>) src(%dma_wait3A_179 : memref<10240x128xf32, #tpu.memory_space<hbm>>) dst(%arg11 : memref<128x128xf32, #tpu.memory_space<vmem>>)
        "tpu.region"() ({
          %run_scoped3A = tpu.sem_alloc : memref<!tpu.dma_semaphore, #tpu.memory_space<semaphore_mem>>
          %dma_start3A_180 = arith.constant 0 : i32
          %dma_start3A_181 = tpu.memref_slice %arg9[%add3A_139, %dma_start3A_180] : memref<88x128xi32, #tpu.memory_space<vmem>> -> memref<1x128xi32, #tpu.memory_space<vmem>>
          %dma_start3A_182 = tpu.memref_squeeze %dma_start3A_181 : memref<1x128xi32, #tpu.memory_space<vmem>> -> memref<128xi32, #tpu.memory_space<vmem>>
          %dma_start3A_183 = arith.constant 0 : i32
          %dma_start3A_184 = arith.constant 0 : i32
          %dma_start3A_185 = tpu.memref_slice %arg15[%dma_start3A_183, %dma_start3A_184] : memref<5128x128xf32, #tpu.memory_space<vmem_shared>> -> memref<5128x128xf32, #tpu.memory_space<vmem_shared>>
          tpu.enqueue_indirect_dma source(%arg11 : memref<128x128xf32, #tpu.memory_space<vmem>>) target(%dma_start3A_185 : memref<5128x128xf32, #tpu.memory_space<vmem_shared>>) offsets(%dma_start3A_182 : memref<128xi32, #tpu.memory_space<vmem>>) semaphore(%run_scoped3A : memref<!tpu.dma_semaphore, #tpu.memory_space<semaphore_mem>>) {add = true}
          %dma_wait3A_186 = arith.constant 0 : i32
          %dma_wait3A_187 = tpu.memref_slice %arg9[%add3A_139, %dma_wait3A_186] : memref<88x128xi32, #tpu.memory_space<vmem>> -> memref<1x128xi32, #tpu.memory_space<vmem>>
          %dma_wait3A_188 = tpu.memref_squeeze %dma_wait3A_187 : memref<1x128xi32, #tpu.memory_space<vmem>> -> memref<128xi32, #tpu.memory_space<vmem>>
          %dma_wait3A_189 = arith.constant 0 : i32
          %dma_wait3A_190 = arith.constant 0 : i32
          %dma_wait3A_191 = tpu.memref_slice %arg15[%dma_wait3A_189, %dma_wait3A_190] : memref<5128x128xf32, #tpu.memory_space<vmem_shared>> -> memref<5128x128xf32, #tpu.memory_space<vmem_shared>>
          tpu.wait_indirect_dma semaphore(%run_scoped3A : memref<!tpu.dma_semaphore, #tpu.memory_space<semaphore_mem>>) src(%arg11 : memref<128x128xf32, #tpu.memory_space<vmem>>) dst(%dma_wait3A_191 : memref<5128x128xf32, #tpu.memory_space<vmem_shared>>)
          tpu.yield
        }) : () -> ()
      } else {
      }
      %add3A_150 = arith.constant 2 : i32
      %add3A_151 = arith.addi %mul3A_126, %add3A_150 : i32
      %add3A_152 = arith.constant 3 : i32
      %add3A_153 = arith.addi %add3A_151, %add3A_152 : i32
      %lt3A_154 = arith.cmpi slt, %add3A_153, %select_n3A : i32
      %convert_element_type3A_155 = arith.extui %lt3A_154 : i1 to i32
      %cond3A_156 = arith.constant 0 : i32
      %cond3A_157 = arith.cmpi ne, %convert_element_type3A_155, %cond3A_156 : i32
      scf.if %cond3A_157 {
        %dma_start3A_174 = arith.constant 0 : i32
        %dma_start3A_175 = tpu.memref_slice %arg8[%add3A_153, %dma_start3A_174] : memref<88x128xi32, #tpu.memory_space<vmem>> -> memref<1x128xi32, #tpu.memory_space<vmem>>
        %dma_start3A_176 = tpu.memref_squeeze %dma_start3A_175 : memref<1x128xi32, #tpu.memory_space<vmem>> -> memref<128xi32, #tpu.memory_space<vmem>>
        %dma_start3A_177 = arith.constant 0 : i32
        %dma_start3A_178 = arith.constant 0 : i32
        %dma_start3A_179 = tpu.memref_slice %arg2[%dma_start3A_177, %dma_start3A_178] : memref<10240x128xf32, #tpu.memory_space<hbm>> -> memref<10240x128xf32, #tpu.memory_space<hbm>>
        tpu.enqueue_indirect_dma source(%dma_start3A_179 : memref<10240x128xf32, #tpu.memory_space<hbm>>) target(%arg11 : memref<128x128xf32, #tpu.memory_space<vmem>>) offsets(%dma_start3A_176 : memref<128xi32, #tpu.memory_space<vmem>>) semaphore(%arg18 : memref<!tpu.dma_semaphore, #tpu.memory_space<semaphore_mem>>)
      } else {
      }
      %lt3A_158 = arith.cmpi slt, %add3A_151, %select_n3A : i32
      %convert_element_type3A_159 = arith.extui %lt3A_158 : i1 to i32
      %cond3A_160 = arith.constant 0 : i32
      %cond3A_161 = arith.cmpi ne, %convert_element_type3A_159, %cond3A_160 : i32
      scf.if %cond3A_161 {
        %dma_wait3A_174 = arith.constant 0 : i32
        %dma_wait3A_175 = tpu.memref_slice %arg8[%add3A_151, %dma_wait3A_174] : memref<88x128xi32, #tpu.memory_space<vmem>> -> memref<1x128xi32, #tpu.memory_space<vmem>>
        %dma_wait3A_176 = tpu.memref_squeeze %dma_wait3A_175 : memref<1x128xi32, #tpu.memory_space<vmem>> -> memref<128xi32, #tpu.memory_space<vmem>>
        %dma_wait3A_177 = arith.constant 0 : i32
        %dma_wait3A_178 = arith.constant 0 : i32
        %dma_wait3A_179 = tpu.memref_slice %arg2[%dma_wait3A_177, %dma_wait3A_178] : memref<10240x128xf32, #tpu.memory_space<hbm>> -> memref<10240x128xf32, #tpu.memory_space<hbm>>
        tpu.wait_indirect_dma semaphore(%arg19 : memref<!tpu.dma_semaphore, #tpu.memory_space<semaphore_mem>>) src(%dma_wait3A_179 : memref<10240x128xf32, #tpu.memory_space<hbm>>) dst(%arg12 : memref<128x128xf32, #tpu.memory_space<vmem>>)
        "tpu.region"() ({
          %run_scoped3A = tpu.sem_alloc : memref<!tpu.dma_semaphore, #tpu.memory_space<semaphore_mem>>
          %dma_start3A_180 = arith.constant 0 : i32
          %dma_start3A_181 = tpu.memref_slice %arg9[%add3A_151, %dma_start3A_180] : memref<88x128xi32, #tpu.memory_space<vmem>> -> memref<1x128xi32, #tpu.memory_space<vmem>>
          %dma_start3A_182 = tpu.memref_squeeze %dma_start3A_181 : memref<1x128xi32, #tpu.memory_space<vmem>> -> memref<128xi32, #tpu.memory_space<vmem>>
          %dma_start3A_183 = arith.constant 0 : i32
          %dma_start3A_184 = arith.constant 0 : i32
          %dma_start3A_185 = tpu.memref_slice %arg15[%dma_start3A_183, %dma_start3A_184] : memref<5128x128xf32, #tpu.memory_space<vmem_shared>> -> memref<5128x128xf32, #tpu.memory_space<vmem_shared>>
          tpu.enqueue_indirect_dma source(%arg12 : memref<128x128xf32, #tpu.memory_space<vmem>>) target(%dma_start3A_185 : memref<5128x128xf32, #tpu.memory_space<vmem_shared>>) offsets(%dma_start3A_182 : memref<128xi32, #tpu.memory_space<vmem>>) semaphore(%run_scoped3A : memref<!tpu.dma_semaphore, #tpu.memory_space<semaphore_mem>>) {add = true}
          %dma_wait3A_186 = arith.constant 0 : i32
          %dma_wait3A_187 = tpu.memref_slice %arg9[%add3A_151, %dma_wait3A_186] : memref<88x128xi32, #tpu.memory_space<vmem>> -> memref<1x128xi32, #tpu.memory_space<vmem>>
          %dma_wait3A_188 = tpu.memref_squeeze %dma_wait3A_187 : memref<1x128xi32, #tpu.memory_space<vmem>> -> memref<128xi32, #tpu.memory_space<vmem>>
          %dma_wait3A_189 = arith.constant 0 : i32
          %dma_wait3A_190 = arith.constant 0 : i32
          %dma_wait3A_191 = tpu.memref_slice %arg15[%dma_wait3A_189, %dma_wait3A_190] : memref<5128x128xf32, #tpu.memory_space<vmem_shared>> -> memref<5128x128xf32, #tpu.memory_space<vmem_shared>>
          tpu.wait_indirect_dma semaphore(%run_scoped3A : memref<!tpu.dma_semaphore, #tpu.memory_space<semaphore_mem>>) src(%arg12 : memref<128x128xf32, #tpu.memory_space<vmem>>) dst(%dma_wait3A_191 : memref<5128x128xf32, #tpu.memory_space<vmem_shared>>)
          tpu.yield
        }) : () -> ()
      } else {
      }
      %add3A_162 = arith.constant 3 : i32
      %add3A_163 = arith.addi %mul3A_126, %add3A_162 : i32
      %add3A_164 = arith.constant 3 : i32
      %add3A_165 = arith.addi %add3A_163, %add3A_164 : i32
      %lt3A_166 = arith.cmpi slt, %add3A_165, %select_n3A : i32
      %convert_element_type3A_167 = arith.extui %lt3A_166 : i1 to i32
      %cond3A_168 = arith.constant 0 : i32
      %cond3A_169 = arith.cmpi ne, %convert_element_type3A_167, %cond3A_168 : i32
      scf.if %cond3A_169 {
        %dma_start3A_174 = arith.constant 0 : i32
        %dma_start3A_175 = tpu.memref_slice %arg8[%add3A_165, %dma_start3A_174] : memref<88x128xi32, #tpu.memory_space<vmem>> -> memref<1x128xi32, #tpu.memory_space<vmem>>
        %dma_start3A_176 = tpu.memref_squeeze %dma_start3A_175 : memref<1x128xi32, #tpu.memory_space<vmem>> -> memref<128xi32, #tpu.memory_space<vmem>>
        %dma_start3A_177 = arith.constant 0 : i32
        %dma_start3A_178 = arith.constant 0 : i32
        %dma_start3A_179 = tpu.memref_slice %arg2[%dma_start3A_177, %dma_start3A_178] : memref<10240x128xf32, #tpu.memory_space<hbm>> -> memref<10240x128xf32, #tpu.memory_space<hbm>>
        tpu.enqueue_indirect_dma source(%dma_start3A_179 : memref<10240x128xf32, #tpu.memory_space<hbm>>) target(%arg12 : memref<128x128xf32, #tpu.memory_space<vmem>>) offsets(%dma_start3A_176 : memref<128xi32, #tpu.memory_space<vmem>>) semaphore(%arg19 : memref<!tpu.dma_semaphore, #tpu.memory_space<semaphore_mem>>)
      } else {
      }
      %lt3A_170 = arith.cmpi slt, %add3A_163, %select_n3A : i32
      %convert_element_type3A_171 = arith.extui %lt3A_170 : i1 to i32
      %cond3A_172 = arith.constant 0 : i32
      %cond3A_173 = arith.cmpi ne, %convert_element_type3A_171, %cond3A_172 : i32
      scf.if %cond3A_173 {
        %dma_wait3A_174 = arith.constant 0 : i32
        %dma_wait3A_175 = tpu.memref_slice %arg8[%add3A_163, %dma_wait3A_174] : memref<88x128xi32, #tpu.memory_space<vmem>> -> memref<1x128xi32, #tpu.memory_space<vmem>>
        %dma_wait3A_176 = tpu.memref_squeeze %dma_wait3A_175 : memref<1x128xi32, #tpu.memory_space<vmem>> -> memref<128xi32, #tpu.memory_space<vmem>>
        %dma_wait3A_177 = arith.constant 0 : i32
        %dma_wait3A_178 = arith.constant 0 : i32
        %dma_wait3A_179 = tpu.memref_slice %arg2[%dma_wait3A_177, %dma_wait3A_178] : memref<10240x128xf32, #tpu.memory_space<hbm>> -> memref<10240x128xf32, #tpu.memory_space<hbm>>
        tpu.wait_indirect_dma semaphore(%arg20 : memref<!tpu.dma_semaphore, #tpu.memory_space<semaphore_mem>>) src(%dma_wait3A_179 : memref<10240x128xf32, #tpu.memory_space<hbm>>) dst(%arg13 : memref<128x128xf32, #tpu.memory_space<vmem>>)
        "tpu.region"() ({
          %run_scoped3A = tpu.sem_alloc : memref<!tpu.dma_semaphore, #tpu.memory_space<semaphore_mem>>
          %dma_start3A_180 = arith.constant 0 : i32
          %dma_start3A_181 = tpu.memref_slice %arg9[%add3A_163, %dma_start3A_180] : memref<88x128xi32, #tpu.memory_space<vmem>> -> memref<1x128xi32, #tpu.memory_space<vmem>>
          %dma_start3A_182 = tpu.memref_squeeze %dma_start3A_181 : memref<1x128xi32, #tpu.memory_space<vmem>> -> memref<128xi32, #tpu.memory_space<vmem>>
          %dma_start3A_183 = arith.constant 0 : i32
          %dma_start3A_184 = arith.constant 0 : i32
          %dma_start3A_185 = tpu.memref_slice %arg15[%dma_start3A_183, %dma_start3A_184] : memref<5128x128xf32, #tpu.memory_space<vmem_shared>> -> memref<5128x128xf32, #tpu.memory_space<vmem_shared>>
          tpu.enqueue_indirect_dma source(%arg13 : memref<128x128xf32, #tpu.memory_space<vmem>>) target(%dma_start3A_185 : memref<5128x128xf32, #tpu.memory_space<vmem_shared>>) offsets(%dma_start3A_182 : memref<128xi32, #tpu.memory_space<vmem>>) semaphore(%run_scoped3A : memref<!tpu.dma_semaphore, #tpu.memory_space<semaphore_mem>>) {add = true}
          %dma_wait3A_186 = arith.constant 0 : i32
          %dma_wait3A_187 = tpu.memref_slice %arg9[%add3A_163, %dma_wait3A_186] : memref<88x128xi32, #tpu.memory_space<vmem>> -> memref<1x128xi32, #tpu.memory_space<vmem>>
          %dma_wait3A_188 = tpu.memref_squeeze %dma_wait3A_187 : memref<1x128xi32, #tpu.memory_space<vmem>> -> memref<128xi32, #tpu.memory_space<vmem>>
          %dma_wait3A_189 = arith.constant 0 : i32
          %dma_wait3A_190 = arith.constant 0 : i32
          %dma_wait3A_191 = tpu.memref_slice %arg15[%dma_wait3A_189, %dma_wait3A_190] : memref<5128x128xf32, #tpu.memory_space<vmem_shared>> -> memref<5128x128xf32, #tpu.memory_space<vmem_shared>>
          tpu.wait_indirect_dma semaphore(%run_scoped3A : memref<!tpu.dma_semaphore, #tpu.memory_space<semaphore_mem>>) src(%arg13 : memref<128x128xf32, #tpu.memory_space<vmem>>) dst(%dma_wait3A_191 : memref<5128x128xf32, #tpu.memory_space<vmem_shared>>)
          tpu.yield
        }) : () -> ()
      } else {
      }
    }
    %while3A_115 = arith.constant 1 : i32
    scf.for %while3A_124 = %while3A_113 to %while3A_109 step %while3A_115  : i32 {
      %mul3A_125 = arith.constant 4 : i32
      %mul3A_126 = arith.muli %mul3A_125, %while3A_124 : i32
      %add3A_127 = arith.constant 0 : i32
      %add3A_128 = arith.addi %mul3A_126, %add3A_127 : i32
      %add3A_129 = arith.constant 3 : i32
      %add3A_130 = arith.addi %add3A_128, %add3A_129 : i32
      %lt3A = arith.cmpi slt, %add3A_130, %select_n3A : i32
      %convert_element_type3A_131 = arith.extui %lt3A : i1 to i32
      %cond3A_132 = arith.constant 0 : i32
      %cond3A_133 = arith.cmpi ne, %convert_element_type3A_131, %cond3A_132 : i32
      scf.if %cond3A_133 {
        %dma_start3A_174 = arith.constant 0 : i32
        %dma_start3A_175 = tpu.memref_slice %arg8[%add3A_130, %dma_start3A_174] : memref<88x128xi32, #tpu.memory_space<vmem>> -> memref<1x128xi32, #tpu.memory_space<vmem>>
        %dma_start3A_176 = tpu.memref_squeeze %dma_start3A_175 : memref<1x128xi32, #tpu.memory_space<vmem>> -> memref<128xi32, #tpu.memory_space<vmem>>
        %dma_start3A_177 = arith.constant 0 : i32
        %dma_start3A_178 = arith.constant 0 : i32
        %dma_start3A_179 = tpu.memref_slice %arg2[%dma_start3A_177, %dma_start3A_178] : memref<10240x128xf32, #tpu.memory_space<hbm>> -> memref<10240x128xf32, #tpu.memory_space<hbm>>
        tpu.enqueue_indirect_dma source(%dma_start3A_179 : memref<10240x128xf32, #tpu.memory_space<hbm>>) target(%arg13 : memref<128x128xf32, #tpu.memory_space<vmem>>) offsets(%dma_start3A_176 : memref<128xi32, #tpu.memory_space<vmem>>) semaphore(%arg20 : memref<!tpu.dma_semaphore, #tpu.memory_space<semaphore_mem>>)
      } else {
      }
      %lt3A_134 = arith.cmpi slt, %add3A_128, %select_n3A : i32
      %convert_element_type3A_135 = arith.extui %lt3A_134 : i1 to i32
      %cond3A_136 = arith.constant 0 : i32
      %cond3A_137 = arith.cmpi ne, %convert_element_type3A_135, %cond3A_136 : i32
      scf.if %cond3A_137 {
        %dma_wait3A_174 = arith.constant 0 : i32
        %dma_wait3A_175 = tpu.memref_slice %arg8[%add3A_128, %dma_wait3A_174] : memref<88x128xi32, #tpu.memory_space<vmem>> -> memref<1x128xi32, #tpu.memory_space<vmem>>
        %dma_wait3A_176 = tpu.memref_squeeze %dma_wait3A_175 : memref<1x128xi32, #tpu.memory_space<vmem>> -> memref<128xi32, #tpu.memory_space<vmem>>
        %dma_wait3A_177 = arith.constant 0 : i32
        %dma_wait3A_178 = arith.constant 0 : i32
        %dma_wait3A_179 = tpu.memref_slice %arg2[%dma_wait3A_177, %dma_wait3A_178] : memref<10240x128xf32, #tpu.memory_space<hbm>> -> memref<10240x128xf32, #tpu.memory_space<hbm>>
        tpu.wait_indirect_dma semaphore(%arg17 : memref<!tpu.dma_semaphore, #tpu.memory_space<semaphore_mem>>) src(%dma_wait3A_179 : memref<10240x128xf32, #tpu.memory_space<hbm>>) dst(%arg10 : memref<128x128xf32, #tpu.memory_space<vmem>>)
        "tpu.region"() ({
          %run_scoped3A = tpu.sem_alloc : memref<!tpu.dma_semaphore, #tpu.memory_space<semaphore_mem>>
          %dma_start3A_180 = arith.constant 0 : i32
          %dma_start3A_181 = tpu.memref_slice %arg9[%add3A_128, %dma_start3A_180] : memref<88x128xi32, #tpu.memory_space<vmem>> -> memref<1x128xi32, #tpu.memory_space<vmem>>
          %dma_start3A_182 = tpu.memref_squeeze %dma_start3A_181 : memref<1x128xi32, #tpu.memory_space<vmem>> -> memref<128xi32, #tpu.memory_space<vmem>>
          %dma_start3A_183 = arith.constant 0 : i32
          %dma_start3A_184 = arith.constant 0 : i32
          %dma_start3A_185 = tpu.memref_slice %arg15[%dma_start3A_183, %dma_start3A_184] : memref<5128x128xf32, #tpu.memory_space<vmem_shared>> -> memref<5128x128xf32, #tpu.memory_space<vmem_shared>>
          tpu.enqueue_indirect_dma source(%arg10 : memref<128x128xf32, #tpu.memory_space<vmem>>) target(%dma_start3A_185 : memref<5128x128xf32, #tpu.memory_space<vmem_shared>>) offsets(%dma_start3A_182 : memref<128xi32, #tpu.memory_space<vmem>>) semaphore(%run_scoped3A : memref<!tpu.dma_semaphore, #tpu.memory_space<semaphore_mem>>) {add = true}
          %dma_wait3A_186 = arith.constant 0 : i32
          %dma_wait3A_187 = tpu.memref_slice %arg9[%add3A_128, %dma_wait3A_186] : memref<88x128xi32, #tpu.memory_space<vmem>> -> memref<1x128xi32, #tpu.memory_space<vmem>>
          %dma_wait3A_188 = tpu.memref_squeeze %dma_wait3A_187 : memref<1x128xi32, #tpu.memory_space<vmem>> -> memref<128xi32, #tpu.memory_space<vmem>>
          %dma_wait3A_189 = arith.constant 0 : i32
          %dma_wait3A_190 = arith.constant 0 : i32
          %dma_wait3A_191 = tpu.memref_slice %arg15[%dma_wait3A_189, %dma_wait3A_190] : memref<5128x128xf32, #tpu.memory_space<vmem_shared>> -> memref<5128x128xf32, #tpu.memory_space<vmem_shared>>
          tpu.wait_indirect_dma semaphore(%run_scoped3A : memref<!tpu.dma_semaphore, #tpu.memory_space<semaphore_mem>>) src(%arg10 : memref<128x128xf32, #tpu.memory_space<vmem>>) dst(%dma_wait3A_191 : memref<5128x128xf32, #tpu.memory_space<vmem_shared>>)
          tpu.yield
        }) : () -> ()
      } else {
      }
      %add3A_138 = arith.constant 1 : i32
      %add3A_139 = arith.addi %mul3A_126, %add3A_138 : i32
      %add3A_140 = arith.constant 3 : i32
      %add3A_141 = arith.addi %add3A_139, %add3A_140 : i32
      %lt3A_142 = arith.cmpi slt, %add3A_141, %select_n3A : i32
      %convert_element_type3A_143 = arith.extui %lt3A_142 : i1 to i32
      %cond3A_144 = arith.constant 0 : i32
      %cond3A_145 = arith.cmpi ne, %convert_element_type3A_143, %cond3A_144 : i32
      scf.if %cond3A_145 {
        %dma_start3A_174 = arith.constant 0 : i32
        %dma_start3A_175 = tpu.memref_slice %arg8[%add3A_141, %dma_start3A_174] : memref<88x128xi32, #tpu.memory_space<vmem>> -> memref<1x128xi32, #tpu.memory_space<vmem>>
        %dma_start3A_176 = tpu.memref_squeeze %dma_start3A_175 : memref<1x128xi32, #tpu.memory_space<vmem>> -> memref<128xi32, #tpu.memory_space<vmem>>
        %dma_start3A_177 = arith.constant 0 : i32
        %dma_start3A_178 = arith.constant 0 : i32
        %dma_start3A_179 = tpu.memref_slice %arg2[%dma_start3A_177, %dma_start3A_178] : memref<10240x128xf32, #tpu.memory_space<hbm>> -> memref<10240x128xf32, #tpu.memory_space<hbm>>
        tpu.enqueue_indirect_dma source(%dma_start3A_179 : memref<10240x128xf32, #tpu.memory_space<hbm>>) target(%arg10 : memref<128x128xf32, #tpu.memory_space<vmem>>) offsets(%dma_start3A_176 : memref<128xi32, #tpu.memory_space<vmem>>) semaphore(%arg17 : memref<!tpu.dma_semaphore, #tpu.memory_space<semaphore_mem>>)
      } else {
      }
      %lt3A_146 = arith.cmpi slt, %add3A_139, %select_n3A : i32
      %convert_element_type3A_147 = arith.extui %lt3A_146 : i1 to i32
      %cond3A_148 = arith.constant 0 : i32
      %cond3A_149 = arith.cmpi ne, %convert_element_type3A_147, %cond3A_148 : i32
      scf.if %cond3A_149 {
        %dma_wait3A_174 = arith.constant 0 : i32
        %dma_wait3A_175 = tpu.memref_slice %arg8[%add3A_139, %dma_wait3A_174] : memref<88x128xi32, #tpu.memory_space<vmem>> -> memref<1x128xi32, #tpu.memory_space<vmem>>
        %dma_wait3A_176 = tpu.memref_squeeze %dma_wait3A_175 : memref<1x128xi32, #tpu.memory_space<vmem>> -> memref<128xi32, #tpu.memory_space<vmem>>
        %dma_wait3A_177 = arith.constant 0 : i32
        %dma_wait3A_178 = arith.constant 0 : i32
        %dma_wait3A_179 = tpu.memref_slice %arg2[%dma_wait3A_177, %dma_wait3A_178] : memref<10240x128xf32, #tpu.memory_space<hbm>> -> memref<10240x128xf32, #tpu.memory_space<hbm>>
        tpu.wait_indirect_dma semaphore(%arg18 : memref<!tpu.dma_semaphore, #tpu.memory_space<semaphore_mem>>) src(%dma_wait3A_179 : memref<10240x128xf32, #tpu.memory_space<hbm>>) dst(%arg11 : memref<128x128xf32, #tpu.memory_space<vmem>>)
        "tpu.region"() ({
          %run_scoped3A = tpu.sem_alloc : memref<!tpu.dma_semaphore, #tpu.memory_space<semaphore_mem>>
          %dma_start3A_180 = arith.constant 0 : i32
          %dma_start3A_181 = tpu.memref_slice %arg9[%add3A_139, %dma_start3A_180] : memref<88x128xi32, #tpu.memory_space<vmem>> -> memref<1x128xi32, #tpu.memory_space<vmem>>
          %dma_start3A_182 = tpu.memref_squeeze %dma_start3A_181 : memref<1x128xi32, #tpu.memory_space<vmem>> -> memref<128xi32, #tpu.memory_space<vmem>>
          %dma_start3A_183 = arith.constant 0 : i32
          %dma_start3A_184 = arith.constant 0 : i32
          %dma_start3A_185 = tpu.memref_slice %arg15[%dma_start3A_183, %dma_start3A_184] : memref<5128x128xf32, #tpu.memory_space<vmem_shared>> -> memref<5128x128xf32, #tpu.memory_space<vmem_shared>>
          tpu.enqueue_indirect_dma source(%arg11 : memref<128x128xf32, #tpu.memory_space<vmem>>) target(%dma_start3A_185 : memref<5128x128xf32, #tpu.memory_space<vmem_shared>>) offsets(%dma_start3A_182 : memref<128xi32, #tpu.memory_space<vmem>>) semaphore(%run_scoped3A : memref<!tpu.dma_semaphore, #tpu.memory_space<semaphore_mem>>) {add = true}
          %dma_wait3A_186 = arith.constant 0 : i32
          %dma_wait3A_187 = tpu.memref_slice %arg9[%add3A_139, %dma_wait3A_186] : memref<88x128xi32, #tpu.memory_space<vmem>> -> memref<1x128xi32, #tpu.memory_space<vmem>>
          %dma_wait3A_188 = tpu.memref_squeeze %dma_wait3A_187 : memref<1x128xi32, #tpu.memory_space<vmem>> -> memref<128xi32, #tpu.memory_space<vmem>>
          %dma_wait3A_189 = arith.constant 0 : i32
          %dma_wait3A_190 = arith.constant 0 : i32
          %dma_wait3A_191 = tpu.memref_slice %arg15[%dma_wait3A_189, %dma_wait3A_190] : memref<5128x128xf32, #tpu.memory_space<vmem_shared>> -> memref<5128x128xf32, #tpu.memory_space<vmem_shared>>
          tpu.wait_indirect_dma semaphore(%run_scoped3A : memref<!tpu.dma_semaphore, #tpu.memory_space<semaphore_mem>>) src(%arg11 : memref<128x128xf32, #tpu.memory_space<vmem>>) dst(%dma_wait3A_191 : memref<5128x128xf32, #tpu.memory_space<vmem_shared>>)
          tpu.yield
        }) : () -> ()
      } else {
      }
      %add3A_150 = arith.constant 2 : i32
      %add3A_151 = arith.addi %mul3A_126, %add3A_150 : i32
      %add3A_152 = arith.constant 3 : i32
      %add3A_153 = arith.addi %add3A_151, %add3A_152 : i32
      %lt3A_154 = arith.cmpi slt, %add3A_153, %select_n3A : i32
      %convert_element_type3A_155 = arith.extui %lt3A_154 : i1 to i32
      %cond3A_156 = arith.constant 0 : i32
      %cond3A_157 = arith.cmpi ne, %convert_element_type3A_155, %cond3A_156 : i32
      scf.if %cond3A_157 {
        %dma_start3A_174 = arith.constant 0 : i32
        %dma_start3A_175 = tpu.memref_slice %arg8[%add3A_153, %dma_start3A_174] : memref<88x128xi32, #tpu.memory_space<vmem>> -> memref<1x128xi32, #tpu.memory_space<vmem>>
        %dma_start3A_176 = tpu.memref_squeeze %dma_start3A_175 : memref<1x128xi32, #tpu.memory_space<vmem>> -> memref<128xi32, #tpu.memory_space<vmem>>
        %dma_start3A_177 = arith.constant 0 : i32
        %dma_start3A_178 = arith.constant 0 : i32
        %dma_start3A_179 = tpu.memref_slice %arg2[%dma_start3A_177, %dma_start3A_178] : memref<10240x128xf32, #tpu.memory_space<hbm>> -> memref<10240x128xf32, #tpu.memory_space<hbm>>
        tpu.enqueue_indirect_dma source(%dma_start3A_179 : memref<10240x128xf32, #tpu.memory_space<hbm>>) target(%arg11 : memref<128x128xf32, #tpu.memory_space<vmem>>) offsets(%dma_start3A_176 : memref<128xi32, #tpu.memory_space<vmem>>) semaphore(%arg18 : memref<!tpu.dma_semaphore, #tpu.memory_space<semaphore_mem>>)
      } else {
      }
      %lt3A_158 = arith.cmpi slt, %add3A_151, %select_n3A : i32
      %convert_element_type3A_159 = arith.extui %lt3A_158 : i1 to i32
      %cond3A_160 = arith.constant 0 : i32
      %cond3A_161 = arith.cmpi ne, %convert_element_type3A_159, %cond3A_160 : i32
      scf.if %cond3A_161 {
        %dma_wait3A_174 = arith.constant 0 : i32
        %dma_wait3A_175 = tpu.memref_slice %arg8[%add3A_151, %dma_wait3A_174] : memref<88x128xi32, #tpu.memory_space<vmem>> -> memref<1x128xi32, #tpu.memory_space<vmem>>
        %dma_wait3A_176 = tpu.memref_squeeze %dma_wait3A_175 : memref<1x128xi32, #tpu.memory_space<vmem>> -> memref<128xi32, #tpu.memory_space<vmem>>
        %dma_wait3A_177 = arith.constant 0 : i32
        %dma_wait3A_178 = arith.constant 0 : i32
        %dma_wait3A_179 = tpu.memref_slice %arg2[%dma_wait3A_177, %dma_wait3A_178] : memref<10240x128xf32, #tpu.memory_space<hbm>> -> memref<10240x128xf32, #tpu.memory_space<hbm>>
        tpu.wait_indirect_dma semaphore(%arg19 : memref<!tpu.dma_semaphore, #tpu.memory_space<semaphore_mem>>) src(%dma_wait3A_179 : memref<10240x128xf32, #tpu.memory_space<hbm>>) dst(%arg12 : memref<128x128xf32, #tpu.memory_space<vmem>>)
        "tpu.region"() ({
          %run_scoped3A = tpu.sem_alloc : memref<!tpu.dma_semaphore, #tpu.memory_space<semaphore_mem>>
          %dma_start3A_180 = arith.constant 0 : i32
          %dma_start3A_181 = tpu.memref_slice %arg9[%add3A_151, %dma_start3A_180] : memref<88x128xi32, #tpu.memory_space<vmem>> -> memref<1x128xi32, #tpu.memory_space<vmem>>
          %dma_start3A_182 = tpu.memref_squeeze %dma_start3A_181 : memref<1x128xi32, #tpu.memory_space<vmem>> -> memref<128xi32, #tpu.memory_space<vmem>>
          %dma_start3A_183 = arith.constant 0 : i32
          %dma_start3A_184 = arith.constant 0 : i32
          %dma_start3A_185 = tpu.memref_slice %arg15[%dma_start3A_183, %dma_start3A_184] : memref<5128x128xf32, #tpu.memory_space<vmem_shared>> -> memref<5128x128xf32, #tpu.memory_space<vmem_shared>>
          tpu.enqueue_indirect_dma source(%arg12 : memref<128x128xf32, #tpu.memory_space<vmem>>) target(%dma_start3A_185 : memref<5128x128xf32, #tpu.memory_space<vmem_shared>>) offsets(%dma_start3A_182 : memref<128xi32, #tpu.memory_space<vmem>>) semaphore(%run_scoped3A : memref<!tpu.dma_semaphore, #tpu.memory_space<semaphore_mem>>) {add = true}
          %dma_wait3A_186 = arith.constant 0 : i32
          %dma_wait3A_187 = tpu.memref_slice %arg9[%add3A_151, %dma_wait3A_186] : memref<88x128xi32, #tpu.memory_space<vmem>> -> memref<1x128xi32, #tpu.memory_space<vmem>>
          %dma_wait3A_188 = tpu.memref_squeeze %dma_wait3A_187 : memref<1x128xi32, #tpu.memory_space<vmem>> -> memref<128xi32, #tpu.memory_space<vmem>>
          %dma_wait3A_189 = arith.constant 0 : i32
          %dma_wait3A_190 = arith.constant 0 : i32
          %dma_wait3A_191 = tpu.memref_slice %arg15[%dma_wait3A_189, %dma_wait3A_190] : memref<5128x128xf32, #tpu.memory_space<vmem_shared>> -> memref<5128x128xf32, #tpu.memory_space<vmem_shared>>
          tpu.wait_indirect_dma semaphore(%run_scoped3A : memref<!tpu.dma_semaphore, #tpu.memory_space<semaphore_mem>>) src(%arg12 : memref<128x128xf32, #tpu.memory_space<vmem>>) dst(%dma_wait3A_191 : memref<5128x128xf32, #tpu.memory_space<vmem_shared>>)
          tpu.yield
        }) : () -> ()
      } else {
      }
      %add3A_162 = arith.constant 3 : i32
      %add3A_163 = arith.addi %mul3A_126, %add3A_162 : i32
      %add3A_164 = arith.constant 3 : i32
      %add3A_165 = arith.addi %add3A_163, %add3A_164 : i32
      %lt3A_166 = arith.cmpi slt, %add3A_165, %select_n3A : i32
      %convert_element_type3A_167 = arith.extui %lt3A_166 : i1 to i32
      %cond3A_168 = arith.constant 0 : i32
      %cond3A_169 = arith.cmpi ne, %convert_element_type3A_167, %cond3A_168 : i32
      scf.if %cond3A_169 {
        %dma_start3A_174 = arith.constant 0 : i32
        %dma_start3A_175 = tpu.memref_slice %arg8[%add3A_165, %dma_start3A_174] : memref<88x128xi32, #tpu.memory_space<vmem>> -> memref<1x128xi32, #tpu.memory_space<vmem>>
        %dma_start3A_176 = tpu.memref_squeeze %dma_start3A_175 : memref<1x128xi32, #tpu.memory_space<vmem>> -> memref<128xi32, #tpu.memory_space<vmem>>
        %dma_start3A_177 = arith.constant 0 : i32
        %dma_start3A_178 = arith.constant 0 : i32
        %dma_start3A_179 = tpu.memref_slice %arg2[%dma_start3A_177, %dma_start3A_178] : memref<10240x128xf32, #tpu.memory_space<hbm>> -> memref<10240x128xf32, #tpu.memory_space<hbm>>
        tpu.enqueue_indirect_dma source(%dma_start3A_179 : memref<10240x128xf32, #tpu.memory_space<hbm>>) target(%arg12 : memref<128x128xf32, #tpu.memory_space<vmem>>) offsets(%dma_start3A_176 : memref<128xi32, #tpu.memory_space<vmem>>) semaphore(%arg19 : memref<!tpu.dma_semaphore, #tpu.memory_space<semaphore_mem>>)
      } else {
      }
      %lt3A_170 = arith.cmpi slt, %add3A_163, %select_n3A : i32
      %convert_element_type3A_171 = arith.extui %lt3A_170 : i1 to i32
      %cond3A_172 = arith.constant 0 : i32
      %cond3A_173 = arith.cmpi ne, %convert_element_type3A_171, %cond3A_172 : i32
      scf.if %cond3A_173 {
        %dma_wait3A_174 = arith.constant 0 : i32
        %dma_wait3A_175 = tpu.memref_slice %arg8[%add3A_163, %dma_wait3A_174] : memref<88x128xi32, #tpu.memory_space<vmem>> -> memref<1x128xi32, #tpu.memory_space<vmem>>
        %dma_wait3A_176 = tpu.memref_squeeze %dma_wait3A_175 : memref<1x128xi32, #tpu.memory_space<vmem>> -> memref<128xi32, #tpu.memory_space<vmem>>
        %dma_wait3A_177 = arith.constant 0 : i32
        %dma_wait3A_178 = arith.constant 0 : i32
        %dma_wait3A_179 = tpu.memref_slice %arg2[%dma_wait3A_177, %dma_wait3A_178] : memref<10240x128xf32, #tpu.memory_space<hbm>> -> memref<10240x128xf32, #tpu.memory_space<hbm>>
        tpu.wait_indirect_dma semaphore(%arg20 : memref<!tpu.dma_semaphore, #tpu.memory_space<semaphore_mem>>) src(%dma_wait3A_179 : memref<10240x128xf32, #tpu.memory_space<hbm>>) dst(%arg13 : memref<128x128xf32, #tpu.memory_space<vmem>>)
        "tpu.region"() ({
          %run_scoped3A = tpu.sem_alloc : memref<!tpu.dma_semaphore, #tpu.memory_space<semaphore_mem>>
          %dma_start3A_180 = arith.constant 0 : i32
          %dma_start3A_181 = tpu.memref_slice %arg9[%add3A_163, %dma_start3A_180] : memref<88x128xi32, #tpu.memory_space<vmem>> -> memref<1x128xi32, #tpu.memory_space<vmem>>
          %dma_start3A_182 = tpu.memref_squeeze %dma_start3A_181 : memref<1x128xi32, #tpu.memory_space<vmem>> -> memref<128xi32, #tpu.memory_space<vmem>>
          %dma_start3A_183 = arith.constant 0 : i32
          %dma_start3A_184 = arith.constant 0 : i32
          %dma_start3A_185 = tpu.memref_slice %arg15[%dma_start3A_183, %dma_start3A_184] : memref<5128x128xf32, #tpu.memory_space<vmem_shared>> -> memref<5128x128xf32, #tpu.memory_space<vmem_shared>>
          tpu.enqueue_indirect_dma source(%arg13 : memref<128x128xf32, #tpu.memory_space<vmem>>) target(%dma_start3A_185 : memref<5128x128xf32, #tpu.memory_space<vmem_shared>>) offsets(%dma_start3A_182 : memref<128xi32, #tpu.memory_space<vmem>>) semaphore(%run_scoped3A : memref<!tpu.dma_semaphore, #tpu.memory_space<semaphore_mem>>) {add = true}
          %dma_wait3A_186 = arith.constant 0 : i32
          %dma_wait3A_187 = tpu.memref_slice %arg9[%add3A_163, %dma_wait3A_186] : memref<88x128xi32, #tpu.memory_space<vmem>> -> memref<1x128xi32, #tpu.memory_space<vmem>>
          %dma_wait3A_188 = tpu.memref_squeeze %dma_wait3A_187 : memref<1x128xi32, #tpu.memory_space<vmem>> -> memref<128xi32, #tpu.memory_space<vmem>>
          %dma_wait3A_189 = arith.constant 0 : i32
          %dma_wait3A_190 = arith.constant 0 : i32
          %dma_wait3A_191 = tpu.memref_slice %arg15[%dma_wait3A_189, %dma_wait3A_190] : memref<5128x128xf32, #tpu.memory_space<vmem_shared>> -> memref<5128x128xf32, #tpu.memory_space<vmem_shared>>
          tpu.wait_indirect_dma semaphore(%run_scoped3A : memref<!tpu.dma_semaphore, #tpu.memory_space<semaphore_mem>>) src(%arg13 : memref<128x128xf32, #tpu.memory_space<vmem>>) dst(%dma_wait3A_191 : memref<5128x128xf32, #tpu.memory_space<vmem_shared>>)
          tpu.yield
        }) : () -> ()
      } else {
      }
    }
    %barrier3A_116 = arith.constant 0 : index
    tpu.barrier barrier_id(%barrier3A_116)
    %mul3A_117 = arith.constant 320 : i32
    %mul3A_118 = arith.muli %arg1, %mul3A_117 : i32
    %mul3A_119 = arith.constant 5120 : i32
    %mul3A_120 = arith.muli %arg0, %mul3A_119 : i32
    %mul3A_121 = arith.constant 320 : i32
    %mul3A_122 = arith.muli %arg1, %mul3A_121 : i32
    %add3A_123 = arith.addi %mul3A_120, %mul3A_122 : i32
    "tpu.region"() ({
      %run_scoped3A = tpu.sem_alloc : memref<!tpu.dma_semaphore, #tpu.memory_space<semaphore_mem>>
      %dma_start3A_124 = arith.constant 0 : i32
      %dma_start3A_125 = tpu.memref_slice %arg7[%add3A_123, %dma_start3A_124] : memref<10240x128xf32, #tpu.memory_space<hbm>> -> memref<320x128xf32, #tpu.memory_space<hbm>>
      %dma_start3A_126 = arith.constant 0 : i32
      %dma_start3A_127 = tpu.memref_slice %arg15[%mul3A_118, %dma_start3A_126] : memref<5128x128xf32, #tpu.memory_space<vmem_shared>> -> memref<320x128xf32, #tpu.memory_space<vmem_shared>>
      tpu.enqueue_dma source(%dma_start3A_127 : memref<320x128xf32, #tpu.memory_space<vmem_shared>>) target(%dma_start3A_125 : memref<320x128xf32, #tpu.memory_space<hbm>>) target_semaphore(%run_scoped3A : memref<!tpu.dma_semaphore, #tpu.memory_space<semaphore_mem>>)
      %dma_wait3A_128 = arith.constant 0 : i32
      %dma_wait3A_129 = tpu.memref_slice %arg7[%add3A_123, %dma_wait3A_128] : memref<10240x128xf32, #tpu.memory_space<hbm>> -> memref<320x128xf32, #tpu.memory_space<hbm>>
      %dma_wait3A_130 = arith.constant 0 : i32
      %dma_wait3A_131 = tpu.memref_slice %arg15[%mul3A_118, %dma_wait3A_130] : memref<5128x128xf32, #tpu.memory_space<vmem_shared>> -> memref<320x128xf32, #tpu.memory_space<vmem_shared>>
      tpu.wait_dma2 semaphore(%run_scoped3A : memref<!tpu.dma_semaphore, #tpu.memory_space<semaphore_mem>>) src(%dma_wait3A_131 : memref<320x128xf32, #tpu.memory_space<vmem_shared>>) dst(%dma_wait3A_129 : memref<320x128xf32, #tpu.memory_space<hbm>>)
      tpu.yield
    }) : () -> ()
    return
  }
}

module attributes {stable_mosaic.version = 14 : i64} {
  func.func @_tc_layer_body(%arg0: i32, %arg1: memref<1280x128xf32, #tpu.memory_space<vmem>>, %arg2: memref<1280x128xf32, #tpu.memory_space<vmem>>, %arg3: memref<128x128xf32, #tpu.memory_space<vmem>>, %arg4: memref<1x128xf32, #tpu.memory_space<vmem>>, %arg5: memref<128x128xf32, #tpu.memory_space<vmem>>, %arg6: memref<1x128xf32, #tpu.memory_space<vmem>>, %arg7: memref<128x128xf32, #tpu.memory_space<vmem>>, %arg8: memref<1280x1xi32, #tpu.memory_space<vmem>>, %arg9: memref<64x128xf32, #tpu.memory_space<vmem>>, %arg10: memref<1280x128xf32, #tpu.memory_space<vmem>>, %arg11: memref<64x128xf32, #tpu.memory_space<vmem>>) attributes {dimension_semantics = [#tpu.dimension_semantics<arbitrary>], iteration_bounds = array<i64: 8>, scalar_prefetch = 0 : i64, scratch_operands = 0 : i64, tpu.core_type = #tpu.core_type<tc>, window_params = [{transform_indices = @transform_0, window_bounds = array<i64: 1280, 128>}, {transform_indices = @transform_1, window_bounds = array<i64: 1280, 128>}, {pipeline_mode = #tpu.pipeline_mode<synchronous>, transform_indices = @transform_2, window_bounds = array<i64: 128, 128>}, {pipeline_mode = #tpu.pipeline_mode<synchronous>, transform_indices = @transform_3, window_bounds = array<i64: 1, 128>}, {pipeline_mode = #tpu.pipeline_mode<synchronous>, transform_indices = @transform_4, window_bounds = array<i64: 128, 128>}, {pipeline_mode = #tpu.pipeline_mode<synchronous>, transform_indices = @transform_5, window_bounds = array<i64: 1, 128>}, {pipeline_mode = #tpu.pipeline_mode<synchronous>, transform_indices = @transform_6, window_bounds = array<i64: 128, 128>}, {transform_indices = @transform_7, window_bounds = array<i64: 1280, 1>}, {pipeline_mode = #tpu.pipeline_mode<synchronous>, transform_indices = @transform_8, window_bounds = array<i64: 64, 128>}, {transform_indices = @transform_9, window_bounds = array<i64: 1280, 128>}, {pipeline_mode = #tpu.pipeline_mode<synchronous>, transform_indices = @transform_10, window_bounds = array<i64: 64, 128>}]} {
    %get3A = arith.constant 0 : index
    %get3A_0 = arith.constant 0 : index
    %get3A_1 = vector.load %arg1[%get3A, %get3A_0] : memref<1280x128xf32, #tpu.memory_space<vmem>>, vector<1280x128xf32>
    %get3A_2 = arith.constant 0 : index
    %get3A_3 = arith.constant 0 : index
    %get3A_4 = vector.load %arg2[%get3A_2, %get3A_3] : memref<1280x128xf32, #tpu.memory_space<vmem>>, vector<1280x128xf32>
    %get3A_5 = arith.constant 0 : index
    %get3A_6 = arith.constant 0 : index
    %get3A_7 = vector.load %arg3[%get3A_5, %get3A_6] : memref<128x128xf32, #tpu.memory_space<vmem>>, vector<128x128xf32>
    %dot_general3A = arith.constant dense<0.000000e+00> : vector<1280x128xf32>
    %dot_general3A_8 = tpu.matmul %get3A_1, %get3A_7, %dot_general3A {dimension_numbers = #tpu.dot_dimension_numbers<[1], [1], [0], [0], [0, 0, 1, 0], [], []>, transpose_lhs_hint = false} : vector<1280x128xf32>, vector<128x128xf32>, vector<1280x128xf32> -> vector<1280x128xf32>
    %get3A_9 = arith.constant 0 : index
    %get3A_10 = arith.constant 0 : index
    %get3A_11 = vector.load %arg4[%get3A_9, %get3A_10] : memref<1x128xf32, #tpu.memory_space<vmem>>, vector<1x128xf32>
    %add3A = vector.broadcast %get3A_11 : vector<1x128xf32> to vector<1280x128xf32>
    %add3A_12 = arith.addf %dot_general3A_8, %add3A : vector<1280x128xf32>
    %get3A_13 = arith.constant 0 : index
    %get3A_14 = arith.constant 0 : index
    %get3A_15 = vector.load %arg5[%get3A_13, %get3A_14] : memref<128x128xf32, #tpu.memory_space<vmem>>, vector<128x128xf32>
    %dot_general3A_16 = arith.constant dense<0.000000e+00> : vector<1280x128xf32>
    %dot_general3A_17 = tpu.matmul %get3A_4, %get3A_15, %dot_general3A_16 {dimension_numbers = #tpu.dot_dimension_numbers<[1], [1], [0], [0], [0, 0, 1, 0], [], []>, transpose_lhs_hint = false} : vector<1280x128xf32>, vector<128x128xf32>, vector<1280x128xf32> -> vector<1280x128xf32>
    %add3A_18 = arith.addf %add3A_12, %dot_general3A_17 : vector<1280x128xf32>
    %get3A_19 = arith.constant 0 : index
    %get3A_20 = arith.constant 0 : index
    %get3A_21 = vector.load %arg6[%get3A_19, %get3A_20] : memref<1x128xf32, #tpu.memory_space<vmem>>, vector<1x128xf32>
    %add3A_22 = vector.broadcast %get3A_21 : vector<1x128xf32> to vector<1280x128xf32>
    %add3A_23 = arith.addf %add3A_18, %add3A_22 : vector<1280x128xf32>
    %tanh3A = math.tanh %add3A_23 : vector<1280x128xf32>
    %iota3A = tpu.iota {dimensions = array<i32: 0>} : vector<1280x1xi32>
    %mul3A = arith.constant 1280 : i32
    %mul3A_24 = arith.muli %arg0, %mul3A : i32
    %add3A_25 = vector.broadcast %mul3A_24 : i32 to vector<1280x1xi32>
    %add3A_26 = arith.addi %iota3A, %add3A_25 : vector<1280x1xi32>
    %lt3A = arith.constant 10000 : i32
    %lt3A_27 = vector.broadcast %lt3A : i32 to vector<1280x1xi32>
    %lt3A_28 = arith.cmpi slt, %add3A_26, %lt3A_27 : vector<1280x1xi32>
    %jit3A = arith.constant 0.000000e+00 : f32
    %broadcast_in_dim3A = vector.shape_cast %lt3A_28 : vector<1280x1xi1> to vector<1280x1xi1>
    %broadcast_in_dim3A_29 = vector.broadcast %broadcast_in_dim3A : vector<1280x1xi1> to vector<1280x128xi1>
    %broadcast_in_dim3A_30 = vector.broadcast %jit3A : f32 to vector<1280x128xf32>
    %select_n3A = arith.select %broadcast_in_dim3A_29, %tanh3A, %broadcast_in_dim3A_30 : vector<1280x128xi1>, vector<1280x128xf32>
    %swap3A = arith.constant 0 : index
    %swap3A_31 = arith.constant 0 : index
    %swap3A_32 = vector.load %arg10[%swap3A, %swap3A_31] : memref<1280x128xf32, #tpu.memory_space<vmem>>, vector<1280x128xf32>
    tpu.vector_store %arg10[%swap3A, %swap3A_31], %select_n3A {strides = array<i32>} : memref<1280x128xf32, #tpu.memory_space<vmem>>, vector<1280x128xf32>,
    %get3A_33 = arith.constant 0 : index
    %get3A_34 = arith.constant 0 : index
    %get3A_35 = vector.load %arg7[%get3A_33, %get3A_34] : memref<128x128xf32, #tpu.memory_space<vmem>>, vector<128x128xf32>
    %dot_general3A_36 = arith.constant dense<0.000000e+00> : vector<1280x128xf32>
    %dot_general3A_37 = tpu.matmul %select_n3A, %get3A_35, %dot_general3A_36 {dimension_numbers = #tpu.dot_dimension_numbers<[1], [1], [0], [0], [0, 0, 1, 0], [], []>, transpose_lhs_hint = false} : vector<1280x128xf32>, vector<128x128xf32>, vector<1280x128xf32> -> vector<1280x128xf32>
    %reduce_max3A = arith.constant dense<0xFF800000> : vector<1280xf32>
    %reduce_max3A_38 = vector.multi_reduction <maximumf>, %dot_general3A_37, %reduce_max3A [1] : vector<1280x128xf32> to vector<1280xf32>
    %broadcast_in_dim3A_39 = vector.shape_cast %reduce_max3A_38 : vector<1280xf32> to vector<1280x1xf32>
    %sub3A = vector.broadcast %broadcast_in_dim3A_39 : vector<1280x1xf32> to vector<1280x128xf32>
    %sub3A_40 = arith.subf %dot_general3A_37, %sub3A : vector<1280x128xf32>
    %exp3A = math.exp %sub3A_40 : vector<1280x128xf32>
    %reduce_sum3A = arith.constant dense<0.000000e+00> : vector<1280xf32>
    %reduce_sum3A_41 = vector.multi_reduction <add>, %exp3A, %reduce_sum3A [1] : vector<1280x128xf32> to vector<1280xf32>
    %broadcast_in_dim3A_42 = vector.shape_cast %reduce_sum3A_41 : vector<1280xf32> to vector<1280x1xf32>
    %div3A = vector.broadcast %broadcast_in_dim3A_42 : vector<1280x1xf32> to vector<1280x128xf32>
    %div3A_43 = arith.divf %exp3A, %div3A : vector<1280x128xf32>
    %get3A_44 = arith.constant 0 : index
    %get3A_45 = arith.constant 0 : index
    %get3A_46 = vector.load %arg8[%get3A_44, %get3A_45] : memref<1280x1xi32, #tpu.memory_space<vmem>>, vector<1280x1xi32>
    %iota3A_47 = tpu.iota {dimensions = array<i32: 1>} : vector<1280x64xi32>
    %eq3A = vector.broadcast %get3A_46 : vector<1280x1xi32> to vector<1280x64xi32>
    %eq3A_48 = arith.cmpi eq, %eq3A, %iota3A_47 : vector<1280x64xi32>
    %convert_element_type3A = arith.extui %eq3A_48 : vector<1280x64xi1> to vector<1280x64xi32>
    %convert_element_type3A_49 = arith.sitofp %convert_element_type3A : vector<1280x64xi32> to vector<1280x64xf32>
    %dot_general3A_50 = arith.constant dense<0.000000e+00> : vector<64x128xf32>
    %dot_general3A_51 = tpu.matmul %convert_element_type3A_49, %div3A_43, %dot_general3A_50 {dimension_numbers = #tpu.dot_dimension_numbers<[0], [0], [1], [1], [0, 1, 1, 1], [], []>, transpose_lhs_hint = false} : vector<1280x64xf32>, vector<1280x128xf32>, vector<64x128xf32> -> vector<64x128xf32>
    %eq3A_52 = arith.constant 0 : i32
    %eq3A_53 = arith.cmpi eq, %arg0, %eq3A_52 : i32
    %convert_element_type3A_54 = arith.extui %eq3A_53 : i1 to i32
    %cond3A = arith.constant 0 : i32
    %cond3A_55 = arith.cmpi ne, %convert_element_type3A_54, %cond3A : i32
    scf.if %cond3A_55 {
      %get3A_60 = arith.constant 0 : index
      %get3A_61 = arith.constant 0 : index
      %get3A_62 = vector.load %arg9[%get3A_60, %get3A_61] : memref<64x128xf32, #tpu.memory_space<vmem>>, vector<64x128xf32>
      %add3A_63 = arith.addf %get3A_62, %dot_general3A_51 : vector<64x128xf32>
      %swap3A_64 = arith.constant 0 : index
      %swap3A_65 = arith.constant 0 : index
      %swap3A_66 = vector.load %arg11[%swap3A_64, %swap3A_65] : memref<64x128xf32, #tpu.memory_space<vmem>>, vector<64x128xf32>
      tpu.vector_store %arg11[%swap3A_64, %swap3A_65], %add3A_63 {strides = array<i32>} : memref<64x128xf32, #tpu.memory_space<vmem>>, vector<64x128xf32>,
    } else {
    }
    %ne3A = arith.constant 0 : i32
    %ne3A_56 = arith.cmpi ne, %arg0, %ne3A : i32
    %convert_element_type3A_57 = arith.extui %ne3A_56 : i1 to i32
    %cond3A_58 = arith.constant 0 : i32
    %cond3A_59 = arith.cmpi ne, %convert_element_type3A_57, %cond3A_58 : i32
    scf.if %cond3A_59 {
      %get3A_60 = arith.constant 0 : index
      %get3A_61 = arith.constant 0 : index
      %get3A_62 = vector.load %arg11[%get3A_60, %get3A_61] : memref<64x128xf32, #tpu.memory_space<vmem>>, vector<64x128xf32>
      %add3A_63 = arith.addf %get3A_62, %dot_general3A_51 : vector<64x128xf32>
      %swap3A_64 = arith.constant 0 : index
      %swap3A_65 = arith.constant 0 : index
      %swap3A_66 = vector.load %arg11[%swap3A_64, %swap3A_65] : memref<64x128xf32, #tpu.memory_space<vmem>>, vector<64x128xf32>
      tpu.vector_store %arg11[%swap3A_64, %swap3A_65], %add3A_63 {strides = array<i32>} : memref<64x128xf32, #tpu.memory_space<vmem>>, vector<64x128xf32>,
    } else {
    }
    return
  }
  func.func @transform_0(%arg0: i32) -> (i32, i32) {
    %c0_i32 = arith.constant 0 : i32
    %c0_i32_0 = arith.constant 0 : i32
    return %arg0, %c0_i32 : i32, i32
  }
  func.func @transform_1(%arg0: i32) -> (i32, i32) {
    %c0_i32 = arith.constant 0 : i32
    %c0_i32_0 = arith.constant 0 : i32
    return %arg0, %c0_i32 : i32, i32
  }
  func.func @transform_2(%arg0: i32) -> (i32, i32) {
    %c0_i32 = arith.constant 0 : i32
    %c0_i32_0 = arith.constant 0 : i32
    %c0_i32_1 = arith.constant 0 : i32
    return %c0_i32, %c0_i32_0 : i32, i32
  }
  func.func @transform_3(%arg0: i32) -> (i32, i32) {
    %c0_i32 = arith.constant 0 : i32
    %c0_i32_0 = arith.constant 0 : i32
    %c0_i32_1 = arith.constant 0 : i32
    return %c0_i32, %c0_i32_0 : i32, i32
  }
  func.func @transform_4(%arg0: i32) -> (i32, i32) {
    %c0_i32 = arith.constant 0 : i32
    %c0_i32_0 = arith.constant 0 : i32
    %c0_i32_1 = arith.constant 0 : i32
    return %c0_i32, %c0_i32_0 : i32, i32
  }
  func.func @transform_5(%arg0: i32) -> (i32, i32) {
    %c0_i32 = arith.constant 0 : i32
    %c0_i32_0 = arith.constant 0 : i32
    %c0_i32_1 = arith.constant 0 : i32
    return %c0_i32, %c0_i32_0 : i32, i32
  }
  func.func @transform_6(%arg0: i32) -> (i32, i32) {
    %c0_i32 = arith.constant 0 : i32
    %c0_i32_0 = arith.constant 0 : i32
    %c0_i32_1 = arith.constant 0 : i32
    return %c0_i32, %c0_i32_0 : i32, i32
  }
  func.func @transform_7(%arg0: i32) -> (i32, i32) {
    %c0_i32 = arith.constant 0 : i32
    %c0_i32_0 = arith.constant 0 : i32
    return %arg0, %c0_i32 : i32, i32
  }
  func.func @transform_8(%arg0: i32) -> (i32, i32) {
    %c0_i32 = arith.constant 0 : i32
    %c0_i32_0 = arith.constant 0 : i32
    %c0_i32_1 = arith.constant 0 : i32
    return %c0_i32, %c0_i32_0 : i32, i32
  }
  func.func @transform_9(%arg0: i32) -> (i32, i32) {
    %c0_i32 = arith.constant 0 : i32
    %c0_i32_0 = arith.constant 0 : i32
    return %arg0, %c0_i32 : i32, i32
  }
  func.func @transform_10(%arg0: i32) -> (i32, i32) {
    %c0_i32 = arith.constant 0 : i32
    %c0_i32_0 = arith.constant 0 : i32
    %c0_i32_1 = arith.constant 0 : i32
    return %c0_i32, %c0_i32_0 : i32, i32
  }
}

module attributes {stable_mosaic.version = 14 : i64} {
  func.func @_tc_layer_body(%arg0: i32, %arg1: memref<1280x128xf32, #tpu.memory_space<vmem>>, %arg2: memref<1280x128xf32, #tpu.memory_space<vmem>>, %arg3: memref<128x128xf32, #tpu.memory_space<vmem>>, %arg4: memref<1x128xf32, #tpu.memory_space<vmem>>, %arg5: memref<128x128xf32, #tpu.memory_space<vmem>>, %arg6: memref<1x128xf32, #tpu.memory_space<vmem>>, %arg7: memref<128x128xf32, #tpu.memory_space<vmem>>, %arg8: memref<1280x1xi32, #tpu.memory_space<vmem>>, %arg9: memref<64x128xf32, #tpu.memory_space<vmem>>, %arg10: memref<1280x128xf32, #tpu.memory_space<vmem>>, %arg11: memref<64x128xf32, #tpu.memory_space<vmem>>) attributes {dimension_semantics = [#tpu.dimension_semantics<arbitrary>], iteration_bounds = array<i64: 8>, scalar_prefetch = 0 : i64, scratch_operands = 0 : i64, tpu.core_type = #tpu.core_type<tc>, window_params = [{transform_indices = @transform_0, window_bounds = array<i64: 1280, 128>}, {transform_indices = @transform_1, window_bounds = array<i64: 1280, 128>}, {pipeline_mode = #tpu.pipeline_mode<synchronous>, transform_indices = @transform_2, window_bounds = array<i64: 128, 128>}, {pipeline_mode = #tpu.pipeline_mode<synchronous>, transform_indices = @transform_3, window_bounds = array<i64: 1, 128>}, {pipeline_mode = #tpu.pipeline_mode<synchronous>, transform_indices = @transform_4, window_bounds = array<i64: 128, 128>}, {pipeline_mode = #tpu.pipeline_mode<synchronous>, transform_indices = @transform_5, window_bounds = array<i64: 1, 128>}, {pipeline_mode = #tpu.pipeline_mode<synchronous>, transform_indices = @transform_6, window_bounds = array<i64: 128, 128>}, {transform_indices = @transform_7, window_bounds = array<i64: 1280, 1>}, {pipeline_mode = #tpu.pipeline_mode<synchronous>, transform_indices = @transform_8, window_bounds = array<i64: 64, 128>}, {transform_indices = @transform_9, window_bounds = array<i64: 1280, 128>}, {pipeline_mode = #tpu.pipeline_mode<synchronous>, transform_indices = @transform_10, window_bounds = array<i64: 64, 128>}]} {
    %get3A = arith.constant 0 : index
    %get3A_0 = arith.constant 0 : index
    %get3A_1 = vector.load %arg1[%get3A, %get3A_0] : memref<1280x128xf32, #tpu.memory_space<vmem>>, vector<1280x128xf32>
    %get3A_2 = arith.constant 0 : index
    %get3A_3 = arith.constant 0 : index
    %get3A_4 = vector.load %arg2[%get3A_2, %get3A_3] : memref<1280x128xf32, #tpu.memory_space<vmem>>, vector<1280x128xf32>
    %get3A_5 = arith.constant 0 : index
    %get3A_6 = arith.constant 0 : index
    %get3A_7 = vector.load %arg3[%get3A_5, %get3A_6] : memref<128x128xf32, #tpu.memory_space<vmem>>, vector<128x128xf32>
    %dot_general3A = arith.constant dense<0.000000e+00> : vector<1280x128xf32>
    %dot_general3A_8 = tpu.matmul %get3A_1, %get3A_7, %dot_general3A {dimension_numbers = #tpu.dot_dimension_numbers<[1], [1], [0], [0], [0, 0, 1, 0], [], []>, transpose_lhs_hint = false} : vector<1280x128xf32>, vector<128x128xf32>, vector<1280x128xf32> -> vector<1280x128xf32>
    %get3A_9 = arith.constant 0 : index
    %get3A_10 = arith.constant 0 : index
    %get3A_11 = vector.load %arg4[%get3A_9, %get3A_10] : memref<1x128xf32, #tpu.memory_space<vmem>>, vector<1x128xf32>
    %add3A = vector.broadcast %get3A_11 : vector<1x128xf32> to vector<1280x128xf32>
    %add3A_12 = arith.addf %dot_general3A_8, %add3A : vector<1280x128xf32>
    %get3A_13 = arith.constant 0 : index
    %get3A_14 = arith.constant 0 : index
    %get3A_15 = vector.load %arg5[%get3A_13, %get3A_14] : memref<128x128xf32, #tpu.memory_space<vmem>>, vector<128x128xf32>
    %dot_general3A_16 = arith.constant dense<0.000000e+00> : vector<1280x128xf32>
    %dot_general3A_17 = tpu.matmul %get3A_4, %get3A_15, %dot_general3A_16 {dimension_numbers = #tpu.dot_dimension_numbers<[1], [1], [0], [0], [0, 0, 1, 0], [], []>, transpose_lhs_hint = false} : vector<1280x128xf32>, vector<128x128xf32>, vector<1280x128xf32> -> vector<1280x128xf32>
    %add3A_18 = arith.addf %add3A_12, %dot_general3A_17 : vector<1280x128xf32>
    %get3A_19 = arith.constant 0 : index
    %get3A_20 = arith.constant 0 : index
    %get3A_21 = vector.load %arg6[%get3A_19, %get3A_20] : memref<1x128xf32, #tpu.memory_space<vmem>>, vector<1x128xf32>
    %add3A_22 = vector.broadcast %get3A_21 : vector<1x128xf32> to vector<1280x128xf32>
    %add3A_23 = arith.addf %add3A_18, %add3A_22 : vector<1280x128xf32>
    %tanh3A = math.tanh %add3A_23 : vector<1280x128xf32>
    %iota3A = tpu.iota {dimensions = array<i32: 0>} : vector<1280x1xi32>
    %mul3A = arith.constant 1280 : i32
    %mul3A_24 = arith.muli %arg0, %mul3A : i32
    %add3A_25 = vector.broadcast %mul3A_24 : i32 to vector<1280x1xi32>
    %add3A_26 = arith.addi %iota3A, %add3A_25 : vector<1280x1xi32>
    %lt3A = arith.constant 10000 : i32
    %lt3A_27 = vector.broadcast %lt3A : i32 to vector<1280x1xi32>
    %lt3A_28 = arith.cmpi slt, %add3A_26, %lt3A_27 : vector<1280x1xi32>
    %jit3A = arith.constant 0.000000e+00 : f32
    %broadcast_in_dim3A = vector.shape_cast %lt3A_28 : vector<1280x1xi1> to vector<1280x1xi1>
    %broadcast_in_dim3A_29 = vector.broadcast %broadcast_in_dim3A : vector<1280x1xi1> to vector<1280x128xi1>
    %broadcast_in_dim3A_30 = vector.broadcast %jit3A : f32 to vector<1280x128xf32>
    %select_n3A = arith.select %broadcast_in_dim3A_29, %tanh3A, %broadcast_in_dim3A_30 : vector<1280x128xi1>, vector<1280x128xf32>
    %swap3A = arith.constant 0 : index
    %swap3A_31 = arith.constant 0 : index
    %swap3A_32 = vector.load %arg10[%swap3A, %swap3A_31] : memref<1280x128xf32, #tpu.memory_space<vmem>>, vector<1280x128xf32>
    tpu.vector_store %arg10[%swap3A, %swap3A_31], %select_n3A {strides = array<i32>} : memref<1280x128xf32, #tpu.memory_space<vmem>>, vector<1280x128xf32>,
    %get3A_33 = arith.constant 0 : index
    %get3A_34 = arith.constant 0 : index
    %get3A_35 = vector.load %arg7[%get3A_33, %get3A_34] : memref<128x128xf32, #tpu.memory_space<vmem>>, vector<128x128xf32>
    %dot_general3A_36 = arith.constant dense<0.000000e+00> : vector<1280x128xf32>
    %dot_general3A_37 = tpu.matmul %select_n3A, %get3A_35, %dot_general3A_36 {dimension_numbers = #tpu.dot_dimension_numbers<[1], [1], [0], [0], [0, 0, 1, 0], [], []>, transpose_lhs_hint = false} : vector<1280x128xf32>, vector<128x128xf32>, vector<1280x128xf32> -> vector<1280x128xf32>
    %reduce_max3A = arith.constant dense<0xFF800000> : vector<1280xf32>
    %reduce_max3A_38 = vector.multi_reduction <maximumf>, %dot_general3A_37, %reduce_max3A [1] : vector<1280x128xf32> to vector<1280xf32>
    %broadcast_in_dim3A_39 = vector.shape_cast %reduce_max3A_38 : vector<1280xf32> to vector<1280x1xf32>
    %sub3A = vector.broadcast %broadcast_in_dim3A_39 : vector<1280x1xf32> to vector<1280x128xf32>
    %sub3A_40 = arith.subf %dot_general3A_37, %sub3A : vector<1280x128xf32>
    %exp3A = math.exp %sub3A_40 : vector<1280x128xf32>
    %reduce_sum3A = arith.constant dense<0.000000e+00> : vector<1280xf32>
    %reduce_sum3A_41 = vector.multi_reduction <add>, %exp3A, %reduce_sum3A [1] : vector<1280x128xf32> to vector<1280xf32>
    %broadcast_in_dim3A_42 = vector.shape_cast %reduce_sum3A_41 : vector<1280xf32> to vector<1280x1xf32>
    %div3A = vector.broadcast %broadcast_in_dim3A_42 : vector<1280x1xf32> to vector<1280x128xf32>
    %div3A_43 = arith.divf %exp3A, %div3A : vector<1280x128xf32>
    %get3A_44 = arith.constant 0 : index
    %get3A_45 = arith.constant 0 : index
    %get3A_46 = vector.load %arg8[%get3A_44, %get3A_45] : memref<1280x1xi32, #tpu.memory_space<vmem>>, vector<1280x1xi32>
    %iota3A_47 = tpu.iota {dimensions = array<i32: 1>} : vector<1280x64xi32>
    %eq3A = vector.broadcast %get3A_46 : vector<1280x1xi32> to vector<1280x64xi32>
    %eq3A_48 = arith.cmpi eq, %eq3A, %iota3A_47 : vector<1280x64xi32>
    %convert_element_type3A = arith.extui %eq3A_48 : vector<1280x64xi1> to vector<1280x64xi32>
    %convert_element_type3A_49 = arith.sitofp %convert_element_type3A : vector<1280x64xi32> to vector<1280x64xf32>
    %dot_general3A_50 = arith.constant dense<0.000000e+00> : vector<64x128xf32>
    %dot_general3A_51 = tpu.matmul %convert_element_type3A_49, %div3A_43, %dot_general3A_50 {dimension_numbers = #tpu.dot_dimension_numbers<[0], [0], [1], [1], [0, 1, 1, 1], [], []>, transpose_lhs_hint = false} : vector<1280x64xf32>, vector<1280x128xf32>, vector<64x128xf32> -> vector<64x128xf32>
    %eq3A_52 = arith.constant 0 : i32
    %eq3A_53 = arith.cmpi eq, %arg0, %eq3A_52 : i32
    %convert_element_type3A_54 = arith.extui %eq3A_53 : i1 to i32
    %cond3A = arith.constant 0 : i32
    %cond3A_55 = arith.cmpi ne, %convert_element_type3A_54, %cond3A : i32
    scf.if %cond3A_55 {
      %get3A_60 = arith.constant 0 : index
      %get3A_61 = arith.constant 0 : index
      %get3A_62 = vector.load %arg9[%get3A_60, %get3A_61] : memref<64x128xf32, #tpu.memory_space<vmem>>, vector<64x128xf32>
      %add3A_63 = arith.addf %get3A_62, %dot_general3A_51 : vector<64x128xf32>
      %swap3A_64 = arith.constant 0 : index
      %swap3A_65 = arith.constant 0 : index
      %swap3A_66 = vector.load %arg11[%swap3A_64, %swap3A_65] : memref<64x128xf32, #tpu.memory_space<vmem>>, vector<64x128xf32>
      tpu.vector_store %arg11[%swap3A_64, %swap3A_65], %add3A_63 {strides = array<i32>} : memref<64x128xf32, #tpu.memory_space<vmem>>, vector<64x128xf32>,
    } else {
    }
    %ne3A = arith.constant 0 : i32
    %ne3A_56 = arith.cmpi ne, %arg0, %ne3A : i32
    %convert_element_type3A_57 = arith.extui %ne3A_56 : i1 to i32
    %cond3A_58 = arith.constant 0 : i32
    %cond3A_59 = arith.cmpi ne, %convert_element_type3A_57, %cond3A_58 : i32
    scf.if %cond3A_59 {
      %get3A_60 = arith.constant 0 : index
      %get3A_61 = arith.constant 0 : index
      %get3A_62 = vector.load %arg11[%get3A_60, %get3A_61] : memref<64x128xf32, #tpu.memory_space<vmem>>, vector<64x128xf32>
      %add3A_63 = arith.addf %get3A_62, %dot_general3A_51 : vector<64x128xf32>
      %swap3A_64 = arith.constant 0 : index
      %swap3A_65 = arith.constant 0 : index
      %swap3A_66 = vector.load %arg11[%swap3A_64, %swap3A_65] : memref<64x128xf32, #tpu.memory_space<vmem>>, vector<64x128xf32>
      tpu.vector_store %arg11[%swap3A_64, %swap3A_65], %add3A_63 {strides = array<i32>} : memref<64x128xf32, #tpu.memory_space<vmem>>, vector<64x128xf32>,
    } else {
    }
    return
  }
  func.func @transform_0(%arg0: i32) -> (i32, i32) {
    %c0_i32 = arith.constant 0 : i32
    %c0_i32_0 = arith.constant 0 : i32
    return %arg0, %c0_i32 : i32, i32
  }
  func.func @transform_1(%arg0: i32) -> (i32, i32) {
    %c0_i32 = arith.constant 0 : i32
    %c0_i32_0 = arith.constant 0 : i32
    return %arg0, %c0_i32 : i32, i32
  }
  func.func @transform_2(%arg0: i32) -> (i32, i32) {
    %c0_i32 = arith.constant 0 : i32
    %c0_i32_0 = arith.constant 0 : i32
    %c0_i32_1 = arith.constant 0 : i32
    return %c0_i32, %c0_i32_0 : i32, i32
  }
  func.func @transform_3(%arg0: i32) -> (i32, i32) {
    %c0_i32 = arith.constant 0 : i32
    %c0_i32_0 = arith.constant 0 : i32
    %c0_i32_1 = arith.constant 0 : i32
    return %c0_i32, %c0_i32_0 : i32, i32
  }
  func.func @transform_4(%arg0: i32) -> (i32, i32) {
    %c0_i32 = arith.constant 0 : i32
    %c0_i32_0 = arith.constant 0 : i32
    %c0_i32_1 = arith.constant 0 : i32
    return %c0_i32, %c0_i32_0 : i32, i32
  }
  func.func @transform_5(%arg0: i32) -> (i32, i32) {
    %c0_i32 = arith.constant 0 : i32
    %c0_i32_0 = arith.constant 0 : i32
    %c0_i32_1 = arith.constant 0 : i32
    return %c0_i32, %c0_i32_0 : i32, i32
  }
  func.func @transform_6(%arg0: i32) -> (i32, i32) {
    %c0_i32 = arith.constant 0 : i32
    %c0_i32_0 = arith.constant 0 : i32
    %c0_i32_1 = arith.constant 0 : i32
    return %c0_i32, %c0_i32_0 : i32, i32
  }
  func.func @transform_7(%arg0: i32) -> (i32, i32) {
    %c0_i32 = arith.constant 0 : i32
    %c0_i32_0 = arith.constant 0 : i32
    return %arg0, %c0_i32 : i32, i32
  }
  func.func @transform_8(%arg0: i32) -> (i32, i32) {
    %c0_i32 = arith.constant 0 : i32
    %c0_i32_0 = arith.constant 0 : i32
    %c0_i32_1 = arith.constant 0 : i32
    return %c0_i32, %c0_i32_0 : i32, i32
  }
  func.func @transform_9(%arg0: i32) -> (i32, i32) {
    %c0_i32 = arith.constant 0 : i32
    %c0_i32_0 = arith.constant 0 : i32
    return %arg0, %c0_i32 : i32, i32
  }
  func.func @transform_10(%arg0: i32) -> (i32, i32) {
    %c0_i32 = arith.constant 0 : i32
    %c0_i32_0 = arith.constant 0 : i32
    %c0_i32_1 = arith.constant 0 : i32
    return %c0_i32, %c0_i32_0 : i32, i32
  }
}

</mosaic_0001>

<sc_bundles>
// kernel: kernel.12.cloned.1.call-start
scs
__scs_entry_jumppad:
0x0: {  	(pc) =	sbr.rel $0x88, $3  }
0x1: {  	(tag) =	ssettag $0x0;
	lr =	simm.s32 $0x1  }
0x2: {  	[smem:$0x3F99] =	sst lr;
	_ =	strace $0xD0000000  }
0x3: {  	_ = 	snop  }
0x4: {  	_ = 	snop  }
0x5: {  	_ = 	snop  }
0x6: {  	_ = 	snop  }
0x7: {  	_ = 	snop  }
__scs_overlays_trampoline_lowered:
0x8: {  	[smem:$0x3FA8] =	sst s0  }
0x9: {  	[smem:$0x3FA9] =	sst s1  }
0xa: {  	[smem:$0x3FAA] =	sst s2  }
0xb: {  	[smem:$0x3FAB] =	sst s3  }
0xc: {  	[smem:$0x3FAC] =	sst s4  }
0xd: {  	[smem:$0x3FAD] =	sst s5  }
0xe: {  	[smem:$0x3FAE] =	sst s6  }
0xf: {  	[smem:$0x3FAF] =	sst s7  }
0x10: {  	[smem:$0x3FB0] =	sst s8  }
0x11: {  	[smem:$0x3FB1] =	sst s9;
	s0 =	simm.s32 @!p0 $0x0  }
0x12: {  	s1 =	sld [smem:$0x3F97];
	s0 =	simm.s32 @p0 $0x1  }
0x13: {  	[smem:$0x3FB2] =	sst s0;
	s0 =	simm.s32 @!p1 $0x0  }
0x14: {  	s2 =	sld [smem:$0x3F96];
	s0 =	simm.s32 @p1 $0x1  }
0x15: {  	[smem:$0x3FB3] =	sst s0;
	s0 =	simm.s32 @!p2 $0x0  }
0x16: {  	s3 =	sld [smem:$0x3FDB];
	s0 =	simm.s32 @p2 $0x1  }
0x17: {  	s4 =	simm.s32 $0x1BF5;
	[smem:$0x3FB5] =	sst s0  }
0x18: {  	s0 =	sld [smem:$0x3F98];
	_ =	swait.ge [sflag:s4], $0x0  }
0x19: {  	s7 =	sld [smem:$0x3F99]  }
0x1a: {  	s8 =	sadd.s32 $0xFFFFE003, lr  }
0x1b: {  	s9 =	sadd.s32 $0xFFFFFEF7, lr;
	s5 =	simm.s32 $0xFFFFFFFF;
	p2 =	slt.u32 s8, $0xFFFFF086  }
0x1c: {  	p1 =	slt.u32 s9, $0xF7A;
	s5 =	simm.s32 @!p2 $0x0  }
0x1d: {  	s5 =	simm.s32 @p1 $0x1;
	p0 =	seq.s32 s7, s2  }
0x1e: {  	s7 =	smul.u32 @!p0 $0xF7A, s2;
	p2 =	seq.s32 @!p0 s5, $0x0  }
0x1f: {  	s9 =	smul.u32 $0xF7A, s1;
	s8 =	simm.s32 @!p0 $0x1BF5;
	p2 =	por !p2, p0  }
0x20: {  	[sflag:s8] =	ssyncset.s32 @!p0 $0xFFFFF086;
	s6 =	sadd.s32 @!p0 s3, s7;
	s7 =	simm.s32 @!p0 $0x108  }
0x21: {  	s3 =	sadd.s32 s3, s9;
	s6 =	sadd.s32 @!p0 $0x88, s6;
	s7 =	simm.s32 @p2 $0x1082  }
0x22: {  	[simem:s7], [sflag:s8] =	dma.local @!p0 [hbm:s6], $0xF7A  }
0x23: {  	s9 =	sor.u32 $0xD0000000, s2;
	s6 =	simm.s32 $0x108;
	_ =	swait.ge @!p0 [sflag:s8], $0x0  }
0x24: {  	s3 =	sadd.s32 $0x88, s3;
	s6 =	simm.s32 @!p1 $0x1082;
	[sflag:s4] =	ssyncset.s32 $0xFFFFF086  }
0x25: {  	[simem:s6], [sflag:s4] =	dma.local [hbm:s3], $0xF7A  }
0x26: {  	[smem:$0x3F99] =	sst s1;
	(tag) =	ssettag s2;
	_ =	strace s9  }
0x27: {  	s1 =	sld [smem:$0x3FA9]  }
0x28: {  	s2 =	sld [smem:$0x3FAA]  }
0x29: {  	s4 =	sld [smem:$0x3FAC]  }
0x2a: {  	p0 =	seq.s32 s5, $0x0;
	s5 =	sld [smem:$0x3FAD]  }
0x2b: {  	s6 =	sld [smem:$0x3FAE]  }
0x2c: {  	s7 =	sld [smem:$0x3FAF]  }
0x2d: {  	s3 =	simm.s32 $0x108;
	s8 =	sld [smem:$0x3FB0]  }
0x2e: {  	s3 =	simm.s32 @!p0 $0x1082;
	s9 =	sld [smem:$0x3FB1]  }
0x2f: {  	lr =	sadd.s32 s0, s3;
	s0 =	sld [smem:$0x3FA8]  }
0x30: {  	s3 =	sld [smem:$0x3FAB]  }
0x31: {  	[smem:$0x3FB4] =	sst s10  }
0x32: {  	s10 =	sld [smem:$0x3FB2];
	_ =	sdelay $0x3  }
0x33: {  	p0 =	seq.s32 s10, $0x1;
	s10 =	sld [smem:$0x3FB4];
	_ =	sdelay $0x3  }
0x34: {  	[smem:$0x3FB4] =	sst s10  }
0x35: {  	s10 =	sld [smem:$0x3FB3];
	_ =	sdelay $0x3  }
0x36: {  	p1 =	seq.s32 s10, $0x1;
	s10 =	sld [smem:$0x3FB4];
	_ =	sdelay $0x3  }
0x37: {  	[smem:$0x3FB4] =	sst s10  }
0x38: {  	s10 =	sld [smem:$0x3FB5]  }
0x39: {  	_ = 	snop;
	(pc) =	sbr.ind lr, $3  }
0x3a: {  	_ = 	snop  }
0x3b: {  	_ = 	snop  }
0x3c: {  	p2 =	seq.s32 s10, $0x1;
	s10 =	sld [smem:$0x3FB4]  }
0x3d: {  	_ =	shalt  }
0x3e: {  	_ =	shalt  }
0x3f: {  	_ =	shalt  }
0x40: {  	_ =	shalt  }
0x41: {  	_ =	shalt  }
0x42: {  	_ =	shalt  }
0x43: {  	_ =	shalt  }
0x44: {  	_ =	shalt  }
0x45: {  	_ =	shalt  }
0x46: {  	_ =	shalt  }
0x47: {  	_ =	shalt  }
0x48: {  	_ =	shalt  }
0x49: {  	_ =	shalt  }
0x4a: {  	_ =	shalt  }
0x4b: {  	_ =	shalt  }
0x4c: {  	_ =	shalt  }
0x4d: {  	_ =	shalt  }
0x4e: {  	_ =	shalt  }
0x4f: {  	_ =	shalt  }
0x50: {  	_ =	shalt  }
0x51: {  	_ =	shalt  }
0x52: {  	_ =	shalt  }
0x53: {  	_ =	shalt  }
0x54: {  	_ =	shalt  }
0x55: {  	_ =	shalt  }
0x56: {  	_ =	shalt  }
0x57: {  	_ =	shalt  }
0x58: {  	_ =	shalt  }
0x59: {  	_ =	shalt  }
0x5a: {  	_ =	shalt  }
0x5b: {  	_ =	shalt  }
0x5c: {  	_ =	shalt  }
0x5d: {  	_ =	shalt  }
0x5e: {  	_ =	shalt  }
0x5f: {  	_ =	shalt  }
0x60: {  	_ =	shalt  }
0x61: {  	_ =	shalt  }
0x62: {  	_ =	shalt  }
0x63: {  	_ =	shalt  }
0x64: {  	_ =	shalt  }
0x65: {  	_ =	shalt  }
0x66: {  	_ =	shalt  }
0x67: {  	_ =	shalt  }
0x68: {  	_ =	shalt  }
0x69: {  	_ =	shalt  }
0x6a: {  	_ =	shalt  }
0x6b: {  	_ =	shalt  }
0x6c: {  	_ =	shalt  }
0x6d: {  	_ =	shalt  }
0x6e: {  	_ =	shalt  }
0x6f: {  	_ =	shalt  }
0x70: {  	_ =	shalt  }
0x71: {  	_ =	shalt  }
0x72: {  	_ =	shalt  }
0x73: {  	_ =	shalt  }
0x74: {  	_ =	shalt  }
0x75: {  	_ =	shalt  }
0x76: {  	_ =	shalt  }
0x77: {  	_ =	shalt  }
0x78: {  	_ =	shalt  }
0x79: {  	_ =	shalt  }
0x7a: {  	_ =	shalt  }
0x7b: {  	_ =	shalt  }
0x7c: {  	_ =	shalt  }
0x7d: {  	_ =	shalt  }
0x7e: {  	_ =	shalt  }
0x7f: {  	_ =	shalt  }
0x80: {  	_ =	shalt  }
0x81: {  	_ =	shalt  }
0x82: {  	_ =	shalt  }
0x83: {  	_ =	shalt  }
0x84: {  	_ =	shalt  }
0x85: {  	_ =	shalt  }
0x86: {  	_ =	shalt  }
0x87: {  	_ =	shalt  }
.Lfunc_end0:
.L_simem_size_0:
called_computation.1_lowered:
.L_overlay_start_0:
0x88: {  	s2 =	sld [smem:$0x3FD9]  }
0x89: {  	s3 =	sld [smem:$0x3FFE];
	_ =	sdelay $0x1  }
0x8a: {  	s1 =	srdreg.scid  }
0x8b: {  	s0 =	sand.u32 $0x1, s1  }
0x8c: {  	s17 =	sshll.u32 s0, $0xA;
	s2 =	sadd.s32 s3, s2  }
0x8d: {  	s2 =	sadd.s32 s2, s17  }
0x8e: {  	[smem:$0x3FC0] =	sst s2  }
0x8f: {  	_ = 	snop  }
0x90: {  	s2 =	sld [smem:$0x3FD0];
	(tm) =	ssettm $0x1  }
0x91: {  	s18 =	sld [smem:$0x3FFB];
	_ =	sdelay $0x3  }
0x92: {  	_ =	strace s18  }
0x93: {  	s3 =	sld [smem:$0x3FFC];
	_ =	sdelay $0x3  }
0x94: {  	_ =	strace s3  }
0x95: {  	s3 =	sld [smem:$0x3FFD];
	_ =	sdelay $0x3  }
0x96: {  	_ =	strace s3  }
0x97: {  	_ =	strace $0x8FFFFFFF  }
0x98: {  	s19 =	sld [smem:$0x3FDB];
	_ =	sdelay $0x1  }
0x99: {  	s4 =	simm.s32 $_scs_section_size  }
0x9a: {  	s5 =	simm.s32 $_size__tile_overlayer_lowered;
	s6 =	simm.s32 $_tile_overlayer_lowered  }
0x9b: {  	s22 =	simm.s32 $0x1BFF;
	s21 =	sshll.u32 s6, $0x1;
	s3 =	sadd.s32 s4, s19  }
0x9c: {  	s7 =	simm.s32 $0x0;
	s20 =	sshll.u32 s5, $0x1;
	s5 =	sadd.s32 s21, s3  }
0x9d: {  	[timem:s7], [sflag:s22] =	dma.local [hbm:s5], s20  }
0x9e: {  	_ =	swait.ge [sflag:s22], s20  }
0x9f: {  	s4 =	ssub.s32 $0x0, s20;
	[sflag:s22] =	ssyncset.done $0x0  }
0xa0: {  	[sflag:s22] =	ssyncadd.s32 s4;
	_ =	sdelay $0x1  }
0xa1: {  	s23 =	simm.s32 $0x1B8B  }
0xa2: {  	_ =	swait.ge [sflag:s23], $0x1  }
0xa3: {  	[sflag:s23] =	ssyncset.done $0x0  }
0xa4: {  	s25 =	simm.s32 $0x1B8E;
	s24 =	sld [smem:$0x3FFE];
	[sflag:s23] =	ssyncadd.s32 $0xFFFFFFFF  }
0xa5: {  	s26 =	simm.s32 $execute0_lowered;
	[smem:$0x3FD2] =	sst s25  }
0xa6: {  	s5 =	sshll.u32 s26, $0x1;
	_ =	strace $0x80000049;
	[dreg:$0x1] =	wrdreg $0xFFFFFFFF  }
0xa7: {  	s28 =	simm.s32 $_size_execute0_lowered;
	s3 =	sadd.s32 s3, s5;
	[dreg:$0x0] =	wrdreg $0x0  }
0xa8: {  	s5 =	sshll.u32 s28, $0x1;
	[dreg:$0x2] =	wrdreg s3  }
0xa9: {  	[dreg:$0x3] =	wrdreg s5  }
0xaa: {  	[dreg:$0x4] =	wrdreg $0xC0  }
0xab: {  	_ =	task [dreg:s7], $0x5FFFF  }
0xac: {  	[dreg:$0x1] =	wrdreg $0xFFFFFFFF  }
0xad: {  	[dreg:$0x0] =	wrdreg $0x60  }
0xae: {  	[dreg:$0x2] =	wrdreg s24  }
0xaf: {  	[dreg:$0x3] =	wrdreg s2  }
0xb0: {  	[dreg:$0x4] =	wrdreg $0x158800  }
0xb1: {  	[dreg:$0x5] =	wrdreg $0x9  }
0xb2: {  	_ =	task.clear_ibuf [dreg:s7], $0x6FFFF;
	_ =	strace $0x90000049  }
0xb3: {  	s29 =	simm.s32 $0x9;
	_ =	strace $0x8000004B  }
0xb4: {  	_ =	swait.ge [sflag:s29], $0x1  }
0xb5: {  	[sflag:s29] =	ssyncadd.s32 $0xFFFFFFFF  }
0xb6: {  	_ =	strace $0x9000004B  }
0xb7: {  	_ =	sfence  }
0xb8: {  	s30 =	sld [smem:$0x0];
	_ =	sdelay $0x2  }
0xb9: {  	s31 =	sshll.u32 s1, $0xD;
	s1 =	sshrl.u32 s1, $0x2  }
0xba: {  	s3 =	sand.u32 $0x4000, s31;
	s1 =	sadd.s32 s1, s30  }
0xbb: {  	s0 =	sor.u32 s3, s0;
	s1 =	sshll.u32 s1, $0x11  }
0xbc: {  	s0 =	sor.u32 s1, s0  }
0xbd: {  	s0 =	sadd.s32 $0x8F2B, s0  }
0xbe: {  	[sflag:s0] =	ssyncadd.remote.s32 $0x1  }
0xbf: {  	_ =	sfence.sel $0xFFFF  }
0xc0: {  	[dreg:$0x0] =	wrdreg $0xFFFFFFFF;
	(pc) =	sbr.abs _section_cstart, $3  }
0xc1: {  	[dreg:$0x1] =	wrdreg $0xFFFFFFFF  }
0xc2: {  	_ =	task.clear_ibuf [dreg:s7], $0x2FFFF;
	_ =	strace $0x9FFFFFFF  }
0xc3: {  	(tm) =	ssettm $0x7FFFFFFF  }
tec
execute0_lowered:
.L_overlay_start_1:
0x0: {  	(tag) =	ssettag $0x1  }
0x1: {  	s8 =	rddreg [dreg:$0x0]  }
0x2: {  	s0 =	srdreg.scid;
	s9 =	rddreg [dreg:$0x1]  }
0x3: {  	s12 =	stileid.u32;
	s1 =	rddreg [dreg:$0x2];
	s2 =	simm.s32 $0x0  }
0x4: {  	s17 =	simm.s32 $0x1;
	s18 =	simm.s32 $0x0;
	s4 =	sand.u32 $0x1, s0  }
0x5: {  	[smem:$0x7FF] =	sst s2;
	s6 =	smul.u32 $0x1400, s12;
	s3 =	sadd.s32 $0x2EA00, s8  }
0x6: {  	s13 =	smul.u32 $0x28000, s12;
	s31 =	sshll.u32 s12, $0x6;
	s15 =	sadd.s32 $0xA0000, s1  }
0x7: {  	p0 =	sne.s32 s12, $0x0;
	s0 =	sshll.u32 s4, $0x4;
	_ =	strace $0x8000004A  }
0x8: {  	s7 =	smul.u32 $0x14000, s4;
	s4 =	ssub.s32 $0x2, s4;
	s15 =	sshrl.u32 @!p0 s15, $0x3  }
0x9: {  	s10 =	sor.u32 s12, s0;
	s11 =	sshrl.u32 s4, $0x1;
	s30 =	sshrl.u32 s13, $0x2  }
0xa: {  	s5 =	smul.u32 $0x580, s10;
	s7 =	sadd.s32 s6, s7;
	s6 =	sadd.s32 s6, s8  }
0xb: {  	s11 =	ssub.s32 s4, s11;
	s13 =	sadd.s32 s30, s1;
	s10 =	sshll.u32 s10, $0x1  }
.Ltmp0:
0xc: {  	s14 =	sadd.s32 s7, s8;
	s6 =	sadd.s32 $0x56A00, s6;
	(pc) =	sbr.rel .LBB2_1-.Ltmp0, $4  }
0xd: {  	s7 =	sor.u32 $0x1C06, s31;
	s9 =	sadd.s32 s9, s10;
	s5 =	sadd.s32 s5, s8  }
0xe: {  	s11 =	smax.u32 s11, $0x1;
	s13 =	sshrl.u32 s13, $0x3;
	s28 =	sadd.s32 $0x18A00, s5  }
0xf: {  	s8 =	sadd.s32 $0x6AA00, s8;
	s29 =	sadd.s32 $0x23A00, s5;
	[dreg:$0x4] =	wrdreg s28  }
0x10: {  	s10 =	sadd.s32 $0x6AC00, s14;
	s14 =	simm.s32 $0x6;
	[dreg:$0x5] =	wrdreg s29  }
.LBB2_3:
0x11: {  	s23 =	simm.s32 $0x0;
	s20 =	simm.s32 $0x0  }
.LBB2_6:
0x12: {  	s0 =	sadd.s32 $0x3, s23;
	p5 =	por p2, !p4  }
0x13: {  	[sflag:s29] =	ssyncset.done @!p5 $0x0;
	p2 =	sge.s32 s0, s19  }
0x14: {  	p4 =	sge.s32 s23, s19;
	[sflag:s29] =	ssyncadd.s32 @!p5 $0xFFFFC000;
	s25 =	sshra.s32 @!p2 s20, $0x2  }
0x15: {  	s24 =	simm.s32 @!p2 $0x80;
	s26 =	simm.s32 @!p2 $0x11800;
	s0 =	sadd.s32 @!p2 $0x180, s25  }
0x16: {  	[tilespmem:s26], [sflag:$0x5] =	stream.indirect.gather @!p2 [hbm4b:s3+s24], $0x80, s0, s24, $0xb8;
	[tilespmem:$0x1F8C0] =	vst v63  }
0x17: {  	s4 =	sadd.s32 $0x4, s23;
	s0 =	simm.s32 @!p4 $0x2  }
0x18: {  	s5 =	sshra.s32 @!p4 s20, $0x2;
	s12 =	simm.s32 @!p4 $0x7;
	_ =	swait.ge @!p4 [sflag:s0], $0x4000  }
0x19: {  	s16 =	simm.s32 @!p4 $0x80;
	s23 =	simm.s32 @!p4 $0x5800;
	[sflag:s0] =	ssyncset.done @!p4 $0x0  }
0x1a: {  	s5 =	sadd.s32 @!p4 $0x2C00, s5;
	p5 =	sge.s32 s4, s19;
	[sflag:s0] =	ssyncadd.s32 @!p4 $0xFFFFC000  }
0x1b: {  	[spmem:s1] =	stream.indirect.scatter.add.f32 @!p4 [tilespmem:s23], [sflag:$0x7], $0x80, s5, s16, $0xb8;
	[tilespmem:$0x1F8C0] =	vst v63  }
0x1c: {  	s4 =	sshra.s32 @!p5 s20, $0x2;
	_ =	swait.ge @!p4 [sflag:s12], $0x4000  }
0x1d: {  	s4 =	sadd.s32 @!p5 $0x200, s4;
	s0 =	simm.s32 @!p3 $0x3;
	[sflag:s12] =	ssyncset.done @!p4 $0x0  }
0x1e: {  	s5 =	simm.s32 @!p5 $0x5800;
	s16 =	simm.s32 @!p5 $0x80;
	[sflag:s12] =	ssyncadd.s32 @!p4 $0xFFFFC000  }
0x1f: {  	[tilespmem:s5], [sflag:$0x2] =	stream.indirect.gather @!p5 [hbm4b:s3+s16], $0x80, s4, s16, $0xb8;
	[tilespmem:$0x1F8C0] =	vst v63  }
0x20: {  	s12 =	simm.s32 @!p3 $0x80;
	_ =	swait.ge @!p3 [sflag:s0], $0x4000  }
0x21: {  	s4 =	sshra.s32 @!p3 s20, $0x2;
	s5 =	simm.s32 @!p3 $0x7;
	[sflag:s0] =	ssyncset.done @!p3 $0x0  }
0x22: {  	s16 =	simm.s32 @!p3 $0x9800;
	s4 =	sadd.s32 @!p3 $0x2C80, s4;
	[sflag:s0] =	ssyncadd.s32 @!p3 $0xFFFFC000  }
0x23: {  	[spmem:s1] =	stream.indirect.scatter.add.f32 @!p3 [tilespmem:s16], [sflag:$0x7], $0x80, s4, s12, $0xb8;
	[tilespmem:$0x1F8C0] =	vst v63  }
0x24: {  	p4 =	sge.s32 s22, s19;
	s0 =	simm.s32 @!p1 $0x4;
	_ =	swait.ge @!p3 [sflag:s5], $0x4000  }
0x25: {  	s4 =	sshra.s32 @!p4 s20, $0x2;
	s12 =	simm.s32 @!p4 $0x9800;
	[sflag:s5] =	ssyncset.done @!p3 $0x0  }
0x26: {  	s16 =	simm.s32 @!p4 $0x80;
	s4 =	sadd.s32 @!p4 $0x280, s4;
	[sflag:s5] =	ssyncadd.s32 @!p3 $0xFFFFC000  }
0x27: {  	[tilespmem:s12], [sflag:$0x3] =	stream.indirect.gather @!p4 [hbm4b:s3+s16], $0x80, s4, s16, $0xb8;
	[tilespmem:$0x1F8C0] =	vst v63  }
0x28: {  	s5 =	simm.s32 @!p1 $0xD800;
	p3 =	sge.s32 s21, s19;
	_ =	swait.ge @!p1 [sflag:s0], $0x4000  }
0x29: {  	s4 =	sshra.s32 @!p1 s20, $0x2;
	s12 =	simm.s32 @!p1 $0x80;
	[sflag:s0] =	ssyncset.done @!p1 $0x0  }
0x2a: {  	s4 =	sadd.s32 @!p1 $0x2D00, s4;
	[sflag:s0] =	ssyncadd.s32 @!p1 $0xFFFFC000;
	s0 =	simm.s32 @!p1 $0x7  }
0x2b: {  	[spmem:s1] =	stream.indirect.scatter.add.f32 @!p1 [tilespmem:s5], [sflag:$0x7], $0x80, s4, s12, $0xb8;
	[tilespmem:$0x1F8C0] =	vst v63  }
0x2c: {  	s4 =	sshra.s32 @!p3 s20, $0x2;
	_ =	swait.ge @!p1 [sflag:s0], $0x4000  }
0x2d: {  	s5 =	simm.s32 @!p3 $0x80;
	s12 =	simm.s32 @!p2 $0x5;
	[sflag:s0] =	ssyncset.done @!p1 $0x0  }
0x2e: {  	s4 =	sadd.s32 @!p3 $0x300, s4;
	[sflag:s0] =	ssyncadd.s32 @!p1 $0xFFFFC000;
	s0 =	simm.s32 @!p3 $0xD800  }
0x2f: {  	[tilespmem:s0], [sflag:$0x4] =	stream.indirect.gather @!p3 [hbm4b:s3+s5], $0x80, s4, s5, $0xb8;
	[tilespmem:$0x1F8C0] =	vst v63  }
0x30: {  	_ =	swait.ge @!p2 [sflag:s12], $0x4000  }
0x31: {  	[sflag:s12] =	ssyncset.done @!p2 $0x0  }
0x32: {  	s0 =	sadd.s32 @!p2 $0x2D80, s25;
	s4 =	simm.s32 @!p2 $0x6;
	[sflag:s12] =	ssyncadd.s32 @!p2 $0xFFFFC000  }
0x33: {  	[spmem:s1] =	stream.indirect.scatter.add.f32 @!p2 [tilespmem:s26], [sflag:$0x6], $0x80, s0, s24, $0xb8;
	[tilespmem:$0x1F8C0] =	vst v63  }
0x34: {  	_ =	swait.ge @!p2 [sflag:s4], $0x4000  }
0x35: {  	[sflag:s4] =	ssyncset.done @!p2 $0x0  }
0x36: {  	[sflag:s4] =	ssyncadd.s32 @!p2 $0xFFFFC000  }
.LBB2_7:
0x37: {  	s18 =	sadd.s32 $0x1, s18  }
0x38: {  	p1 =	sne.s32 s18, s11  }
.Ltmp1:
0x39: {  	[bflag:$0x0] =	sbarrier.arrive $0xFFFF;
	(pc) =	sbr.rel @!p1 .LBB2_8-.Ltmp1, $4  }
0x3a: {  	[hbm:s10], [sflag:s7] =	dma.local [spmem:s13], $0x1400  }
0x3b: {  	_ =	swait.ge [sflag:s14], $0x1400  }
0x3c: {  	[sflag:s14] =	ssyncset.done $0x0  }
0x3d: {  	[sflag:s14] =	ssyncadd.s32 $0xFFFFEC00  }
.LBB2_1:
0x3e: {  	s0 =	rddreg [dreg:$0x4]  }
0x3f: {  	[tilespmem:s2], [sflag:$0x1] =	stream.linear.gather [hbm4b:s0+s2], $0x2C00, $0x38;
	[tilespmem:$0x1F8C0] =	vst v63  }
0x40: {  	s25 =	rddreg [dreg:$0x5];
	s4 =	simm.s32 $0x2C00  }
0x41: {  	[tilespmem:s4], [sflag:$0x1] =	stream.linear.gather [hbm4b:s25+s2], $0x2C00, $0x38;
	[tilespmem:$0x1F8C0] =	vst v63  }
0x42: {  	[spmem:s13], [sflag:s7] =	dma.local [hbm:s6], $0x1400  }
0x43: {  	_ =	swait.ge [sflag:s14], $0x1400  }
0x44: {  	[sflag:s14] =	ssyncset.done $0x0  }
0x45: {  	s19 =	simm.s32 @!p0 $0x6;
	[sflag:s14] =	ssyncadd.s32 $0xFFFFEC00  }
0x46: {  	[spmem:s15], [sflag:s7] =	dma.local @!p0 [hbm:s8], $0x80  }
0x47: {  	_ =	swait.ge @!p0 [sflag:s19], $0x80  }
0x48: {  	[sflag:s19] =	ssyncset.done @!p0 $0x0  }
0x49: {  	[sflag:s19] =	ssyncadd.s32 @!p0 $0xFFFFFF80  }
0x4a: {  	s26 =	simm.s32 $0x15800;
	[bflag:$0x0] =	sbarrier.arrive $0xFFFF  }
0x4b: {  	[tilespmem:s26], [sflag:$0x6] =	stream.linear.gather [hbm4b:s9+s2], $0x10, $0x38;
	[tilespmem:$0x1F8C0] =	vst v63  }
0x4c: {  	_ =	swait.ge [sflag:s14], $0x10  }
0x4d: {  	[sflag:s14] =	ssyncset.done $0x0  }
0x4e: {  	[sflag:s14] =	ssyncadd.s32 $0xFFFFFFF0  }
0x4f: {  	v0 =	vld [tilespmem:$0x15800];
	_ =	sdelay $0x4  }
0x50: {  	v0 =	vxor.u32 $0x80000000, v0  }
0x51: {  	(xrf0) =	vmax.scan.msk.u32 $0xffff, v0;
	_ =	sdelay $0x5  }
0x52: {  	v0, _, _ =	vpop (xrf0)  }
0x53: {  	(v2sf) =	vpush v0, $0xF;
	_ =	sdelay $0xe  }
0x54: {  	s28 =	spop (v2sf)  }
0x55: {  	s19 =	sadd.s32 $0x8000007F, s28  }
0x56: {  	_ =	swait.ge [sflag:s17], $0x2C00;
	s21 =	sand.u32 $0x7F, s19  }
0x57: {  	s20 =	sshra.s32 s19, $0x1F;
	p1 =	slt.s32 s19, $0x1;
	p2 =	sne.s32 s21, $0x0  }
0x58: {  	[sflag:s17] =	ssyncset.done $0x0;
	s20 =	sshrl.u32 s20, $0x19;
	p1 =	por !p1, !p2  }
0x59: {  	s19 =	sadd.s32 s20, s19;
	s20 =	simm.s32 $0x1;
	p1 =	por !p1, !p1  }
0x5a: {  	[sflag:s17] =	ssyncadd.s32 $0xFFFFD400;
	s19 =	sshra.s32 s19, $0x7;
	s20 =	simm.s32 @!p1 $0x0  }
0x5b: {  	_ =	swait.ge [sflag:s17], $0x2C00;
	s19 =	ssub.s32 s19, s20  }
0x5c: {  	[sflag:s17] =	ssyncset.done $0x0;
	p1 =	slt.s32 s19, $0x1  }
0x5d: {  	[sflag:s17] =	ssyncadd.s32 $0xFFFFD400;
	s20 =	simm.s32 @!p1 $0x80  }
0x5e: {  	s21 =	simm.s32 @!p1 $0x0;
	s22 =	simm.s32 @!p1 $0x5800;
	p2 =	seq.s32 @!p1 s19, $0x1  }
0x5f: {  	[tilespmem:s22], [sflag:$0x2] =	stream.indirect.gather @!p1 [hbm4b:s3+s20], $0x80, s21, s20, $0xb8;
	[tilespmem:$0x1F8C0] =	vst v63  }
0x60: {  	p3 =	por p2, p1  }
0x61: {  	s20 =	simm.s32 @!p3 $0x80;
	s21 =	simm.s32 @!p3 $0x9800  }
0x62: {  	[tilespmem:s21], [sflag:$0x3] =	stream.indirect.gather @!p3 [hbm4b:s3+s20], $0x80, s20, s20, $0xb8;
	[tilespmem:$0x1F8C0] =	vst v63  }
0x63: {  	s29 =	sadd.s32 $0x3, s19;
	p3 =	slt.u32 @!p3 s19, $0x3  }
0x64: {  	s30 =	sand.u32 $0x3, s29;
	p2 =	por @!p1 p3, p2  }
0x65: {  	p5 =	slt.s32 s19, $0xFFFFFFFE;
	p6 =	sne.s32 s30, $0x0;
	p1 =	por p2, p1  }
0x66: {  	s20 =	simm.s32 @!p1 $0x80;
	s21 =	simm.s32 @!p1 $0x100;
	s22 =	simm.s32 @!p1 $0xD800  }
0x67: {  	[tilespmem:s22], [sflag:$0x4] =	stream.indirect.gather @!p1 [hbm4b:s3+s20], $0x80, s21, s20, $0xb8;
	[tilespmem:$0x1F8C0] =	vst v63  }
0x68: {  	s31 =	sshrl.u32 s29, $0x1E;
	p1 =	por !p5, !p6  }
0x69: {  	s20 =	sadd.s32 s31, s29;
	s21 =	simm.s32 $0x1;
	p1 =	por !p1, !p1  }
0x6a: {  	s20 =	sshra.s32 s20, $0x2;
	s21 =	simm.s32 @!p1 $0x0  }
0x6b: {  	s20 =	ssub.s32 s20, s21  }
0x6c: {  	p1 =	slt.s32 s20, $0x1  }
.Ltmp2:
0x6d: {  	_ = 	snop;
	(pc) =	sbr.rel @p1 .LBB2_7-.Ltmp2, $1  }
0x6e: {  	_ =	sdelay $0x3  }
0x6f: {  	s20 =	sadd.s32 $0xFFFFFFFF, s20  }
0x70: {  	p2 =	sne.s32 s20, $0x0  }
.Ltmp3:
0x71: {  	_ = 	snop;
	(pc) =	sbr.rel @!p2 .LBB2_3-.Ltmp3, $3  }
0x72: {  	_ =	sdelay $0x1  }
0x73: {  	s22 =	simm.s32 $0x5;
	s21 =	simm.s32 $0x6  }
0x74: {  	p3 =	sle.s32 s19, $0x1;
	p1 =	sle.s32 s19, $0x2;
	p4 =	por $0x0, $0x0  }
0x75: {  	p4 =	sle.s32 s19, $0x0;
	p2 =	sle.s32 s19, $0x3  }
0x76: {  	s25 =	simm.s32 @!p2 $0x80;
	s21 =	simm.s32 @!p2 $0x180;
	s26 =	simm.s32 @!p2 $0x11800  }
0x77: {  	[tilespmem:s26], [sflag:$0x5] =	stream.indirect.gather @!p2 [hbm4b:s3+s25], $0x80, s21, s25, $0xb8;
	[tilespmem:$0x1F8C0] =	vst v63  }
0x78: {  	s21 =	simm.s32 @!p4 $0x2  }
0x79: {  	_ =	swait.ge @!p4 [sflag:s21], $0x4000  }
0x7a: {  	s22 =	simm.s32 @!p4 $0x2C00;
	s23 =	simm.s32 @!p4 $0x7;
	[sflag:s21] =	ssyncset.done @!p4 $0x0  }
0x7b: {  	s24 =	simm.s32 @!p4 $0x80;
	s28 =	simm.s32 @!p4 $0x5800;
	[sflag:s21] =	ssyncadd.s32 @!p4 $0xFFFFC000  }
0x7c: {  	[spmem:s1] =	stream.indirect.scatter.add.f32 @!p4 [tilespmem:s28], [sflag:$0x7], $0x80, s22, s24, $0xb8;
	[tilespmem:$0x1F8C0] =	vst v63  }
0x7d: {  	p5 =	sle.s32 s19, $0x4;
	_ =	swait.ge @!p4 [sflag:s23], $0x4000  }
0x7e: {  	s21 =	simm.s32 @!p3 $0x3;
	s22 =	simm.s32 @!p5 $0x5800;
	[sflag:s23] =	ssyncset.done @!p4 $0x0  }
0x7f: {  	s24 =	simm.s32 @!p5 $0x200;
	s28 =	simm.s32 @!p5 $0x80;
	[sflag:s23] =	ssyncadd.s32 @!p4 $0xFFFFC000  }
0x80: {  	[tilespmem:s22], [sflag:$0x2] =	stream.indirect.gather @!p5 [hbm4b:s3+s28], $0x80, s24, s28, $0xb8;
	[tilespmem:$0x1F8C0] =	vst v63  }
0x81: {  	_ =	swait.ge @!p3 [sflag:s21], $0x4000  }
0x82: {  	s23 =	simm.s32 @!p3 $0x7;
	s22 =	simm.s32 @!p3 $0x2C80;
	[sflag:s21] =	ssyncset.done @!p3 $0x0  }
0x83: {  	s24 =	simm.s32 @!p3 $0x80;
	s28 =	simm.s32 @!p3 $0x9800;
	[sflag:s21] =	ssyncadd.s32 @!p3 $0xFFFFC000  }
0x84: {  	[spmem:s1] =	stream.indirect.scatter.add.f32 @!p3 [tilespmem:s28], [sflag:$0x7], $0x80, s22, s24, $0xb8;
	[tilespmem:$0x1F8C0] =	vst v63  }
0x85: {  	p4 =	sle.s32 s19, $0x5;
	_ =	swait.ge @!p3 [sflag:s23], $0x4000  }
0x86: {  	s21 =	simm.s32 @!p1 $0x4;
	s22 =	simm.s32 @!p4 $0x9800;
	[sflag:s23] =	ssyncset.done @!p3 $0x0  }
0x87: {  	s24 =	simm.s32 @!p4 $0x280;
	s28 =	simm.s32 @!p4 $0x80;
	[sflag:s23] =	ssyncadd.s32 @!p3 $0xFFFFC000  }
0x88: {  	[tilespmem:s22], [sflag:$0x3] =	stream.indirect.gather @!p4 [hbm4b:s3+s28], $0x80, s24, s28, $0xb8;
	[tilespmem:$0x1F8C0] =	vst v63  }
0x89: {  	_ =	swait.ge @!p1 [sflag:s21], $0x4000  }
0x8a: {  	s23 =	simm.s32 @!p1 $0x2D00;
	s22 =	simm.s32 @!p1 $0xD800;
	[sflag:s21] =	ssyncset.done @!p1 $0x0  }
0x8b: {  	s24 =	simm.s32 @!p1 $0x80;
	[sflag:s21] =	ssyncadd.s32 @!p1 $0xFFFFC000;
	s21 =	simm.s32 @!p1 $0x7  }
0x8c: {  	[spmem:s1] =	stream.indirect.scatter.add.f32 @!p1 [tilespmem:s22], [sflag:$0x7], $0x80, s23, s24, $0xb8;
	[tilespmem:$0x1F8C0] =	vst v63  }
0x8d: {  	p3 =	sle.s32 s19, $0x6;
	s28 =	simm.s32 @!p2 $0x5;
	_ =	swait.ge @!p1 [sflag:s21], $0x4000  }
0x8e: {  	s22 =	simm.s32 @!p3 $0x80;
	s23 =	simm.s32 @!p3 $0x300;
	[sflag:s21] =	ssyncset.done @!p1 $0x0  }
0x8f: {  	s24 =	sadd.s32 $0xFFFFFFFF, s20;
	[sflag:s21] =	ssyncadd.s32 @!p1 $0xFFFFC000;
	s21 =	simm.s32 @!p3 $0xD800  }
0x90: {  	[tilespmem:s21], [sflag:$0x4] =	stream.indirect.gather @!p3 [hbm4b:s3+s22], $0x80, s23, s22, $0xb8;
	[tilespmem:$0x1F8C0] =	vst v63  }
0x91: {  	s29 =	simm.s32 @!p2 $0x2D80;
	p5 =	sne.s32 s24, $0x0;
	_ =	swait.ge @!p2 [sflag:s28], $0x4000  }
.Ltmp4:
0x92: {  	p4 =	por $0x1, $0x1;
	[sflag:s28] =	ssyncset.done @!p2 $0x0;
	(pc) =	sbr.rel @!p5 .LBB2_6-.Ltmp4, $4  }
0x93: {  	s20 =	simm.s32 $0x800;
	p1 =	sle.s32 s19, $0x6;
	[sflag:s28] =	ssyncadd.s32 @!p2 $0xFFFFC000  }
0x94: {  	[spmem:s1] =	stream.indirect.scatter.add.f32 @!p2 [tilespmem:s26], [sflag:$0x6], $0x80, s29, s25, $0xb8;
	[tilespmem:$0x1F8C0] =	vst v63  }
0x95: {  	s23 =	simm.s32 $0x4;
	s22 =	simm.s32 $0x9;
	s29 =	simm.s32 @!p2 $0x6  }
0x96: {  	s21 =	simm.s32 $0xA;
	p3 =	sle.s32 s19, $0x5;
	_ =	swait.ge @!p2 [sflag:s29], $0x4000  }
.LBB2_5:
0x97: {  	s25 =	sadd.s32 $0x3, s23;
	p5 =	sge.s32 s23, s19;
	[sflag:s29] =	ssyncset.done @!p2 $0x0  }
0x98: {  	s23 =	sadd.s32 $0x4, s23;
	[sflag:s29] =	ssyncadd.s32 @!p2 $0xFFFFC000;
	p2 =	sge.s32 s25, s19  }
0x99: {  	s29 =	simm.s32 @!p1 $0x4;
	s28 =	sshra.s32 @!p2 s20, $0x2;
	s25 =	simm.s32 @!p2 $0x80  }
0x9a: {  	s31 =	simm.s32 @!p3 $0x3;
	s26 =	simm.s32 @!p2 $0x11800;
	s30 =	sadd.s32 @!p2 $0x180, s28  }
0x9b: {  	[tilespmem:s26], [sflag:$0x5] =	stream.indirect.gather @!p2 [hbm4b:s3+s25], $0x80, s30, s25, $0xb8;
	[tilespmem:$0x1F8C0] =	vst v63  }
0x9c: {  	s0 =	sshra.s32 @!p5 s20, $0x2;
	s28 =	sadd.s32 @!p2 $0x2D80, s28;
	s30 =	simm.s32 @!p5 $0x2  }
0x9d: {  	s12 =	simm.s32 @!p5 $0x7;
	s0 =	sadd.s32 @!p5 $0x2C00, s0;
	_ =	swait.ge @!p5 [sflag:s30], $0x4000  }
0x9e: {  	s16 =	simm.s32 @!p5 $0x80;
	s4 =	simm.s32 @!p5 $0x5800;
	[sflag:s30] =	ssyncset.done @!p5 $0x0  }
0x9f: {  	s5 =	sadd.s32 $0x5, s23;
	p6 =	sge.s32 s23, s19;
	[sflag:s30] =	ssyncadd.s32 @!p5 $0xFFFFC000  }
0xa0: {  	[spmem:s1] =	stream.indirect.scatter.add.f32 @!p5 [tilespmem:s4], [sflag:$0x7], $0x80, s0, s16, $0xb8;
	[tilespmem:$0x1F8C0] =	vst v63  }
0xa1: {  	s0 =	sshra.s32 @!p6 s20, $0x2;
	s4 =	simm.s32 @!p6 $0x5800;
	_ =	swait.ge @!p5 [sflag:s12], $0x4000  }
0xa2: {  	s16 =	simm.s32 @!p6 $0x80;
	s0 =	sadd.s32 @!p6 $0x200, s0;
	[sflag:s12] =	ssyncset.done @!p5 $0x0  }
0xa3: {  	s30 =	sadd.s32 $0x6, s23;
	[sflag:s12] =	ssyncadd.s32 @!p5 $0xFFFFC000;
	s12 =	sshra.s32 @!p3 s20, $0x2  }
0xa4: {  	[tilespmem:s4], [sflag:$0x2] =	stream.indirect.gather @!p6 [hbm4b:s3+s16], $0x80, s0, s16, $0xb8;
	[tilespmem:$0x1F8C0] =	vst v63  }
0xa5: {  	s0 =	sadd.s32 @!p3 $0x2C80, s12;
	s4 =	simm.s32 @!p3 $0x7;
	_ =	swait.ge @!p3 [sflag:s31], $0x4000  }
0xa6: {  	s12 =	simm.s32 @!p3 $0x80;
	s16 =	simm.s32 @!p3 $0x9800;
	[sflag:s31] =	ssyncset.done @!p3 $0x0  }
0xa7: {  	s24 =	sadd.s32 $0xFFFFFFFF, s24;
	p6 =	sge.s32 s22, s19;
	[sflag:s31] =	ssyncadd.s32 @!p3 $0xFFFFC000  }
0xa8: {  	[spmem:s1] =	stream.indirect.scatter.add.f32 @!p3 [tilespmem:s16], [sflag:$0x7], $0x80, s0, s12, $0xb8;
	[tilespmem:$0x1F8C0] =	vst v63  }
0xa9: {  	s0 =	sshra.s32 @!p6 s20, $0x2;
	s12 =	simm.s32 @!p6 $0x9800;
	_ =	swait.ge @!p3 [sflag:s4], $0x4000  }
0xaa: {  	s16 =	simm.s32 @!p6 $0x80;
	s0 =	sadd.s32 @!p6 $0x280, s0;
	[sflag:s4] =	ssyncset.done @!p3 $0x0  }
0xab: {  	p5 =	sne.s32 s24, $0x0;
	s22 =	smov.u32 s5;
	[sflag:s4] =	ssyncadd.s32 @!p3 $0xFFFFC000  }
0xac: {  	[tilespmem:s12], [sflag:$0x3] =	stream.indirect.gather @!p6 [hbm4b:s3+s16], $0x80, s0, s16, $0xb8;
	[tilespmem:$0x1F8C0] =	vst v63  }
0xad: {  	s4 =	simm.s32 @!p1 $0xD800;
	s0 =	sshra.s32 @!p1 s20, $0x2;
	_ =	swait.ge @!p1 [sflag:s29], $0x4000  }
0xae: {  	s5 =	simm.s32 @!p1 $0x80;
	s0 =	sadd.s32 @!p1 $0x2D00, s0;
	[sflag:s29] =	ssyncset.done @!p1 $0x0  }
0xaf: {  	p3 =	sge.s32 s21, s19;
	s12 =	simm.s32 @!p1 $0x7;
	[sflag:s29] =	ssyncadd.s32 @!p1 $0xFFFFC000  }
0xb0: {  	[spmem:s1] =	stream.indirect.scatter.add.f32 @!p1 [tilespmem:s4], [sflag:$0x7], $0x80, s0, s5, $0xb8;
	[tilespmem:$0x1F8C0] =	vst v63  }
0xb1: {  	s0 =	sshra.s32 @!p3 s20, $0x2;
	s4 =	simm.s32 @!p3 $0x80;
	_ =	swait.ge @!p1 [sflag:s12], $0x4000  }
0xb2: {  	s5 =	simm.s32 @!p2 $0x5;
	s0 =	sadd.s32 @!p3 $0x300, s0;
	[sflag:s12] =	ssyncset.done @!p1 $0x0  }
0xb3: {  	s21 =	smov.u32 s30;
	[sflag:s12] =	ssyncadd.s32 @!p1 $0xFFFFC000;
	s12 =	simm.s32 @!p3 $0xD800  }
0xb4: {  	[tilespmem:s12], [sflag:$0x4] =	stream.indirect.gather @!p3 [hbm4b:s3+s4], $0x80, s0, s4, $0xb8;
	[tilespmem:$0x1F8C0] =	vst v63  }
.Ltmp5:
0xb5: {  	_ =	swait.ge @!p2 [sflag:s5], $0x4000;
	(pc) =	sbr.rel @p5 .LBB2_5-.Ltmp5, $4  }
0xb6: {  	s29 =	simm.s32 @!p2 $0x6;
	s20 =	sadd.s32 $0x800, s20;
	[sflag:s5] =	ssyncset.done @!p2 $0x0  }
0xb7: {  	s0 =	sadd.s32 $0x1, s23;
	s4 =	sadd.s32 $0x2, s23;
	[sflag:s5] =	ssyncadd.s32 @!p2 $0xFFFFC000  }
0xb8: {  	[spmem:s1] =	stream.indirect.scatter.add.f32 @!p2 [tilespmem:s26], [sflag:$0x6], $0x80, s28, s25, $0xb8;
	[tilespmem:$0x1F8C0] =	vst v63  }
0xb9: {  	p3 =	sge.s32 s0, s19;
	p1 =	sge.s32 s4, s19;
	_ =	swait.ge @!p2 [sflag:s29], $0x4000  }
.Ltmp6:
0xba: {  	_ = 	snop;
	(pc) =	sbr.rel .LBB2_6-.Ltmp6, $1  }
0xbb: {  	_ =	sdelay $0x3  }
.LBB2_8:
0xbc: {  	_ =	sfence.sel $0x180000  }
0xbd: {  	[bflag:$0x0] =	sbarrier.arrive $0xFFFF  }
0xbe: {  	_ =	strace $0x9000004A  }
0xbf: {  	[bflag:$0x2] =	sbarrier.arrive $0xFFFF  }
0xc0: {  	s0 =	rddreg [dreg:$0x3]  }
0xc1: {  	s0 =	sadd.s32 @!p0 $0x100000, s0  }
0xc2: {  	[sflag:s0] =	ssyncadd.tile.s32 @!p0 $0x1;
	_ =	shalt  }
.Lfunc_end2:
_tile_overlayer_lowered:
.L_overlay_start_2:
0xc3: {  	(tag) =	ssettag $0x2  }
0xc4: {  	s0 =	rddreg [dreg:$0x0];
	s2 =	stileid.u32  }
0xc5: {  	s1 =	rddreg [dreg:$0x1];
	p0 =	sne.s32 s2, $0x0  }
0xc6: {  	s3 =	rddreg [dreg:$0x2];
	[bflag:$0x3] =	sbarrier.arrive $0xFFFF;
	s2 =	simm.s32 @!p0 $0x1C06  }
0xc7: {  	[timem:s3], [sflag:s2] =	dma.local @!p0 [hbm:s0], s1  }
0xc8: {  	s0 =	simm.s32 @!p0 $0x6  }
0xc9: {  	_ =	swait.ge @!p0 [sflag:s0], s1  }
0xca: {  	s1 =	ssub.s32 @!p0 $0x0, s1;
	[sflag:s0] =	ssyncset.done @!p0 $0x0  }
0xcb: {  	[sflag:s0] =	ssyncadd.s32 @!p0 s1  }
0xcc: {  	[bflag:$0x3] =	sbarrier.arrive $0xFFFF  }
0xcd: {  	_ =	shalt  }

// kernel: kernel.15.cloned.1.call-start
scs
__scs_entry_jumppad:
0x0: {  	(pc) =	sbr.rel $0x88, $3  }
0x1: {  	(tag) =	ssettag $0x0;
	lr =	simm.s32 $0x1  }
0x2: {  	[smem:$0x3F99] =	sst lr;
	_ =	strace $0xD0000000  }
0x3: {  	_ = 	snop  }
0x4: {  	_ = 	snop  }
0x5: {  	_ = 	snop  }
0x6: {  	_ = 	snop  }
0x7: {  	_ = 	snop  }
__scs_overlays_trampoline_lowered:
0x8: {  	[smem:$0x3FA8] =	sst s0  }
0x9: {  	[smem:$0x3FA9] =	sst s1  }
0xa: {  	[smem:$0x3FAA] =	sst s2  }
0xb: {  	[smem:$0x3FAB] =	sst s3  }
0xc: {  	[smem:$0x3FAC] =	sst s4  }
0xd: {  	[smem:$0x3FAD] =	sst s5  }
0xe: {  	[smem:$0x3FAE] =	sst s6  }
0xf: {  	[smem:$0x3FAF] =	sst s7  }
0x10: {  	[smem:$0x3FB0] =	sst s8  }
0x11: {  	[smem:$0x3FB1] =	sst s9;
	s0 =	simm.s32 @!p0 $0x0  }
0x12: {  	s1 =	sld [smem:$0x3F97];
	s0 =	simm.s32 @p0 $0x1  }
0x13: {  	[smem:$0x3FB2] =	sst s0;
	s0 =	simm.s32 @!p1 $0x0  }
0x14: {  	s2 =	sld [smem:$0x3F96];
	s0 =	simm.s32 @p1 $0x1  }
0x15: {  	[smem:$0x3FB3] =	sst s0;
	s0 =	simm.s32 @!p2 $0x0  }
0x16: {  	s3 =	sld [smem:$0x3FDB];
	s0 =	simm.s32 @p2 $0x1  }
0x17: {  	s4 =	simm.s32 $0x1BF5;
	[smem:$0x3FB5] =	sst s0  }
0x18: {  	s0 =	sld [smem:$0x3F98];
	_ =	swait.ge [sflag:s4], $0x0  }
0x19: {  	s7 =	sld [smem:$0x3F99]  }
0x1a: {  	s8 =	sadd.s32 $0xFFFFE003, lr  }
0x1b: {  	s9 =	sadd.s32 $0xFFFFFEF7, lr;
	s5 =	simm.s32 $0xFFFFFFFF;
	p2 =	slt.u32 s8, $0xFFFFF086  }
0x1c: {  	p1 =	slt.u32 s9, $0xF7A;
	s5 =	simm.s32 @!p2 $0x0  }
0x1d: {  	s5 =	simm.s32 @p1 $0x1;
	p0 =	seq.s32 s7, s2  }
0x1e: {  	s7 =	smul.u32 @!p0 $0xF7A, s2;
	p2 =	seq.s32 @!p0 s5, $0x0  }
0x1f: {  	s9 =	smul.u32 $0xF7A, s1;
	s8 =	simm.s32 @!p0 $0x1BF5;
	p2 =	por !p2, p0  }
0x20: {  	[sflag:s8] =	ssyncset.s32 @!p0 $0xFFFFF086;
	s6 =	sadd.s32 @!p0 s3, s7;
	s7 =	simm.s32 @!p0 $0x108  }
0x21: {  	s3 =	sadd.s32 s3, s9;
	s6 =	sadd.s32 @!p0 $0x88, s6;
	s7 =	simm.s32 @p2 $0x1082  }
0x22: {  	[simem:s7], [sflag:s8] =	dma.local @!p0 [hbm:s6], $0xF7A  }
0x23: {  	s9 =	sor.u32 $0xD0000000, s2;
	s6 =	simm.s32 $0x108;
	_ =	swait.ge @!p0 [sflag:s8], $0x0  }
0x24: {  	s3 =	sadd.s32 $0x88, s3;
	s6 =	simm.s32 @!p1 $0x1082;
	[sflag:s4] =	ssyncset.s32 $0xFFFFF086  }
0x25: {  	[simem:s6], [sflag:s4] =	dma.local [hbm:s3], $0xF7A  }
0x26: {  	[smem:$0x3F99] =	sst s1;
	(tag) =	ssettag s2;
	_ =	strace s9  }
0x27: {  	s1 =	sld [smem:$0x3FA9]  }
0x28: {  	s2 =	sld [smem:$0x3FAA]  }
0x29: {  	s4 =	sld [smem:$0x3FAC]  }
0x2a: {  	p0 =	seq.s32 s5, $0x0;
	s5 =	sld [smem:$0x3FAD]  }
0x2b: {  	s6 =	sld [smem:$0x3FAE]  }
0x2c: {  	s7 =	sld [smem:$0x3FAF]  }
0x2d: {  	s3 =	simm.s32 $0x108;
	s8 =	sld [smem:$0x3FB0]  }
0x2e: {  	s3 =	simm.s32 @!p0 $0x1082;
	s9 =	sld [smem:$0x3FB1]  }
0x2f: {  	lr =	sadd.s32 s0, s3;
	s0 =	sld [smem:$0x3FA8]  }
0x30: {  	s3 =	sld [smem:$0x3FAB]  }
0x31: {  	[smem:$0x3FB4] =	sst s10  }
0x32: {  	s10 =	sld [smem:$0x3FB2];
	_ =	sdelay $0x3  }
0x33: {  	p0 =	seq.s32 s10, $0x1;
	s10 =	sld [smem:$0x3FB4];
	_ =	sdelay $0x3  }
0x34: {  	[smem:$0x3FB4] =	sst s10  }
0x35: {  	s10 =	sld [smem:$0x3FB3];
	_ =	sdelay $0x3  }
0x36: {  	p1 =	seq.s32 s10, $0x1;
	s10 =	sld [smem:$0x3FB4];
	_ =	sdelay $0x3  }
0x37: {  	[smem:$0x3FB4] =	sst s10  }
0x38: {  	s10 =	sld [smem:$0x3FB5]  }
0x39: {  	_ = 	snop;
	(pc) =	sbr.ind lr, $3  }
0x3a: {  	_ = 	snop  }
0x3b: {  	_ = 	snop  }
0x3c: {  	p2 =	seq.s32 s10, $0x1;
	s10 =	sld [smem:$0x3FB4]  }
0x3d: {  	_ =	shalt  }
0x3e: {  	_ =	shalt  }
0x3f: {  	_ =	shalt  }
0x40: {  	_ =	shalt  }
0x41: {  	_ =	shalt  }
0x42: {  	_ =	shalt  }
0x43: {  	_ =	shalt  }
0x44: {  	_ =	shalt  }
0x45: {  	_ =	shalt  }
0x46: {  	_ =	shalt  }
0x47: {  	_ =	shalt  }
0x48: {  	_ =	shalt  }
0x49: {  	_ =	shalt  }
0x4a: {  	_ =	shalt  }
0x4b: {  	_ =	shalt  }
0x4c: {  	_ =	shalt  }
0x4d: {  	_ =	shalt  }
0x4e: {  	_ =	shalt  }
0x4f: {  	_ =	shalt  }
0x50: {  	_ =	shalt  }
0x51: {  	_ =	shalt  }
0x52: {  	_ =	shalt  }
0x53: {  	_ =	shalt  }
0x54: {  	_ =	shalt  }
0x55: {  	_ =	shalt  }
0x56: {  	_ =	shalt  }
0x57: {  	_ =	shalt  }
0x58: {  	_ =	shalt  }
0x59: {  	_ =	shalt  }
0x5a: {  	_ =	shalt  }
0x5b: {  	_ =	shalt  }
0x5c: {  	_ =	shalt  }
0x5d: {  	_ =	shalt  }
0x5e: {  	_ =	shalt  }
0x5f: {  	_ =	shalt  }
0x60: {  	_ =	shalt  }
0x61: {  	_ =	shalt  }
0x62: {  	_ =	shalt  }
0x63: {  	_ =	shalt  }
0x64: {  	_ =	shalt  }
0x65: {  	_ =	shalt  }
0x66: {  	_ =	shalt  }
0x67: {  	_ =	shalt  }
0x68: {  	_ =	shalt  }
0x69: {  	_ =	shalt  }
0x6a: {  	_ =	shalt  }
0x6b: {  	_ =	shalt  }
0x6c: {  	_ =	shalt  }
0x6d: {  	_ =	shalt  }
0x6e: {  	_ =	shalt  }
0x6f: {  	_ =	shalt  }
0x70: {  	_ =	shalt  }
0x71: {  	_ =	shalt  }
0x72: {  	_ =	shalt  }
0x73: {  	_ =	shalt  }
0x74: {  	_ =	shalt  }
0x75: {  	_ =	shalt  }
0x76: {  	_ =	shalt  }
0x77: {  	_ =	shalt  }
0x78: {  	_ =	shalt  }
0x79: {  	_ =	shalt  }
0x7a: {  	_ =	shalt  }
0x7b: {  	_ =	shalt  }
0x7c: {  	_ =	shalt  }
0x7d: {  	_ =	shalt  }
0x7e: {  	_ =	shalt  }
0x7f: {  	_ =	shalt  }
0x80: {  	_ =	shalt  }
0x81: {  	_ =	shalt  }
0x82: {  	_ =	shalt  }
0x83: {  	_ =	shalt  }
0x84: {  	_ =	shalt  }
0x85: {  	_ =	shalt  }
0x86: {  	_ =	shalt  }
0x87: {  	_ =	shalt  }
.Lfunc_end0:
.L_simem_size_0:
called_computation.2_lowered:
.L_overlay_start_0:
0x88: {  	s2 =	sld [smem:$0x3FD9]  }
0x89: {  	s3 =	sld [smem:$0x3FFE];
	_ =	sdelay $0x1  }
0x8a: {  	s1 =	srdreg.scid  }
0x8b: {  	s0 =	sand.u32 $0x1, s1  }
0x8c: {  	s17 =	sshll.u32 s0, $0xA;
	s2 =	sadd.s32 s3, s2  }
0x8d: {  	s2 =	sadd.s32 s2, s17  }
0x8e: {  	[smem:$0x3FC0] =	sst s2  }
0x8f: {  	_ = 	snop  }
0x90: {  	s2 =	sld [smem:$0x3FD0];
	(tm) =	ssettm $0x1  }
0x91: {  	s18 =	sld [smem:$0x3FFB];
	_ =	sdelay $0x3  }
0x92: {  	_ =	strace s18  }
0x93: {  	s3 =	sld [smem:$0x3FFC];
	_ =	sdelay $0x3  }
0x94: {  	_ =	strace s3  }
0x95: {  	s3 =	sld [smem:$0x3FFD];
	_ =	sdelay $0x3  }
0x96: {  	_ =	strace s3  }
0x97: {  	_ =	strace $0x8FFFFFFF  }
0x98: {  	s19 =	sld [smem:$0x3FDB];
	_ =	sdelay $0x1  }
0x99: {  	s4 =	simm.s32 $_scs_section_size  }
0x9a: {  	s5 =	simm.s32 $_size__tile_overlayer_lowered;
	s6 =	simm.s32 $_tile_overlayer_lowered  }
0x9b: {  	s22 =	simm.s32 $0x1BFF;
	s21 =	sshll.u32 s6, $0x1;
	s3 =	sadd.s32 s4, s19  }
0x9c: {  	s7 =	simm.s32 $0x0;
	s20 =	sshll.u32 s5, $0x1;
	s5 =	sadd.s32 s21, s3  }
0x9d: {  	[timem:s7], [sflag:s22] =	dma.local [hbm:s5], s20  }
0x9e: {  	_ =	swait.ge [sflag:s22], s20  }
0x9f: {  	s4 =	ssub.s32 $0x0, s20;
	[sflag:s22] =	ssyncset.done $0x0  }
0xa0: {  	[sflag:s22] =	ssyncadd.s32 s4;
	_ =	sdelay $0x1  }
0xa1: {  	s23 =	simm.s32 $0x1B8B  }
0xa2: {  	_ =	swait.ge [sflag:s23], $0x1  }
0xa3: {  	[sflag:s23] =	ssyncset.done $0x0  }
0xa4: {  	s25 =	simm.s32 $0x1B8E;
	s24 =	sld [smem:$0x3FFE];
	[sflag:s23] =	ssyncadd.s32 $0xFFFFFFFF  }
0xa5: {  	s26 =	simm.s32 $execute0_lowered;
	[smem:$0x3FD2] =	sst s25  }
0xa6: {  	s5 =	sshll.u32 s26, $0x1;
	_ =	strace $0x8000004C;
	[dreg:$0x1] =	wrdreg $0xFFFFFFFF  }
0xa7: {  	s28 =	simm.s32 $_size_execute0_lowered;
	s3 =	sadd.s32 s3, s5;
	[dreg:$0x0] =	wrdreg $0x0  }
0xa8: {  	s5 =	sshll.u32 s28, $0x1;
	[dreg:$0x2] =	wrdreg s3  }
0xa9: {  	[dreg:$0x3] =	wrdreg s5  }
0xaa: {  	[dreg:$0x4] =	wrdreg $0xC0  }
0xab: {  	_ =	task [dreg:s7], $0x5FFFF  }
0xac: {  	[dreg:$0x1] =	wrdreg $0xFFFFFFFF  }
0xad: {  	[dreg:$0x0] =	wrdreg $0x60  }
0xae: {  	[dreg:$0x2] =	wrdreg s24  }
0xaf: {  	[dreg:$0x3] =	wrdreg s2  }
0xb0: {  	[dreg:$0x4] =	wrdreg $0x158800  }
0xb1: {  	[dreg:$0x5] =	wrdreg $0x9  }
0xb2: {  	_ =	task.clear_ibuf [dreg:s7], $0x6FFFF;
	_ =	strace $0x9000004C  }
0xb3: {  	s29 =	simm.s32 $0x9;
	_ =	strace $0x8000004E  }
0xb4: {  	_ =	swait.ge [sflag:s29], $0x1  }
0xb5: {  	[sflag:s29] =	ssyncadd.s32 $0xFFFFFFFF  }
0xb6: {  	_ =	strace $0x9000004E  }
0xb7: {  	_ =	sfence  }
0xb8: {  	s30 =	sld [smem:$0x0];
	_ =	sdelay $0x2  }
0xb9: {  	s31 =	sshll.u32 s1, $0xD;
	s1 =	sshrl.u32 s1, $0x2  }
0xba: {  	s3 =	sand.u32 $0x4000, s31;
	s1 =	sadd.s32 s1, s30  }
0xbb: {  	s0 =	sor.u32 s3, s0;
	s1 =	sshll.u32 s1, $0x11  }
0xbc: {  	s0 =	sor.u32 s1, s0  }
0xbd: {  	s0 =	sadd.s32 $0x8F2B, s0  }
0xbe: {  	[sflag:s0] =	ssyncadd.remote.s32 $0x1  }
0xbf: {  	_ =	sfence.sel $0xFFFF  }
0xc0: {  	[dreg:$0x0] =	wrdreg $0xFFFFFFFF;
	(pc) =	sbr.abs _section_cstart, $3  }
0xc1: {  	[dreg:$0x1] =	wrdreg $0xFFFFFFFF  }
0xc2: {  	_ =	task.clear_ibuf [dreg:s7], $0x2FFFF;
	_ =	strace $0x9FFFFFFF  }
0xc3: {  	(tm) =	ssettm $0x7FFFFFFF  }
tec
execute0_lowered:
.L_overlay_start_1:
0x0: {  	(tag) =	ssettag $0x1  }
0x1: {  	s8 =	rddreg [dreg:$0x0]  }
0x2: {  	s0 =	srdreg.scid;
	s9 =	rddreg [dreg:$0x1]  }
0x3: {  	s12 =	stileid.u32;
	s1 =	rddreg [dreg:$0x2];
	s2 =	simm.s32 $0x0  }
0x4: {  	s17 =	simm.s32 $0x1;
	s18 =	simm.s32 $0x0;
	s4 =	sand.u32 $0x1, s0  }
0x5: {  	[smem:$0x7FF] =	sst s2;
	s6 =	smul.u32 $0x1400, s12;
	s3 =	sadd.s32 $0x2EA00, s8  }
0x6: {  	s13 =	smul.u32 $0x28000, s12;
	s31 =	sshll.u32 s12, $0x6;
	s15 =	sadd.s32 $0xA0000, s1  }
0x7: {  	p0 =	sne.s32 s12, $0x0;
	s0 =	sshll.u32 s4, $0x4;
	_ =	strace $0x8000004D  }
0x8: {  	s7 =	smul.u32 $0x14000, s4;
	s4 =	ssub.s32 $0x2, s4;
	s15 =	sshrl.u32 @!p0 s15, $0x3  }
0x9: {  	s10 =	sor.u32 s12, s0;
	s11 =	sshrl.u32 s4, $0x1;
	s30 =	sshrl.u32 s13, $0x2  }
0xa: {  	s5 =	smul.u32 $0x580, s10;
	s7 =	sadd.s32 s6, s7;
	s6 =	sadd.s32 s6, s8  }
0xb: {  	s11 =	ssub.s32 s4, s11;
	s13 =	sadd.s32 s30, s1;
	s10 =	sshll.u32 s10, $0x1  }
.Ltmp0:
0xc: {  	s14 =	sadd.s32 s7, s8;
	s6 =	sadd.s32 $0x56A00, s6;
	(pc) =	sbr.rel .LBB2_1-.Ltmp0, $4  }
0xd: {  	s7 =	sor.u32 $0x1C06, s31;
	s9 =	sadd.s32 s9, s10;
	s5 =	sadd.s32 s5, s8  }
0xe: {  	s11 =	smax.u32 s11, $0x1;
	s13 =	sshrl.u32 s13, $0x3;
	s28 =	sadd.s32 $0x18A00, s5  }
0xf: {  	s8 =	sadd.s32 $0x6AA00, s8;
	s29 =	sadd.s32 $0x23A00, s5;
	[dreg:$0x4] =	wrdreg s28  }
0x10: {  	s10 =	sadd.s32 $0x6AC00, s14;
	s14 =	simm.s32 $0x6;
	[dreg:$0x5] =	wrdreg s29  }
.LBB2_3:
0x11: {  	s23 =	simm.s32 $0x0;
	s20 =	simm.s32 $0x0  }
.LBB2_6:
0x12: {  	s0 =	sadd.s32 $0x3, s23;
	p5 =	por p2, !p4  }
0x13: {  	[sflag:s29] =	ssyncset.done @!p5 $0x0;
	p2 =	sge.s32 s0, s19  }
0x14: {  	p4 =	sge.s32 s23, s19;
	[sflag:s29] =	ssyncadd.s32 @!p5 $0xFFFFC000;
	s25 =	sshra.s32 @!p2 s20, $0x2  }
0x15: {  	s24 =	simm.s32 @!p2 $0x80;
	s26 =	simm.s32 @!p2 $0x11800;
	s0 =	sadd.s32 @!p2 $0x180, s25  }
0x16: {  	[tilespmem:s26], [sflag:$0x5] =	stream.indirect.gather @!p2 [hbm4b:s3+s24], $0x80, s0, s24, $0xb8;
	[tilespmem:$0x1F8C0] =	vst v63  }
0x17: {  	s4 =	sadd.s32 $0x4, s23;
	s0 =	simm.s32 @!p4 $0x2  }
0x18: {  	s5 =	sshra.s32 @!p4 s20, $0x2;
	s12 =	simm.s32 @!p4 $0x7;
	_ =	swait.ge @!p4 [sflag:s0], $0x4000  }
0x19: {  	s16 =	simm.s32 @!p4 $0x80;
	s23 =	simm.s32 @!p4 $0x5800;
	[sflag:s0] =	ssyncset.done @!p4 $0x0  }
0x1a: {  	s5 =	sadd.s32 @!p4 $0x2C00, s5;
	p5 =	sge.s32 s4, s19;
	[sflag:s0] =	ssyncadd.s32 @!p4 $0xFFFFC000  }
0x1b: {  	[spmem:s1] =	stream.indirect.scatter.add.f32 @!p4 [tilespmem:s23], [sflag:$0x7], $0x80, s5, s16, $0xb8;
	[tilespmem:$0x1F8C0] =	vst v63  }
0x1c: {  	s4 =	sshra.s32 @!p5 s20, $0x2;
	_ =	swait.ge @!p4 [sflag:s12], $0x4000  }
0x1d: {  	s4 =	sadd.s32 @!p5 $0x200, s4;
	s0 =	simm.s32 @!p3 $0x3;
	[sflag:s12] =	ssyncset.done @!p4 $0x0  }
0x1e: {  	s5 =	simm.s32 @!p5 $0x5800;
	s16 =	simm.s32 @!p5 $0x80;
	[sflag:s12] =	ssyncadd.s32 @!p4 $0xFFFFC000  }
0x1f: {  	[tilespmem:s5], [sflag:$0x2] =	stream.indirect.gather @!p5 [hbm4b:s3+s16], $0x80, s4, s16, $0xb8;
	[tilespmem:$0x1F8C0] =	vst v63  }
0x20: {  	s12 =	simm.s32 @!p3 $0x80;
	_ =	swait.ge @!p3 [sflag:s0], $0x4000  }
0x21: {  	s4 =	sshra.s32 @!p3 s20, $0x2;
	s5 =	simm.s32 @!p3 $0x7;
	[sflag:s0] =	ssyncset.done @!p3 $0x0  }
0x22: {  	s16 =	simm.s32 @!p3 $0x9800;
	s4 =	sadd.s32 @!p3 $0x2C80, s4;
	[sflag:s0] =	ssyncadd.s32 @!p3 $0xFFFFC000  }
0x23: {  	[spmem:s1] =	stream.indirect.scatter.add.f32 @!p3 [tilespmem:s16], [sflag:$0x7], $0x80, s4, s12, $0xb8;
	[tilespmem:$0x1F8C0] =	vst v63  }
0x24: {  	p4 =	sge.s32 s22, s19;
	s0 =	simm.s32 @!p1 $0x4;
	_ =	swait.ge @!p3 [sflag:s5], $0x4000  }
0x25: {  	s4 =	sshra.s32 @!p4 s20, $0x2;
	s12 =	simm.s32 @!p4 $0x9800;
	[sflag:s5] =	ssyncset.done @!p3 $0x0  }
0x26: {  	s16 =	simm.s32 @!p4 $0x80;
	s4 =	sadd.s32 @!p4 $0x280, s4;
	[sflag:s5] =	ssyncadd.s32 @!p3 $0xFFFFC000  }
0x27: {  	[tilespmem:s12], [sflag:$0x3] =	stream.indirect.gather @!p4 [hbm4b:s3+s16], $0x80, s4, s16, $0xb8;
	[tilespmem:$0x1F8C0] =	vst v63  }
0x28: {  	s5 =	simm.s32 @!p1 $0xD800;
	p3 =	sge.s32 s21, s19;
	_ =	swait.ge @!p1 [sflag:s0], $0x4000  }
0x29: {  	s4 =	sshra.s32 @!p1 s20, $0x2;
	s12 =	simm.s32 @!p1 $0x80;
	[sflag:s0] =	ssyncset.done @!p1 $0x0  }
0x2a: {  	s4 =	sadd.s32 @!p1 $0x2D00, s4;
	[sflag:s0] =	ssyncadd.s32 @!p1 $0xFFFFC000;
	s0 =	simm.s32 @!p1 $0x7  }
0x2b: {  	[spmem:s1] =	stream.indirect.scatter.add.f32 @!p1 [tilespmem:s5], [sflag:$0x7], $0x80, s4, s12, $0xb8;
	[tilespmem:$0x1F8C0] =	vst v63  }
0x2c: {  	s4 =	sshra.s32 @!p3 s20, $0x2;
	_ =	swait.ge @!p1 [sflag:s0], $0x4000  }
0x2d: {  	s5 =	simm.s32 @!p3 $0x80;
	s12 =	simm.s32 @!p2 $0x5;
	[sflag:s0] =	ssyncset.done @!p1 $0x0  }
0x2e: {  	s4 =	sadd.s32 @!p3 $0x300, s4;
	[sflag:s0] =	ssyncadd.s32 @!p1 $0xFFFFC000;
	s0 =	simm.s32 @!p3 $0xD800  }
0x2f: {  	[tilespmem:s0], [sflag:$0x4] =	stream.indirect.gather @!p3 [hbm4b:s3+s5], $0x80, s4, s5, $0xb8;
	[tilespmem:$0x1F8C0] =	vst v63  }
0x30: {  	_ =	swait.ge @!p2 [sflag:s12], $0x4000  }
0x31: {  	[sflag:s12] =	ssyncset.done @!p2 $0x0  }
0x32: {  	s0 =	sadd.s32 @!p2 $0x2D80, s25;
	s4 =	simm.s32 @!p2 $0x6;
	[sflag:s12] =	ssyncadd.s32 @!p2 $0xFFFFC000  }
0x33: {  	[spmem:s1] =	stream.indirect.scatter.add.f32 @!p2 [tilespmem:s26], [sflag:$0x6], $0x80, s0, s24, $0xb8;
	[tilespmem:$0x1F8C0] =	vst v63  }
0x34: {  	_ =	swait.ge @!p2 [sflag:s4], $0x4000  }
0x35: {  	[sflag:s4] =	ssyncset.done @!p2 $0x0  }
0x36: {  	[sflag:s4] =	ssyncadd.s32 @!p2 $0xFFFFC000  }
.LBB2_7:
0x37: {  	s18 =	sadd.s32 $0x1, s18  }
0x38: {  	p1 =	sne.s32 s18, s11  }
.Ltmp1:
0x39: {  	[bflag:$0x0] =	sbarrier.arrive $0xFFFF;
	(pc) =	sbr.rel @!p1 .LBB2_8-.Ltmp1, $4  }
0x3a: {  	[hbm:s10], [sflag:s7] =	dma.local [spmem:s13], $0x1400  }
0x3b: {  	_ =	swait.ge [sflag:s14], $0x1400  }
0x3c: {  	[sflag:s14] =	ssyncset.done $0x0  }
0x3d: {  	[sflag:s14] =	ssyncadd.s32 $0xFFFFEC00  }
.LBB2_1:
0x3e: {  	s0 =	rddreg [dreg:$0x4]  }
0x3f: {  	[tilespmem:s2], [sflag:$0x1] =	stream.linear.gather [hbm4b:s0+s2], $0x2C00, $0x38;
	[tilespmem:$0x1F8C0] =	vst v63  }
0x40: {  	s25 =	rddreg [dreg:$0x5];
	s4 =	simm.s32 $0x2C00  }
0x41: {  	[tilespmem:s4], [sflag:$0x1] =	stream.linear.gather [hbm4b:s25+s2], $0x2C00, $0x38;
	[tilespmem:$0x1F8C0] =	vst v63  }
0x42: {  	[spmem:s13], [sflag:s7] =	dma.local [hbm:s6], $0x1400  }
0x43: {  	_ =	swait.ge [sflag:s14], $0x1400  }
0x44: {  	[sflag:s14] =	ssyncset.done $0x0  }
0x45: {  	s19 =	simm.s32 @!p0 $0x6;
	[sflag:s14] =	ssyncadd.s32 $0xFFFFEC00  }
0x46: {  	[spmem:s15], [sflag:s7] =	dma.local @!p0 [hbm:s8], $0x80  }
0x47: {  	_ =	swait.ge @!p0 [sflag:s19], $0x80  }
0x48: {  	[sflag:s19] =	ssyncset.done @!p0 $0x0  }
0x49: {  	[sflag:s19] =	ssyncadd.s32 @!p0 $0xFFFFFF80  }
0x4a: {  	s26 =	simm.s32 $0x15800;
	[bflag:$0x0] =	sbarrier.arrive $0xFFFF  }
0x4b: {  	[tilespmem:s26], [sflag:$0x6] =	stream.linear.gather [hbm4b:s9+s2], $0x10, $0x38;
	[tilespmem:$0x1F8C0] =	vst v63  }
0x4c: {  	_ =	swait.ge [sflag:s14], $0x10  }
0x4d: {  	[sflag:s14] =	ssyncset.done $0x0  }
0x4e: {  	[sflag:s14] =	ssyncadd.s32 $0xFFFFFFF0  }
0x4f: {  	v0 =	vld [tilespmem:$0x15800];
	_ =	sdelay $0x4  }
0x50: {  	v0 =	vxor.u32 $0x80000000, v0  }
0x51: {  	(xrf0) =	vmax.scan.msk.u32 $0xffff, v0;
	_ =	sdelay $0x5  }
0x52: {  	v0, _, _ =	vpop (xrf0)  }
0x53: {  	(v2sf) =	vpush v0, $0xF;
	_ =	sdelay $0xe  }
0x54: {  	s28 =	spop (v2sf)  }
0x55: {  	s19 =	sadd.s32 $0x8000007F, s28  }
0x56: {  	_ =	swait.ge [sflag:s17], $0x2C00;
	s21 =	sand.u32 $0x7F, s19  }
0x57: {  	s20 =	sshra.s32 s19, $0x1F;
	p1 =	slt.s32 s19, $0x1;
	p2 =	sne.s32 s21, $0x0  }
0x58: {  	[sflag:s17] =	ssyncset.done $0x0;
	s20 =	sshrl.u32 s20, $0x19;
	p1 =	por !p1, !p2  }
0x59: {  	s19 =	sadd.s32 s20, s19;
	s20 =	simm.s32 $0x1;
	p1 =	por !p1, !p1  }
0x5a: {  	[sflag:s17] =	ssyncadd.s32 $0xFFFFD400;
	s19 =	sshra.s32 s19, $0x7;
	s20 =	simm.s32 @!p1 $0x0  }
0x5b: {  	_ =	swait.ge [sflag:s17], $0x2C00;
	s19 =	ssub.s32 s19, s20  }
0x5c: {  	[sflag:s17] =	ssyncset.done $0x0;
	p1 =	slt.s32 s19, $0x1  }
0x5d: {  	[sflag:s17] =	ssyncadd.s32 $0xFFFFD400;
	s20 =	simm.s32 @!p1 $0x80  }
0x5e: {  	s21 =	simm.s32 @!p1 $0x0;
	s22 =	simm.s32 @!p1 $0x5800;
	p2 =	seq.s32 @!p1 s19, $0x1  }
0x5f: {  	[tilespmem:s22], [sflag:$0x2] =	stream.indirect.gather @!p1 [hbm4b:s3+s20], $0x80, s21, s20, $0xb8;
	[tilespmem:$0x1F8C0] =	vst v63  }
0x60: {  	p3 =	por p2, p1  }
0x61: {  	s20 =	simm.s32 @!p3 $0x80;
	s21 =	simm.s32 @!p3 $0x9800  }
0x62: {  	[tilespmem:s21], [sflag:$0x3] =	stream.indirect.gather @!p3 [hbm4b:s3+s20], $0x80, s20, s20, $0xb8;
	[tilespmem:$0x1F8C0] =	vst v63  }
0x63: {  	s29 =	sadd.s32 $0x3, s19;
	p3 =	slt.u32 @!p3 s19, $0x3  }
0x64: {  	s30 =	sand.u32 $0x3, s29;
	p2 =	por @!p1 p3, p2  }
0x65: {  	p5 =	slt.s32 s19, $0xFFFFFFFE;
	p6 =	sne.s32 s30, $0x0;
	p1 =	por p2, p1  }
0x66: {  	s20 =	simm.s32 @!p1 $0x80;
	s21 =	simm.s32 @!p1 $0x100;
	s22 =	simm.s32 @!p1 $0xD800  }
0x67: {  	[tilespmem:s22], [sflag:$0x4] =	stream.indirect.gather @!p1 [hbm4b:s3+s20], $0x80, s21, s20, $0xb8;
	[tilespmem:$0x1F8C0] =	vst v63  }
0x68: {  	s31 =	sshrl.u32 s29, $0x1E;
	p1 =	por !p5, !p6  }
0x69: {  	s20 =	sadd.s32 s31, s29;
	s21 =	simm.s32 $0x1;
	p1 =	por !p1, !p1  }
0x6a: {  	s20 =	sshra.s32 s20, $0x2;
	s21 =	simm.s32 @!p1 $0x0  }
0x6b: {  	s20 =	ssub.s32 s20, s21  }
0x6c: {  	p1 =	slt.s32 s20, $0x1  }
.Ltmp2:
0x6d: {  	_ = 	snop;
	(pc) =	sbr.rel @p1 .LBB2_7-.Ltmp2, $1  }
0x6e: {  	_ =	sdelay $0x3  }
0x6f: {  	s20 =	sadd.s32 $0xFFFFFFFF, s20  }
0x70: {  	p2 =	sne.s32 s20, $0x0  }
.Ltmp3:
0x71: {  	_ = 	snop;
	(pc) =	sbr.rel @!p2 .LBB2_3-.Ltmp3, $3  }
0x72: {  	_ =	sdelay $0x1  }
0x73: {  	s22 =	simm.s32 $0x5;
	s21 =	simm.s32 $0x6  }
0x74: {  	p3 =	sle.s32 s19, $0x1;
	p1 =	sle.s32 s19, $0x2;
	p4 =	por $0x0, $0x0  }
0x75: {  	p4 =	sle.s32 s19, $0x0;
	p2 =	sle.s32 s19, $0x3  }
0x76: {  	s25 =	simm.s32 @!p2 $0x80;
	s21 =	simm.s32 @!p2 $0x180;
	s26 =	simm.s32 @!p2 $0x11800  }
0x77: {  	[tilespmem:s26], [sflag:$0x5] =	stream.indirect.gather @!p2 [hbm4b:s3+s25], $0x80, s21, s25, $0xb8;
	[tilespmem:$0x1F8C0] =	vst v63  }
0x78: {  	s21 =	simm.s32 @!p4 $0x2  }
0x79: {  	_ =	swait.ge @!p4 [sflag:s21], $0x4000  }
0x7a: {  	s22 =	simm.s32 @!p4 $0x2C00;
	s23 =	simm.s32 @!p4 $0x7;
	[sflag:s21] =	ssyncset.done @!p4 $0x0  }
0x7b: {  	s24 =	simm.s32 @!p4 $0x80;
	s28 =	simm.s32 @!p4 $0x5800;
	[sflag:s21] =	ssyncadd.s32 @!p4 $0xFFFFC000  }
0x7c: {  	[spmem:s1] =	stream.indirect.scatter.add.f32 @!p4 [tilespmem:s28], [sflag:$0x7], $0x80, s22, s24, $0xb8;
	[tilespmem:$0x1F8C0] =	vst v63  }
0x7d: {  	p5 =	sle.s32 s19, $0x4;
	_ =	swait.ge @!p4 [sflag:s23], $0x4000  }
0x7e: {  	s21 =	simm.s32 @!p3 $0x3;
	s22 =	simm.s32 @!p5 $0x5800;
	[sflag:s23] =	ssyncset.done @!p4 $0x0  }
0x7f: {  	s24 =	simm.s32 @!p5 $0x200;
	s28 =	simm.s32 @!p5 $0x80;
	[sflag:s23] =	ssyncadd.s32 @!p4 $0xFFFFC000  }
0x80: {  	[tilespmem:s22], [sflag:$0x2] =	stream.indirect.gather @!p5 [hbm4b:s3+s28], $0x80, s24, s28, $0xb8;
	[tilespmem:$0x1F8C0] =	vst v63  }
0x81: {  	_ =	swait.ge @!p3 [sflag:s21], $0x4000  }
0x82: {  	s23 =	simm.s32 @!p3 $0x7;
	s22 =	simm.s32 @!p3 $0x2C80;
	[sflag:s21] =	ssyncset.done @!p3 $0x0  }
0x83: {  	s24 =	simm.s32 @!p3 $0x80;
	s28 =	simm.s32 @!p3 $0x9800;
	[sflag:s21] =	ssyncadd.s32 @!p3 $0xFFFFC000  }
0x84: {  	[spmem:s1] =	stream.indirect.scatter.add.f32 @!p3 [tilespmem:s28], [sflag:$0x7], $0x80, s22, s24, $0xb8;
	[tilespmem:$0x1F8C0] =	vst v63  }
0x85: {  	p4 =	sle.s32 s19, $0x5;
	_ =	swait.ge @!p3 [sflag:s23], $0x4000  }
0x86: {  	s21 =	simm.s32 @!p1 $0x4;
	s22 =	simm.s32 @!p4 $0x9800;
	[sflag:s23] =	ssyncset.done @!p3 $0x0  }
0x87: {  	s24 =	simm.s32 @!p4 $0x280;
	s28 =	simm.s32 @!p4 $0x80;
	[sflag:s23] =	ssyncadd.s32 @!p3 $0xFFFFC000  }
0x88: {  	[tilespmem:s22], [sflag:$0x3] =	stream.indirect.gather @!p4 [hbm4b:s3+s28], $0x80, s24, s28, $0xb8;
	[tilespmem:$0x1F8C0] =	vst v63  }
0x89: {  	_ =	swait.ge @!p1 [sflag:s21], $0x4000  }
0x8a: {  	s23 =	simm.s32 @!p1 $0x2D00;
	s22 =	simm.s32 @!p1 $0xD800;
	[sflag:s21] =	ssyncset.done @!p1 $0x0  }
0x8b: {  	s24 =	simm.s32 @!p1 $0x80;
	[sflag:s21] =	ssyncadd.s32 @!p1 $0xFFFFC000;
	s21 =	simm.s32 @!p1 $0x7  }
0x8c: {  	[spmem:s1] =	stream.indirect.scatter.add.f32 @!p1 [tilespmem:s22], [sflag:$0x7], $0x80, s23, s24, $0xb8;
	[tilespmem:$0x1F8C0] =	vst v63  }
0x8d: {  	p3 =	sle.s32 s19, $0x6;
	s28 =	simm.s32 @!p2 $0x5;
	_ =	swait.ge @!p1 [sflag:s21], $0x4000  }
0x8e: {  	s22 =	simm.s32 @!p3 $0x80;
	s23 =	simm.s32 @!p3 $0x300;
	[sflag:s21] =	ssyncset.done @!p1 $0x0  }
0x8f: {  	s24 =	sadd.s32 $0xFFFFFFFF, s20;
	[sflag:s21] =	ssyncadd.s32 @!p1 $0xFFFFC000;
	s21 =	simm.s32 @!p3 $0xD800  }
0x90: {  	[tilespmem:s21], [sflag:$0x4] =	stream.indirect.gather @!p3 [hbm4b:s3+s22], $0x80, s23, s22, $0xb8;
	[tilespmem:$0x1F8C0] =	vst v63  }
0x91: {  	s29 =	simm.s32 @!p2 $0x2D80;
	p5 =	sne.s32 s24, $0x0;
	_ =	swait.ge @!p2 [sflag:s28], $0x4000  }
.Ltmp4:
0x92: {  	p4 =	por $0x1, $0x1;
	[sflag:s28] =	ssyncset.done @!p2 $0x0;
	(pc) =	sbr.rel @!p5 .LBB2_6-.Ltmp4, $4  }
0x93: {  	s20 =	simm.s32 $0x800;
	p1 =	sle.s32 s19, $0x6;
	[sflag:s28] =	ssyncadd.s32 @!p2 $0xFFFFC000  }
0x94: {  	[spmem:s1] =	stream.indirect.scatter.add.f32 @!p2 [tilespmem:s26], [sflag:$0x6], $0x80, s29, s25, $0xb8;
	[tilespmem:$0x1F8C0] =	vst v63  }
0x95: {  	s23 =	simm.s32 $0x4;
	s22 =	simm.s32 $0x9;
	s29 =	simm.s32 @!p2 $0x6  }
0x96: {  	s21 =	simm.s32 $0xA;
	p3 =	sle.s32 s19, $0x5;
	_ =	swait.ge @!p2 [sflag:s29], $0x4000  }
.LBB2_5:
0x97: {  	s25 =	sadd.s32 $0x3, s23;
	p5 =	sge.s32 s23, s19;
	[sflag:s29] =	ssyncset.done @!p2 $0x0  }
0x98: {  	s23 =	sadd.s32 $0x4, s23;
	[sflag:s29] =	ssyncadd.s32 @!p2 $0xFFFFC000;
	p2 =	sge.s32 s25, s19  }
0x99: {  	s29 =	simm.s32 @!p1 $0x4;
	s28 =	sshra.s32 @!p2 s20, $0x2;
	s25 =	simm.s32 @!p2 $0x80  }
0x9a: {  	s31 =	simm.s32 @!p3 $0x3;
	s26 =	simm.s32 @!p2 $0x11800;
	s30 =	sadd.s32 @!p2 $0x180, s28  }
0x9b: {  	[tilespmem:s26], [sflag:$0x5] =	stream.indirect.gather @!p2 [hbm4b:s3+s25], $0x80, s30, s25, $0xb8;
	[tilespmem:$0x1F8C0] =	vst v63  }
0x9c: {  	s0 =	sshra.s32 @!p5 s20, $0x2;
	s28 =	sadd.s32 @!p2 $0x2D80, s28;
	s30 =	simm.s32 @!p5 $0x2  }
0x9d: {  	s12 =	simm.s32 @!p5 $0x7;
	s0 =	sadd.s32 @!p5 $0x2C00, s0;
	_ =	swait.ge @!p5 [sflag:s30], $0x4000  }
0x9e: {  	s16 =	simm.s32 @!p5 $0x80;
	s4 =	simm.s32 @!p5 $0x5800;
	[sflag:s30] =	ssyncset.done @!p5 $0x0  }
0x9f: {  	s5 =	sadd.s32 $0x5, s23;
	p6 =	sge.s32 s23, s19;
	[sflag:s30] =	ssyncadd.s32 @!p5 $0xFFFFC000  }
0xa0: {  	[spmem:s1] =	stream.indirect.scatter.add.f32 @!p5 [tilespmem:s4], [sflag:$0x7], $0x80, s0, s16, $0xb8;
	[tilespmem:$0x1F8C0] =	vst v63  }
0xa1: {  	s0 =	sshra.s32 @!p6 s20, $0x2;
	s4 =	simm.s32 @!p6 $0x5800;
	_ =	swait.ge @!p5 [sflag:s12], $0x4000  }
0xa2: {  	s16 =	simm.s32 @!p6 $0x80;
	s0 =	sadd.s32 @!p6 $0x200, s0;
	[sflag:s12] =	ssyncset.done @!p5 $0x0  }
0xa3: {  	s30 =	sadd.s32 $0x6, s23;
	[sflag:s12] =	ssyncadd.s32 @!p5 $0xFFFFC000;
	s12 =	sshra.s32 @!p3 s20, $0x2  }
0xa4: {  	[tilespmem:s4], [sflag:$0x2] =	stream.indirect.gather @!p6 [hbm4b:s3+s16], $0x80, s0, s16, $0xb8;
	[tilespmem:$0x1F8C0] =	vst v63  }
0xa5: {  	s0 =	sadd.s32 @!p3 $0x2C80, s12;
	s4 =	simm.s32 @!p3 $0x7;
	_ =	swait.ge @!p3 [sflag:s31], $0x4000  }
0xa6: {  	s12 =	simm.s32 @!p3 $0x80;
	s16 =	simm.s32 @!p3 $0x9800;
	[sflag:s31] =	ssyncset.done @!p3 $0x0  }
0xa7: {  	s24 =	sadd.s32 $0xFFFFFFFF, s24;
	p6 =	sge.s32 s22, s19;
	[sflag:s31] =	ssyncadd.s32 @!p3 $0xFFFFC000  }
0xa8: {  	[spmem:s1] =	stream.indirect.scatter.add.f32 @!p3 [tilespmem:s16], [sflag:$0x7], $0x80, s0, s12, $0xb8;
	[tilespmem:$0x1F8C0] =	vst v63  }
0xa9: {  	s0 =	sshra.s32 @!p6 s20, $0x2;
	s12 =	simm.s32 @!p6 $0x9800;
	_ =	swait.ge @!p3 [sflag:s4], $0x4000  }
0xaa: {  	s16 =	simm.s32 @!p6 $0x80;
	s0 =	sadd.s32 @!p6 $0x280, s0;
	[sflag:s4] =	ssyncset.done @!p3 $0x0  }
0xab: {  	p5 =	sne.s32 s24, $0x0;
	s22 =	smov.u32 s5;
	[sflag:s4] =	ssyncadd.s32 @!p3 $0xFFFFC000  }
0xac: {  	[tilespmem:s12], [sflag:$0x3] =	stream.indirect.gather @!p6 [hbm4b:s3+s16], $0x80, s0, s16, $0xb8;
	[tilespmem:$0x1F8C0] =	vst v63  }
0xad: {  	s4 =	simm.s32 @!p1 $0xD800;
	s0 =	sshra.s32 @!p1 s20, $0x2;
	_ =	swait.ge @!p1 [sflag:s29], $0x4000  }
0xae: {  	s5 =	simm.s32 @!p1 $0x80;
	s0 =	sadd.s32 @!p1 $0x2D00, s0;
	[sflag:s29] =	ssyncset.done @!p1 $0x0  }
0xaf: {  	p3 =	sge.s32 s21, s19;
	s12 =	simm.s32 @!p1 $0x7;
	[sflag:s29] =	ssyncadd.s32 @!p1 $0xFFFFC000  }
0xb0: {  	[spmem:s1] =	stream.indirect.scatter.add.f32 @!p1 [tilespmem:s4], [sflag:$0x7], $0x80, s0, s5, $0xb8;
	[tilespmem:$0x1F8C0] =	vst v63  }
0xb1: {  	s0 =	sshra.s32 @!p3 s20, $0x2;
	s4 =	simm.s32 @!p3 $0x80;
	_ =	swait.ge @!p1 [sflag:s12], $0x4000  }
0xb2: {  	s5 =	simm.s32 @!p2 $0x5;
	s0 =	sadd.s32 @!p3 $0x300, s0;
	[sflag:s12] =	ssyncset.done @!p1 $0x0  }
0xb3: {  	s21 =	smov.u32 s30;
	[sflag:s12] =	ssyncadd.s32 @!p1 $0xFFFFC000;
	s12 =	simm.s32 @!p3 $0xD800  }
0xb4: {  	[tilespmem:s12], [sflag:$0x4] =	stream.indirect.gather @!p3 [hbm4b:s3+s4], $0x80, s0, s4, $0xb8;
	[tilespmem:$0x1F8C0] =	vst v63  }
.Ltmp5:
0xb5: {  	_ =	swait.ge @!p2 [sflag:s5], $0x4000;
	(pc) =	sbr.rel @p5 .LBB2_5-.Ltmp5, $4  }
0xb6: {  	s29 =	simm.s32 @!p2 $0x6;
	s20 =	sadd.s32 $0x800, s20;
	[sflag:s5] =	ssyncset.done @!p2 $0x0  }
0xb7: {  	s0 =	sadd.s32 $0x1, s23;
	s4 =	sadd.s32 $0x2, s23;
	[sflag:s5] =	ssyncadd.s32 @!p2 $0xFFFFC000  }
0xb8: {  	[spmem:s1] =	stream.indirect.scatter.add.f32 @!p2 [tilespmem:s26], [sflag:$0x6], $0x80, s28, s25, $0xb8;
	[tilespmem:$0x1F8C0] =	vst v63  }
0xb9: {  	p3 =	sge.s32 s0, s19;
	p1 =	sge.s32 s4, s19;
	_ =	swait.ge @!p2 [sflag:s29], $0x4000  }
.Ltmp6:
0xba: {  	_ = 	snop;
	(pc) =	sbr.rel .LBB2_6-.Ltmp6, $1  }
0xbb: {  	_ =	sdelay $0x3  }
.LBB2_8:
0xbc: {  	_ =	sfence.sel $0x180000  }
0xbd: {  	[bflag:$0x0] =	sbarrier.arrive $0xFFFF  }
0xbe: {  	_ =	strace $0x9000004D  }
0xbf: {  	[bflag:$0x2] =	sbarrier.arrive $0xFFFF  }
0xc0: {  	s0 =	rddreg [dreg:$0x3]  }
0xc1: {  	s0 =	sadd.s32 @!p0 $0x100000, s0  }
0xc2: {  	[sflag:s0] =	ssyncadd.tile.s32 @!p0 $0x1;
	_ =	shalt  }
.Lfunc_end2:
_tile_overlayer_lowered:
.L_overlay_start_2:
0xc3: {  	(tag) =	ssettag $0x2  }
0xc4: {  	s0 =	rddreg [dreg:$0x0];
	s2 =	stileid.u32  }
0xc5: {  	s1 =	rddreg [dreg:$0x1];
	p0 =	sne.s32 s2, $0x0  }
0xc6: {  	s3 =	rddreg [dreg:$0x2];
	[bflag:$0x3] =	sbarrier.arrive $0xFFFF;
	s2 =	simm.s32 @!p0 $0x1C06  }
0xc7: {  	[timem:s3], [sflag:s2] =	dma.local @!p0 [hbm:s0], s1  }
0xc8: {  	s0 =	simm.s32 @!p0 $0x6  }
0xc9: {  	_ =	swait.ge @!p0 [sflag:s0], s1  }
0xca: {  	s1 =	ssub.s32 @!p0 $0x0, s1;
	[sflag:s0] =	ssyncset.done @!p0 $0x0  }
0xcb: {  	[sflag:s0] =	ssyncadd.s32 @!p0 s1  }
0xcc: {  	[bflag:$0x3] =	sbarrier.arrive $0xFFFF  }
0xcd: {  	_ =	shalt  }

// kernel: kernel.18.cloned.1.call-start
scs
__scs_entry_jumppad:
0x0: {  	(pc) =	sbr.rel $0x88, $3  }
0x1: {  	(tag) =	ssettag $0x0;
	lr =	simm.s32 $0x1  }
0x2: {  	[smem:$0x3F99] =	sst lr;
	_ =	strace $0xD0000000  }
0x3: {  	_ = 	snop  }
0x4: {  	_ = 	snop  }
0x5: {  	_ = 	snop  }
0x6: {  	_ = 	snop  }
0x7: {  	_ = 	snop  }
__scs_overlays_trampoline_lowered:
0x8: {  	[smem:$0x3FA8] =	sst s0  }
0x9: {  	[smem:$0x3FA9] =	sst s1  }
0xa: {  	[smem:$0x3FAA] =	sst s2  }
0xb: {  	[smem:$0x3FAB] =	sst s3  }
0xc: {  	[smem:$0x3FAC] =	sst s4  }
0xd: {  	[smem:$0x3FAD] =	sst s5  }
0xe: {  	[smem:$0x3FAE] =	sst s6  }
0xf: {  	[smem:$0x3FAF] =	sst s7  }
0x10: {  	[smem:$0x3FB0] =	sst s8  }
0x11: {  	[smem:$0x3FB1] =	sst s9;
	s0 =	simm.s32 @!p0 $0x0  }
0x12: {  	s1 =	sld [smem:$0x3F97];
	s0 =	simm.s32 @p0 $0x1  }
0x13: {  	[smem:$0x3FB2] =	sst s0;
	s0 =	simm.s32 @!p1 $0x0  }
0x14: {  	s2 =	sld [smem:$0x3F96];
	s0 =	simm.s32 @p1 $0x1  }
0x15: {  	[smem:$0x3FB3] =	sst s0;
	s0 =	simm.s32 @!p2 $0x0  }
0x16: {  	s3 =	sld [smem:$0x3FDB];
	s0 =	simm.s32 @p2 $0x1  }
0x17: {  	s4 =	simm.s32 $0x1BF5;
	[smem:$0x3FB5] =	sst s0  }
0x18: {  	s0 =	sld [smem:$0x3F98];
	_ =	swait.ge [sflag:s4], $0x0  }
0x19: {  	s7 =	sld [smem:$0x3F99]  }
0x1a: {  	s8 =	sadd.s32 $0xFFFFE003, lr  }
0x1b: {  	s9 =	sadd.s32 $0xFFFFFEF7, lr;
	s5 =	simm.s32 $0xFFFFFFFF;
	p2 =	slt.u32 s8, $0xFFFFF086  }
0x1c: {  	p1 =	slt.u32 s9, $0xF7A;
	s5 =	simm.s32 @!p2 $0x0  }
0x1d: {  	s5 =	simm.s32 @p1 $0x1;
	p0 =	seq.s32 s7, s2  }
0x1e: {  	s7 =	smul.u32 @!p0 $0xF7A, s2;
	p2 =	seq.s32 @!p0 s5, $0x0  }
0x1f: {  	s9 =	smul.u32 $0xF7A, s1;
	s8 =	simm.s32 @!p0 $0x1BF5;
	p2 =	por !p2, p0  }
0x20: {  	[sflag:s8] =	ssyncset.s32 @!p0 $0xFFFFF086;
	s6 =	sadd.s32 @!p0 s3, s7;
	s7 =	simm.s32 @!p0 $0x108  }
0x21: {  	s3 =	sadd.s32 s3, s9;
	s6 =	sadd.s32 @!p0 $0x88, s6;
	s7 =	simm.s32 @p2 $0x1082  }
0x22: {  	[simem:s7], [sflag:s8] =	dma.local @!p0 [hbm:s6], $0xF7A  }
0x23: {  	s9 =	sor.u32 $0xD0000000, s2;
	s6 =	simm.s32 $0x108;
	_ =	swait.ge @!p0 [sflag:s8], $0x0  }
0x24: {  	s3 =	sadd.s32 $0x88, s3;
	s6 =	simm.s32 @!p1 $0x1082;
	[sflag:s4] =	ssyncset.s32 $0xFFFFF086  }
0x25: {  	[simem:s6], [sflag:s4] =	dma.local [hbm:s3], $0xF7A  }
0x26: {  	[smem:$0x3F99] =	sst s1;
	(tag) =	ssettag s2;
	_ =	strace s9  }
0x27: {  	s1 =	sld [smem:$0x3FA9]  }
0x28: {  	s2 =	sld [smem:$0x3FAA]  }
0x29: {  	s4 =	sld [smem:$0x3FAC]  }
0x2a: {  	p0 =	seq.s32 s5, $0x0;
	s5 =	sld [smem:$0x3FAD]  }
0x2b: {  	s6 =	sld [smem:$0x3FAE]  }
0x2c: {  	s7 =	sld [smem:$0x3FAF]  }
0x2d: {  	s3 =	simm.s32 $0x108;
	s8 =	sld [smem:$0x3FB0]  }
0x2e: {  	s3 =	simm.s32 @!p0 $0x1082;
	s9 =	sld [smem:$0x3FB1]  }
0x2f: {  	lr =	sadd.s32 s0, s3;
	s0 =	sld [smem:$0x3FA8]  }
0x30: {  	s3 =	sld [smem:$0x3FAB]  }
0x31: {  	[smem:$0x3FB4] =	sst s10  }
0x32: {  	s10 =	sld [smem:$0x3FB2];
	_ =	sdelay $0x3  }
0x33: {  	p0 =	seq.s32 s10, $0x1;
	s10 =	sld [smem:$0x3FB4];
	_ =	sdelay $0x3  }
0x34: {  	[smem:$0x3FB4] =	sst s10  }
0x35: {  	s10 =	sld [smem:$0x3FB3];
	_ =	sdelay $0x3  }
0x36: {  	p1 =	seq.s32 s10, $0x1;
	s10 =	sld [smem:$0x3FB4];
	_ =	sdelay $0x3  }
0x37: {  	[smem:$0x3FB4] =	sst s10  }
0x38: {  	s10 =	sld [smem:$0x3FB5]  }
0x39: {  	_ = 	snop;
	(pc) =	sbr.ind lr, $3  }
0x3a: {  	_ = 	snop  }
0x3b: {  	_ = 	snop  }
0x3c: {  	p2 =	seq.s32 s10, $0x1;
	s10 =	sld [smem:$0x3FB4]  }
0x3d: {  	_ =	shalt  }
0x3e: {  	_ =	shalt  }
0x3f: {  	_ =	shalt  }
0x40: {  	_ =	shalt  }
0x41: {  	_ =	shalt  }
0x42: {  	_ =	shalt  }
0x43: {  	_ =	shalt  }
0x44: {  	_ =	shalt  }
0x45: {  	_ =	shalt  }
0x46: {  	_ =	shalt  }
0x47: {  	_ =	shalt  }
0x48: {  	_ =	shalt  }
0x49: {  	_ =	shalt  }
0x4a: {  	_ =	shalt  }
0x4b: {  	_ =	shalt  }
0x4c: {  	_ =	shalt  }
0x4d: {  	_ =	shalt  }
0x4e: {  	_ =	shalt  }
0x4f: {  	_ =	shalt  }
0x50: {  	_ =	shalt  }
0x51: {  	_ =	shalt  }
0x52: {  	_ =	shalt  }
0x53: {  	_ =	shalt  }
0x54: {  	_ =	shalt  }
0x55: {  	_ =	shalt  }
0x56: {  	_ =	shalt  }
0x57: {  	_ =	shalt  }
0x58: {  	_ =	shalt  }
0x59: {  	_ =	shalt  }
0x5a: {  	_ =	shalt  }
0x5b: {  	_ =	shalt  }
0x5c: {  	_ =	shalt  }
0x5d: {  	_ =	shalt  }
0x5e: {  	_ =	shalt  }
0x5f: {  	_ =	shalt  }
0x60: {  	_ =	shalt  }
0x61: {  	_ =	shalt  }
0x62: {  	_ =	shalt  }
0x63: {  	_ =	shalt  }
0x64: {  	_ =	shalt  }
0x65: {  	_ =	shalt  }
0x66: {  	_ =	shalt  }
0x67: {  	_ =	shalt  }
0x68: {  	_ =	shalt  }
0x69: {  	_ =	shalt  }
0x6a: {  	_ =	shalt  }
0x6b: {  	_ =	shalt  }
0x6c: {  	_ =	shalt  }
0x6d: {  	_ =	shalt  }
0x6e: {  	_ =	shalt  }
0x6f: {  	_ =	shalt  }
0x70: {  	_ =	shalt  }
0x71: {  	_ =	shalt  }
0x72: {  	_ =	shalt  }
0x73: {  	_ =	shalt  }
0x74: {  	_ =	shalt  }
0x75: {  	_ =	shalt  }
0x76: {  	_ =	shalt  }
0x77: {  	_ =	shalt  }
0x78: {  	_ =	shalt  }
0x79: {  	_ =	shalt  }
0x7a: {  	_ =	shalt  }
0x7b: {  	_ =	shalt  }
0x7c: {  	_ =	shalt  }
0x7d: {  	_ =	shalt  }
0x7e: {  	_ =	shalt  }
0x7f: {  	_ =	shalt  }
0x80: {  	_ =	shalt  }
0x81: {  	_ =	shalt  }
0x82: {  	_ =	shalt  }
0x83: {  	_ =	shalt  }
0x84: {  	_ =	shalt  }
0x85: {  	_ =	shalt  }
0x86: {  	_ =	shalt  }
0x87: {  	_ =	shalt  }
.Lfunc_end0:
.L_simem_size_0:
called_computation.3_lowered:
.L_overlay_start_0:
0x88: {  	s2 =	sld [smem:$0x3FD9]  }
0x89: {  	s3 =	sld [smem:$0x3FFE];
	_ =	sdelay $0x1  }
0x8a: {  	s1 =	srdreg.scid  }
0x8b: {  	s0 =	sand.u32 $0x1, s1  }
0x8c: {  	s17 =	sshll.u32 s0, $0xA;
	s2 =	sadd.s32 s3, s2  }
0x8d: {  	s2 =	sadd.s32 s2, s17  }
0x8e: {  	[smem:$0x3FC0] =	sst s2  }
0x8f: {  	_ = 	snop  }
0x90: {  	s2 =	sld [smem:$0x3FD0];
	(tm) =	ssettm $0x1  }
0x91: {  	s18 =	sld [smem:$0x3FFB];
	_ =	sdelay $0x3  }
0x92: {  	_ =	strace s18  }
0x93: {  	s3 =	sld [smem:$0x3FFC];
	_ =	sdelay $0x3  }
0x94: {  	_ =	strace s3  }
0x95: {  	s3 =	sld [smem:$0x3FFD];
	_ =	sdelay $0x3  }
0x96: {  	_ =	strace s3  }
0x97: {  	_ =	strace $0x8FFFFFFF  }
0x98: {  	s19 =	sld [smem:$0x3FDB];
	_ =	sdelay $0x1  }
0x99: {  	s4 =	simm.s32 $_scs_section_size  }
0x9a: {  	s5 =	simm.s32 $_size__tile_overlayer_lowered;
	s6 =	simm.s32 $_tile_overlayer_lowered  }
0x9b: {  	s22 =	simm.s32 $0x1BFF;
	s21 =	sshll.u32 s6, $0x1;
	s3 =	sadd.s32 s4, s19  }
0x9c: {  	s7 =	simm.s32 $0x0;
	s20 =	sshll.u32 s5, $0x1;
	s5 =	sadd.s32 s21, s3  }
0x9d: {  	[timem:s7], [sflag:s22] =	dma.local [hbm:s5], s20  }
0x9e: {  	_ =	swait.ge [sflag:s22], s20  }
0x9f: {  	s4 =	ssub.s32 $0x0, s20;
	[sflag:s22] =	ssyncset.done $0x0  }
0xa0: {  	[sflag:s22] =	ssyncadd.s32 s4;
	_ =	sdelay $0x1  }
0xa1: {  	s23 =	simm.s32 $0x1B8B  }
0xa2: {  	_ =	swait.ge [sflag:s23], $0x1  }
0xa3: {  	[sflag:s23] =	ssyncset.done $0x0  }
0xa4: {  	s25 =	simm.s32 $0x1B8E;
	s24 =	sld [smem:$0x3FFE];
	[sflag:s23] =	ssyncadd.s32 $0xFFFFFFFF  }
0xa5: {  	s26 =	simm.s32 $execute0_lowered;
	[smem:$0x3FD2] =	sst s25  }
0xa6: {  	s5 =	sshll.u32 s26, $0x1;
	_ =	strace $0x8000004F;
	[dreg:$0x1] =	wrdreg $0xFFFFFFFF  }
0xa7: {  	s28 =	simm.s32 $_size_execute0_lowered;
	s3 =	sadd.s32 s3, s5;
	[dreg:$0x0] =	wrdreg $0x0  }
0xa8: {  	s5 =	sshll.u32 s28, $0x1;
	[dreg:$0x2] =	wrdreg s3  }
0xa9: {  	[dreg:$0x3] =	wrdreg s5  }
0xaa: {  	[dreg:$0x4] =	wrdreg $0xC0  }
0xab: {  	_ =	task [dreg:s7], $0x5FFFF  }
0xac: {  	[dreg:$0x1] =	wrdreg $0xFFFFFFFF  }
0xad: {  	[dreg:$0x0] =	wrdreg $0x60  }
0xae: {  	[dreg:$0x2] =	wrdreg s24  }
0xaf: {  	[dreg:$0x3] =	wrdreg s2  }
0xb0: {  	[dreg:$0x4] =	wrdreg $0x158800  }
0xb1: {  	[dreg:$0x5] =	wrdreg $0x9  }
0xb2: {  	_ =	task.clear_ibuf [dreg:s7], $0x6FFFF;
	_ =	strace $0x9000004F  }
0xb3: {  	s29 =	simm.s32 $0x9;
	_ =	strace $0x80000051  }
0xb4: {  	_ =	swait.ge [sflag:s29], $0x1  }
0xb5: {  	[sflag:s29] =	ssyncadd.s32 $0xFFFFFFFF  }
0xb6: {  	_ =	strace $0x90000051  }
0xb7: {  	_ =	sfence  }
0xb8: {  	s30 =	sld [smem:$0x0];
	_ =	sdelay $0x2  }
0xb9: {  	s31 =	sshll.u32 s1, $0xD;
	s1 =	sshrl.u32 s1, $0x2  }
0xba: {  	s3 =	sand.u32 $0x4000, s31;
	s1 =	sadd.s32 s1, s30  }
0xbb: {  	s0 =	sor.u32 s3, s0;
	s1 =	sshll.u32 s1, $0x11  }
0xbc: {  	s0 =	sor.u32 s1, s0  }
0xbd: {  	s0 =	sadd.s32 $0x8F2B, s0  }
0xbe: {  	[sflag:s0] =	ssyncadd.remote.s32 $0x1  }
0xbf: {  	_ =	sfence.sel $0xFFFF  }
0xc0: {  	[dreg:$0x0] =	wrdreg $0xFFFFFFFF;
	(pc) =	sbr.abs _section_cstart, $3  }
0xc1: {  	[dreg:$0x1] =	wrdreg $0xFFFFFFFF  }
0xc2: {  	_ =	task.clear_ibuf [dreg:s7], $0x2FFFF;
	_ =	strace $0x9FFFFFFF  }
0xc3: {  	(tm) =	ssettm $0x7FFFFFFF  }
tec
execute0_lowered:
.L_overlay_start_1:
0x0: {  	(tag) =	ssettag $0x1  }
0x1: {  	s8 =	rddreg [dreg:$0x0]  }
0x2: {  	s0 =	srdreg.scid;
	s9 =	rddreg [dreg:$0x1]  }
0x3: {  	s12 =	stileid.u32;
	s1 =	rddreg [dreg:$0x2];
	s2 =	simm.s32 $0x0  }
0x4: {  	s17 =	simm.s32 $0x1;
	s18 =	simm.s32 $0x0;
	s4 =	sand.u32 $0x1, s0  }
0x5: {  	[smem:$0x7FF] =	sst s2;
	s6 =	smul.u32 $0x1400, s12;
	s3 =	sadd.s32 $0x2EA00, s8  }
0x6: {  	s13 =	smul.u32 $0x28000, s12;
	s31 =	sshll.u32 s12, $0x6;
	s15 =	sadd.s32 $0xA0000, s1  }
0x7: {  	p0 =	sne.s32 s12, $0x0;
	s0 =	sshll.u32 s4, $0x4;
	_ =	strace $0x80000050  }
0x8: {  	s7 =	smul.u32 $0x14000, s4;
	s4 =	ssub.s32 $0x2, s4;
	s15 =	sshrl.u32 @!p0 s15, $0x3  }
0x9: {  	s10 =	sor.u32 s12, s0;
	s11 =	sshrl.u32 s4, $0x1;
	s30 =	sshrl.u32 s13, $0x2  }
0xa: {  	s5 =	smul.u32 $0x580, s10;
	s7 =	sadd.s32 s6, s7;
	s6 =	sadd.s32 s6, s8  }
0xb: {  	s11 =	ssub.s32 s4, s11;
	s13 =	sadd.s32 s30, s1;
	s10 =	sshll.u32 s10, $0x1  }
.Ltmp0:
0xc: {  	s14 =	sadd.s32 s7, s8;
	s6 =	sadd.s32 $0x56A00, s6;
	(pc) =	sbr.rel .LBB2_1-.Ltmp0, $4  }
0xd: {  	s7 =	sor.u32 $0x1C06, s31;
	s9 =	sadd.s32 s9, s10;
	s5 =	sadd.s32 s5, s8  }
0xe: {  	s11 =	smax.u32 s11, $0x1;
	s13 =	sshrl.u32 s13, $0x3;
	s28 =	sadd.s32 $0x18A00, s5  }
0xf: {  	s8 =	sadd.s32 $0x6AA00, s8;
	s29 =	sadd.s32 $0x23A00, s5;
	[dreg:$0x4] =	wrdreg s28  }
0x10: {  	s10 =	sadd.s32 $0x6AC00, s14;
	s14 =	simm.s32 $0x6;
	[dreg:$0x5] =	wrdreg s29  }
.LBB2_3:
0x11: {  	s23 =	simm.s32 $0x0;
	s20 =	simm.s32 $0x0  }
.LBB2_6:
0x12: {  	s0 =	sadd.s32 $0x3, s23;
	p5 =	por p2, !p4  }
0x13: {  	[sflag:s29] =	ssyncset.done @!p5 $0x0;
	p2 =	sge.s32 s0, s19  }
0x14: {  	p4 =	sge.s32 s23, s19;
	[sflag:s29] =	ssyncadd.s32 @!p5 $0xFFFFC000;
	s25 =	sshra.s32 @!p2 s20, $0x2  }
0x15: {  	s24 =	simm.s32 @!p2 $0x80;
	s26 =	simm.s32 @!p2 $0x11800;
	s0 =	sadd.s32 @!p2 $0x180, s25  }
0x16: {  	[tilespmem:s26], [sflag:$0x5] =	stream.indirect.gather @!p2 [hbm4b:s3+s24], $0x80, s0, s24, $0xb8;
	[tilespmem:$0x1F8C0] =	vst v63  }
0x17: {  	s4 =	sadd.s32 $0x4, s23;
	s0 =	simm.s32 @!p4 $0x2  }
0x18: {  	s5 =	sshra.s32 @!p4 s20, $0x2;
	s12 =	simm.s32 @!p4 $0x7;
	_ =	swait.ge @!p4 [sflag:s0], $0x4000  }
0x19: {  	s16 =	simm.s32 @!p4 $0x80;
	s23 =	simm.s32 @!p4 $0x5800;
	[sflag:s0] =	ssyncset.done @!p4 $0x0  }
0x1a: {  	s5 =	sadd.s32 @!p4 $0x2C00, s5;
	p5 =	sge.s32 s4, s19;
	[sflag:s0] =	ssyncadd.s32 @!p4 $0xFFFFC000  }
0x1b: {  	[spmem:s1] =	stream.indirect.scatter.add.f32 @!p4 [tilespmem:s23], [sflag:$0x7], $0x80, s5, s16, $0xb8;
	[tilespmem:$0x1F8C0] =	vst v63  }
0x1c: {  	s4 =	sshra.s32 @!p5 s20, $0x2;
	_ =	swait.ge @!p4 [sflag:s12], $0x4000  }
0x1d: {  	s4 =	sadd.s32 @!p5 $0x200, s4;
	s0 =	simm.s32 @!p3 $0x3;
	[sflag:s12] =	ssyncset.done @!p4 $0x0  }
0x1e: {  	s5 =	simm.s32 @!p5 $0x5800;
	s16 =	simm.s32 @!p5 $0x80;
	[sflag:s12] =	ssyncadd.s32 @!p4 $0xFFFFC000  }
0x1f: {  	[tilespmem:s5], [sflag:$0x2] =	stream.indirect.gather @!p5 [hbm4b:s3+s16], $0x80, s4, s16, $0xb8;
	[tilespmem:$0x1F8C0] =	vst v63  }
0x20: {  	s12 =	simm.s32 @!p3 $0x80;
	_ =	swait.ge @!p3 [sflag:s0], $0x4000  }
0x21: {  	s4 =	sshra.s32 @!p3 s20, $0x2;
	s5 =	simm.s32 @!p3 $0x7;
	[sflag:s0] =	ssyncset.done @!p3 $0x0  }
0x22: {  	s16 =	simm.s32 @!p3 $0x9800;
	s4 =	sadd.s32 @!p3 $0x2C80, s4;
	[sflag:s0] =	ssyncadd.s32 @!p3 $0xFFFFC000  }
0x23: {  	[spmem:s1] =	stream.indirect.scatter.add.f32 @!p3 [tilespmem:s16], [sflag:$0x7], $0x80, s4, s12, $0xb8;
	[tilespmem:$0x1F8C0] =	vst v63  }
0x24: {  	p4 =	sge.s32 s22, s19;
	s0 =	simm.s32 @!p1 $0x4;
	_ =	swait.ge @!p3 [sflag:s5], $0x4000  }
0x25: {  	s4 =	sshra.s32 @!p4 s20, $0x2;
	s12 =	simm.s32 @!p4 $0x9800;
	[sflag:s5] =	ssyncset.done @!p3 $0x0  }
0x26: {  	s16 =	simm.s32 @!p4 $0x80;
	s4 =	sadd.s32 @!p4 $0x280, s4;
	[sflag:s5] =	ssyncadd.s32 @!p3 $0xFFFFC000  }
0x27: {  	[tilespmem:s12], [sflag:$0x3] =	stream.indirect.gather @!p4 [hbm4b:s3+s16], $0x80, s4, s16, $0xb8;
	[tilespmem:$0x1F8C0] =	vst v63  }
0x28: {  	s5 =	simm.s32 @!p1 $0xD800;
	p3 =	sge.s32 s21, s19;
	_ =	swait.ge @!p1 [sflag:s0], $0x4000  }
0x29: {  	s4 =	sshra.s32 @!p1 s20, $0x2;
	s12 =	simm.s32 @!p1 $0x80;
	[sflag:s0] =	ssyncset.done @!p1 $0x0  }
0x2a: {  	s4 =	sadd.s32 @!p1 $0x2D00, s4;
	[sflag:s0] =	ssyncadd.s32 @!p1 $0xFFFFC000;
	s0 =	simm.s32 @!p1 $0x7  }
0x2b: {  	[spmem:s1] =	stream.indirect.scatter.add.f32 @!p1 [tilespmem:s5], [sflag:$0x7], $0x80, s4, s12, $0xb8;
	[tilespmem:$0x1F8C0] =	vst v63  }
0x2c: {  	s4 =	sshra.s32 @!p3 s20, $0x2;
	_ =	swait.ge @!p1 [sflag:s0], $0x4000  }
0x2d: {  	s5 =	simm.s32 @!p3 $0x80;
	s12 =	simm.s32 @!p2 $0x5;
	[sflag:s0] =	ssyncset.done @!p1 $0x0  }
0x2e: {  	s4 =	sadd.s32 @!p3 $0x300, s4;
	[sflag:s0] =	ssyncadd.s32 @!p1 $0xFFFFC000;
	s0 =	simm.s32 @!p3 $0xD800  }
0x2f: {  	[tilespmem:s0], [sflag:$0x4] =	stream.indirect.gather @!p3 [hbm4b:s3+s5], $0x80, s4, s5, $0xb8;
	[tilespmem:$0x1F8C0] =	vst v63  }
0x30: {  	_ =	swait.ge @!p2 [sflag:s12], $0x4000  }
0x31: {  	[sflag:s12] =	ssyncset.done @!p2 $0x0  }
0x32: {  	s0 =	sadd.s32 @!p2 $0x2D80, s25;
	s4 =	simm.s32 @!p2 $0x6;
	[sflag:s12] =	ssyncadd.s32 @!p2 $0xFFFFC000  }
0x33: {  	[spmem:s1] =	stream.indirect.scatter.add.f32 @!p2 [tilespmem:s26], [sflag:$0x6], $0x80, s0, s24, $0xb8;
	[tilespmem:$0x1F8C0] =	vst v63  }
0x34: {  	_ =	swait.ge @!p2 [sflag:s4], $0x4000  }
0x35: {  	[sflag:s4] =	ssyncset.done @!p2 $0x0  }
0x36: {  	[sflag:s4] =	ssyncadd.s32 @!p2 $0xFFFFC000  }
.LBB2_7:
0x37: {  	s18 =	sadd.s32 $0x1, s18  }
0x38: {  	p1 =	sne.s32 s18, s11  }
.Ltmp1:
0x39: {  	[bflag:$0x0] =	sbarrier.arrive $0xFFFF;
	(pc) =	sbr.rel @!p1 .LBB2_8-.Ltmp1, $4  }
0x3a: {  	[hbm:s10], [sflag:s7] =	dma.local [spmem:s13], $0x1400  }
0x3b: {  	_ =	swait.ge [sflag:s14], $0x1400  }
0x3c: {  	[sflag:s14] =	ssyncset.done $0x0  }
0x3d: {  	[sflag:s14] =	ssyncadd.s32 $0xFFFFEC00  }
.LBB2_1:
0x3e: {  	s0 =	rddreg [dreg:$0x4]  }
0x3f: {  	[tilespmem:s2], [sflag:$0x1] =	stream.linear.gather [hbm4b:s0+s2], $0x2C00, $0x38;
	[tilespmem:$0x1F8C0] =	vst v63  }
0x40: {  	s25 =	rddreg [dreg:$0x5];
	s4 =	simm.s32 $0x2C00  }
0x41: {  	[tilespmem:s4], [sflag:$0x1] =	stream.linear.gather [hbm4b:s25+s2], $0x2C00, $0x38;
	[tilespmem:$0x1F8C0] =	vst v63  }
0x42: {  	[spmem:s13], [sflag:s7] =	dma.local [hbm:s6], $0x1400  }
0x43: {  	_ =	swait.ge [sflag:s14], $0x1400  }
0x44: {  	[sflag:s14] =	ssyncset.done $0x0  }
0x45: {  	s19 =	simm.s32 @!p0 $0x6;
	[sflag:s14] =	ssyncadd.s32 $0xFFFFEC00  }
0x46: {  	[spmem:s15], [sflag:s7] =	dma.local @!p0 [hbm:s8], $0x80  }
0x47: {  	_ =	swait.ge @!p0 [sflag:s19], $0x80  }
0x48: {  	[sflag:s19] =	ssyncset.done @!p0 $0x0  }
0x49: {  	[sflag:s19] =	ssyncadd.s32 @!p0 $0xFFFFFF80  }
0x4a: {  	s26 =	simm.s32 $0x15800;
	[bflag:$0x0] =	sbarrier.arrive $0xFFFF  }
0x4b: {  	[tilespmem:s26], [sflag:$0x6] =	stream.linear.gather [hbm4b:s9+s2], $0x10, $0x38;
	[tilespmem:$0x1F8C0] =	vst v63  }
0x4c: {  	_ =	swait.ge [sflag:s14], $0x10  }
0x4d: {  	[sflag:s14] =	ssyncset.done $0x0  }
0x4e: {  	[sflag:s14] =	ssyncadd.s32 $0xFFFFFFF0  }
0x4f: {  	v0 =	vld [tilespmem:$0x15800];
	_ =	sdelay $0x4  }
0x50: {  	v0 =	vxor.u32 $0x80000000, v0  }
0x51: {  	(xrf0) =	vmax.scan.msk.u32 $0xffff, v0;
	_ =	sdelay $0x5  }
0x52: {  	v0, _, _ =	vpop (xrf0)  }
0x53: {  	(v2sf) =	vpush v0, $0xF;
	_ =	sdelay $0xe  }
0x54: {  	s28 =	spop (v2sf)  }
0x55: {  	s19 =	sadd.s32 $0x8000007F, s28  }
0x56: {  	_ =	swait.ge [sflag:s17], $0x2C00;
	s21 =	sand.u32 $0x7F, s19  }
0x57: {  	s20 =	sshra.s32 s19, $0x1F;
	p1 =	slt.s32 s19, $0x1;
	p2 =	sne.s32 s21, $0x0  }
0x58: {  	[sflag:s17] =	ssyncset.done $0x0;
	s20 =	sshrl.u32 s20, $0x19;
	p1 =	por !p1, !p2  }
0x59: {  	s19 =	sadd.s32 s20, s19;
	s20 =	simm.s32 $0x1;
	p1 =	por !p1, !p1  }
0x5a: {  	[sflag:s17] =	ssyncadd.s32 $0xFFFFD400;
	s19 =	sshra.s32 s19, $0x7;
	s20 =	simm.s32 @!p1 $0x0  }
0x5b: {  	_ =	swait.ge [sflag:s17], $0x2C00;
	s19 =	ssub.s32 s19, s20  }
0x5c: {  	[sflag:s17] =	ssyncset.done $0x0;
	p1 =	slt.s32 s19, $0x1  }
0x5d: {  	[sflag:s17] =	ssyncadd.s32 $0xFFFFD400;
	s20 =	simm.s32 @!p1 $0x80  }
0x5e: {  	s21 =	simm.s32 @!p1 $0x0;
	s22 =	simm.s32 @!p1 $0x5800;
	p2 =	seq.s32 @!p1 s19, $0x1  }
0x5f: {  	[tilespmem:s22], [sflag:$0x2] =	stream.indirect.gather @!p1 [hbm4b:s3+s20], $0x80, s21, s20, $0xb8;
	[tilespmem:$0x1F8C0] =	vst v63  }
0x60: {  	p3 =	por p2, p1  }
0x61: {  	s20 =	simm.s32 @!p3 $0x80;
	s21 =	simm.s32 @!p3 $0x9800  }
0x62: {  	[tilespmem:s21], [sflag:$0x3] =	stream.indirect.gather @!p3 [hbm4b:s3+s20], $0x80, s20, s20, $0xb8;
	[tilespmem:$0x1F8C0] =	vst v63  }
0x63: {  	s29 =	sadd.s32 $0x3, s19;
	p3 =	slt.u32 @!p3 s19, $0x3  }
0x64: {  	s30 =	sand.u32 $0x3, s29;
	p2 =	por @!p1 p3, p2  }
0x65: {  	p5 =	slt.s32 s19, $0xFFFFFFFE;
	p6 =	sne.s32 s30, $0x0;
	p1 =	por p2, p1  }
0x66: {  	s20 =	simm.s32 @!p1 $0x80;
	s21 =	simm.s32 @!p1 $0x100;
	s22 =	simm.s32 @!p1 $0xD800  }
0x67: {  	[tilespmem:s22], [sflag:$0x4] =	stream.indirect.gather @!p1 [hbm4b:s3+s20], $0x80, s21, s20, $0xb8;
	[tilespmem:$0x1F8C0] =	vst v63  }
0x68: {  	s31 =	sshrl.u32 s29, $0x1E;
	p1 =	por !p5, !p6  }
0x69: {  	s20 =	sadd.s32 s31, s29;
	s21 =	simm.s32 $0x1;
	p1 =	por !p1, !p1  }
0x6a: {  	s20 =	sshra.s32 s20, $0x2;
	s21 =	simm.s32 @!p1 $0x0  }
0x6b: {  	s20 =	ssub.s32 s20, s21  }
0x6c: {  	p1 =	slt.s32 s20, $0x1  }
.Ltmp2:
0x6d: {  	_ = 	snop;
	(pc) =	sbr.rel @p1 .LBB2_7-.Ltmp2, $1  }
0x6e: {  	_ =	sdelay $0x3  }
0x6f: {  	s20 =	sadd.s32 $0xFFFFFFFF, s20  }
0x70: {  	p2 =	sne.s32 s20, $0x0  }
.Ltmp3:
0x71: {  	_ = 	snop;
	(pc) =	sbr.rel @!p2 .LBB2_3-.Ltmp3, $3  }
0x72: {  	_ =	sdelay $0x1  }
0x73: {  	s22 =	simm.s32 $0x5;
	s21 =	simm.s32 $0x6  }
0x74: {  	p3 =	sle.s32 s19, $0x1;
	p1 =	sle.s32 s19, $0x2;
	p4 =	por $0x0, $0x0  }
0x75: {  	p4 =	sle.s32 s19, $0x0;
	p2 =	sle.s32 s19, $0x3  }
0x76: {  	s25 =	simm.s32 @!p2 $0x80;
	s21 =	simm.s32 @!p2 $0x180;
	s26 =	simm.s32 @!p2 $0x11800  }
0x77: {  	[tilespmem:s26], [sflag:$0x5] =	stream.indirect.gather @!p2 [hbm4b:s3+s25], $0x80, s21, s25, $0xb8;
	[tilespmem:$0x1F8C0] =	vst v63  }
0x78: {  	s21 =	simm.s32 @!p4 $0x2  }
0x79: {  	_ =	swait.ge @!p4 [sflag:s21], $0x4000  }
0x7a: {  	s22 =	simm.s32 @!p4 $0x2C00;
	s23 =	simm.s32 @!p4 $0x7;
	[sflag:s21] =	ssyncset.done @!p4 $0x0  }
0x7b: {  	s24 =	simm.s32 @!p4 $0x80;
	s28 =	simm.s32 @!p4 $0x5800;
	[sflag:s21] =	ssyncadd.s32 @!p4 $0xFFFFC000  }
0x7c: {  	[spmem:s1] =	stream.indirect.scatter.add.f32 @!p4 [tilespmem:s28], [sflag:$0x7], $0x80, s22, s24, $0xb8;
	[tilespmem:$0x1F8C0] =	vst v63  }
0x7d: {  	p5 =	sle.s32 s19, $0x4;
	_ =	swait.ge @!p4 [sflag:s23], $0x4000  }
0x7e: {  	s21 =	simm.s32 @!p3 $0x3;
	s22 =	simm.s32 @!p5 $0x5800;
	[sflag:s23] =	ssyncset.done @!p4 $0x0  }
0x7f: {  	s24 =	simm.s32 @!p5 $0x200;
	s28 =	simm.s32 @!p5 $0x80;
	[sflag:s23] =	ssyncadd.s32 @!p4 $0xFFFFC000  }
0x80: {  	[tilespmem:s22], [sflag:$0x2] =	stream.indirect.gather @!p5 [hbm4b:s3+s28], $0x80, s24, s28, $0xb8;
	[tilespmem:$0x1F8C0] =	vst v63  }
0x81: {  	_ =	swait.ge @!p3 [sflag:s21], $0x4000  }
0x82: {  	s23 =	simm.s32 @!p3 $0x7;
	s22 =	simm.s32 @!p3 $0x2C80;
	[sflag:s21] =	ssyncset.done @!p3 $0x0  }
0x83: {  	s24 =	simm.s32 @!p3 $0x80;
	s28 =	simm.s32 @!p3 $0x9800;
	[sflag:s21] =	ssyncadd.s32 @!p3 $0xFFFFC000  }
0x84: {  	[spmem:s1] =	stream.indirect.scatter.add.f32 @!p3 [tilespmem:s28], [sflag:$0x7], $0x80, s22, s24, $0xb8;
	[tilespmem:$0x1F8C0] =	vst v63  }
0x85: {  	p4 =	sle.s32 s19, $0x5;
	_ =	swait.ge @!p3 [sflag:s23], $0x4000  }
0x86: {  	s21 =	simm.s32 @!p1 $0x4;
	s22 =	simm.s32 @!p4 $0x9800;
	[sflag:s23] =	ssyncset.done @!p3 $0x0  }
0x87: {  	s24 =	simm.s32 @!p4 $0x280;
	s28 =	simm.s32 @!p4 $0x80;
	[sflag:s23] =	ssyncadd.s32 @!p3 $0xFFFFC000  }
0x88: {  	[tilespmem:s22], [sflag:$0x3] =	stream.indirect.gather @!p4 [hbm4b:s3+s28], $0x80, s24, s28, $0xb8;
	[tilespmem:$0x1F8C0] =	vst v63  }
0x89: {  	_ =	swait.ge @!p1 [sflag:s21], $0x4000  }
0x8a: {  	s23 =	simm.s32 @!p1 $0x2D00;
	s22 =	simm.s32 @!p1 $0xD800;
	[sflag:s21] =	ssyncset.done @!p1 $0x0  }
0x8b: {  	s24 =	simm.s32 @!p1 $0x80;
	[sflag:s21] =	ssyncadd.s32 @!p1 $0xFFFFC000;
	s21 =	simm.s32 @!p1 $0x7  }
0x8c: {  	[spmem:s1] =	stream.indirect.scatter.add.f32 @!p1 [tilespmem:s22], [sflag:$0x7], $0x80, s23, s24, $0xb8;
	[tilespmem:$0x1F8C0] =	vst v63  }
0x8d: {  	p3 =	sle.s32 s19, $0x6;
	s28 =	simm.s32 @!p2 $0x5;
	_ =	swait.ge @!p1 [sflag:s21], $0x4000  }
0x8e: {  	s22 =	simm.s32 @!p3 $0x80;
	s23 =	simm.s32 @!p3 $0x300;
	[sflag:s21] =	ssyncset.done @!p1 $0x0  }
0x8f: {  	s24 =	sadd.s32 $0xFFFFFFFF, s20;
	[sflag:s21] =	ssyncadd.s32 @!p1 $0xFFFFC000;
	s21 =	simm.s32 @!p3 $0xD800  }
0x90: {  	[tilespmem:s21], [sflag:$0x4] =	stream.indirect.gather @!p3 [hbm4b:s3+s22], $0x80, s23, s22, $0xb8;
	[tilespmem:$0x1F8C0] =	vst v63  }
0x91: {  	s29 =	simm.s32 @!p2 $0x2D80;
	p5 =	sne.s32 s24, $0x0;
	_ =	swait.ge @!p2 [sflag:s28], $0x4000  }
.Ltmp4:
0x92: {  	p4 =	por $0x1, $0x1;
	[sflag:s28] =	ssyncset.done @!p2 $0x0;
	(pc) =	sbr.rel @!p5 .LBB2_6-.Ltmp4, $4  }
0x93: {  	s20 =	simm.s32 $0x800;
	p1 =	sle.s32 s19, $0x6;
	[sflag:s28] =	ssyncadd.s32 @!p2 $0xFFFFC000  }
0x94: {  	[spmem:s1] =	stream.indirect.scatter.add.f32 @!p2 [tilespmem:s26], [sflag:$0x6], $0x80, s29, s25, $0xb8;
	[tilespmem:$0x1F8C0] =	vst v63  }
0x95: {  	s23 =	simm.s32 $0x4;
	s22 =	simm.s32 $0x9;
	s29 =	simm.s32 @!p2 $0x6  }
0x96: {  	s21 =	simm.s32 $0xA;
	p3 =	sle.s32 s19, $0x5;
	_ =	swait.ge @!p2 [sflag:s29], $0x4000  }
.LBB2_5:
0x97: {  	s25 =	sadd.s32 $0x3, s23;
	p5 =	sge.s32 s23, s19;
	[sflag:s29] =	ssyncset.done @!p2 $0x0  }
0x98: {  	s23 =	sadd.s32 $0x4, s23;
	[sflag:s29] =	ssyncadd.s32 @!p2 $0xFFFFC000;
	p2 =	sge.s32 s25, s19  }
0x99: {  	s29 =	simm.s32 @!p1 $0x4;
	s28 =	sshra.s32 @!p2 s20, $0x2;
	s25 =	simm.s32 @!p2 $0x80  }
0x9a: {  	s31 =	simm.s32 @!p3 $0x3;
	s26 =	simm.s32 @!p2 $0x11800;
	s30 =	sadd.s32 @!p2 $0x180, s28  }
0x9b: {  	[tilespmem:s26], [sflag:$0x5] =	stream.indirect.gather @!p2 [hbm4b:s3+s25], $0x80, s30, s25, $0xb8;
	[tilespmem:$0x1F8C0] =	vst v63  }
0x9c: {  	s0 =	sshra.s32 @!p5 s20, $0x2;
	s28 =	sadd.s32 @!p2 $0x2D80, s28;
	s30 =	simm.s32 @!p5 $0x2  }
0x9d: {  	s12 =	simm.s32 @!p5 $0x7;
	s0 =	sadd.s32 @!p5 $0x2C00, s0;
	_ =	swait.ge @!p5 [sflag:s30], $0x4000  }
0x9e: {  	s16 =	simm.s32 @!p5 $0x80;
	s4 =	simm.s32 @!p5 $0x5800;
	[sflag:s30] =	ssyncset.done @!p5 $0x0  }
0x9f: {  	s5 =	sadd.s32 $0x5, s23;
	p6 =	sge.s32 s23, s19;
	[sflag:s30] =	ssyncadd.s32 @!p5 $0xFFFFC000  }
0xa0: {  	[spmem:s1] =	stream.indirect.scatter.add.f32 @!p5 [tilespmem:s4], [sflag:$0x7], $0x80, s0, s16, $0xb8;
	[tilespmem:$0x1F8C0] =	vst v63  }
0xa1: {  	s0 =	sshra.s32 @!p6 s20, $0x2;
	s4 =	simm.s32 @!p6 $0x5800;
	_ =	swait.ge @!p5 [sflag:s12], $0x4000  }
0xa2: {  	s16 =	simm.s32 @!p6 $0x80;
	s0 =	sadd.s32 @!p6 $0x200, s0;
	[sflag:s12] =	ssyncset.done @!p5 $0x0  }
0xa3: {  	s30 =	sadd.s32 $0x6, s23;
	[sflag:s12] =	ssyncadd.s32 @!p5 $0xFFFFC000;
	s12 =	sshra.s32 @!p3 s20, $0x2  }
0xa4: {  	[tilespmem:s4], [sflag:$0x2] =	stream.indirect.gather @!p6 [hbm4b:s3+s16], $0x80, s0, s16, $0xb8;
	[tilespmem:$0x1F8C0] =	vst v63  }
0xa5: {  	s0 =	sadd.s32 @!p3 $0x2C80, s12;
	s4 =	simm.s32 @!p3 $0x7;
	_ =	swait.ge @!p3 [sflag:s31], $0x4000  }
0xa6: {  	s12 =	simm.s32 @!p3 $0x80;
	s16 =	simm.s32 @!p3 $0x9800;
	[sflag:s31] =	ssyncset.done @!p3 $0x0  }
0xa7: {  	s24 =	sadd.s32 $0xFFFFFFFF, s24;
	p6 =	sge.s32 s22, s19;
	[sflag:s31] =	ssyncadd.s32 @!p3 $0xFFFFC000  }
0xa8: {  	[spmem:s1] =	stream.indirect.scatter.add.f32 @!p3 [tilespmem:s16], [sflag:$0x7], $0x80, s0, s12, $0xb8;
	[tilespmem:$0x1F8C0] =	vst v63  }
0xa9: {  	s0 =	sshra.s32 @!p6 s20, $0x2;
	s12 =	simm.s32 @!p6 $0x9800;
	_ =	swait.ge @!p3 [sflag:s4], $0x4000  }
0xaa: {  	s16 =	simm.s32 @!p6 $0x80;
	s0 =	sadd.s32 @!p6 $0x280, s0;
	[sflag:s4] =	ssyncset.done @!p3 $0x0  }
0xab: {  	p5 =	sne.s32 s24, $0x0;
	s22 =	smov.u32 s5;
	[sflag:s4] =	ssyncadd.s32 @!p3 $0xFFFFC000  }
0xac: {  	[tilespmem:s12], [sflag:$0x3] =	stream.indirect.gather @!p6 [hbm4b:s3+s16], $0x80, s0, s16, $0xb8;
	[tilespmem:$0x1F8C0] =	vst v63  }
0xad: {  	s4 =	simm.s32 @!p1 $0xD800;
	s0 =	sshra.s32 @!p1 s20, $0x2;
	_ =	swait.ge @!p1 [sflag:s29], $0x4000  }
0xae: {  	s5 =	simm.s32 @!p1 $0x80;
	s0 =	sadd.s32 @!p1 $0x2D00, s0;
	[sflag:s29] =	ssyncset.done @!p1 $0x0  }
0xaf: {  	p3 =	sge.s32 s21, s19;
	s12 =	simm.s32 @!p1 $0x7;
	[sflag:s29] =	ssyncadd.s32 @!p1 $0xFFFFC000  }
0xb0: {  	[spmem:s1] =	stream.indirect.scatter.add.f32 @!p1 [tilespmem:s4], [sflag:$0x7], $0x80, s0, s5, $0xb8;
	[tilespmem:$0x1F8C0] =	vst v63  }
0xb1: {  	s0 =	sshra.s32 @!p3 s20, $0x2;
	s4 =	simm.s32 @!p3 $0x80;
	_ =	swait.ge @!p1 [sflag:s12], $0x4000  }
0xb2: {  	s5 =	simm.s32 @!p2 $0x5;
	s0 =	sadd.s32 @!p3 $0x300, s0;
	[sflag:s12] =	ssyncset.done @!p1 $0x0  }
0xb3: {  	s21 =	smov.u32 s30;
	[sflag:s12] =	ssyncadd.s32 @!p1 $0xFFFFC000;
	s12 =	simm.s32 @!p3 $0xD800  }
0xb4: {  	[tilespmem:s12], [sflag:$0x4] =	stream.indirect.gather @!p3 [hbm4b:s3+s4], $0x80, s0, s4, $0xb8;
	[tilespmem:$0x1F8C0] =	vst v63  }
.Ltmp5:
0xb5: {  	_ =	swait.ge @!p2 [sflag:s5], $0x4000;
	(pc) =	sbr.rel @p5 .LBB2_5-.Ltmp5, $4  }
0xb6: {  	s29 =	simm.s32 @!p2 $0x6;
	s20 =	sadd.s32 $0x800, s20;
	[sflag:s5] =	ssyncset.done @!p2 $0x0  }
0xb7: {  	s0 =	sadd.s32 $0x1, s23;
	s4 =	sadd.s32 $0x2, s23;
	[sflag:s5] =	ssyncadd.s32 @!p2 $0xFFFFC000  }
0xb8: {  	[spmem:s1] =	stream.indirect.scatter.add.f32 @!p2 [tilespmem:s26], [sflag:$0x6], $0x80, s28, s25, $0xb8;
	[tilespmem:$0x1F8C0] =	vst v63  }
0xb9: {  	p3 =	sge.s32 s0, s19;
	p1 =	sge.s32 s4, s19;
	_ =	swait.ge @!p2 [sflag:s29], $0x4000  }
.Ltmp6:
0xba: {  	_ = 	snop;
	(pc) =	sbr.rel .LBB2_6-.Ltmp6, $1  }
0xbb: {  	_ =	sdelay $0x3  }
.LBB2_8:
0xbc: {  	_ =	sfence.sel $0x180000  }
0xbd: {  	[bflag:$0x0] =	sbarrier.arrive $0xFFFF  }
0xbe: {  	_ =	strace $0x90000050  }
0xbf: {  	[bflag:$0x2] =	sbarrier.arrive $0xFFFF  }
0xc0: {  	s0 =	rddreg [dreg:$0x3]  }
0xc1: {  	s0 =	sadd.s32 @!p0 $0x100000, s0  }
0xc2: {  	[sflag:s0] =	ssyncadd.tile.s32 @!p0 $0x1;
	_ =	shalt  }
.Lfunc_end2:
_tile_overlayer_lowered:
.L_overlay_start_2:
0xc3: {  	(tag) =	ssettag $0x2  }
0xc4: {  	s0 =	rddreg [dreg:$0x0];
	s2 =	stileid.u32  }
0xc5: {  	s1 =	rddreg [dreg:$0x1];
	p0 =	sne.s32 s2, $0x0  }
0xc6: {  	s3 =	rddreg [dreg:$0x2];
	[bflag:$0x3] =	sbarrier.arrive $0xFFFF;
	s2 =	simm.s32 @!p0 $0x1C06  }
0xc7: {  	[timem:s3], [sflag:s2] =	dma.local @!p0 [hbm:s0], s1  }
0xc8: {  	s0 =	simm.s32 @!p0 $0x6  }
0xc9: {  	_ =	swait.ge @!p0 [sflag:s0], s1  }
0xca: {  	s1 =	ssub.s32 @!p0 $0x0, s1;
	[sflag:s0] =	ssyncset.done @!p0 $0x0  }
0xcb: {  	[sflag:s0] =	ssyncadd.s32 @!p0 s1  }
0xcc: {  	[bflag:$0x3] =	sbarrier.arrive $0xFFFF  }
0xcd: {  	_ =	shalt  }

// kernel: kernel.9.cloned.1.call-start
scs
__scs_entry_jumppad:
0x0: {  	(pc) =	sbr.rel $0x88, $3  }
0x1: {  	(tag) =	ssettag $0x0;
	lr =	simm.s32 $0x1  }
0x2: {  	[smem:$0x3F99] =	sst lr;
	_ =	strace $0xD0000000  }
0x3: {  	_ = 	snop  }
0x4: {  	_ = 	snop  }
0x5: {  	_ = 	snop  }
0x6: {  	_ = 	snop  }
0x7: {  	_ = 	snop  }
__scs_overlays_trampoline_lowered:
0x8: {  	[smem:$0x3FA8] =	sst s0  }
0x9: {  	[smem:$0x3FA9] =	sst s1  }
0xa: {  	[smem:$0x3FAA] =	sst s2  }
0xb: {  	[smem:$0x3FAB] =	sst s3  }
0xc: {  	[smem:$0x3FAC] =	sst s4  }
0xd: {  	[smem:$0x3FAD] =	sst s5  }
0xe: {  	[smem:$0x3FAE] =	sst s6  }
0xf: {  	[smem:$0x3FAF] =	sst s7  }
0x10: {  	[smem:$0x3FB0] =	sst s8  }
0x11: {  	[smem:$0x3FB1] =	sst s9;
	s0 =	simm.s32 @!p0 $0x0  }
0x12: {  	s1 =	sld [smem:$0x3F97];
	s0 =	simm.s32 @p0 $0x1  }
0x13: {  	[smem:$0x3FB2] =	sst s0;
	s0 =	simm.s32 @!p1 $0x0  }
0x14: {  	s2 =	sld [smem:$0x3F96];
	s0 =	simm.s32 @p1 $0x1  }
0x15: {  	[smem:$0x3FB3] =	sst s0;
	s0 =	simm.s32 @!p2 $0x0  }
0x16: {  	s3 =	sld [smem:$0x3FDB];
	s0 =	simm.s32 @p2 $0x1  }
0x17: {  	s4 =	simm.s32 $0x1BF5;
	[smem:$0x3FB5] =	sst s0  }
0x18: {  	s0 =	sld [smem:$0x3F98];
	_ =	swait.ge [sflag:s4], $0x0  }
0x19: {  	s7 =	sld [smem:$0x3F99]  }
0x1a: {  	s8 =	sadd.s32 $0xFFFFE003, lr  }
0x1b: {  	s9 =	sadd.s32 $0xFFFFFEF7, lr;
	s5 =	simm.s32 $0xFFFFFFFF;
	p2 =	slt.u32 s8, $0xFFFFF086  }
0x1c: {  	p1 =	slt.u32 s9, $0xF7A;
	s5 =	simm.s32 @!p2 $0x0  }
0x1d: {  	s5 =	simm.s32 @p1 $0x1;
	p0 =	seq.s32 s7, s2  }
0x1e: {  	s7 =	smul.u32 @!p0 $0xF7A, s2;
	p2 =	seq.s32 @!p0 s5, $0x0  }
0x1f: {  	s9 =	smul.u32 $0xF7A, s1;
	s8 =	simm.s32 @!p0 $0x1BF5;
	p2 =	por !p2, p0  }
0x20: {  	[sflag:s8] =	ssyncset.s32 @!p0 $0xFFFFF086;
	s6 =	sadd.s32 @!p0 s3, s7;
	s7 =	simm.s32 @!p0 $0x108  }
0x21: {  	s3 =	sadd.s32 s3, s9;
	s6 =	sadd.s32 @!p0 $0x88, s6;
	s7 =	simm.s32 @p2 $0x1082  }
0x22: {  	[simem:s7], [sflag:s8] =	dma.local @!p0 [hbm:s6], $0xF7A  }
0x23: {  	s9 =	sor.u32 $0xD0000000, s2;
	s6 =	simm.s32 $0x108;
	_ =	swait.ge @!p0 [sflag:s8], $0x0  }
0x24: {  	s3 =	sadd.s32 $0x88, s3;
	s6 =	simm.s32 @!p1 $0x1082;
	[sflag:s4] =	ssyncset.s32 $0xFFFFF086  }
0x25: {  	[simem:s6], [sflag:s4] =	dma.local [hbm:s3], $0xF7A  }
0x26: {  	[smem:$0x3F99] =	sst s1;
	(tag) =	ssettag s2;
	_ =	strace s9  }
0x27: {  	s1 =	sld [smem:$0x3FA9]  }
0x28: {  	s2 =	sld [smem:$0x3FAA]  }
0x29: {  	s4 =	sld [smem:$0x3FAC]  }
0x2a: {  	p0 =	seq.s32 s5, $0x0;
	s5 =	sld [smem:$0x3FAD]  }
0x2b: {  	s6 =	sld [smem:$0x3FAE]  }
0x2c: {  	s7 =	sld [smem:$0x3FAF]  }
0x2d: {  	s3 =	simm.s32 $0x108;
	s8 =	sld [smem:$0x3FB0]  }
0x2e: {  	s3 =	simm.s32 @!p0 $0x1082;
	s9 =	sld [smem:$0x3FB1]  }
0x2f: {  	lr =	sadd.s32 s0, s3;
	s0 =	sld [smem:$0x3FA8]  }
0x30: {  	s3 =	sld [smem:$0x3FAB]  }
0x31: {  	[smem:$0x3FB4] =	sst s10  }
0x32: {  	s10 =	sld [smem:$0x3FB2];
	_ =	sdelay $0x3  }
0x33: {  	p0 =	seq.s32 s10, $0x1;
	s10 =	sld [smem:$0x3FB4];
	_ =	sdelay $0x3  }
0x34: {  	[smem:$0x3FB4] =	sst s10  }
0x35: {  	s10 =	sld [smem:$0x3FB3];
	_ =	sdelay $0x3  }
0x36: {  	p1 =	seq.s32 s10, $0x1;
	s10 =	sld [smem:$0x3FB4];
	_ =	sdelay $0x3  }
0x37: {  	[smem:$0x3FB4] =	sst s10  }
0x38: {  	s10 =	sld [smem:$0x3FB5]  }
0x39: {  	_ = 	snop;
	(pc) =	sbr.ind lr, $3  }
0x3a: {  	_ = 	snop  }
0x3b: {  	_ = 	snop  }
0x3c: {  	p2 =	seq.s32 s10, $0x1;
	s10 =	sld [smem:$0x3FB4]  }
0x3d: {  	_ =	shalt  }
0x3e: {  	_ =	shalt  }
0x3f: {  	_ =	shalt  }
0x40: {  	_ =	shalt  }
0x41: {  	_ =	shalt  }
0x42: {  	_ =	shalt  }
0x43: {  	_ =	shalt  }
0x44: {  	_ =	shalt  }
0x45: {  	_ =	shalt  }
0x46: {  	_ =	shalt  }
0x47: {  	_ =	shalt  }
0x48: {  	_ =	shalt  }
0x49: {  	_ =	shalt  }
0x4a: {  	_ =	shalt  }
0x4b: {  	_ =	shalt  }
0x4c: {  	_ =	shalt  }
0x4d: {  	_ =	shalt  }
0x4e: {  	_ =	shalt  }
0x4f: {  	_ =	shalt  }
0x50: {  	_ =	shalt  }
0x51: {  	_ =	shalt  }
0x52: {  	_ =	shalt  }
0x53: {  	_ =	shalt  }
0x54: {  	_ =	shalt  }
0x55: {  	_ =	shalt  }
0x56: {  	_ =	shalt  }
0x57: {  	_ =	shalt  }
0x58: {  	_ =	shalt  }
0x59: {  	_ =	shalt  }
0x5a: {  	_ =	shalt  }
0x5b: {  	_ =	shalt  }
0x5c: {  	_ =	shalt  }
0x5d: {  	_ =	shalt  }
0x5e: {  	_ =	shalt  }
0x5f: {  	_ =	shalt  }
0x60: {  	_ =	shalt  }
0x61: {  	_ =	shalt  }
0x62: {  	_ =	shalt  }
0x63: {  	_ =	shalt  }
0x64: {  	_ =	shalt  }
0x65: {  	_ =	shalt  }
0x66: {  	_ =	shalt  }
0x67: {  	_ =	shalt  }
0x68: {  	_ =	shalt  }
0x69: {  	_ =	shalt  }
0x6a: {  	_ =	shalt  }
0x6b: {  	_ =	shalt  }
0x6c: {  	_ =	shalt  }
0x6d: {  	_ =	shalt  }
0x6e: {  	_ =	shalt  }
0x6f: {  	_ =	shalt  }
0x70: {  	_ =	shalt  }
0x71: {  	_ =	shalt  }
0x72: {  	_ =	shalt  }
0x73: {  	_ =	shalt  }
0x74: {  	_ =	shalt  }
0x75: {  	_ =	shalt  }
0x76: {  	_ =	shalt  }
0x77: {  	_ =	shalt  }
0x78: {  	_ =	shalt  }
0x79: {  	_ =	shalt  }
0x7a: {  	_ =	shalt  }
0x7b: {  	_ =	shalt  }
0x7c: {  	_ =	shalt  }
0x7d: {  	_ =	shalt  }
0x7e: {  	_ =	shalt  }
0x7f: {  	_ =	shalt  }
0x80: {  	_ =	shalt  }
0x81: {  	_ =	shalt  }
0x82: {  	_ =	shalt  }
0x83: {  	_ =	shalt  }
0x84: {  	_ =	shalt  }
0x85: {  	_ =	shalt  }
0x86: {  	_ =	shalt  }
0x87: {  	_ =	shalt  }
.Lfunc_end0:
.L_simem_size_0:
called_computation_lowered:
.L_overlay_start_0:
0x88: {  	s2 =	sld [smem:$0x3FD9]  }
0x89: {  	s3 =	sld [smem:$0x3FFE];
	_ =	sdelay $0x1  }
0x8a: {  	s1 =	srdreg.scid  }
0x8b: {  	s0 =	sand.u32 $0x1, s1  }
0x8c: {  	s17 =	sshll.u32 s0, $0xA;
	s2 =	sadd.s32 s3, s2  }
0x8d: {  	s2 =	sadd.s32 s2, s17  }
0x8e: {  	[smem:$0x3FC0] =	sst s2  }
0x8f: {  	_ = 	snop  }
0x90: {  	s2 =	sld [smem:$0x3FD0];
	(tm) =	ssettm $0x1  }
0x91: {  	s18 =	sld [smem:$0x3FFB];
	_ =	sdelay $0x3  }
0x92: {  	_ =	strace s18  }
0x93: {  	s3 =	sld [smem:$0x3FFC];
	_ =	sdelay $0x3  }
0x94: {  	_ =	strace s3  }
0x95: {  	s3 =	sld [smem:$0x3FFD];
	_ =	sdelay $0x3  }
0x96: {  	_ =	strace s3  }
0x97: {  	_ =	strace $0x8FFFFFFF  }
0x98: {  	s19 =	sld [smem:$0x3FDB];
	_ =	sdelay $0x1  }
0x99: {  	s4 =	simm.s32 $_scs_section_size  }
0x9a: {  	s5 =	simm.s32 $_size__tile_overlayer_lowered;
	s6 =	simm.s32 $_tile_overlayer_lowered  }
0x9b: {  	s22 =	simm.s32 $0x1BFF;
	s21 =	sshll.u32 s6, $0x1;
	s3 =	sadd.s32 s4, s19  }
0x9c: {  	s7 =	simm.s32 $0x0;
	s20 =	sshll.u32 s5, $0x1;
	s5 =	sadd.s32 s21, s3  }
0x9d: {  	[timem:s7], [sflag:s22] =	dma.local [hbm:s5], s20  }
0x9e: {  	_ =	swait.ge [sflag:s22], s20  }
0x9f: {  	s4 =	ssub.s32 $0x0, s20;
	[sflag:s22] =	ssyncset.done $0x0  }
0xa0: {  	[sflag:s22] =	ssyncadd.s32 s4;
	_ =	sdelay $0x1  }
0xa1: {  	s23 =	simm.s32 $0x1B8B  }
0xa2: {  	_ =	swait.ge [sflag:s23], $0x1  }
0xa3: {  	[sflag:s23] =	ssyncset.done $0x0  }
0xa4: {  	s25 =	simm.s32 $0x1B8E;
	s24 =	sld [smem:$0x3FFE];
	[sflag:s23] =	ssyncadd.s32 $0xFFFFFFFF  }
0xa5: {  	s26 =	simm.s32 $execute0_lowered;
	[smem:$0x3FD2] =	sst s25  }
0xa6: {  	s5 =	sshll.u32 s26, $0x1;
	_ =	strace $0x80000046;
	[dreg:$0x1] =	wrdreg $0xFFFFFFFF  }
0xa7: {  	s28 =	simm.s32 $_size_execute0_lowered;
	s3 =	sadd.s32 s3, s5;
	[dreg:$0x0] =	wrdreg $0x0  }
0xa8: {  	s5 =	sshll.u32 s28, $0x1;
	[dreg:$0x2] =	wrdreg s3  }
0xa9: {  	[dreg:$0x3] =	wrdreg s5  }
0xaa: {  	[dreg:$0x4] =	wrdreg $0xC0  }
0xab: {  	_ =	task [dreg:s7], $0x5FFFF  }
0xac: {  	[dreg:$0x1] =	wrdreg $0xFFFFFFFF  }
0xad: {  	[dreg:$0x0] =	wrdreg $0x60  }
0xae: {  	[dreg:$0x2] =	wrdreg s24  }
0xaf: {  	[dreg:$0x3] =	wrdreg s2  }
0xb0: {  	[dreg:$0x4] =	wrdreg $0x9  }
0xb1: {  	_ =	task.clear_ibuf [dreg:s7], $0x5FFFF;
	_ =	strace $0x90000046  }
0xb2: {  	s29 =	simm.s32 $0x9;
	_ =	strace $0x80000048  }
0xb3: {  	_ =	swait.ge [sflag:s29], $0x1  }
0xb4: {  	[sflag:s29] =	ssyncadd.s32 $0xFFFFFFFF  }
0xb5: {  	_ =	strace $0x90000048  }
0xb6: {  	_ =	sfence  }
0xb7: {  	s30 =	sld [smem:$0x0];
	_ =	sdelay $0x2  }
0xb8: {  	s31 =	sshll.u32 s1, $0xD;
	s1 =	sshrl.u32 s1, $0x2  }
0xb9: {  	s3 =	sand.u32 $0x4000, s31;
	s1 =	sadd.s32 s1, s30  }
0xba: {  	s0 =	sor.u32 s3, s0;
	s1 =	sshll.u32 s1, $0x11  }
0xbb: {  	s0 =	sor.u32 s1, s0  }
0xbc: {  	s0 =	sadd.s32 $0x8F2B, s0  }
0xbd: {  	[sflag:s0] =	ssyncadd.remote.s32 $0x1  }
0xbe: {  	_ =	sfence.sel $0xFFFF  }
0xbf: {  	[dreg:$0x0] =	wrdreg $0xFFFFFFFF;
	(pc) =	sbr.abs _section_cstart, $3  }
0xc0: {  	[dreg:$0x1] =	wrdreg $0xFFFFFFFF  }
0xc1: {  	_ =	task.clear_ibuf [dreg:s7], $0x2FFFF;
	_ =	strace $0x9FFFFFFF  }
0xc2: {  	(tm) =	ssettm $0x7FFFFFFF  }
0xc3: {  	_ =	shalt  }
tec
execute0_lowered:
.L_overlay_start_1:
0x0: {  	(tag) =	ssettag $0x1  }
0x1: {  	s6 =	rddreg [dreg:$0x0]  }
0x2: {  	s0 =	srdreg.scid;
	s7 =	rddreg [dreg:$0x1];
	s2 =	simm.s32 $0x0  }
0x3: {  	s16 =	simm.s32 $0x0;
	s5 =	sand.u32 $0x1, s0;
	s0 =	stileid.u32  }
0x4: {  	[smem:$0x7FF] =	sst s2;
	s3 =	sadd.s32 $0xEC00, s6;
	s14 =	smul.u32 $0x1400, s5  }
0x5: {  	s4 =	sadd.s32 $0x4E00, s6;
	s1 =	sshll.u32 s5, $0x4;
	s10 =	smul.u32 $0x140, s0  }
0x6: {  	s5 =	ssub.s32 $0x2, s5;
	s30 =	smul.u32 $0xF, s0;
	s31 =	sand.u32 $0x7, s0  }
0x7: {  	s8 =	sor.u32 s0, s1;
	s1 =	rddreg [dreg:$0x2];
	_ =	strace $0x80000047  }
0x8: {  	s29 =	sshrl.u32 s5, $0x1;
	s12 =	sor.u32 $0x1400, s31;
	s9 =	smul.u32 $0x580, s8  }
0x9: {  	s11 =	sadd.s32 s10, s14;
	s13 =	sadd.s32 $0x2710, s30;
	s8 =	sshll.u32 s8, $0x1  }
.Ltmp0:
0xa: {  	s10 =	simm.s32 $0x1;
	v1 =	vmov s12;
	s12 =	simm.s32 $0x5480;
	(pc) =	sbr.rel .LBB2_1-.Ltmp0, $4  }
0xb: {  	v4 =	vmov s14;
	s14 =	simm.s32 $0x3;
	s15 =	sadd.s32 $0x140, s11;
	s7 =	sadd.s32 s7, s8  }
0xc: {  	v0 =	vmov s13;
	v2 =	vmov s11;
	s11 =	simm.s32 $0x2800;
	s13 =	simm.s32 $0x2;
	s6 =	sadd.s32 s9, s6  }
0xd: {  	s9 =	ssub.s32 s5, s29;
	v3 =	vmov s15;
	s15 =	simm.s32 $0x8100;
	s5 =	sadd.s32 $0x18A00, s6  }
0xe: {  	v5 =	vimm.s32 $0x0;
	s6 =	sadd.s32 $0x23A00, s6;
	s8 =	smax.u32 s9, $0x1;
	s9 =	simm.s32 $0xA00  }
.LBB2_10:
0xf: {  	[hbm4b:s5+s2] =	stream.linear.scatter [tilespmem:s11], [sflag:$0x3], $0x2C00, $0x38;
	[tilespmem:$0x8180] =	vst v63  }
0x10: {  	_ =	swait.ge [sflag:s14], $0x2C00  }
0x11: {  	[sflag:s14] =	ssyncset.done $0x0  }
0x12: {  	[sflag:s14] =	ssyncadd.s32 $0xFFFFD400  }
0x13: {  	[hbm4b:s6+s2] =	stream.linear.scatter [tilespmem:s12], [sflag:$0x3], $0x2C00, $0x38;
	[tilespmem:$0x8180] =	vst v63  }
0x14: {  	_ =	swait.ge [sflag:s14], $0x2C00  }
0x15: {  	s16 =	sadd.s32 $0x1, s16;
	[sflag:s14] =	ssyncset.done $0x0  }
0x16: {  	p0 =	sne.s32 s16, s8;
	[sflag:s14] =	ssyncadd.s32 $0xFFFFD400  }
.Ltmp1:
0x17: {  	[tilespmem:$0x8100] =	vst v6;
	(pc) =	sbr.rel @!p0 .LBB2_11-.Ltmp1, $4  }
0x18: {  	[hbm4b:s7+s2] =	stream.linear.scatter [tilespmem:s15], [sflag:$0x3], $0x10, $0x38;
	[tilespmem:$0x8180] =	vst v63  }
0x19: {  	_ =	swait.ge [sflag:s14], $0x10  }
0x1a: {  	[sflag:s14] =	ssyncset.done $0x0  }
0x1b: {  	[sflag:s14] =	ssyncadd.s32 $0xFFFFFFF0  }
.LBB2_1:
0x1c: {  	s17 =	simm.s32 $0x40;
	s18 =	simm.s32 $0x0  }
.LBB2_2:
0x1d: {  	p0 =	sne.s32 s17, $0xAFC0;
	[tilespmem:s18+$0x2800] =	vst v0;
	s19 =	smov.u32 s17;
	s17 =	sadd.s32 $0x40, s17  }
.Ltmp2:
0x1e: {  	[tilespmem:s18+$0x5480] =	vst v1;
	(pc) =	sbr.rel @p0 .LBB2_2-.Ltmp2, $2  }
0x1f: {  	_ =	sdelay $0x2  }
0x20: {  	s18 =	sshra.s32 s19, $0x2  }
.Ltmp3:
0x21: {  	[tilespmem:s18+$0x2800] =	vst v0;
	(pc) =	sbr.rel .LBB2_4-.Ltmp3, $4  }
0x22: {  	[tilespmem:s18+$0x5480] =	vst v1;
	s17 =	simm.s32 $0x0  }
0x23: {  	[tilespmem:s17], [sflag:$0x1] =	stream.linear.gather [hbm4b:s3+s17], $0xA00, $0x38;
	[tilespmem:$0x8180] =	vst v63  }
0x24: {  	_ = 	snop  }
0x25: {  	v6 =	vimm.s32 $0x0;
	[tilespmem:s9], [sflag:$0x1] =	stream.linear.gather [hbm4b:s4+s17], $0xA00, $0x38;
	[tilespmem:$0x8180] =	vst v63  }
.LBB2_9:
0x26: {  	s17 =	sadd.s32 $0x1, s17  }
0x27: {  	p0 =	sne.s32 s17, $0x3F  }
.Ltmp4:
0x28: {  	_ = 	snop;
	(pc) =	sbr.rel @!p0 .LBB2_10-.Ltmp4, $1  }
0x29: {  	_ =	sdelay $0x3  }
.LBB2_4:
0x2a: {  	s18 =	sshllo.u32 s17, $0x1  }
0x2b: {  	p0 =	sgt.u32 s18, $0x7C  }
0x2c: {  	s18 =	smul.u32 @!p0 $0x140, s18;
	_ =	sdelay $0x1  }
0x2d: {  	s20 =	simm.s32 @!p0 $0x0;
	s21 =	simm.s32 @!p0 $0x1400;
	s19 =	sadd.s32 @!p0 s3, s18  }
0x2e: {  	[tilespmem:s21], [sflag:$0x2] =	stream.linear.gather @!p0 [hbm4b:s19+s20], $0xA00, $0x38;
	[tilespmem:$0x8180] =	vst v63  }
0x2f: {  	s18 =	sadd.s32 @!p0 s4, s18;
	s19 =	simm.s32 @!p0 $0x1E00  }
0x30: {  	[tilespmem:s19], [sflag:$0x2] =	stream.linear.gather @!p0 [hbm4b:s18+s20], $0xA00, $0x38;
	[tilespmem:$0x8180] =	vst v63  }
0x31: {  	_ =	swait.ge [sflag:s10], $0xA00  }
0x32: {  	[sflag:s10] =	ssyncset.done $0x0  }
0x33: {  	[sflag:s10] =	ssyncadd.s32 $0xFFFFF600  }
0x34: {  	_ =	swait.ge [sflag:s10], $0xA00  }
0x35: {  	s18 =	simm.s32 $0xFFFFFFF8;
	[sflag:s10] =	ssyncset.done $0x0  }
0x36: {  	s19 =	simm.s32 $0x40;
	s20 =	simm.s32 $0xA40;
	[sflag:s10] =	ssyncadd.s32 $0xFFFFF600  }
.LBB2_5:
0x37: {  	v7 =	vld [tilespmem:s19+$0xFFFFFFC0];
	_ =	sdelay $0x4  }
0x38: {  	vm0 =	vge.s32 v7, v2;
	vm1 =	vlt.s32 v7, v3  }
0x39: {  	vm0 =	vmand vm0, vm1  }
0x3a: {  	v8 =	vsel vm0, $0x1, v5  }
0x3b: {  	(xrf0) =	vadd.scan.msk.s32 $0xffff, v8;
	_ =	sdelay $0x4  }
0x3c: {  	vm7 =	vlt.s32 v6, $0x2BF0  }
0x3d: {  	v8 =	vnsel vm7, $0x2BF0, v6;
	v9, _, _ =	vpop (xrf0)  }
0x3e: {  	v8 =	vadd.s32 v9, v8  }
0x3f: {  	v8 =	vadd.s32 $0xFFFFFFFF, v8  }
0x40: {  	v49 =	vld [tilespmem:s20+$0xFFFFFFC0];
	v8 =	vnsel vm0, $0x2C00, v8;
	_ =	sdelay $0x4  }
0x41: {  	v7 =	vsub.s32 v7, v4;
	[tilespmem:v8+s11+$0x0] =	vst.idx.msk $0xffff, v49  }
0x42: {  	[tilespmem:v8+s12+$0x0] =	vst.idx.msk $0xffff, v7  }
0x43: {  	v7 =	vld [tilespmem:s19+$0xFFFFFFD0];
	_ =	sdelay $0x4  }
0x44: {  	vm8 =	vge.s32 v7, v2;
	vm2 =	vlt.s32 v7, v3  }
0x45: {  	vm1 =	vmand vm8, vm2  }
0x46: {  	v8 =	vsel vm1, $0x1, v5  }
0x47: {  	(xrf0) =	vadd.scan.msk.s32 $0xffff, v8;
	_ =	sdelay $0x1  }
0x48: {  	v8 =	vmpcnt.ones.xlane vm0;
	_ =	sdelay $0x1  }
0x49: {  	v6 =	vadd.s32 v6, v8  }
0x4a: {  	vm9 =	vlt.s32 v6, $0x2BF0  }
0x4b: {  	v8 =	vnsel vm9, $0x2BF0, v6;
	v50, _, _ =	vpop (xrf0)  }
0x4c: {  	v8 =	vadd.s32 v50, v8  }
0x4d: {  	v8 =	vadd.s32 $0xFFFFFFFF, v8  }
0x4e: {  	v51 =	vld [tilespmem:s20+$0xFFFFFFD0];
	v8 =	vnsel vm1, $0x2C00, v8;
	_ =	sdelay $0x4  }
0x4f: {  	v7 =	vsub.s32 v7, v4;
	[tilespmem:v8+s11+$0x0] =	vst.idx.msk $0xffff, v51  }
0x50: {  	[tilespmem:v8+s12+$0x0] =	vst.idx.msk $0xffff, v7  }
0x51: {  	v7 =	vld [tilespmem:s19+$0xFFFFFFE0];
	_ =	sdelay $0x4  }
0x52: {  	vm10 =	vge.s32 v7, v2;
	vm11 =	vlt.s32 v7, v3  }
0x53: {  	vm0 =	vmand vm10, vm11  }
0x54: {  	v8 =	vsel vm0, $0x1, v5  }
0x55: {  	(xrf0) =	vadd.scan.msk.s32 $0xffff, v8;
	_ =	sdelay $0x1  }
0x56: {  	v8 =	vmpcnt.ones.xlane vm1;
	_ =	sdelay $0x1  }
0x57: {  	v6 =	vadd.s32 v6, v8  }
0x58: {  	vm12 =	vlt.s32 v6, $0x2BF0  }
0x59: {  	v8 =	vnsel vm12, $0x2BF0, v6;
	v52, _, _ =	vpop (xrf0)  }
0x5a: {  	v8 =	vadd.s32 v52, v8  }
0x5b: {  	v8 =	vadd.s32 $0xFFFFFFFF, v8  }
0x5c: {  	v53 =	vld [tilespmem:s20+$0xFFFFFFE0];
	v8 =	vnsel vm0, $0x2C00, v8;
	_ =	sdelay $0x4  }
0x5d: {  	v7 =	vsub.s32 v7, v4;
	[tilespmem:v8+s11+$0x0] =	vst.idx.msk $0xffff, v53  }
0x5e: {  	[tilespmem:v8+s12+$0x0] =	vst.idx.msk $0xffff, v7  }
0x5f: {  	v7 =	vld [tilespmem:s19+$0xFFFFFFF0];
	_ =	sdelay $0x4  }
0x60: {  	vm13 =	vge.s32 v7, v2;
	vm14 =	vlt.s32 v7, v3  }
0x61: {  	vm1 =	vmand vm13, vm14  }
0x62: {  	v8 =	vsel vm1, $0x1, v5  }
0x63: {  	(xrf0) =	vadd.scan.msk.s32 $0xffff, v8;
	_ =	sdelay $0x1  }
0x64: {  	v8 =	vmpcnt.ones.xlane vm0;
	_ =	sdelay $0x1  }
0x65: {  	v6 =	vadd.s32 v6, v8  }
0x66: {  	vm15 =	vlt.s32 v6, $0x2BF0  }
0x67: {  	v8 =	vnsel vm15, $0x2BF0, v6;
	v54, _, _ =	vpop (xrf0)  }
0x68: {  	v8 =	vadd.s32 v54, v8  }
0x69: {  	v8 =	vadd.s32 $0xFFFFFFFF, v8  }
0x6a: {  	v55 =	vld [tilespmem:s20+$0xFFFFFFF0];
	v8 =	vnsel vm1, $0x2C00, v8;
	_ =	sdelay $0x4  }
0x6b: {  	v7 =	vsub.s32 v7, v4;
	[tilespmem:v8+s11+$0x0] =	vst.idx.msk $0xffff, v55  }
0x6c: {  	[tilespmem:v8+s12+$0x0] =	vst.idx.msk $0xffff, v7  }
0x6d: {  	v7 =	vld [tilespmem:s19+$0x0];
	_ =	sdelay $0x4  }
0x6e: {  	vm4 =	vge.s32 v7, v2;
	vm5 =	vlt.s32 v7, v3  }
0x6f: {  	vm0 =	vmand vm4, vm5  }
0x70: {  	v8 =	vsel vm0, $0x1, v5  }
0x71: {  	(xrf0) =	vadd.scan.msk.s32 $0xffff, v8;
	_ =	sdelay $0x1  }
0x72: {  	v8 =	vmpcnt.ones.xlane vm1;
	_ =	sdelay $0x1  }
0x73: {  	v6 =	vadd.s32 v6, v8  }
0x74: {  	vm6 =	vlt.s32 v6, $0x2BF0  }
0x75: {  	v8 =	vnsel vm6, $0x2BF0, v6;
	v56, _, _ =	vpop (xrf0)  }
0x76: {  	v8 =	vadd.s32 v56, v8  }
0x77: {  	v8 =	vadd.s32 $0xFFFFFFFF, v8  }
0x78: {  	v57 =	vld [tilespmem:s20+$0x0];
	v8 =	vnsel vm0, $0x2C00, v8;
	_ =	sdelay $0x4  }
0x79: {  	v7 =	vsub.s32 v7, v4;
	[tilespmem:v8+s11+$0x0] =	vst.idx.msk $0xffff, v57  }
0x7a: {  	[tilespmem:v8+s12+$0x0] =	vst.idx.msk $0xffff, v7  }
0x7b: {  	v7 =	vld [tilespmem:s19+$0x10];
	_ =	sdelay $0x4  }
0x7c: {  	vm7 =	vge.s32 v7, v2;
	vm8 =	vlt.s32 v7, v3  }
0x7d: {  	vm1 =	vmand vm7, vm8  }
0x7e: {  	v8 =	vsel vm1, $0x1, v5  }
0x7f: {  	(xrf0) =	vadd.scan.msk.s32 $0xffff, v8;
	_ =	sdelay $0x1  }
0x80: {  	v8 =	vmpcnt.ones.xlane vm0;
	_ =	sdelay $0x1  }
0x81: {  	v6 =	vadd.s32 v6, v8  }
0x82: {  	vm9 =	vlt.s32 v6, $0x2BF0  }
0x83: {  	v8 =	vnsel vm9, $0x2BF0, v6;
	v58, _, _ =	vpop (xrf0)  }
0x84: {  	v8 =	vadd.s32 v58, v8  }
0x85: {  	v8 =	vadd.s32 $0xFFFFFFFF, v8  }
0x86: {  	v59 =	vld [tilespmem:s20+$0x10];
	v8 =	vnsel vm1, $0x2C00, v8;
	_ =	sdelay $0x4  }
0x87: {  	v7 =	vsub.s32 v7, v4;
	[tilespmem:v8+s11+$0x0] =	vst.idx.msk $0xffff, v59  }
0x88: {  	[tilespmem:v8+s12+$0x0] =	vst.idx.msk $0xffff, v7  }
0x89: {  	v7 =	vld [tilespmem:s19+$0x20];
	_ =	sdelay $0x4  }
0x8a: {  	vm10 =	vge.s32 v7, v2;
	vm11 =	vlt.s32 v7, v3  }
0x8b: {  	vm0 =	vmand vm10, vm11  }
0x8c: {  	v8 =	vsel vm0, $0x1, v5  }
0x8d: {  	(xrf0) =	vadd.scan.msk.s32 $0xffff, v8;
	_ =	sdelay $0x1  }
0x8e: {  	v8 =	vmpcnt.ones.xlane vm1;
	_ =	sdelay $0x1  }
0x8f: {  	v6 =	vadd.s32 v6, v8  }
0x90: {  	vm12 =	vlt.s32 v6, $0x2BF0  }
0x91: {  	v8 =	vnsel vm12, $0x2BF0, v6;
	v60, _, _ =	vpop (xrf0)  }
0x92: {  	v8 =	vadd.s32 v60, v8  }
0x93: {  	v8 =	vadd.s32 $0xFFFFFFFF, v8  }
0x94: {  	v61 =	vld [tilespmem:s20+$0x20];
	v8 =	vnsel vm0, $0x2C00, v8;
	_ =	sdelay $0x4  }
0x95: {  	v7 =	vsub.s32 v7, v4;
	[tilespmem:v8+s11+$0x0] =	vst.idx.msk $0xffff, v61  }
0x96: {  	[tilespmem:v8+s12+$0x0] =	vst.idx.msk $0xffff, v7  }
0x97: {  	v7 =	vld [tilespmem:s19+$0x30];
	_ =	sdelay $0x4  }
0x98: {  	vm13 =	vge.s32 v7, v2;
	vm14 =	vlt.s32 v7, v3  }
0x99: {  	vm1 =	vmand vm13, vm14  }
0x9a: {  	v8 =	vsel vm1, $0x1, v5  }
0x9b: {  	(xrf0) =	vadd.scan.msk.s32 $0xffff, v8;
	_ =	sdelay $0x1  }
0x9c: {  	v8 =	vmpcnt.ones.xlane vm0;
	_ =	sdelay $0x1  }
0x9d: {  	v6 =	vadd.s32 v6, v8  }
0x9e: {  	vm15 =	vlt.s32 v6, $0x2BF0  }
0x9f: {  	v8 =	vnsel vm15, $0x2BF0, v6;
	v62, _, _ =	vpop (xrf0)  }
0xa0: {  	v8 =	vadd.s32 v62, v8  }
0xa1: {  	v8 =	vadd.s32 $0xFFFFFFFF, v8  }
0xa2: {  	s18 =	sadd.s32 $0x8, s18;
	v63 =	vld [tilespmem:s20+$0x30];
	v8 =	vnsel vm1, $0x2C00, v8  }
0xa3: {  	p1 =	slt.u32 s18, $0x98  }
.Ltmp5:
0xa4: {  	_ = 	snop;
	(pc) =	sbr.rel @p1 .LBB2_5-.Ltmp5, $4  }
0xa5: {  	_ = 	snop  }
0xa6: {  	v10 =	vmpcnt.ones.xlane vm1  }
0xa7: {  	v7 =	vsub.s32 v7, v4;
	[tilespmem:v8+s11+$0x0] =	vst.idx.msk $0xffff, v63  }
0xa8: {  	s19 =	sadd.s32 $0x80, s19;
	s20 =	sadd.s32 $0x80, s20;
	v6 =	vadd.s32 v6, v10;
	[tilespmem:v8+s12+$0x0] =	vst.idx.msk $0xffff, v7  }
0xa9: {  	p1 =	seq.s32 s17, $0x3E  }
0xaa: {  	s18 =	smul.u32 @!p1 $0x1400, s17;
	_ =	sdelay $0x1  }
0xab: {  	s18 =	sshrl.u32 @!p1 s18, $0x3  }
.Ltmp6:
0xac: {  	s18 =	sadd.s32 @!p1 $0x280, s18;
	(pc) =	sbr.rel @p0 .LBB2_9-.Ltmp6, $4  }
0xad: {  	s20 =	simm.s32 @!p1 $0x0;
	s19 =	sadd.s32 @!p1 s3, s18  }
0xae: {  	[tilespmem:s20], [sflag:$0x1] =	stream.linear.gather @!p1 [hbm4b:s19+s20], $0xA00, $0x38;
	[tilespmem:$0x8180] =	vst v63  }
0xaf: {  	s18 =	sadd.s32 @!p1 s4, s18;
	s19 =	simm.s32 @!p1 $0xA00  }
0xb0: {  	[tilespmem:s19], [sflag:$0x1] =	stream.linear.gather @!p1 [hbm4b:s18+s20], $0xA00, $0x38;
	[tilespmem:$0x8180] =	vst v63  }
0xb1: {  	_ =	swait.ge [sflag:s13], $0xA00  }
0xb2: {  	[sflag:s13] =	ssyncset.done $0x0  }
0xb3: {  	[sflag:s13] =	ssyncadd.s32 $0xFFFFF600  }
0xb4: {  	_ =	swait.ge [sflag:s13], $0xA00  }
0xb5: {  	s18 =	simm.s32 $0xFFFFFFF8;
	[sflag:s13] =	ssyncset.done $0x0  }
0xb6: {  	s19 =	simm.s32 $0x1440;
	s20 =	simm.s32 $0x1E40;
	[sflag:s13] =	ssyncadd.s32 $0xFFFFF600  }
.LBB2_8:
0xb7: {  	v7 =	vld [tilespmem:s19+$0xFFFFFFC0];
	_ =	sdelay $0x4  }
0xb8: {  	vm0 =	vge.s32 v7, v2;
	vm1 =	vlt.s32 v7, v3  }
0xb9: {  	vm0 =	vmand vm0, vm1  }
0xba: {  	v8 =	vsel vm0, $0x1, v5  }
0xbb: {  	(xrf0) =	vadd.scan.msk.s32 $0xffff, v8;
	_ =	sdelay $0x4  }
0xbc: {  	vm7 =	vlt.s32 v6, $0x2BF0  }
0xbd: {  	v8 =	vnsel vm7, $0x2BF0, v6;
	v9, _, _ =	vpop (xrf0)  }
0xbe: {  	v8 =	vadd.s32 v9, v8  }
0xbf: {  	v8 =	vadd.s32 $0xFFFFFFFF, v8  }
0xc0: {  	v49 =	vld [tilespmem:s20+$0xFFFFFFC0];
	v8 =	vnsel vm0, $0x2C00, v8;
	_ =	sdelay $0x4  }
0xc1: {  	v7 =	vsub.s32 v7, v4;
	[tilespmem:v8+s11+$0x0] =	vst.idx.msk $0xffff, v49  }
0xc2: {  	[tilespmem:v8+s12+$0x0] =	vst.idx.msk $0xffff, v7  }
0xc3: {  	v7 =	vld [tilespmem:s19+$0xFFFFFFD0];
	_ =	sdelay $0x4  }
0xc4: {  	vm8 =	vge.s32 v7, v2;
	vm2 =	vlt.s32 v7, v3  }
0xc5: {  	vm1 =	vmand vm8, vm2  }
0xc6: {  	v8 =	vsel vm1, $0x1, v5  }
0xc7: {  	(xrf0) =	vadd.scan.msk.s32 $0xffff, v8;
	_ =	sdelay $0x1  }
0xc8: {  	v8 =	vmpcnt.ones.xlane vm0;
	_ =	sdelay $0x1  }
0xc9: {  	v6 =	vadd.s32 v6, v8  }
0xca: {  	vm9 =	vlt.s32 v6, $0x2BF0  }
0xcb: {  	v8 =	vnsel vm9, $0x2BF0, v6;
	v50, _, _ =	vpop (xrf0)  }
0xcc: {  	v8 =	vadd.s32 v50, v8  }
0xcd: {  	v8 =	vadd.s32 $0xFFFFFFFF, v8  }
0xce: {  	v51 =	vld [tilespmem:s20+$0xFFFFFFD0];
	v8 =	vnsel vm1, $0x2C00, v8;
	_ =	sdelay $0x4  }
0xcf: {  	v7 =	vsub.s32 v7, v4;
	[tilespmem:v8+s11+$0x0] =	vst.idx.msk $0xffff, v51  }
0xd0: {  	[tilespmem:v8+s12+$0x0] =	vst.idx.msk $0xffff, v7  }
0xd1: {  	v7 =	vld [tilespmem:s19+$0xFFFFFFE0];
	_ =	sdelay $0x4  }
0xd2: {  	vm10 =	vge.s32 v7, v2;
	vm11 =	vlt.s32 v7, v3  }
0xd3: {  	vm0 =	vmand vm10, vm11  }
0xd4: {  	v8 =	vsel vm0, $0x1, v5  }
0xd5: {  	(xrf0) =	vadd.scan.msk.s32 $0xffff, v8;
	_ =	sdelay $0x1  }
0xd6: {  	v8 =	vmpcnt.ones.xlane vm1;
	_ =	sdelay $0x1  }
0xd7: {  	v6 =	vadd.s32 v6, v8  }
0xd8: {  	vm12 =	vlt.s32 v6, $0x2BF0  }
0xd9: {  	v8 =	vnsel vm12, $0x2BF0, v6;
	v52, _, _ =	vpop (xrf0)  }
0xda: {  	v8 =	vadd.s32 v52, v8  }
0xdb: {  	v8 =	vadd.s32 $0xFFFFFFFF, v8  }
0xdc: {  	v53 =	vld [tilespmem:s20+$0xFFFFFFE0];
	v8 =	vnsel vm0, $0x2C00, v8;
	_ =	sdelay $0x4  }
0xdd: {  	v7 =	vsub.s32 v7, v4;
	[tilespmem:v8+s11+$0x0] =	vst.idx.msk $0xffff, v53  }
0xde: {  	[tilespmem:v8+s12+$0x0] =	vst.idx.msk $0xffff, v7  }
0xdf: {  	v7 =	vld [tilespmem:s19+$0xFFFFFFF0];
	_ =	sdelay $0x4  }
0xe0: {  	vm13 =	vge.s32 v7, v2;
	vm14 =	vlt.s32 v7, v3  }
0xe1: {  	vm1 =	vmand vm13, vm14  }
0xe2: {  	v8 =	vsel vm1, $0x1, v5  }
0xe3: {  	(xrf0) =	vadd.scan.msk.s32 $0xffff, v8;
	_ =	sdelay $0x1  }
0xe4: {  	v8 =	vmpcnt.ones.xlane vm0;
	_ =	sdelay $0x1  }
0xe5: {  	v6 =	vadd.s32 v6, v8  }
0xe6: {  	vm15 =	vlt.s32 v6, $0x2BF0  }
0xe7: {  	v8 =	vnsel vm15, $0x2BF0, v6;
	v54, _, _ =	vpop (xrf0)  }
0xe8: {  	v8 =	vadd.s32 v54, v8  }
0xe9: {  	v8 =	vadd.s32 $0xFFFFFFFF, v8  }
0xea: {  	v55 =	vld [tilespmem:s20+$0xFFFFFFF0];
	v8 =	vnsel vm1, $0x2C00, v8;
	_ =	sdelay $0x4  }
0xeb: {  	v7 =	vsub.s32 v7, v4;
	[tilespmem:v8+s11+$0x0] =	vst.idx.msk $0xffff, v55  }
0xec: {  	[tilespmem:v8+s12+$0x0] =	vst.idx.msk $0xffff, v7  }
0xed: {  	v7 =	vld [tilespmem:s19+$0x0];
	_ =	sdelay $0x4  }
0xee: {  	vm4 =	vge.s32 v7, v2;
	vm5 =	vlt.s32 v7, v3  }
0xef: {  	vm0 =	vmand vm4, vm5  }
0xf0: {  	v8 =	vsel vm0, $0x1, v5  }
0xf1: {  	(xrf0) =	vadd.scan.msk.s32 $0xffff, v8;
	_ =	sdelay $0x1  }
0xf2: {  	v8 =	vmpcnt.ones.xlane vm1;
	_ =	sdelay $0x1  }
0xf3: {  	v6 =	vadd.s32 v6, v8  }
0xf4: {  	vm6 =	vlt.s32 v6, $0x2BF0  }
0xf5: {  	v8 =	vnsel vm6, $0x2BF0, v6;
	v56, _, _ =	vpop (xrf0)  }
0xf6: {  	v8 =	vadd.s32 v56, v8  }
0xf7: {  	v8 =	vadd.s32 $0xFFFFFFFF, v8  }
0xf8: {  	v57 =	vld [tilespmem:s20+$0x0];
	v8 =	vnsel vm0, $0x2C00, v8;
	_ =	sdelay $0x4  }
0xf9: {  	v7 =	vsub.s32 v7, v4;
	[tilespmem:v8+s11+$0x0] =	vst.idx.msk $0xffff, v57  }
0xfa: {  	[tilespmem:v8+s12+$0x0] =	vst.idx.msk $0xffff, v7  }
0xfb: {  	v7 =	vld [tilespmem:s19+$0x10];
	_ =	sdelay $0x4  }
0xfc: {  	vm7 =	vge.s32 v7, v2;
	vm8 =	vlt.s32 v7, v3  }
0xfd: {  	vm1 =	vmand vm7, vm8  }
0xfe: {  	v8 =	vsel vm1, $0x1, v5  }
0xff: {  	(xrf0) =	vadd.scan.msk.s32 $0xffff, v8;
	_ =	sdelay $0x1  }
0x100: {  	v8 =	vmpcnt.ones.xlane vm0;
	_ =	sdelay $0x1  }
0x101: {  	v6 =	vadd.s32 v6, v8  }
0x102: {  	vm9 =	vlt.s32 v6, $0x2BF0  }
0x103: {  	v8 =	vnsel vm9, $0x2BF0, v6;
	v58, _, _ =	vpop (xrf0)  }
0x104: {  	v8 =	vadd.s32 v58, v8  }
0x105: {  	v8 =	vadd.s32 $0xFFFFFFFF, v8  }
0x106: {  	v59 =	vld [tilespmem:s20+$0x10];
	v8 =	vnsel vm1, $0x2C00, v8;
	_ =	sdelay $0x4  }
0x107: {  	v7 =	vsub.s32 v7, v4;
	[tilespmem:v8+s11+$0x0] =	vst.idx.msk $0xffff, v59  }
0x108: {  	[tilespmem:v8+s12+$0x0] =	vst.idx.msk $0xffff, v7  }
0x109: {  	v7 =	vld [tilespmem:s19+$0x20];
	_ =	sdelay $0x4  }
0x10a: {  	vm10 =	vge.s32 v7, v2;
	vm11 =	vlt.s32 v7, v3  }
0x10b: {  	vm0 =	vmand vm10, vm11  }
0x10c: {  	v8 =	vsel vm0, $0x1, v5  }
0x10d: {  	(xrf0) =	vadd.scan.msk.s32 $0xffff, v8;
	_ =	sdelay $0x1  }
0x10e: {  	v8 =	vmpcnt.ones.xlane vm1;
	_ =	sdelay $0x1  }
0x10f: {  	v6 =	vadd.s32 v6, v8  }
0x110: {  	vm12 =	vlt.s32 v6, $0x2BF0  }
0x111: {  	v8 =	vnsel vm12, $0x2BF0, v6;
	v60, _, _ =	vpop (xrf0)  }
0x112: {  	v8 =	vadd.s32 v60, v8  }
0x113: {  	v8 =	vadd.s32 $0xFFFFFFFF, v8  }
0x114: {  	v61 =	vld [tilespmem:s20+$0x20];
	v8 =	vnsel vm0, $0x2C00, v8;
	_ =	sdelay $0x4  }
0x115: {  	v7 =	vsub.s32 v7, v4;
	[tilespmem:v8+s11+$0x0] =	vst.idx.msk $0xffff, v61  }
0x116: {  	[tilespmem:v8+s12+$0x0] =	vst.idx.msk $0xffff, v7  }
0x117: {  	v7 =	vld [tilespmem:s19+$0x30];
	_ =	sdelay $0x4  }
0x118: {  	vm13 =	vge.s32 v7, v2;
	vm14 =	vlt.s32 v7, v3  }
0x119: {  	vm1 =	vmand vm13, vm14  }
0x11a: {  	v8 =	vsel vm1, $0x1, v5  }
0x11b: {  	(xrf0) =	vadd.scan.msk.s32 $0xffff, v8;
	_ =	sdelay $0x1  }
0x11c: {  	v8 =	vmpcnt.ones.xlane vm0;
	_ =	sdelay $0x1  }
0x11d: {  	v6 =	vadd.s32 v6, v8  }
0x11e: {  	vm15 =	vlt.s32 v6, $0x2BF0  }
0x11f: {  	v8 =	vnsel vm15, $0x2BF0, v6;
	v62, _, _ =	vpop (xrf0)  }
0x120: {  	v8 =	vadd.s32 v62, v8  }
0x121: {  	v8 =	vadd.s32 $0xFFFFFFFF, v8  }
0x122: {  	s18 =	sadd.s32 $0x8, s18;
	v63 =	vld [tilespmem:s20+$0x30];
	v8 =	vnsel vm1, $0x2C00, v8  }
0x123: {  	p0 =	slt.u32 s18, $0x98  }
.Ltmp7:
0x124: {  	_ = 	snop;
	(pc) =	sbr.rel @p0 .LBB2_8-.Ltmp7, $4  }
0x125: {  	_ = 	snop  }
0x126: {  	v10 =	vmpcnt.ones.xlane vm1  }
0x127: {  	v7 =	vsub.s32 v7, v4;
	[tilespmem:v8+s11+$0x0] =	vst.idx.msk $0xffff, v63  }
0x128: {  	s19 =	sadd.s32 $0x80, s19;
	s20 =	sadd.s32 $0x80, s20;
	v6 =	vadd.s32 v6, v10;
	[tilespmem:v8+s12+$0x0] =	vst.idx.msk $0xffff, v7  }
.Ltmp8:
0x129: {  	_ = 	snop;
	(pc) =	sbr.rel .LBB2_9-.Ltmp8, $1  }
0x12a: {  	_ =	sdelay $0x3  }
.LBB2_11:
0x12b: {  	_ =	sfence.sel $0x180000  }
0x12c: {  	[bflag:$0x0] =	sbarrier.arrive $0xFFFF  }
0x12d: {  	p0 =	sne.s32 s0, $0x0;
	_ =	strace $0x90000047  }
0x12e: {  	s0 =	sadd.s32 @!p0 $0x100000, s1;
	[bflag:$0x2] =	sbarrier.arrive $0xFFFF  }
0x12f: {  	[sflag:s0] =	ssyncadd.tile.s32 @!p0 $0x1;
	_ =	shalt  }
.Lfunc_end2:
_tile_overlayer_lowered:
.L_overlay_start_2:
0x130: {  	(tag) =	ssettag $0x2  }
0x131: {  	s0 =	rddreg [dreg:$0x0];
	s2 =	stileid.u32  }
0x132: {  	s1 =	rddreg [dreg:$0x1];
	p0 =	sne.s32 s2, $0x0  }
0x133: {  	s3 =	rddreg [dreg:$0x2];
	[bflag:$0x3] =	sbarrier.arrive $0xFFFF;
	s2 =	simm.s32 @!p0 $0x1C03  }
0x134: {  	[timem:s3], [sflag:s2] =	dma.local @!p0 [hbm:s0], s1  }
0x135: {  	s0 =	simm.s32 @!p0 $0x3  }
0x136: {  	_ =	swait.ge @!p0 [sflag:s0], s1  }
0x137: {  	s1 =	ssub.s32 @!p0 $0x0, s1;
	[sflag:s0] =	ssyncset.done @!p0 $0x0  }
0x138: {  	[sflag:s0] =	ssyncadd.s32 @!p0 s1  }
0x139: {  	[bflag:$0x3] =	sbarrier.arrive $0xFFFF  }
0x13a: {  	_ =	shalt  }

</sc_bundles>
